<compile_context>
chip_gen: v7x
topology: tpu7x:2x2x1
jax: 0.10.2.dev20260603
libtpu: 0.0.44.dev20260713+nightly
codegen_flags: <defaults>
</compile_context>

<pallas_src>
import functools

import jax
import jax.numpy as jnp
from jax import lax
from jax.experimental import pallas as pl
from jax.experimental.pallas import tpu as pltpu
from jax.experimental.pallas import tpu_sc as plsc

HIDDEN = 64
PADW = 128
SEQ_LEN = 200
BATCH = 4096
TAB_ROWS = 1000001
NC, NS = 2, 16
NW = NC * NS
BPW = BATCH // NW
SPLIT = 104
CHUNK = (SPLIT, SEQ_LEN - SPLIT)
NCHUNK = 2 * BPW
LANES = 16
NBUF = 4


def _build():
    mesh = plsc.VectorSubcoreMesh(core_axis_name="c", subcore_axis_name="s")

    @functools.partial(
        pl.kernel,
        out_type=jax.ShapeDtypeStruct((BATCH, SEQ_LEN, PADW), jnp.float32),
        mesh=mesh,
        scratch_types=[
            pltpu.VMEM((BPW, SEQ_LEN), jnp.int32),
            pltpu.VMEM((NBUF, SPLIT, PADW), jnp.float32),
            pltpu.VMEM((SEQ_LEN, HIDDEN), jnp.float32),
            [pltpu.SemaphoreType.DMA] * NBUF,
            [pltpu.SemaphoreType.DMA] * NBUF,
        ],
        compiler_params=pltpu.CompilerParams(use_tc_tiling_on_sc=False),
    )
    def k(idx_hbm, table_hbm, pos_hbm, out_hbm, idx_v, bufs, pos_v,
          gsems, ssems):
        wid = lax.axis_index("s") * NC + lax.axis_index("c")
        base = wid * BPW
        pltpu.sync_copy(pos_hbm, pos_v)
        pltpu.sync_copy(idx_hbm.at[pl.ds(base, BPW)], idx_v)

        def issue_gather(c, k_static):
            part = k_static % 2
            rows = CHUNK[part]
            seq = lax.div(c, 2)
            iv = idx_v.at[seq, pl.ds(part * SPLIT, rows)]
            pltpu.async_copy(table_hbm.at[iv], bufs.at[k_static, pl.ds(0, rows)],
                             gsems[k_static])

        def wait_gather(k_static):
            rows = CHUNK[k_static % 2]
            pltpu.make_async_copy(table_hbm.at[pl.ds(0, rows)],
                                  bufs.at[k_static, pl.ds(0, rows)],
                                  gsems[k_static]).wait()

        def issue_store(c, k_static):
            part = k_static % 2
            rows = CHUNK[part]
            seq = lax.div(c, 2)
            pltpu.async_copy(bufs.at[k_static, pl.ds(0, rows)],
                             out_hbm.at[base + seq, pl.ds(part * SPLIT, rows)],
                             ssems[k_static])

        def wait_store(k_static):
            rows = CHUNK[k_static % 2]
            pltpu.make_async_copy(bufs.at[k_static, pl.ds(0, rows)],
                                  out_hbm.at[0, pl.ds(0, rows)],
                                  ssems[k_static]).wait()

        issue_gather(0, 0)
        issue_gather(1, 1)

        @pl.loop(0, NCHUNK // NBUF)
        def _grp(j):
            for kk in range(NBUF):
                c = j * NBUF + kk
                part = kk % 2
                rows = CHUNK[part]
                buf = bufs.at[kk]
                wait_gather(kk)

                k2 = (kk + 2) % NBUF
                if kk < 2:
                    @pl.when(j > 0)
                    def _():
                        wait_store(k2)
                    issue_gather(c + 2, k2)
                else:
                    wait_store(k2)

                    @pl.when(j < NCHUNK // NBUF - 1)
                    def _():
                        issue_gather(c + 2, k2)

                @pl.loop(0, rows, unroll=8)
                def _row(r):
                    for d in range(HIDDEN // LANES):
                        sl = pl.ds(d * LANES, LANES)
                        buf[r, sl] = buf[r, sl] + pos_v[part * SPLIT + r, sl]

                issue_store(c, kk)

        wait_store(NBUF - 2)
        wait_store(NBUF - 1)

    return k


_KERNEL = _build()


def kernel(item_seq, ID_embeddings, positional_embeddings):
    tab128 = jnp.pad(ID_embeddings, ((0, 0), (0, PADW - HIDDEN)))
    out = _KERNEL(item_seq, tab128, positional_embeddings)
    return out[:, :, :HIDDEN]

# --- scband reference (transcript-rebuilt; emitter-appended) ---
"""Pipeline reference for scband-sasrec-56762287784525 (READ-ONLY COPY).

The authoritative reference and input builder live on the scoring server;
editing this copy changes nothing except your own understanding.
"""

import jax, jax.numpy as jnp
import numpy as np

ITEM_NUM = 1000000
HIDDEN_DIM = 64
SEQ_LEN = 200
BATCH = 4096


def setup_inputs(seed: int = 0) -> dict:
    key = jax.random.key(seed)
    k1, k2, k3 = jax.random.split(key, 3)
    # item id sequence indices in [0, item_num] inclusive (item_num is padding idx)
    item_seq = jax.random.randint(k1, (BATCH, SEQ_LEN), 0, ITEM_NUM + 1, dtype=jnp.int32)
    # learned ID embedding table: (item_num + 1, hidden_dim), normal init as in init_ID_embedding('normal')
    ID_embeddings = jax.random.normal(k2, (ITEM_NUM + 1, HIDDEN_DIM), dtype=jnp.float32)
    # learned positional embedding table: (seq_len, hidden_dim)
    positional_embeddings = jax.random.normal(k3, (SEQ_LEN, HIDDEN_DIM), dtype=jnp.float32) * 0.02
    return {"item_seq": item_seq, "ID_embeddings": ID_embeddings, "positional_embeddings": positional_embeddings}


def reference(item_seq, ID_embeddings, positional_embeddings):
    # Item_Embedding forward: gather item embeddings for the sequence
    seq_emb = jnp.take(ID_embeddings, item_seq, axis=0)  # [B, L, D]
    # SASRec_backbone: add positional embeddings (dropout is identity at rate 0.0 / eval)
    positions = jnp.arange(SEQ_LEN, dtype=jnp.int32)
    pos_emb = jnp.take(positional_embeddings, positions, axis=0)  # [L, D]
    out = seq_emb + pos_emb[None, :, :]
    return out

if __name__ == "__main__":
    import jax
    _d = setup_inputs()
    print(jax.jit(kernel)(*tuple(_d.values())))

</pallas_src>

<mosaic_0001>
#map = affine_map<(d0, d1) -> (0, 0)>
#map1 = affine_map<(d0, d1) -> (0, 0, 0)>
module attributes {stable_mosaic.version = 14 : i64} {
  func.func @k(%arg0: i32, %arg1: i32, %arg2: memref<4096x200xi32, #tpu.memory_space<hbm>>, %arg3: memref<1000001x128xf32, #tpu.memory_space<hbm>>, %arg4: memref<200x64xf32, #tpu.memory_space<hbm>>, %arg5: memref<4096x200x128xf32, #tpu.memory_space<hbm>>, %arg6: memref<128x200xi32, #tpu.memory_space<vmem>>, %arg7: memref<4x104x128xf32, #tpu.memory_space<vmem>>, %arg8: memref<200x64xf32, #tpu.memory_space<vmem>>, %arg9: memref<!tpu.dma_semaphore, #tpu.memory_space<semaphore_mem>>, %arg10: memref<!tpu.dma_semaphore, #tpu.memory_space<semaphore_mem>>, %arg11: memref<!tpu.dma_semaphore, #tpu.memory_space<semaphore_mem>>, %arg12: memref<!tpu.dma_semaphore, #tpu.memory_space<semaphore_mem>>, %arg13: memref<!tpu.dma_semaphore, #tpu.memory_space<semaphore_mem>>, %arg14: memref<!tpu.dma_semaphore, #tpu.memory_space<semaphore_mem>>, %arg15: memref<!tpu.dma_semaphore, #tpu.memory_space<semaphore_mem>>, %arg16: memref<!tpu.dma_semaphore, #tpu.memory_space<semaphore_mem>>) attributes {dimension_semantics = [#tpu.dimension_semantics<core_parallel>, #tpu.dimension_semantics<subcore_parallel>], iteration_bounds = array<i64: 2, 16>, scalar_prefetch = 0 : i64, scratch_operands = 11 : i64, tpu.core_type = #tpu.core_type<sc_vector_subcore>, window_params = [{transform_indices = #map}, {transform_indices = #map}, {transform_indices = #map}, {transform_indices = #map1}]} {
    %mul3A = arith.constant 2 : i32
    %mul3A_0 = arith.muli %arg1, %mul3A : i32
    %add3A = arith.addi %mul3A_0, %arg0 : i32
    %mul3A_1 = arith.constant 128 : i32
    %mul3A_2 = arith.muli %add3A, %mul3A_1 : i32
    "tpu.region"() ({
      %run_scoped3A = tpu.sem_alloc : memref<!tpu.dma_semaphore, #tpu.memory_space<semaphore_mem>>
      tpu.enqueue_dma source(%arg4 : memref<200x64xf32, #tpu.memory_space<hbm>>) target(%arg8 : memref<200x64xf32, #tpu.memory_space<vmem>>) target_semaphore(%run_scoped3A : memref<!tpu.dma_semaphore, #tpu.memory_space<semaphore_mem>>)
      tpu.wait_dma2 semaphore(%run_scoped3A : memref<!tpu.dma_semaphore, #tpu.memory_space<semaphore_mem>>) src(%arg4 : memref<200x64xf32, #tpu.memory_space<hbm>>) dst(%arg8 : memref<200x64xf32, #tpu.memory_space<vmem>>)
      tpu.yield
    }) : () -> ()
    "tpu.region"() ({
      %run_scoped3A = tpu.sem_alloc : memref<!tpu.dma_semaphore, #tpu.memory_space<semaphore_mem>>
      %dma_start3A_68 = arith.constant 0 : i32
      %dma_start3A_69 = tpu.memref_slice %arg2[%mul3A_2, %dma_start3A_68] : memref<4096x200xi32, #tpu.memory_space<hbm>> -> memref<128x200xi32, #tpu.memory_space<hbm>>
      %dma_start3A_70 = arith.constant 0 : i32
      %dma_start3A_71 = tpu.memref_slice %arg2[%mul3A_2, %dma_start3A_70] : memref<4096x200xi32, #tpu.memory_space<hbm>> -> memref<128x200xi32, #tpu.memory_space<hbm>>
      tpu.enqueue_dma source(%dma_start3A_71 : memref<128x200xi32, #tpu.memory_space<hbm>>) target(%arg6 : memref<128x200xi32, #tpu.memory_space<vmem>>) target_semaphore(%run_scoped3A : memref<!tpu.dma_semaphore, #tpu.memory_space<semaphore_mem>>)
      %dma_wait3A_72 = arith.constant 0 : i32
      %dma_wait3A_73 = tpu.memref_slice %arg2[%mul3A_2, %dma_wait3A_72] : memref<4096x200xi32, #tpu.memory_space<hbm>> -> memref<128x200xi32, #tpu.memory_space<hbm>>
      %dma_wait3A_74 = arith.constant 0 : i32
      %dma_wait3A_75 = tpu.memref_slice %arg2[%mul3A_2, %dma_wait3A_74] : memref<4096x200xi32, #tpu.memory_space<hbm>> -> memref<128x200xi32, #tpu.memory_space<hbm>>
      tpu.wait_dma2 semaphore(%run_scoped3A : memref<!tpu.dma_semaphore, #tpu.memory_space<semaphore_mem>>) src(%dma_wait3A_75 : memref<128x200xi32, #tpu.memory_space<hbm>>) dst(%arg6 : memref<128x200xi32, #tpu.memory_space<vmem>>)
      tpu.yield
    }) : () -> ()
    %div3A = arith.constant 0 : i32
    %div3A_3 = arith.constant 2 : i32
    %div3A_4 = arith.divsi %div3A, %div3A_3 : i32
    %dma_start3A = arith.constant 0 : i32
    %dma_start3A_5 = arith.constant 0 : i32
    %dma_start3A_6 = arith.constant 0 : i32
    %dma_start3A_7 = tpu.memref_slice %arg7[%dma_start3A, %dma_start3A_5, %dma_start3A_6] : memref<4x104x128xf32, #tpu.memory_space<vmem>> -> memref<1x104x128xf32, #tpu.memory_space<vmem>>
    %dma_start3A_8 = tpu.memref_squeeze %dma_start3A_7 : memref<1x104x128xf32, #tpu.memory_space<vmem>> -> memref<104x128xf32, #tpu.memory_space<vmem>>
    %dma_start3A_9 = arith.constant 0 : i32
    %dma_start3A_10 = tpu.memref_slice %arg6[%div3A_4, %dma_start3A_9] : memref<128x200xi32, #tpu.memory_space<vmem>> -> memref<1x104xi32, #tpu.memory_space<vmem>>
    %dma_start3A_11 = tpu.memref_squeeze %dma_start3A_10 : memref<1x104xi32, #tpu.memory_space<vmem>> -> memref<104xi32, #tpu.memory_space<vmem>>
    %dma_start3A_12 = arith.constant 0 : i32
    %dma_start3A_13 = arith.constant 0 : i32
    %dma_start3A_14 = tpu.memref_slice %arg3[%dma_start3A_12, %dma_start3A_13] : memref<1000001x128xf32, #tpu.memory_space<hbm>> -> memref<1000001x128xf32, #tpu.memory_space<hbm>>
    tpu.enqueue_indirect_dma source(%dma_start3A_14 : memref<1000001x128xf32, #tpu.memory_space<hbm>>) target(%dma_start3A_8 : memref<104x128xf32, #tpu.memory_space<vmem>>) offsets(%dma_start3A_11 : memref<104xi32, #tpu.memory_space<vmem>>) semaphore(%arg9 : memref<!tpu.dma_semaphore, #tpu.memory_space<semaphore_mem>>)
    %div3A_15 = arith.constant 1 : i32
    %div3A_16 = arith.constant 2 : i32
    %div3A_17 = arith.divsi %div3A_15, %div3A_16 : i32
    %dma_start3A_18 = arith.constant 1 : i32
    %dma_start3A_19 = arith.constant 0 : i32
    %dma_start3A_20 = arith.constant 0 : i32
    %dma_start3A_21 = tpu.memref_slice %arg7[%dma_start3A_18, %dma_start3A_19, %dma_start3A_20] : memref<4x104x128xf32, #tpu.memory_space<vmem>> -> memref<1x96x128xf32, #tpu.memory_space<vmem>>
    %dma_start3A_22 = tpu.memref_squeeze %dma_start3A_21 : memref<1x96x128xf32, #tpu.memory_space<vmem>> -> memref<96x128xf32, #tpu.memory_space<vmem>>
    %dma_start3A_23 = arith.constant 104 : i32
    %dma_start3A_24 = tpu.memref_slice %arg6[%div3A_17, %dma_start3A_23] : memref<128x200xi32, #tpu.memory_space<vmem>> -> memref<1x96xi32, #tpu.memory_space<vmem>>
    %dma_start3A_25 = tpu.memref_squeeze %dma_start3A_24 : memref<1x96xi32, #tpu.memory_space<vmem>> -> memref<96xi32, #tpu.memory_space<vmem>>
    %dma_start3A_26 = arith.constant 0 : i32
    %dma_start3A_27 = arith.constant 0 : i32
    %dma_start3A_28 = tpu.memref_slice %arg3[%dma_start3A_26, %dma_start3A_27] : memref<1000001x128xf32, #tpu.memory_space<hbm>> -> memref<1000001x128xf32, #tpu.memory_space<hbm>>
    tpu.enqueue_indirect_dma source(%dma_start3A_28 : memref<1000001x128xf32, #tpu.memory_space<hbm>>) target(%dma_start3A_22 : memref<96x128xf32, #tpu.memory_space<vmem>>) offsets(%dma_start3A_25 : memref<96xi32, #tpu.memory_space<vmem>>) semaphore(%arg10 : memref<!tpu.dma_semaphore, #tpu.memory_space<semaphore_mem>>)
    %scan3A = arith.constant 0 : i32
    %scan3A_29 = arith.constant 64 : i32
    %scan3A_30 = arith.addi %scan3A, %scan3A_29 : i32
    %scan3A_31 = arith.constant 1 : i32
    scf.for %scan3A_68 = %scan3A to %scan3A_30 step %scan3A_31  : i32 {
      %mul3A_69 = arith.constant 1 : i32
      %mul3A_70 = arith.muli %scan3A_68, %mul3A_69 : i32
      %add3A_71 = arith.constant 0 : i32
      %add3A_72 = arith.addi %add3A_71, %mul3A_70 : i32
      %mul3A_73 = arith.constant 4 : i32
      %mul3A_74 = arith.muli %add3A_72, %mul3A_73 : i32
      %add3A_75 = arith.constant 0 : i32
      %add3A_76 = arith.addi %mul3A_74, %add3A_75 : i32
      %dma_wait3A_77 = arith.constant 0 : i32
      %dma_wait3A_78 = arith.constant 0 : i32
      %dma_wait3A_79 = arith.constant 0 : i32
      %dma_wait3A_80 = tpu.memref_slice %arg7[%dma_wait3A_77, %dma_wait3A_78, %dma_wait3A_79] : memref<4x104x128xf32, #tpu.memory_space<vmem>> -> memref<1x104x128xf32, #tpu.memory_space<vmem>>
      %dma_wait3A_81 = tpu.memref_squeeze %dma_wait3A_80 : memref<1x104x128xf32, #tpu.memory_space<vmem>> -> memref<104x128xf32, #tpu.memory_space<vmem>>
      %dma_wait3A_82 = arith.constant 0 : i32
      %dma_wait3A_83 = arith.constant 0 : i32
      %dma_wait3A_84 = tpu.memref_slice %arg3[%dma_wait3A_82, %dma_wait3A_83] : memref<1000001x128xf32, #tpu.memory_space<hbm>> -> memref<104x128xf32, #tpu.memory_space<hbm>>
      %dma_wait3A_85 = arith.constant 0 : i32
      %dma_wait3A_86 = arith.constant 0 : i32
      %dma_wait3A_87 = tpu.memref_slice %arg7[%dma_wait3A_77, %dma_wait3A_85, %dma_wait3A_86] : memref<4x104x128xf32, #tpu.memory_space<vmem>> -> memref<1x104x128xf32, #tpu.memory_space<vmem>>
      %dma_wait3A_88 = tpu.memref_squeeze %dma_wait3A_87 : memref<1x104x128xf32, #tpu.memory_space<vmem>> -> memref<104x128xf32, #tpu.memory_space<vmem>>
      %dma_wait3A_89 = arith.constant 0 : i32
      %dma_wait3A_90 = arith.constant 0 : i32
      %dma_wait3A_91 = tpu.memref_slice %arg3[%dma_wait3A_89, %dma_wait3A_90] : memref<1000001x128xf32, #tpu.memory_space<hbm>> -> memref<104x128xf32, #tpu.memory_space<hbm>>
      tpu.wait_dma2 semaphore(%arg9 : memref<!tpu.dma_semaphore, #tpu.memory_space<semaphore_mem>>) src(%dma_wait3A_91 : memref<104x128xf32, #tpu.memory_space<hbm>>) dst(%dma_wait3A_88 : memref<104x128xf32, #tpu.memory_space<vmem>>)
      %gt3A = arith.constant 0 : i32
      %gt3A_92 = arith.cmpi sgt, %add3A_72, %gt3A : i32
      %convert_element_type3A = arith.extui %gt3A_92 : i1 to i32
      %cond3A = arith.constant 0 : i32
      %cond3A_93 = arith.cmpi ne, %convert_element_type3A, %cond3A : i32
      scf.if %cond3A_93 {
        %dma_wait3A_335 = arith.constant 2 : i32
        %dma_wait3A_336 = arith.constant 0 : i32
        %dma_wait3A_337 = arith.constant 0 : i32
        %dma_wait3A_338 = arith.constant 0 : i32
        %dma_wait3A_339 = tpu.memref_slice %arg7[%dma_wait3A_335, %dma_wait3A_337, %dma_wait3A_338] : memref<4x104x128xf32, #tpu.memory_space<vmem>> -> memref<1x104x128xf32, #tpu.memory_space<vmem>>
        %dma_wait3A_340 = tpu.memref_squeeze %dma_wait3A_339 : memref<1x104x128xf32, #tpu.memory_space<vmem>> -> memref<104x128xf32, #tpu.memory_space<vmem>>
        %dma_wait3A_341 = arith.constant 0 : i32
        %dma_wait3A_342 = arith.constant 0 : i32
        %dma_wait3A_343 = tpu.memref_slice %arg5[%dma_wait3A_336, %dma_wait3A_341, %dma_wait3A_342] : memref<4096x200x128xf32, #tpu.memory_space<hbm>> -> memref<1x104x128xf32, #tpu.memory_space<hbm>>
        %dma_wait3A_344 = tpu.memref_squeeze %dma_wait3A_343 : memref<1x104x128xf32, #tpu.memory_space<hbm>> -> memref<104x128xf32, #tpu.memory_space<hbm>>
        %dma_wait3A_345 = arith.constant 0 : i32
        %dma_wait3A_346 = arith.constant 0 : i32
        %dma_wait3A_347 = tpu.memref_slice %arg5[%dma_wait3A_336, %dma_wait3A_345, %dma_wait3A_346] : memref<4096x200x128xf32, #tpu.memory_space<hbm>> -> memref<1x104x128xf32, #tpu.memory_space<hbm>>
        %dma_wait3A_348 = tpu.memref_squeeze %dma_wait3A_347 : memref<1x104x128xf32, #tpu.memory_space<hbm>> -> memref<104x128xf32, #tpu.memory_space<hbm>>
        %dma_wait3A_349 = arith.constant 0 : i32
        %dma_wait3A_350 = arith.constant 0 : i32
        %dma_wait3A_351 = tpu.memref_slice %arg7[%dma_wait3A_335, %dma_wait3A_349, %dma_wait3A_350] : memref<4x104x128xf32, #tpu.memory_space<vmem>> -> memref<1x104x128xf32, #tpu.memory_space<vmem>>
        %dma_wait3A_352 = tpu.memref_squeeze %dma_wait3A_351 : memref<1x104x128xf32, #tpu.memory_space<vmem>> -> memref<104x128xf32, #tpu.memory_space<vmem>>
        tpu.wait_dma2 semaphore(%arg15 : memref<!tpu.dma_semaphore, #tpu.memory_space<semaphore_mem>>) src(%dma_wait3A_352 : memref<104x128xf32, #tpu.memory_space<vmem>>) dst(%dma_wait3A_348 : memref<104x128xf32, #tpu.memory_space<hbm>>)
      } else {
      }
      %add3A_94 = arith.constant 2 : i32
      %add3A_95 = arith.addi %add3A_76, %add3A_94 : i32
      %div3A_96 = arith.constant 2 : i32
      %div3A_97 = arith.divsi %add3A_95, %div3A_96 : i32
      %dma_start3A_98 = arith.constant 2 : i32
      %dma_start3A_99 = arith.constant 0 : i32
      %dma_start3A_100 = arith.constant 0 : i32
      %dma_start3A_101 = tpu.memref_slice %arg7[%dma_start3A_98, %dma_start3A_99, %dma_start3A_100] : memref<4x104x128xf32, #tpu.memory_space<vmem>> -> memref<1x104x128xf32, #tpu.memory_space<vmem>>
      %dma_start3A_102 = tpu.memref_squeeze %dma_start3A_101 : memref<1x104x128xf32, #tpu.memory_space<vmem>> -> memref<104x128xf32, #tpu.memory_space<vmem>>
      %dma_start3A_103 = arith.constant 0 : i32
      %dma_start3A_104 = tpu.memref_slice %arg6[%div3A_97, %dma_start3A_103] : memref<128x200xi32, #tpu.memory_space<vmem>> -> memref<1x104xi32, #tpu.memory_space<vmem>>
      %dma_start3A_105 = tpu.memref_squeeze %dma_start3A_104 : memref<1x104xi32, #tpu.memory_space<vmem>> -> memref<104xi32, #tpu.memory_space<vmem>>
      %dma_start3A_106 = arith.constant 0 : i32
      %dma_start3A_107 = arith.constant 0 : i32
      %dma_start3A_108 = tpu.memref_slice %arg3[%dma_start3A_106, %dma_start3A_107] : memref<1000001x128xf32, #tpu.memory_space<hbm>> -> memref<1000001x128xf32, #tpu.memory_space<hbm>>
      tpu.enqueue_indirect_dma source(%dma_start3A_108 : memref<1000001x128xf32, #tpu.memory_space<hbm>>) target(%dma_start3A_102 : memref<104x128xf32, #tpu.memory_space<vmem>>) offsets(%dma_start3A_105 : memref<104xi32, #tpu.memory_space<vmem>>) semaphore(%arg11 : memref<!tpu.dma_semaphore, #tpu.memory_space<semaphore_mem>>)
      %scan3A_109 = arith.constant 0 : i32
      %scan3A_110 = arith.constant 0 : i32
      %scan3A_111 = arith.constant 104 : i32
      %scan3A_112 = arith.addi %scan3A_110, %scan3A_111 : i32
      %scan3A_113 = arith.constant 8 : i32
      scf.for %scan3A_335 = %scan3A_110 to %scan3A_112 step %scan3A_113  : i32 {
        %mul3A_336 = arith.constant 1 : i32
        %mul3A_337 = arith.muli %scan3A_335, %mul3A_336 : i32
        %add3A_338 = arith.constant 0 : i32
        %add3A_339 = arith.addi %add3A_338, %mul3A_337 : i32
        %get3A = arith.constant 0 : i32
        %get3A_340 = arith.constant 0 : i32
        %get3A_341 = tpu.memref_slice %arg7[%scan3A_109, %get3A, %get3A_340] : memref<4x104x128xf32, #tpu.memory_space<vmem>> -> memref<1x104x128xf32, #tpu.memory_space<vmem>>
        %get3A_342 = tpu.memref_squeeze %get3A_341 : memref<1x104x128xf32, #tpu.memory_space<vmem>> -> memref<104x128xf32, #tpu.memory_space<vmem>>
        %get3A_343 = arith.index_cast %add3A_339 : i32 to index
        %get3A_344 = arith.constant 0 : index
        %get3A_345 = tpu.vector_load %get3A_342[%get3A_343, %get3A_344] {strides = array<i32>} : memref<104x128xf32, #tpu.memory_space<vmem>>, vector<1x16xf32>,
        %get3A_346 = vector.shape_cast %get3A_345 : vector<1x16xf32> to vector<16xf32>
        %add3A_347 = arith.constant 0 : i32
        %add3A_348 = arith.addi %add3A_347, %add3A_339 : i32
        %get3A_349 = arith.index_cast %add3A_348 : i32 to index
        %get3A_350 = arith.constant 0 : index
        %get3A_351 = tpu.vector_load %arg8[%get3A_349, %get3A_350] {strides = array<i32>} : memref<200x64xf32, #tpu.memory_space<vmem>>, vector<1x16xf32>,
        %get3A_352 = vector.shape_cast %get3A_351 : vector<1x16xf32> to vector<16xf32>
        %add3A_353 = arith.addf %get3A_346, %get3A_352 : vector<16xf32>
        %swap3A = arith.constant 0 : i32
        %swap3A_354 = arith.constant 0 : i32
        %swap3A_355 = tpu.memref_slice %arg7[%scan3A_109, %swap3A, %swap3A_354] : memref<4x104x128xf32, #tpu.memory_space<vmem>> -> memref<1x104x128xf32, #tpu.memory_space<vmem>>
        %swap3A_356 = tpu.memref_squeeze %swap3A_355 : memref<1x104x128xf32, #tpu.memory_space<vmem>> -> memref<104x128xf32, #tpu.memory_space<vmem>>
        %swap3A_357 = arith.index_cast %add3A_339 : i32 to index
        %swap3A_358 = arith.constant 0 : index
        %swap3A_359 = tpu.vector_load %swap3A_356[%swap3A_357, %swap3A_358] {strides = array<i32>} : memref<104x128xf32, #tpu.memory_space<vmem>>, vector<1x16xf32>,
        %swap3A_360 = vector.shape_cast %swap3A_359 : vector<1x16xf32> to vector<16xf32>
        %swap3A_361 = vector.shape_cast %add3A_353 : vector<16xf32> to vector<1x16xf32>
        tpu.vector_store %swap3A_356[%swap3A_357, %swap3A_358], %swap3A_361 {strides = array<i32>} : memref<104x128xf32, #tpu.memory_space<vmem>>, vector<1x16xf32>,
        %get3A_362 = arith.constant 0 : i32
        %get3A_363 = arith.constant 0 : i32
        %get3A_364 = tpu.memref_slice %arg7[%scan3A_109, %get3A_362, %get3A_363] : memref<4x104x128xf32, #tpu.memory_space<vmem>> -> memref<1x104x128xf32, #tpu.memory_space<vmem>>
        %get3A_365 = tpu.memref_squeeze %get3A_364 : memref<1x104x128xf32, #tpu.memory_space<vmem>> -> memref<104x128xf32, #tpu.memory_space<vmem>>
        %get3A_366 = arith.index_cast %add3A_339 : i32 to index
        %get3A_367 = arith.constant 16 : index
        %get3A_368 = tpu.vector_load %get3A_365[%get3A_366, %get3A_367] {strides = array<i32>} : memref<104x128xf32, #tpu.memory_space<vmem>>, vector<1x16xf32>,
        %get3A_369 = vector.shape_cast %get3A_368 : vector<1x16xf32> to vector<16xf32>
        %add3A_370 = arith.constant 0 : i32
        %add3A_371 = arith.addi %add3A_370, %add3A_339 : i32
        %get3A_372 = arith.index_cast %add3A_371 : i32 to index
        %get3A_373 = arith.constant 16 : index
        %get3A_374 = tpu.vector_load %arg8[%get3A_372, %get3A_373] {strides = array<i32>} : memref<200x64xf32, #tpu.memory_space<vmem>>, vector<1x16xf32>,
        %get3A_375 = vector.shape_cast %get3A_374 : vector<1x16xf32> to vector<16xf32>
        %add3A_376 = arith.addf %get3A_369, %get3A_375 : vector<16xf32>
        %swap3A_377 = arith.constant 0 : i32
        %swap3A_378 = arith.constant 0 : i32
        %swap3A_379 = tpu.memref_slice %arg7[%scan3A_109, %swap3A_377, %swap3A_378] : memref<4x104x128xf32, #tpu.memory_space<vmem>> -> memref<1x104x128xf32, #tpu.memory_space<vmem>>
        %swap3A_380 = tpu.memref_squeeze %swap3A_379 : memref<1x104x128xf32, #tpu.memory_space<vmem>> -> memref<104x128xf32, #tpu.memory_space<vmem>>
        %swap3A_381 = arith.index_cast %add3A_339 : i32 to index
        %swap3A_382 = arith.constant 16 : index
        %swap3A_383 = tpu.vector_load %swap3A_380[%swap3A_381, %swap3A_382] {strides = array<i32>} : memref<104x128xf32, #tpu.memory_space<vmem>>, vector<1x16xf32>,
        %swap3A_384 = vector.shape_cast %swap3A_383 : vector<1x16xf32> to vector<16xf32>
        %swap3A_385 = vector.shape_cast %add3A_376 : vector<16xf32> to vector<1x16xf32>
        tpu.vector_store %swap3A_380[%swap3A_381, %swap3A_382], %swap3A_385 {strides = array<i32>} : memref<104x128xf32, #tpu.memory_space<vmem>>, vector<1x16xf32>,
        %get3A_386 = arith.constant 0 : i32
        %get3A_387 = arith.constant 0 : i32
        %get3A_388 = tpu.memref_slice %arg7[%scan3A_109, %get3A_386, %get3A_387] : memref<4x104x128xf32, #tpu.memory_space<vmem>> -> memref<1x104x128xf32, #tpu.memory_space<vmem>>
        %get3A_389 = tpu.memref_squeeze %get3A_388 : memref<1x104x128xf32, #tpu.memory_space<vmem>> -> memref<104x128xf32, #tpu.memory_space<vmem>>
        %get3A_390 = arith.index_cast %add3A_339 : i32 to index
        %get3A_391 = arith.constant 32 : index
        %get3A_392 = tpu.vector_load %get3A_389[%get3A_390, %get3A_391] {strides = array<i32>} : memref<104x128xf32, #tpu.memory_space<vmem>>, vector<1x16xf32>,
        %get3A_393 = vector.shape_cast %get3A_392 : vector<1x16xf32> to vector<16xf32>
        %add3A_394 = arith.constant 0 : i32
        %add3A_395 = arith.addi %add3A_394, %add3A_339 : i32
        %get3A_396 = arith.index_cast %add3A_395 : i32 to index
        %get3A_397 = arith.constant 32 : index
        %get3A_398 = tpu.vector_load %arg8[%get3A_396, %get3A_397] {strides = array<i32>} : memref<200x64xf32, #tpu.memory_space<vmem>>, vector<1x16xf32>,
        %get3A_399 = vector.shape_cast %get3A_398 : vector<1x16xf32> to vector<16xf32>
        %add3A_400 = arith.addf %get3A_393, %get3A_399 : vector<16xf32>
        %swap3A_401 = arith.constant 0 : i32
        %swap3A_402 = arith.constant 0 : i32
        %swap3A_403 = tpu.memref_slice %arg7[%scan3A_109, %swap3A_401, %swap3A_402] : memref<4x104x128xf32, #tpu.memory_space<vmem>> -> memref<1x104x128xf32, #tpu.memory_space<vmem>>
        %swap3A_404 = tpu.memref_squeeze %swap3A_403 : memref<1x104x128xf32, #tpu.memory_space<vmem>> -> memref<104x128xf32, #tpu.memory_space<vmem>>
        %swap3A_405 = arith.index_cast %add3A_339 : i32 to index
        %swap3A_406 = arith.constant 32 : index
        %swap3A_407 = tpu.vector_load %swap3A_404[%swap3A_405, %swap3A_406] {strides = array<i32>} : memref<104x128xf32, #tpu.memory_space<vmem>>, vector<1x16xf32>,
        %swap3A_408 = vector.shape_cast %swap3A_407 : vector<1x16xf32> to vector<16xf32>
        %swap3A_409 = vector.shape_cast %add3A_400 : vector<16xf32> to vector<1x16xf32>
        tpu.vector_store %swap3A_404[%swap3A_405, %swap3A_406], %swap3A_409 {strides = array<i32>} : memref<104x128xf32, #tpu.memory_space<vmem>>, vector<1x16xf32>,
        %get3A_410 = arith.constant 0 : i32
        %get3A_411 = arith.constant 0 : i32
        %get3A_412 = tpu.memref_slice %arg7[%scan3A_109, %get3A_410, %get3A_411] : memref<4x104x128xf32, #tpu.memory_space<vmem>> -> memref<1x104x128xf32, #tpu.memory_space<vmem>>
        %get3A_413 = tpu.memref_squeeze %get3A_412 : memref<1x104x128xf32, #tpu.memory_space<vmem>> -> memref<104x128xf32, #tpu.memory_space<vmem>>
        %get3A_414 = arith.index_cast %add3A_339 : i32 to index
        %get3A_415 = arith.constant 48 : index
        %get3A_416 = tpu.vector_load %get3A_413[%get3A_414, %get3A_415] {strides = array<i32>} : memref<104x128xf32, #tpu.memory_space<vmem>>, vector<1x16xf32>,
        %get3A_417 = vector.shape_cast %get3A_416 : vector<1x16xf32> to vector<16xf32>
        %add3A_418 = arith.constant 0 : i32
        %add3A_419 = arith.addi %add3A_418, %add3A_339 : i32
        %get3A_420 = arith.index_cast %add3A_419 : i32 to index
        %get3A_421 = arith.constant 48 : index
        %get3A_422 = tpu.vector_load %arg8[%get3A_420, %get3A_421] {strides = array<i32>} : memref<200x64xf32, #tpu.memory_space<vmem>>, vector<1x16xf32>,
        %get3A_423 = vector.shape_cast %get3A_422 : vector<1x16xf32> to vector<16xf32>
        %add3A_424 = arith.addf %get3A_417, %get3A_423 : vector<16xf32>
        %swap3A_425 = arith.constant 0 : i32
        %swap3A_426 = arith.constant 0 : i32
        %swap3A_427 = tpu.memref_slice %arg7[%scan3A_109, %swap3A_425, %swap3A_426] : memref<4x104x128xf32, #tpu.memory_space<vmem>> -> memref<1x104x128xf32, #tpu.memory_space<vmem>>
        %swap3A_428 = tpu.memref_squeeze %swap3A_427 : memref<1x104x128xf32, #tpu.memory_space<vmem>> -> memref<104x128xf32, #tpu.memory_space<vmem>>
        %swap3A_429 = arith.index_cast %add3A_339 : i32 to index
        %swap3A_430 = arith.constant 48 : index
        %swap3A_431 = tpu.vector_load %swap3A_428[%swap3A_429, %swap3A_430] {strides = array<i32>} : memref<104x128xf32, #tpu.memory_space<vmem>>, vector<1x16xf32>,
        %swap3A_432 = vector.shape_cast %swap3A_431 : vector<1x16xf32> to vector<16xf32>
        %swap3A_433 = vector.shape_cast %add3A_424 : vector<16xf32> to vector<1x16xf32>
        tpu.vector_store %swap3A_428[%swap3A_429, %swap3A_430], %swap3A_433 {strides = array<i32>} : memref<104x128xf32, #tpu.memory_space<vmem>>, vector<1x16xf32>,
        %scan3A_434 = arith.constant 1 : i32
        %scan3A_435 = arith.addi %scan3A_335, %scan3A_434 : i32
        %mul3A_436 = arith.constant 1 : i32
        %mul3A_437 = arith.muli %scan3A_435, %mul3A_436 : i32
        %add3A_438 = arith.constant 0 : i32
        %add3A_439 = arith.addi %add3A_438, %mul3A_437 : i32
        %get3A_440 = arith.constant 0 : i32
        %get3A_441 = arith.constant 0 : i32
        %get3A_442 = tpu.memref_slice %arg7[%scan3A_109, %get3A_440, %get3A_441] : memref<4x104x128xf32, #tpu.memory_space<vmem>> -> memref<1x104x128xf32, #tpu.memory_space<vmem>>
        %get3A_443 = tpu.memref_squeeze %get3A_442 : memref<1x104x128xf32, #tpu.memory_space<vmem>> -> memref<104x128xf32, #tpu.memory_space<vmem>>
        %get3A_444 = arith.index_cast %add3A_439 : i32 to index
        %get3A_445 = arith.constant 0 : index
        %get3A_446 = tpu.vector_load %get3A_443[%get3A_444, %get3A_445] {strides = array<i32>} : memref<104x128xf32, #tpu.memory_space<vmem>>, vector<1x16xf32>,
        %get3A_447 = vector.shape_cast %get3A_446 : vector<1x16xf32> to vector<16xf32>
        %add3A_448 = arith.constant 0 : i32
        %add3A_449 = arith.addi %add3A_448, %add3A_439 : i32
        %get3A_450 = arith.index_cast %add3A_449 : i32 to index
        %get3A_451 = arith.constant 0 : index
        %get3A_452 = tpu.vector_load %arg8[%get3A_450, %get3A_451] {strides = array<i32>} : memref<200x64xf32, #tpu.memory_space<vmem>>, vector<1x16xf32>,
        %get3A_453 = vector.shape_cast %get3A_452 : vector<1x16xf32> to vector<16xf32>
        %add3A_454 = arith.addf %get3A_447, %get3A_453 : vector<16xf32>
        %swap3A_455 = arith.constant 0 : i32
        %swap3A_456 = arith.constant 0 : i32
        %swap3A_457 = tpu.memref_slice %arg7[%scan3A_109, %swap3A_455, %swap3A_456] : memref<4x104x128xf32, #tpu.memory_space<vmem>> -> memref<1x104x128xf32, #tpu.memory_space<vmem>>
        %swap3A_458 = tpu.memref_squeeze %swap3A_457 : memref<1x104x128xf32, #tpu.memory_space<vmem>> -> memref<104x128xf32, #tpu.memory_space<vmem>>
        %swap3A_459 = arith.index_cast %add3A_439 : i32 to index
        %swap3A_460 = arith.constant 0 : index
        %swap3A_461 = tpu.vector_load %swap3A_458[%swap3A_459, %swap3A_460] {strides = array<i32>} : memref<104x128xf32, #tpu.memory_space<vmem>>, vector<1x16xf32>,
        %swap3A_462 = vector.shape_cast %swap3A_461 : vector<1x16xf32> to vector<16xf32>
        %swap3A_463 = vector.shape_cast %add3A_454 : vector<16xf32> to vector<1x16xf32>
        tpu.vector_store %swap3A_458[%swap3A_459, %swap3A_460], %swap3A_463 {strides = array<i32>} : memref<104x128xf32, #tpu.memory_space<vmem>>, vector<1x16xf32>,
        %get3A_464 = arith.constant 0 : i32
        %get3A_465 = arith.constant 0 : i32
        %get3A_466 = tpu.memref_slice %arg7[%scan3A_109, %get3A_464, %get3A_465] : memref<4x104x128xf32, #tpu.memory_space<vmem>> -> memref<1x104x128xf32, #tpu.memory_space<vmem>>
        %get3A_467 = tpu.memref_squeeze %get3A_466 : memref<1x104x128xf32, #tpu.memory_space<vmem>> -> memref<104x128xf32, #tpu.memory_space<vmem>>
        %get3A_468 = arith.index_cast %add3A_439 : i32 to index
        %get3A_469 = arith.constant 16 : index
        %get3A_470 = tpu.vector_load %get3A_467[%get3A_468, %get3A_469] {strides = array<i32>} : memref<104x128xf32, #tpu.memory_space<vmem>>, vector<1x16xf32>,
        %get3A_471 = vector.shape_cast %get3A_470 : vector<1x16xf32> to vector<16xf32>
        %add3A_472 = arith.constant 0 : i32
        %add3A_473 = arith.addi %add3A_472, %add3A_439 : i32
        %get3A_474 = arith.index_cast %add3A_473 : i32 to index
        %get3A_475 = arith.constant 16 : index
        %get3A_476 = tpu.vector_load %arg8[%get3A_474, %get3A_475] {strides = array<i32>} : memref<200x64xf32, #tpu.memory_space<vmem>>, vector<1x16xf32>,
        %get3A_477 = vector.shape_cast %get3A_476 : vector<1x16xf32> to vector<16xf32>
        %add3A_478 = arith.addf %get3A_471, %get3A_477 : vector<16xf32>
        %swap3A_479 = arith.constant 0 : i32
        %swap3A_480 = arith.constant 0 : i32
        %swap3A_481 = tpu.memref_slice %arg7[%scan3A_109, %swap3A_479, %swap3A_480] : memref<4x104x128xf32, #tpu.memory_space<vmem>> -> memref<1x104x128xf32, #tpu.memory_space<vmem>>
        %swap3A_482 = tpu.memref_squeeze %swap3A_481 : memref<1x104x128xf32, #tpu.memory_space<vmem>> -> memref<104x128xf32, #tpu.memory_space<vmem>>
        %swap3A_483 = arith.index_cast %add3A_439 : i32 to index
        %swap3A_484 = arith.constant 16 : index
        %swap3A_485 = tpu.vector_load %swap3A_482[%swap3A_483, %swap3A_484] {strides = array<i32>} : memref<104x128xf32, #tpu.memory_space<vmem>>, vector<1x16xf32>,
        %swap3A_486 = vector.shape_cast %swap3A_485 : vector<1x16xf32> to vector<16xf32>
        %swap3A_487 = vector.shape_cast %add3A_478 : vector<16xf32> to vector<1x16xf32>
        tpu.vector_store %swap3A_482[%swap3A_483, %swap3A_484], %swap3A_487 {strides = array<i32>} : memref<104x128xf32, #tpu.memory_space<vmem>>, vector<1x16xf32>,
        %get3A_488 = arith.constant 0 : i32
        %get3A_489 = arith.constant 0 : i32
        %get3A_490 = tpu.memref_slice %arg7[%scan3A_109, %get3A_488, %get3A_489] : memref<4x104x128xf32, #tpu.memory_space<vmem>> -> memref<1x104x128xf32, #tpu.memory_space<vmem>>
        %get3A_491 = tpu.memref_squeeze %get3A_490 : memref<1x104x128xf32, #tpu.memory_space<vmem>> -> memref<104x128xf32, #tpu.memory_space<vmem>>
        %get3A_492 = arith.index_cast %add3A_439 : i32 to index
        %get3A_493 = arith.constant 32 : index
        %get3A_494 = tpu.vector_load %get3A_491[%get3A_492, %get3A_493] {strides = array<i32>} : memref<104x128xf32, #tpu.memory_space<vmem>>, vector<1x16xf32>,
        %get3A_495 = vector.shape_cast %get3A_494 : vector<1x16xf32> to vector<16xf32>
        %add3A_496 = arith.constant 0 : i32
        %add3A_497 = arith.addi %add3A_496, %add3A_439 : i32
        %get3A_498 = arith.index_cast %add3A_497 : i32 to index
        %get3A_499 = arith.constant 32 : index
        %get3A_500 = tpu.vector_load %arg8[%get3A_498, %get3A_499] {strides = array<i32>} : memref<200x64xf32, #tpu.memory_space<vmem>>, vector<1x16xf32>,
        %get3A_501 = vector.shape_cast %get3A_500 : vector<1x16xf32> to vector<16xf32>
        %add3A_502 = arith.addf %get3A_495, %get3A_501 : vector<16xf32>
        %swap3A_503 = arith.constant 0 : i32
        %swap3A_504 = arith.constant 0 : i32
        %swap3A_505 = tpu.memref_slice %arg7[%scan3A_109, %swap3A_503, %swap3A_504] : memref<4x104x128xf32, #tpu.memory_space<vmem>> -> memref<1x104x128xf32, #tpu.memory_space<vmem>>
        %swap3A_506 = tpu.memref_squeeze %swap3A_505 : memref<1x104x128xf32, #tpu.memory_space<vmem>> -> memref<104x128xf32, #tpu.memory_space<vmem>>
        %swap3A_507 = arith.index_cast %add3A_439 : i32 to index
        %swap3A_508 = arith.constant 32 : index
        %swap3A_509 = tpu.vector_load %swap3A_506[%swap3A_507, %swap3A_508] {strides = array<i32>} : memref<104x128xf32, #tpu.memory_space<vmem>>, vector<1x16xf32>,
        %swap3A_510 = vector.shape_cast %swap3A_509 : vector<1x16xf32> to vector<16xf32>
        %swap3A_511 = vector.shape_cast %add3A_502 : vector<16xf32> to vector<1x16xf32>
        tpu.vector_store %swap3A_506[%swap3A_507, %swap3A_508], %swap3A_511 {strides = array<i32>} : memref<104x128xf32, #tpu.memory_space<vmem>>, vector<1x16xf32>,
        %get3A_512 = arith.constant 0 : i32
        %get3A_513 = arith.constant 0 : i32
        %get3A_514 = tpu.memref_slice %arg7[%scan3A_109, %get3A_512, %get3A_513] : memref<4x104x128xf32, #tpu.memory_space<vmem>> -> memref<1x104x128xf32, #tpu.memory_space<vmem>>
        %get3A_515 = tpu.memref_squeeze %get3A_514 : memref<1x104x128xf32, #tpu.memory_space<vmem>> -> memref<104x128xf32, #tpu.memory_space<vmem>>
        %get3A_516 = arith.index_cast %add3A_439 : i32 to index
        %get3A_517 = arith.constant 48 : index
        %get3A_518 = tpu.vector_load %get3A_515[%get3A_516, %get3A_517] {strides = array<i32>} : memref<104x128xf32, #tpu.memory_space<vmem>>, vector<1x16xf32>,
        %get3A_519 = vector.shape_cast %get3A_518 : vector<1x16xf32> to vector<16xf32>
        %add3A_520 = arith.constant 0 : i32
        %add3A_521 = arith.addi %add3A_520, %add3A_439 : i32
        %get3A_522 = arith.index_cast %add3A_521 : i32 to index
        %get3A_523 = arith.constant 48 : index
        %get3A_524 = tpu.vector_load %arg8[%get3A_522, %get3A_523] {strides = array<i32>} : memref<200x64xf32, #tpu.memory_space<vmem>>, vector<1x16xf32>,
        %get3A_525 = vector.shape_cast %get3A_524 : vector<1x16xf32> to vector<16xf32>
        %add3A_526 = arith.addf %get3A_519, %get3A_525 : vector<16xf32>
        %swap3A_527 = arith.constant 0 : i32
        %swap3A_528 = arith.constant 0 : i32
        %swap3A_529 = tpu.memref_slice %arg7[%scan3A_109, %swap3A_527, %swap3A_528] : memref<4x104x128xf32, #tpu.memory_space<vmem>> -> memref<1x104x128xf32, #tpu.memory_space<vmem>>
        %swap3A_530 = tpu.memref_squeeze %swap3A_529 : memref<1x104x128xf32, #tpu.memory_space<vmem>> -> memref<104x128xf32, #tpu.memory_space<vmem>>
        %swap3A_531 = arith.index_cast %add3A_439 : i32 to index
        %swap3A_532 = arith.constant 48 : index
        %swap3A_533 = tpu.vector_load %swap3A_530[%swap3A_531, %swap3A_532] {strides = array<i32>} : memref<104x128xf32, #tpu.memory_space<vmem>>, vector<1x16xf32>,
        %swap3A_534 = vector.shape_cast %swap3A_533 : vector<1x16xf32> to vector<16xf32>
        %swap3A_535 = vector.shape_cast %add3A_526 : vector<16xf32> to vector<1x16xf32>
        tpu.vector_store %swap3A_530[%swap3A_531, %swap3A_532], %swap3A_535 {strides = array<i32>} : memref<104x128xf32, #tpu.memory_space<vmem>>, vector<1x16xf32>,
        %scan3A_536 = arith.constant 2 : i32
        %scan3A_537 = arith.addi %scan3A_335, %scan3A_536 : i32
        %mul3A_538 = arith.constant 1 : i32
        %mul3A_539 = arith.muli %scan3A_537, %mul3A_538 : i32
        %add3A_540 = arith.constant 0 : i32
        %add3A_541 = arith.addi %add3A_540, %mul3A_539 : i32
        %get3A_542 = arith.constant 0 : i32
        %get3A_543 = arith.constant 0 : i32
        %get3A_544 = tpu.memref_slice %arg7[%scan3A_109, %get3A_542, %get3A_543] : memref<4x104x128xf32, #tpu.memory_space<vmem>> -> memref<1x104x128xf32, #tpu.memory_space<vmem>>
        %get3A_545 = tpu.memref_squeeze %get3A_544 : memref<1x104x128xf32, #tpu.memory_space<vmem>> -> memref<104x128xf32, #tpu.memory_space<vmem>>
        %get3A_546 = arith.index_cast %add3A_541 : i32 to index
        %get3A_547 = arith.constant 0 : index
        %get3A_548 = tpu.vector_load %get3A_545[%get3A_546, %get3A_547] {strides = array<i32>} : memref<104x128xf32, #tpu.memory_space<vmem>>, vector<1x16xf32>,
        %get3A_549 = vector.shape_cast %get3A_548 : vector<1x16xf32> to vector<16xf32>
        %add3A_550 = arith.constant 0 : i32
        %add3A_551 = arith.addi %add3A_550, %add3A_541 : i32
        %get3A_552 = arith.index_cast %add3A_551 : i32 to index
        %get3A_553 = arith.constant 0 : index
        %get3A_554 = tpu.vector_load %arg8[%get3A_552, %get3A_553] {strides = array<i32>} : memref<200x64xf32, #tpu.memory_space<vmem>>, vector<1x16xf32>,
        %get3A_555 = vector.shape_cast %get3A_554 : vector<1x16xf32> to vector<16xf32>
        %add3A_556 = arith.addf %get3A_549, %get3A_555 : vector<16xf32>
        %swap3A_557 = arith.constant 0 : i32
        %swap3A_558 = arith.constant 0 : i32
        %swap3A_559 = tpu.memref_slice %arg7[%scan3A_109, %swap3A_557, %swap3A_558] : memref<4x104x128xf32, #tpu.memory_space<vmem>> -> memref<1x104x128xf32, #tpu.memory_space<vmem>>
        %swap3A_560 = tpu.memref_squeeze %swap3A_559 : memref<1x104x128xf32, #tpu.memory_space<vmem>> -> memref<104x128xf32, #tpu.memory_space<vmem>>
        %swap3A_561 = arith.index_cast %add3A_541 : i32 to index
        %swap3A_562 = arith.constant 0 : index
        %swap3A_563 = tpu.vector_load %swap3A_560[%swap3A_561, %swap3A_562] {strides = array<i32>} : memref<104x128xf32, #tpu.memory_space<vmem>>, vector<1x16xf32>,
        %swap3A_564 = vector.shape_cast %swap3A_563 : vector<1x16xf32> to vector<16xf32>
        %swap3A_565 = vector.shape_cast %add3A_556 : vector<16xf32> to vector<1x16xf32>
        tpu.vector_store %swap3A_560[%swap3A_561, %swap3A_562], %swap3A_565 {strides = array<i32>} : memref<104x128xf32, #tpu.memory_space<vmem>>, vector<1x16xf32>,
        %get3A_566 = arith.constant 0 : i32
        %get3A_567 = arith.constant 0 : i32
        %get3A_568 = tpu.memref_slice %arg7[%scan3A_109, %get3A_566, %get3A_567] : memref<4x104x128xf32, #tpu.memory_space<vmem>> -> memref<1x104x128xf32, #tpu.memory_space<vmem>>
        %get3A_569 = tpu.memref_squeeze %get3A_568 : memref<1x104x128xf32, #tpu.memory_space<vmem>> -> memref<104x128xf32, #tpu.memory_space<vmem>>
        %get3A_570 = arith.index_cast %add3A_541 : i32 to index
        %get3A_571 = arith.constant 16 : index
        %get3A_572 = tpu.vector_load %get3A_569[%get3A_570, %get3A_571] {strides = array<i32>} : memref<104x128xf32, #tpu.memory_space<vmem>>, vector<1x16xf32>,
        %get3A_573 = vector.shape_cast %get3A_572 : vector<1x16xf32> to vector<16xf32>
        %add3A_574 = arith.constant 0 : i32
        %add3A_575 = arith.addi %add3A_574, %add3A_541 : i32
        %get3A_576 = arith.index_cast %add3A_575 : i32 to index
        %get3A_577 = arith.constant 16 : index
        %get3A_578 = tpu.vector_load %arg8[%get3A_576, %get3A_577] {strides = array<i32>} : memref<200x64xf32, #tpu.memory_space<vmem>>, vector<1x16xf32>,
        %get3A_579 = vector.shape_cast %get3A_578 : vector<1x16xf32> to vector<16xf32>
        %add3A_580 = arith.addf %get3A_573, %get3A_579 : vector<16xf32>
        %swap3A_581 = arith.constant 0 : i32
        %swap3A_582 = arith.constant 0 : i32
        %swap3A_583 = tpu.memref_slice %arg7[%scan3A_109, %swap3A_581, %swap3A_582] : memref<4x104x128xf32, #tpu.memory_space<vmem>> -> memref<1x104x128xf32, #tpu.memory_space<vmem>>
        %swap3A_584 = tpu.memref_squeeze %swap3A_583 : memref<1x104x128xf32, #tpu.memory_space<vmem>> -> memref<104x128xf32, #tpu.memory_space<vmem>>
        %swap3A_585 = arith.index_cast %add3A_541 : i32 to index
        %swap3A_586 = arith.constant 16 : index
        %swap3A_587 = tpu.vector_load %swap3A_584[%swap3A_585, %swap3A_586] {strides = array<i32>} : memref<104x128xf32, #tpu.memory_space<vmem>>, vector<1x16xf32>,
        %swap3A_588 = vector.shape_cast %swap3A_587 : vector<1x16xf32> to vector<16xf32>
        %swap3A_589 = vector.shape_cast %add3A_580 : vector<16xf32> to vector<1x16xf32>
        tpu.vector_store %swap3A_584[%swap3A_585, %swap3A_586], %swap3A_589 {strides = array<i32>} : memref<104x128xf32, #tpu.memory_space<vmem>>, vector<1x16xf32>,
        %get3A_590 = arith.constant 0 : i32
        %get3A_591 = arith.constant 0 : i32
        %get3A_592 = tpu.memref_slice %arg7[%scan3A_109, %get3A_590, %get3A_591] : memref<4x104x128xf32, #tpu.memory_space<vmem>> -> memref<1x104x128xf32, #tpu.memory_space<vmem>>
        %get3A_593 = tpu.memref_squeeze %get3A_592 : memref<1x104x128xf32, #tpu.memory_space<vmem>> -> memref<104x128xf32, #tpu.memory_space<vmem>>
        %get3A_594 = arith.index_cast %add3A_541 : i32 to index
        %get3A_595 = arith.constant 32 : index
        %get3A_596 = tpu.vector_load %get3A_593[%get3A_594, %get3A_595] {strides = array<i32>} : memref<104x128xf32, #tpu.memory_space<vmem>>, vector<1x16xf32>,
        %get3A_597 = vector.shape_cast %get3A_596 : vector<1x16xf32> to vector<16xf32>
        %add3A_598 = arith.constant 0 : i32
        %add3A_599 = arith.addi %add3A_598, %add3A_541 : i32
        %get3A_600 = arith.index_cast %add3A_599 : i32 to index
        %get3A_601 = arith.constant 32 : index
        %get3A_602 = tpu.vector_load %arg8[%get3A_600, %get3A_601] {strides = array<i32>} : memref<200x64xf32, #tpu.memory_space<vmem>>, vector<1x16xf32>,
        %get3A_603 = vector.shape_cast %get3A_602 : vector<1x16xf32> to vector<16xf32>
        %add3A_604 = arith.addf %get3A_597, %get3A_603 : vector<16xf32>
        %swap3A_605 = arith.constant 0 : i32
        %swap3A_606 = arith.constant 0 : i32
        %swap3A_607 = tpu.memref_slice %arg7[%scan3A_109, %swap3A_605, %swap3A_606] : memref<4x104x128xf32, #tpu.memory_space<vmem>> -> memref<1x104x128xf32, #tpu.memory_space<vmem>>
        %swap3A_608 = tpu.memref_squeeze %swap3A_607 : memref<1x104x128xf32, #tpu.memory_space<vmem>> -> memref<104x128xf32, #tpu.memory_space<vmem>>
        %swap3A_609 = arith.index_cast %add3A_541 : i32 to index
        %swap3A_610 = arith.constant 32 : index
        %swap3A_611 = tpu.vector_load %swap3A_608[%swap3A_609, %swap3A_610] {strides = array<i32>} : memref<104x128xf32, #tpu.memory_space<vmem>>, vector<1x16xf32>,
        %swap3A_612 = vector.shape_cast %swap3A_611 : vector<1x16xf32> to vector<16xf32>
        %swap3A_613 = vector.shape_cast %add3A_604 : vector<16xf32> to vector<1x16xf32>
        tpu.vector_store %swap3A_608[%swap3A_609, %swap3A_610], %swap3A_613 {strides = array<i32>} : memref<104x128xf32, #tpu.memory_space<vmem>>, vector<1x16xf32>,
        %get3A_614 = arith.constant 0 : i32
        %get3A_615 = arith.constant 0 : i32
        %get3A_616 = tpu.memref_slice %arg7[%scan3A_109, %get3A_614, %get3A_615] : memref<4x104x128xf32, #tpu.memory_space<vmem>> -> memref<1x104x128xf32, #tpu.memory_space<vmem>>
        %get3A_617 = tpu.memref_squeeze %get3A_616 : memref<1x104x128xf32, #tpu.memory_space<vmem>> -> memref<104x128xf32, #tpu.memory_space<vmem>>
        %get3A_618 = arith.index_cast %add3A_541 : i32 to index
        %get3A_619 = arith.constant 48 : index
        %get3A_620 = tpu.vector_load %get3A_617[%get3A_618, %get3A_619] {strides = array<i32>} : memref<104x128xf32, #tpu.memory_space<vmem>>, vector<1x16xf32>,
        %get3A_621 = vector.shape_cast %get3A_620 : vector<1x16xf32> to vector<16xf32>
        %add3A_622 = arith.constant 0 : i32
        %add3A_623 = arith.addi %add3A_622, %add3A_541 : i32
        %get3A_624 = arith.index_cast %add3A_623 : i32 to index
        %get3A_625 = arith.constant 48 : index
        %get3A_626 = tpu.vector_load %arg8[%get3A_624, %get3A_625] {strides = array<i32>} : memref<200x64xf32, #tpu.memory_space<vmem>>, vector<1x16xf32>,
        %get3A_627 = vector.shape_cast %get3A_626 : vector<1x16xf32> to vector<16xf32>
        %add3A_628 = arith.addf %get3A_621, %get3A_627 : vector<16xf32>
        %swap3A_629 = arith.constant 0 : i32
        %swap3A_630 = arith.constant 0 : i32
        %swap3A_631 = tpu.memref_slice %arg7[%scan3A_109, %swap3A_629, %swap3A_630] : memref<4x104x128xf32, #tpu.memory_space<vmem>> -> memref<1x104x128xf32, #tpu.memory_space<vmem>>
        %swap3A_632 = tpu.memref_squeeze %swap3A_631 : memref<1x104x128xf32, #tpu.memory_space<vmem>> -> memref<104x128xf32, #tpu.memory_space<vmem>>
        %swap3A_633 = arith.index_cast %add3A_541 : i32 to index
        %swap3A_634 = arith.constant 48 : index
        %swap3A_635 = tpu.vector_load %swap3A_632[%swap3A_633, %swap3A_634] {strides = array<i32>} : memref<104x128xf32, #tpu.memory_space<vmem>>, vector<1x16xf32>,
        %swap3A_636 = vector.shape_cast %swap3A_635 : vector<1x16xf32> to vector<16xf32>
        %swap3A_637 = vector.shape_cast %add3A_628 : vector<16xf32> to vector<1x16xf32>
        tpu.vector_store %swap3A_632[%swap3A_633, %swap3A_634], %swap3A_637 {strides = array<i32>} : memref<104x128xf32, #tpu.memory_space<vmem>>, vector<1x16xf32>,
        %scan3A_638 = arith.constant 3 : i32
        %scan3A_639 = arith.addi %scan3A_335, %scan3A_638 : i32
        %mul3A_640 = arith.constant 1 : i32
        %mul3A_641 = arith.muli %scan3A_639, %mul3A_640 : i32
        %add3A_642 = arith.constant 0 : i32
        %add3A_643 = arith.addi %add3A_642, %mul3A_641 : i32
        %get3A_644 = arith.constant 0 : i32
        %get3A_645 = arith.constant 0 : i32
        %get3A_646 = tpu.memref_slice %arg7[%scan3A_109, %get3A_644, %get3A_645] : memref<4x104x128xf32, #tpu.memory_space<vmem>> -> memref<1x104x128xf32, #tpu.memory_space<vmem>>
        %get3A_647 = tpu.memref_squeeze %get3A_646 : memref<1x104x128xf32, #tpu.memory_space<vmem>> -> memref<104x128xf32, #tpu.memory_space<vmem>>
        %get3A_648 = arith.index_cast %add3A_643 : i32 to index
        %get3A_649 = arith.constant 0 : index
        %get3A_650 = tpu.vector_load %get3A_647[%get3A_648, %get3A_649] {strides = array<i32>} : memref<104x128xf32, #tpu.memory_space<vmem>>, vector<1x16xf32>,
        %get3A_651 = vector.shape_cast %get3A_650 : vector<1x16xf32> to vector<16xf32>
        %add3A_652 = arith.constant 0 : i32
        %add3A_653 = arith.addi %add3A_652, %add3A_643 : i32
        %get3A_654 = arith.index_cast %add3A_653 : i32 to index
        %get3A_655 = arith.constant 0 : index
        %get3A_656 = tpu.vector_load %arg8[%get3A_654, %get3A_655] {strides = array<i32>} : memref<200x64xf32, #tpu.memory_space<vmem>>, vector<1x16xf32>,
        %get3A_657 = vector.shape_cast %get3A_656 : vector<1x16xf32> to vector<16xf32>
        %add3A_658 = arith.addf %get3A_651, %get3A_657 : vector<16xf32>
        %swap3A_659 = arith.constant 0 : i32
        %swap3A_660 = arith.constant 0 : i32
        %swap3A_661 = tpu.memref_slice %arg7[%scan3A_109, %swap3A_659, %swap3A_660] : memref<4x104x128xf32, #tpu.memory_space<vmem>> -> memref<1x104x128xf32, #tpu.memory_space<vmem>>
        %swap3A_662 = tpu.memref_squeeze %swap3A_661 : memref<1x104x128xf32, #tpu.memory_space<vmem>> -> memref<104x128xf32, #tpu.memory_space<vmem>>
        %swap3A_663 = arith.index_cast %add3A_643 : i32 to index
        %swap3A_664 = arith.constant 0 : index
        %swap3A_665 = tpu.vector_load %swap3A_662[%swap3A_663, %swap3A_664] {strides = array<i32>} : memref<104x128xf32, #tpu.memory_space<vmem>>, vector<1x16xf32>,
        %swap3A_666 = vector.shape_cast %swap3A_665 : vector<1x16xf32> to vector<16xf32>
        %swap3A_667 = vector.shape_cast %add3A_658 : vector<16xf32> to vector<1x16xf32>
        tpu.vector_store %swap3A_662[%swap3A_663, %swap3A_664], %swap3A_667 {strides = array<i32>} : memref<104x128xf32, #tpu.memory_space<vmem>>, vector<1x16xf32>,
        %get3A_668 = arith.constant 0 : i32
        %get3A_669 = arith.constant 0 : i32
        %get3A_670 = tpu.memref_slice %arg7[%scan3A_109, %get3A_668, %get3A_669] : memref<4x104x128xf32, #tpu.memory_space<vmem>> -> memref<1x104x128xf32, #tpu.memory_space<vmem>>
        %get3A_671 = tpu.memref_squeeze %get3A_670 : memref<1x104x128xf32, #tpu.memory_space<vmem>> -> memref<104x128xf32, #tpu.memory_space<vmem>>
        %get3A_672 = arith.index_cast %add3A_643 : i32 to index
        %get3A_673 = arith.constant 16 : index
        %get3A_674 = tpu.vector_load %get3A_671[%get3A_672, %get3A_673] {strides = array<i32>} : memref<104x128xf32, #tpu.memory_space<vmem>>, vector<1x16xf32>,
        %get3A_675 = vector.shape_cast %get3A_674 : vector<1x16xf32> to vector<16xf32>
        %add3A_676 = arith.constant 0 : i32
        %add3A_677 = arith.addi %add3A_676, %add3A_643 : i32
        %get3A_678 = arith.index_cast %add3A_677 : i32 to index
        %get3A_679 = arith.constant 16 : index
        %get3A_680 = tpu.vector_load %arg8[%get3A_678, %get3A_679] {strides = array<i32>} : memref<200x64xf32, #tpu.memory_space<vmem>>, vector<1x16xf32>,
        %get3A_681 = vector.shape_cast %get3A_680 : vector<1x16xf32> to vector<16xf32>
        %add3A_682 = arith.addf %get3A_675, %get3A_681 : vector<16xf32>
        %swap3A_683 = arith.constant 0 : i32
        %swap3A_684 = arith.constant 0 : i32
        %swap3A_685 = tpu.memref_slice %arg7[%scan3A_109, %swap3A_683, %swap3A_684] : memref<4x104x128xf32, #tpu.memory_space<vmem>> -> memref<1x104x128xf32, #tpu.memory_space<vmem>>
        %swap3A_686 = tpu.memref_squeeze %swap3A_685 : memref<1x104x128xf32, #tpu.memory_space<vmem>> -> memref<104x128xf32, #tpu.memory_space<vmem>>
        %swap3A_687 = arith.index_cast %add3A_643 : i32 to index
        %swap3A_688 = arith.constant 16 : index
        %swap3A_689 = tpu.vector_load %swap3A_686[%swap3A_687, %swap3A_688] {strides = array<i32>} : memref<104x128xf32, #tpu.memory_space<vmem>>, vector<1x16xf32>,
        %swap3A_690 = vector.shape_cast %swap3A_689 : vector<1x16xf32> to vector<16xf32>
        %swap3A_691 = vector.shape_cast %add3A_682 : vector<16xf32> to vector<1x16xf32>
        tpu.vector_store %swap3A_686[%swap3A_687, %swap3A_688], %swap3A_691 {strides = array<i32>} : memref<104x128xf32, #tpu.memory_space<vmem>>, vector<1x16xf32>,
        %get3A_692 = arith.constant 0 : i32
        %get3A_693 = arith.constant 0 : i32
        %get3A_694 = tpu.memref_slice %arg7[%scan3A_109, %get3A_692, %get3A_693] : memref<4x104x128xf32, #tpu.memory_space<vmem>> -> memref<1x104x128xf32, #tpu.memory_space<vmem>>
        %get3A_695 = tpu.memref_squeeze %get3A_694 : memref<1x104x128xf32, #tpu.memory_space<vmem>> -> memref<104x128xf32, #tpu.memory_space<vmem>>
        %get3A_696 = arith.index_cast %add3A_643 : i32 to index
        %get3A_697 = arith.constant 32 : index
        %get3A_698 = tpu.vector_load %get3A_695[%get3A_696, %get3A_697] {strides = array<i32>} : memref<104x128xf32, #tpu.memory_space<vmem>>, vector<1x16xf32>,
        %get3A_699 = vector.shape_cast %get3A_698 : vector<1x16xf32> to vector<16xf32>
        %add3A_700 = arith.constant 0 : i32
        %add3A_701 = arith.addi %add3A_700, %add3A_643 : i32
        %get3A_702 = arith.index_cast %add3A_701 : i32 to index
        %get3A_703 = arith.constant 32 : index
        %get3A_704 = tpu.vector_load %arg8[%get3A_702, %get3A_703] {strides = array<i32>} : memref<200x64xf32, #tpu.memory_space<vmem>>, vector<1x16xf32>,
        %get3A_705 = vector.shape_cast %get3A_704 : vector<1x16xf32> to vector<16xf32>
        %add3A_706 = arith.addf %get3A_699, %get3A_705 : vector<16xf32>
        %swap3A_707 = arith.constant 0 : i32
        %swap3A_708 = arith.constant 0 : i32
        %swap3A_709 = tpu.memref_slice %arg7[%scan3A_109, %swap3A_707, %swap3A_708] : memref<4x104x128xf32, #tpu.memory_space<vmem>> -> memref<1x104x128xf32, #tpu.memory_space<vmem>>
        %swap3A_710 = tpu.memref_squeeze %swap3A_709 : memref<1x104x128xf32, #tpu.memory_space<vmem>> -> memref<104x128xf32, #tpu.memory_space<vmem>>
        %swap3A_711 = arith.index_cast %add3A_643 : i32 to index
        %swap3A_712 = arith.constant 32 : index
        %swap3A_713 = tpu.vector_load %swap3A_710[%swap3A_711, %swap3A_712] {strides = array<i32>} : memref<104x128xf32, #tpu.memory_space<vmem>>, vector<1x16xf32>,
        %swap3A_714 = vector.shape_cast %swap3A_713 : vector<1x16xf32> to vector<16xf32>
        %swap3A_715 = vector.shape_cast %add3A_706 : vector<16xf32> to vector<1x16xf32>
        tpu.vector_store %swap3A_710[%swap3A_711, %swap3A_712], %swap3A_715 {strides = array<i32>} : memref<104x128xf32, #tpu.memory_space<vmem>>, vector<1x16xf32>,
        %get3A_716 = arith.constant 0 : i32
        %get3A_717 = arith.constant 0 : i32
        %get3A_718 = tpu.memref_slice %arg7[%scan3A_109, %get3A_716, %get3A_717] : memref<4x104x128xf32, #tpu.memory_space<vmem>> -> memref<1x104x128xf32, #tpu.memory_space<vmem>>
        %get3A_719 = tpu.memref_squeeze %get3A_718 : memref<1x104x128xf32, #tpu.memory_space<vmem>> -> memref<104x128xf32, #tpu.memory_space<vmem>>
        %get3A_720 = arith.index_cast %add3A_643 : i32 to index
        %get3A_721 = arith.constant 48 : index
        %get3A_722 = tpu.vector_load %get3A_719[%get3A_720, %get3A_721] {strides = array<i32>} : memref<104x128xf32, #tpu.memory_space<vmem>>, vector<1x16xf32>,
        %get3A_723 = vector.shape_cast %get3A_722 : vector<1x16xf32> to vector<16xf32>
        %add3A_724 = arith.constant 0 : i32
        %add3A_725 = arith.addi %add3A_724, %add3A_643 : i32
        %get3A_726 = arith.index_cast %add3A_725 : i32 to index
        %get3A_727 = arith.constant 48 : index
        %get3A_728 = tpu.vector_load %arg8[%get3A_726, %get3A_727] {strides = array<i32>} : memref<200x64xf32, #tpu.memory_space<vmem>>, vector<1x16xf32>,
        %get3A_729 = vector.shape_cast %get3A_728 : vector<1x16xf32> to vector<16xf32>
        %add3A_730 = arith.addf %get3A_723, %get3A_729 : vector<16xf32>
        %swap3A_731 = arith.constant 0 : i32
        %swap3A_732 = arith.constant 0 : i32
        %swap3A_733 = tpu.memref_slice %arg7[%scan3A_109, %swap3A_731, %swap3A_732] : memref<4x104x128xf32, #tpu.memory_space<vmem>> -> memref<1x104x128xf32, #tpu.memory_space<vmem>>
        %swap3A_734 = tpu.memref_squeeze %swap3A_733 : memref<1x104x128xf32, #tpu.memory_space<vmem>> -> memref<104x128xf32, #tpu.memory_space<vmem>>
        %swap3A_735 = arith.index_cast %add3A_643 : i32 to index
        %swap3A_736 = arith.constant 48 : index
        %swap3A_737 = tpu.vector_load %swap3A_734[%swap3A_735, %swap3A_736] {strides = array<i32>} : memref<104x128xf32, #tpu.memory_space<vmem>>, vector<1x16xf32>,
        %swap3A_738 = vector.shape_cast %swap3A_737 : vector<1x16xf32> to vector<16xf32>
        %swap3A_739 = vector.shape_cast %add3A_730 : vector<16xf32> to vector<1x16xf32>
        tpu.vector_store %swap3A_734[%swap3A_735, %swap3A_736], %swap3A_739 {strides = array<i32>} : memref<104x128xf32, #tpu.memory_space<vmem>>, vector<1x16xf32>,
        %scan3A_740 = arith.constant 4 : i32
        %scan3A_741 = arith.addi %scan3A_335, %scan3A_740 : i32
        %mul3A_742 = arith.constant 1 : i32
        %mul3A_743 = arith.muli %scan3A_741, %mul3A_742 : i32
        %add3A_744 = arith.constant 0 : i32
        %add3A_745 = arith.addi %add3A_744, %mul3A_743 : i32
        %get3A_746 = arith.constant 0 : i32
        %get3A_747 = arith.constant 0 : i32
        %get3A_748 = tpu.memref_slice %arg7[%scan3A_109, %get3A_746, %get3A_747] : memref<4x104x128xf32, #tpu.memory_space<vmem>> -> memref<1x104x128xf32, #tpu.memory_space<vmem>>
        %get3A_749 = tpu.memref_squeeze %get3A_748 : memref<1x104x128xf32, #tpu.memory_space<vmem>> -> memref<104x128xf32, #tpu.memory_space<vmem>>
        %get3A_750 = arith.index_cast %add3A_745 : i32 to index
        %get3A_751 = arith.constant 0 : index
        %get3A_752 = tpu.vector_load %get3A_749[%get3A_750, %get3A_751] {strides = array<i32>} : memref<104x128xf32, #tpu.memory_space<vmem>>, vector<1x16xf32>,
        %get3A_753 = vector.shape_cast %get3A_752 : vector<1x16xf32> to vector<16xf32>
        %add3A_754 = arith.constant 0 : i32
        %add3A_755 = arith.addi %add3A_754, %add3A_745 : i32
        %get3A_756 = arith.index_cast %add3A_755 : i32 to index
        %get3A_757 = arith.constant 0 : index
        %get3A_758 = tpu.vector_load %arg8[%get3A_756, %get3A_757] {strides = array<i32>} : memref<200x64xf32, #tpu.memory_space<vmem>>, vector<1x16xf32>,
        %get3A_759 = vector.shape_cast %get3A_758 : vector<1x16xf32> to vector<16xf32>
        %add3A_760 = arith.addf %get3A_753, %get3A_759 : vector<16xf32>
        %swap3A_761 = arith.constant 0 : i32
        %swap3A_762 = arith.constant 0 : i32
        %swap3A_763 = tpu.memref_slice %arg7[%scan3A_109, %swap3A_761, %swap3A_762] : memref<4x104x128xf32, #tpu.memory_space<vmem>> -> memref<1x104x128xf32, #tpu.memory_space<vmem>>
        %swap3A_764 = tpu.memref_squeeze %swap3A_763 : memref<1x104x128xf32, #tpu.memory_space<vmem>> -> memref<104x128xf32, #tpu.memory_space<vmem>>
        %swap3A_765 = arith.index_cast %add3A_745 : i32 to index
        %swap3A_766 = arith.constant 0 : index
        %swap3A_767 = tpu.vector_load %swap3A_764[%swap3A_765, %swap3A_766] {strides = array<i32>} : memref<104x128xf32, #tpu.memory_space<vmem>>, vector<1x16xf32>,
        %swap3A_768 = vector.shape_cast %swap3A_767 : vector<1x16xf32> to vector<16xf32>
        %swap3A_769 = vector.shape_cast %add3A_760 : vector<16xf32> to vector<1x16xf32>
        tpu.vector_store %swap3A_764[%swap3A_765, %swap3A_766], %swap3A_769 {strides = array<i32>} : memref<104x128xf32, #tpu.memory_space<vmem>>, vector<1x16xf32>,
        %get3A_770 = arith.constant 0 : i32
        %get3A_771 = arith.constant 0 : i32
        %get3A_772 = tpu.memref_slice %arg7[%scan3A_109, %get3A_770, %get3A_771] : memref<4x104x128xf32, #tpu.memory_space<vmem>> -> memref<1x104x128xf32, #tpu.memory_space<vmem>>
        %get3A_773 = tpu.memref_squeeze %get3A_772 : memref<1x104x128xf32, #tpu.memory_space<vmem>> -> memref<104x128xf32, #tpu.memory_space<vmem>>
        %get3A_774 = arith.index_cast %add3A_745 : i32 to index
        %get3A_775 = arith.constant 16 : index
        %get3A_776 = tpu.vector_load %get3A_773[%get3A_774, %get3A_775] {strides = array<i32>} : memref<104x128xf32, #tpu.memory_space<vmem>>, vector<1x16xf32>,
        %get3A_777 = vector.shape_cast %get3A_776 : vector<1x16xf32> to vector<16xf32>
        %add3A_778 = arith.constant 0 : i32
        %add3A_779 = arith.addi %add3A_778, %add3A_745 : i32
        %get3A_780 = arith.index_cast %add3A_779 : i32 to index
        %get3A_781 = arith.constant 16 : index
        %get3A_782 = tpu.vector_load %arg8[%get3A_780, %get3A_781] {strides = array<i32>} : memref<200x64xf32, #tpu.memory_space<vmem>>, vector<1x16xf32>,
        %get3A_783 = vector.shape_cast %get3A_782 : vector<1x16xf32> to vector<16xf32>
        %add3A_784 = arith.addf %get3A_777, %get3A_783 : vector<16xf32>
        %swap3A_785 = arith.constant 0 : i32
        %swap3A_786 = arith.constant 0 : i32
        %swap3A_787 = tpu.memref_slice %arg7[%scan3A_109, %swap3A_785, %swap3A_786] : memref<4x104x128xf32, #tpu.memory_space<vmem>> -> memref<1x104x128xf32, #tpu.memory_space<vmem>>
        %swap3A_788 = tpu.memref_squeeze %swap3A_787 : memref<1x104x128xf32, #tpu.memory_space<vmem>> -> memref<104x128xf32, #tpu.memory_space<vmem>>
        %swap3A_789 = arith.index_cast %add3A_745 : i32 to index
        %swap3A_790 = arith.constant 16 : index
        %swap3A_791 = tpu.vector_load %swap3A_788[%swap3A_789, %swap3A_790] {strides = array<i32>} : memref<104x128xf32, #tpu.memory_space<vmem>>, vector<1x16xf32>,
        %swap3A_792 = vector.shape_cast %swap3A_791 : vector<1x16xf32> to vector<16xf32>
        %swap3A_793 = vector.shape_cast %add3A_784 : vector<16xf32> to vector<1x16xf32>
        tpu.vector_store %swap3A_788[%swap3A_789, %swap3A_790], %swap3A_793 {strides = array<i32>} : memref<104x128xf32, #tpu.memory_space<vmem>>, vector<1x16xf32>,
        %get3A_794 = arith.constant 0 : i32
        %get3A_795 = arith.constant 0 : i32
        %get3A_796 = tpu.memref_slice %arg7[%scan3A_109, %get3A_794, %get3A_795] : memref<4x104x128xf32, #tpu.memory_space<vmem>> -> memref<1x104x128xf32, #tpu.memory_space<vmem>>
        %get3A_797 = tpu.memref_squeeze %get3A_796 : memref<1x104x128xf32, #tpu.memory_space<vmem>> -> memref<104x128xf32, #tpu.memory_space<vmem>>
        %get3A_798 = arith.index_cast %add3A_745 : i32 to index
        %get3A_799 = arith.constant 32 : index
        %get3A_800 = tpu.vector_load %get3A_797[%get3A_798, %get3A_799] {strides = array<i32>} : memref<104x128xf32, #tpu.memory_space<vmem>>, vector<1x16xf32>,
        %get3A_801 = vector.shape_cast %get3A_800 : vector<1x16xf32> to vector<16xf32>
        %add3A_802 = arith.constant 0 : i32
        %add3A_803 = arith.addi %add3A_802, %add3A_745 : i32
        %get3A_804 = arith.index_cast %add3A_803 : i32 to index
        %get3A_805 = arith.constant 32 : index
        %get3A_806 = tpu.vector_load %arg8[%get3A_804, %get3A_805] {strides = array<i32>} : memref<200x64xf32, #tpu.memory_space<vmem>>, vector<1x16xf32>,
        %get3A_807 = vector.shape_cast %get3A_806 : vector<1x16xf32> to vector<16xf32>
        %add3A_808 = arith.addf %get3A_801, %get3A_807 : vector<16xf32>
        %swap3A_809 = arith.constant 0 : i32
        %swap3A_810 = arith.constant 0 : i32
        %swap3A_811 = tpu.memref_slice %arg7[%scan3A_109, %swap3A_809, %swap3A_810] : memref<4x104x128xf32, #tpu.memory_space<vmem>> -> memref<1x104x128xf32, #tpu.memory_space<vmem>>
        %swap3A_812 = tpu.memref_squeeze %swap3A_811 : memref<1x104x128xf32, #tpu.memory_space<vmem>> -> memref<104x128xf32, #tpu.memory_space<vmem>>
        %swap3A_813 = arith.index_cast %add3A_745 : i32 to index
        %swap3A_814 = arith.constant 32 : index
        %swap3A_815 = tpu.vector_load %swap3A_812[%swap3A_813, %swap3A_814] {strides = array<i32>} : memref<104x128xf32, #tpu.memory_space<vmem>>, vector<1x16xf32>,
        %swap3A_816 = vector.shape_cast %swap3A_815 : vector<1x16xf32> to vector<16xf32>
        %swap3A_817 = vector.shape_cast %add3A_808 : vector<16xf32> to vector<1x16xf32>
        tpu.vector_store %swap3A_812[%swap3A_813, %swap3A_814], %swap3A_817 {strides = array<i32>} : memref<104x128xf32, #tpu.memory_space<vmem>>, vector<1x16xf32>,
        %get3A_818 = arith.constant 0 : i32
        %get3A_819 = arith.constant 0 : i32
        %get3A_820 = tpu.memref_slice %arg7[%scan3A_109, %get3A_818, %get3A_819] : memref<4x104x128xf32, #tpu.memory_space<vmem>> -> memref<1x104x128xf32, #tpu.memory_space<vmem>>
        %get3A_821 = tpu.memref_squeeze %get3A_820 : memref<1x104x128xf32, #tpu.memory_space<vmem>> -> memref<104x128xf32, #tpu.memory_space<vmem>>
        %get3A_822 = arith.index_cast %add3A_745 : i32 to index
        %get3A_823 = arith.constant 48 : index
        %get3A_824 = tpu.vector_load %get3A_821[%get3A_822, %get3A_823] {strides = array<i32>} : memref<104x128xf32, #tpu.memory_space<vmem>>, vector<1x16xf32>,
        %get3A_825 = vector.shape_cast %get3A_824 : vector<1x16xf32> to vector<16xf32>
        %add3A_826 = arith.constant 0 : i32
        %add3A_827 = arith.addi %add3A_826, %add3A_745 : i32
        %get3A_828 = arith.index_cast %add3A_827 : i32 to index
        %get3A_829 = arith.constant 48 : index
        %get3A_830 = tpu.vector_load %arg8[%get3A_828, %get3A_829] {strides = array<i32>} : memref<200x64xf32, #tpu.memory_space<vmem>>, vector<1x16xf32>,
        %get3A_831 = vector.shape_cast %get3A_830 : vector<1x16xf32> to vector<16xf32>
        %add3A_832 = arith.addf %get3A_825, %get3A_831 : vector<16xf32>
        %swap3A_833 = arith.constant 0 : i32
        %swap3A_834 = arith.constant 0 : i32
        %swap3A_835 = tpu.memref_slice %arg7[%scan3A_109, %swap3A_833, %swap3A_834] : memref<4x104x128xf32, #tpu.memory_space<vmem>> -> memref<1x104x128xf32, #tpu.memory_space<vmem>>
        %swap3A_836 = tpu.memref_squeeze %swap3A_835 : memref<1x104x128xf32, #tpu.memory_space<vmem>> -> memref<104x128xf32, #tpu.memory_space<vmem>>
        %swap3A_837 = arith.index_cast %add3A_745 : i32 to index
        %swap3A_838 = arith.constant 48 : index
        %swap3A_839 = tpu.vector_load %swap3A_836[%swap3A_837, %swap3A_838] {strides = array<i32>} : memref<104x128xf32, #tpu.memory_space<vmem>>, vector<1x16xf32>,
        %swap3A_840 = vector.shape_cast %swap3A_839 : vector<1x16xf32> to vector<16xf32>
        %swap3A_841 = vector.shape_cast %add3A_832 : vector<16xf32> to vector<1x16xf32>
        tpu.vector_store %swap3A_836[%swap3A_837, %swap3A_838], %swap3A_841 {strides = array<i32>} : memref<104x128xf32, #tpu.memory_space<vmem>>, vector<1x16xf32>,
        %scan3A_842 = arith.constant 5 : i32
        %scan3A_843 = arith.addi %scan3A_335, %scan3A_842 : i32
        %mul3A_844 = arith.constant 1 : i32
        %mul3A_845 = arith.muli %scan3A_843, %mul3A_844 : i32
        %add3A_846 = arith.constant 0 : i32
        %add3A_847 = arith.addi %add3A_846, %mul3A_845 : i32
        %get3A_848 = arith.constant 0 : i32
        %get3A_849 = arith.constant 0 : i32
        %get3A_850 = tpu.memref_slice %arg7[%scan3A_109, %get3A_848, %get3A_849] : memref<4x104x128xf32, #tpu.memory_space<vmem>> -> memref<1x104x128xf32, #tpu.memory_space<vmem>>
        %get3A_851 = tpu.memref_squeeze %get3A_850 : memref<1x104x128xf32, #tpu.memory_space<vmem>> -> memref<104x128xf32, #tpu.memory_space<vmem>>
        %get3A_852 = arith.index_cast %add3A_847 : i32 to index
        %get3A_853 = arith.constant 0 : index
        %get3A_854 = tpu.vector_load %get3A_851[%get3A_852, %get3A_853] {strides = array<i32>} : memref<104x128xf32, #tpu.memory_space<vmem>>, vector<1x16xf32>,
        %get3A_855 = vector.shape_cast %get3A_854 : vector<1x16xf32> to vector<16xf32>
        %add3A_856 = arith.constant 0 : i32
        %add3A_857 = arith.addi %add3A_856, %add3A_847 : i32
        %get3A_858 = arith.index_cast %add3A_857 : i32 to index
        %get3A_859 = arith.constant 0 : index
        %get3A_860 = tpu.vector_load %arg8[%get3A_858, %get3A_859] {strides = array<i32>} : memref<200x64xf32, #tpu.memory_space<vmem>>, vector<1x16xf32>,
        %get3A_861 = vector.shape_cast %get3A_860 : vector<1x16xf32> to vector<16xf32>
        %add3A_862 = arith.addf %get3A_855, %get3A_861 : vector<16xf32>
        %swap3A_863 = arith.constant 0 : i32
        %swap3A_864 = arith.constant 0 : i32
        %swap3A_865 = tpu.memref_slice %arg7[%scan3A_109, %swap3A_863, %swap3A_864] : memref<4x104x128xf32, #tpu.memory_space<vmem>> -> memref<1x104x128xf32, #tpu.memory_space<vmem>>
        %swap3A_866 = tpu.memref_squeeze %swap3A_865 : memref<1x104x128xf32, #tpu.memory_space<vmem>> -> memref<104x128xf32, #tpu.memory_space<vmem>>
        %swap3A_867 = arith.index_cast %add3A_847 : i32 to index
        %swap3A_868 = arith.constant 0 : index
        %swap3A_869 = tpu.vector_load %swap3A_866[%swap3A_867, %swap3A_868] {strides = array<i32>} : memref<104x128xf32, #tpu.memory_space<vmem>>, vector<1x16xf32>,
        %swap3A_870 = vector.shape_cast %swap3A_869 : vector<1x16xf32> to vector<16xf32>
        %swap3A_871 = vector.shape_cast %add3A_862 : vector<16xf32> to vector<1x16xf32>
        tpu.vector_store %swap3A_866[%swap3A_867, %swap3A_868], %swap3A_871 {strides = array<i32>} : memref<104x128xf32, #tpu.memory_space<vmem>>, vector<1x16xf32>,
        %get3A_872 = arith.constant 0 : i32
        %get3A_873 = arith.constant 0 : i32
        %get3A_874 = tpu.memref_slice %arg7[%scan3A_109, %get3A_872, %get3A_873] : memref<4x104x128xf32, #tpu.memory_space<vmem>> -> memref<1x104x128xf32, #tpu.memory_space<vmem>>
        %get3A_875 = tpu.memref_squeeze %get3A_874 : memref<1x104x128xf32, #tpu.memory_space<vmem>> -> memref<104x128xf32, #tpu.memory_space<vmem>>
        %get3A_876 = arith.index_cast %add3A_847 : i32 to index
        %get3A_877 = arith.constant 16 : index
        %get3A_878 = tpu.vector_load %get3A_875[%get3A_876, %get3A_877] {strides = array<i32>} : memref<104x128xf32, #tpu.memory_space<vmem>>, vector<1x16xf32>,
        %get3A_879 = vector.shape_cast %get3A_878 : vector<1x16xf32> to vector<16xf32>
        %add3A_880 = arith.constant 0 : i32
        %add3A_881 = arith.addi %add3A_880, %add3A_847 : i32
        %get3A_882 = arith.index_cast %add3A_881 : i32 to index
        %get3A_883 = arith.constant 16 : index
        %get3A_884 = tpu.vector_load %arg8[%get3A_882, %get3A_883] {strides = array<i32>} : memref<200x64xf32, #tpu.memory_space<vmem>>, vector<1x16xf32>,
        %get3A_885 = vector.shape_cast %get3A_884 : vector<1x16xf32> to vector<16xf32>
        %add3A_886 = arith.addf %get3A_879, %get3A_885 : vector<16xf32>
        %swap3A_887 = arith.constant 0 : i32
        %swap3A_888 = arith.constant 0 : i32
        %swap3A_889 = tpu.memref_slice %arg7[%scan3A_109, %swap3A_887, %swap3A_888] : memref<4x104x128xf32, #tpu.memory_space<vmem>> -> memref<1x104x128xf32, #tpu.memory_space<vmem>>
        %swap3A_890 = tpu.memref_squeeze %swap3A_889 : memref<1x104x128xf32, #tpu.memory_space<vmem>> -> memref<104x128xf32, #tpu.memory_space<vmem>>
        %swap3A_891 = arith.index_cast %add3A_847 : i32 to index
        %swap3A_892 = arith.constant 16 : index
        %swap3A_893 = tpu.vector_load %swap3A_890[%swap3A_891, %swap3A_892] {strides = array<i32>} : memref<104x128xf32, #tpu.memory_space<vmem>>, vector<1x16xf32>,
        %swap3A_894 = vector.shape_cast %swap3A_893 : vector<1x16xf32> to vector<16xf32>
        %swap3A_895 = vector.shape_cast %add3A_886 : vector<16xf32> to vector<1x16xf32>
        tpu.vector_store %swap3A_890[%swap3A_891, %swap3A_892], %swap3A_895 {strides = array<i32>} : memref<104x128xf32, #tpu.memory_space<vmem>>, vector<1x16xf32>,
        %get3A_896 = arith.constant 0 : i32
        %get3A_897 = arith.constant 0 : i32
        %get3A_898 = tpu.memref_slice %arg7[%scan3A_109, %get3A_896, %get3A_897] : memref<4x104x128xf32, #tpu.memory_space<vmem>> -> memref<1x104x128xf32, #tpu.memory_space<vmem>>
        %get3A_899 = tpu.memref_squeeze %get3A_898 : memref<1x104x128xf32, #tpu.memory_space<vmem>> -> memref<104x128xf32, #tpu.memory_space<vmem>>
        %get3A_900 = arith.index_cast %add3A_847 : i32 to index
        %get3A_901 = arith.constant 32 : index
        %get3A_902 = tpu.vector_load %get3A_899[%get3A_900, %get3A_901] {strides = array<i32>} : memref<104x128xf32, #tpu.memory_space<vmem>>, vector<1x16xf32>,
        %get3A_903 = vector.shape_cast %get3A_902 : vector<1x16xf32> to vector<16xf32>
        %add3A_904 = arith.constant 0 : i32
        %add3A_905 = arith.addi %add3A_904, %add3A_847 : i32
        %get3A_906 = arith.index_cast %add3A_905 : i32 to index
        %get3A_907 = arith.constant 32 : index
        %get3A_908 = tpu.vector_load %arg8[%get3A_906, %get3A_907] {strides = array<i32>} : memref<200x64xf32, #tpu.memory_space<vmem>>, vector<1x16xf32>,
        %get3A_909 = vector.shape_cast %get3A_908 : vector<1x16xf32> to vector<16xf32>
        %add3A_910 = arith.addf %get3A_903, %get3A_909 : vector<16xf32>
        %swap3A_911 = arith.constant 0 : i32
        %swap3A_912 = arith.constant 0 : i32
        %swap3A_913 = tpu.memref_slice %arg7[%scan3A_109, %swap3A_911, %swap3A_912] : memref<4x104x128xf32, #tpu.memory_space<vmem>> -> memref<1x104x128xf32, #tpu.memory_space<vmem>>
        %swap3A_914 = tpu.memref_squeeze %swap3A_913 : memref<1x104x128xf32, #tpu.memory_space<vmem>> -> memref<104x128xf32, #tpu.memory_space<vmem>>
        %swap3A_915 = arith.index_cast %add3A_847 : i32 to index
        %swap3A_916 = arith.constant 32 : index
        %swap3A_917 = tpu.vector_load %swap3A_914[%swap3A_915, %swap3A_916] {strides = array<i32>} : memref<104x128xf32, #tpu.memory_space<vmem>>, vector<1x16xf32>,
        %swap3A_918 = vector.shape_cast %swap3A_917 : vector<1x16xf32> to vector<16xf32>
        %swap3A_919 = vector.shape_cast %add3A_910 : vector<16xf32> to vector<1x16xf32>
        tpu.vector_store %swap3A_914[%swap3A_915, %swap3A_916], %swap3A_919 {strides = array<i32>} : memref<104x128xf32, #tpu.memory_space<vmem>>, vector<1x16xf32>,
        %get3A_920 = arith.constant 0 : i32
        %get3A_921 = arith.constant 0 : i32
        %get3A_922 = tpu.memref_slice %arg7[%scan3A_109, %get3A_920, %get3A_921] : memref<4x104x128xf32, #tpu.memory_space<vmem>> -> memref<1x104x128xf32, #tpu.memory_space<vmem>>
        %get3A_923 = tpu.memref_squeeze %get3A_922 : memref<1x104x128xf32, #tpu.memory_space<vmem>> -> memref<104x128xf32, #tpu.memory_space<vmem>>
        %get3A_924 = arith.index_cast %add3A_847 : i32 to index
        %get3A_925 = arith.constant 48 : index
        %get3A_926 = tpu.vector_load %get3A_923[%get3A_924, %get3A_925] {strides = array<i32>} : memref<104x128xf32, #tpu.memory_space<vmem>>, vector<1x16xf32>,
        %get3A_927 = vector.shape_cast %get3A_926 : vector<1x16xf32> to vector<16xf32>
        %add3A_928 = arith.constant 0 : i32
        %add3A_929 = arith.addi %add3A_928, %add3A_847 : i32
        %get3A_930 = arith.index_cast %add3A_929 : i32 to index
        %get3A_931 = arith.constant 48 : index
        %get3A_932 = tpu.vector_load %arg8[%get3A_930, %get3A_931] {strides = array<i32>} : memref<200x64xf32, #tpu.memory_space<vmem>>, vector<1x16xf32>,
        %get3A_933 = vector.shape_cast %get3A_932 : vector<1x16xf32> to vector<16xf32>
        %add3A_934 = arith.addf %get3A_927, %get3A_933 : vector<16xf32>
        %swap3A_935 = arith.constant 0 : i32
        %swap3A_936 = arith.constant 0 : i32
        %swap3A_937 = tpu.memref_slice %arg7[%scan3A_109, %swap3A_935, %swap3A_936] : memref<4x104x128xf32, #tpu.memory_space<vmem>> -> memref<1x104x128xf32, #tpu.memory_space<vmem>>
        %swap3A_938 = tpu.memref_squeeze %swap3A_937 : memref<1x104x128xf32, #tpu.memory_space<vmem>> -> memref<104x128xf32, #tpu.memory_space<vmem>>
        %swap3A_939 = arith.index_cast %add3A_847 : i32 to index
        %swap3A_940 = arith.constant 48 : index
        %swap3A_941 = tpu.vector_load %swap3A_938[%swap3A_939, %swap3A_940] {strides = array<i32>} : memref<104x128xf32, #tpu.memory_space<vmem>>, vector<1x16xf32>,
        %swap3A_942 = vector.shape_cast %swap3A_941 : vector<1x16xf32> to vector<16xf32>
        %swap3A_943 = vector.shape_cast %add3A_934 : vector<16xf32> to vector<1x16xf32>
        tpu.vector_store %swap3A_938[%swap3A_939, %swap3A_940], %swap3A_943 {strides = array<i32>} : memref<104x128xf32, #tpu.memory_space<vmem>>, vector<1x16xf32>,
        %scan3A_944 = arith.constant 6 : i32
        %scan3A_945 = arith.addi %scan3A_335, %scan3A_944 : i32
        %mul3A_946 = arith.constant 1 : i32
        %mul3A_947 = arith.muli %scan3A_945, %mul3A_946 : i32
        %add3A_948 = arith.constant 0 : i32
        %add3A_949 = arith.addi %add3A_948, %mul3A_947 : i32
        %get3A_950 = arith.constant 0 : i32
        %get3A_951 = arith.constant 0 : i32
        %get3A_952 = tpu.memref_slice %arg7[%scan3A_109, %get3A_950, %get3A_951] : memref<4x104x128xf32, #tpu.memory_space<vmem>> -> memref<1x104x128xf32, #tpu.memory_space<vmem>>
        %get3A_953 = tpu.memref_squeeze %get3A_952 : memref<1x104x128xf32, #tpu.memory_space<vmem>> -> memref<104x128xf32, #tpu.memory_space<vmem>>
        %get3A_954 = arith.index_cast %add3A_949 : i32 to index
        %get3A_955 = arith.constant 0 : index
        %get3A_956 = tpu.vector_load %get3A_953[%get3A_954, %get3A_955] {strides = array<i32>} : memref<104x128xf32, #tpu.memory_space<vmem>>, vector<1x16xf32>,
        %get3A_957 = vector.shape_cast %get3A_956 : vector<1x16xf32> to vector<16xf32>
        %add3A_958 = arith.constant 0 : i32
        %add3A_959 = arith.addi %add3A_958, %add3A_949 : i32
        %get3A_960 = arith.index_cast %add3A_959 : i32 to index
        %get3A_961 = arith.constant 0 : index
        %get3A_962 = tpu.vector_load %arg8[%get3A_960, %get3A_961] {strides = array<i32>} : memref<200x64xf32, #tpu.memory_space<vmem>>, vector<1x16xf32>,
        %get3A_963 = vector.shape_cast %get3A_962 : vector<1x16xf32> to vector<16xf32>
        %add3A_964 = arith.addf %get3A_957, %get3A_963 : vector<16xf32>
        %swap3A_965 = arith.constant 0 : i32
        %swap3A_966 = arith.constant 0 : i32
        %swap3A_967 = tpu.memref_slice %arg7[%scan3A_109, %swap3A_965, %swap3A_966] : memref<4x104x128xf32, #tpu.memory_space<vmem>> -> memref<1x104x128xf32, #tpu.memory_space<vmem>>
        %swap3A_968 = tpu.memref_squeeze %swap3A_967 : memref<1x104x128xf32, #tpu.memory_space<vmem>> -> memref<104x128xf32, #tpu.memory_space<vmem>>
        %swap3A_969 = arith.index_cast %add3A_949 : i32 to index
        %swap3A_970 = arith.constant 0 : index
        %swap3A_971 = tpu.vector_load %swap3A_968[%swap3A_969, %swap3A_970] {strides = array<i32>} : memref<104x128xf32, #tpu.memory_space<vmem>>, vector<1x16xf32>,
        %swap3A_972 = vector.shape_cast %swap3A_971 : vector<1x16xf32> to vector<16xf32>
        %swap3A_973 = vector.shape_cast %add3A_964 : vector<16xf32> to vector<1x16xf32>
        tpu.vector_store %swap3A_968[%swap3A_969, %swap3A_970], %swap3A_973 {strides = array<i32>} : memref<104x128xf32, #tpu.memory_space<vmem>>, vector<1x16xf32>,
        %get3A_974 = arith.constant 0 : i32
        %get3A_975 = arith.constant 0 : i32
        %get3A_976 = tpu.memref_slice %arg7[%scan3A_109, %get3A_974, %get3A_975] : memref<4x104x128xf32, #tpu.memory_space<vmem>> -> memref<1x104x128xf32, #tpu.memory_space<vmem>>
        %get3A_977 = tpu.memref_squeeze %get3A_976 : memref<1x104x128xf32, #tpu.memory_space<vmem>> -> memref<104x128xf32, #tpu.memory_space<vmem>>
        %get3A_978 = arith.index_cast %add3A_949 : i32 to index
        %get3A_979 = arith.constant 16 : index
        %get3A_980 = tpu.vector_load %get3A_977[%get3A_978, %get3A_979] {strides = array<i32>} : memref<104x128xf32, #tpu.memory_space<vmem>>, vector<1x16xf32>,
        %get3A_981 = vector.shape_cast %get3A_980 : vector<1x16xf32> to vector<16xf32>
        %add3A_982 = arith.constant 0 : i32
        %add3A_983 = arith.addi %add3A_982, %add3A_949 : i32
        %get3A_984 = arith.index_cast %add3A_983 : i32 to index
        %get3A_985 = arith.constant 16 : index
        %get3A_986 = tpu.vector_load %arg8[%get3A_984, %get3A_985] {strides = array<i32>} : memref<200x64xf32, #tpu.memory_space<vmem>>, vector<1x16xf32>,
        %get3A_987 = vector.shape_cast %get3A_986 : vector<1x16xf32> to vector<16xf32>
        %add3A_988 = arith.addf %get3A_981, %get3A_987 : vector<16xf32>
        %swap3A_989 = arith.constant 0 : i32
        %swap3A_990 = arith.constant 0 : i32
        %swap3A_991 = tpu.memref_slice %arg7[%scan3A_109, %swap3A_989, %swap3A_990] : memref<4x104x128xf32, #tpu.memory_space<vmem>> -> memref<1x104x128xf32, #tpu.memory_space<vmem>>
        %swap3A_992 = tpu.memref_squeeze %swap3A_991 : memref<1x104x128xf32, #tpu.memory_space<vmem>> -> memref<104x128xf32, #tpu.memory_space<vmem>>
        %swap3A_993 = arith.index_cast %add3A_949 : i32 to index
        %swap3A_994 = arith.constant 16 : index
        %swap3A_995 = tpu.vector_load %swap3A_992[%swap3A_993, %swap3A_994] {strides = array<i32>} : memref<104x128xf32, #tpu.memory_space<vmem>>, vector<1x16xf32>,
        %swap3A_996 = vector.shape_cast %swap3A_995 : vector<1x16xf32> to vector<16xf32>
        %swap3A_997 = vector.shape_cast %add3A_988 : vector<16xf32> to vector<1x16xf32>
        tpu.vector_store %swap3A_992[%swap3A_993, %swap3A_994], %swap3A_997 {strides = array<i32>} : memref<104x128xf32, #tpu.memory_space<vmem>>, vector<1x16xf32>,
        %get3A_998 = arith.constant 0 : i32
        %get3A_999 = arith.constant 0 : i32
        %get3A_1000 = tpu.memref_slice %arg7[%scan3A_109, %get3A_998, %get3A_999] : memref<4x104x128xf32, #tpu.memory_space<vmem>> -> memref<1x104x128xf32, #tpu.memory_space<vmem>>
        %get3A_1001 = tpu.memref_squeeze %get3A_1000 : memref<1x104x128xf32, #tpu.memory_space<vmem>> -> memref<104x128xf32, #tpu.memory_space<vmem>>
        %get3A_1002 = arith.index_cast %add3A_949 : i32 to index
        %get3A_1003 = arith.constant 32 : index
        %get3A_1004 = tpu.vector_load %get3A_1001[%get3A_1002, %get3A_1003] {strides = array<i32>} : memref<104x128xf32, #tpu.memory_space<vmem>>, vector<1x16xf32>,
        %get3A_1005 = vector.shape_cast %get3A_1004 : vector<1x16xf32> to vector<16xf32>
        %add3A_1006 = arith.constant 0 : i32
        %add3A_1007 = arith.addi %add3A_1006, %add3A_949 : i32
        %get3A_1008 = arith.index_cast %add3A_1007 : i32 to index
        %get3A_1009 = arith.constant 32 : index
        %get3A_1010 = tpu.vector_load %arg8[%get3A_1008, %get3A_1009] {strides = array<i32>} : memref<200x64xf32, #tpu.memory_space<vmem>>, vector<1x16xf32>,
        %get3A_1011 = vector.shape_cast %get3A_1010 : vector<1x16xf32> to vector<16xf32>
        %add3A_1012 = arith.addf %get3A_1005, %get3A_1011 : vector<16xf32>
        %swap3A_1013 = arith.constant 0 : i32
        %swap3A_1014 = arith.constant 0 : i32
        %swap3A_1015 = tpu.memref_slice %arg7[%scan3A_109, %swap3A_1013, %swap3A_1014] : memref<4x104x128xf32, #tpu.memory_space<vmem>> -> memref<1x104x128xf32, #tpu.memory_space<vmem>>
        %swap3A_1016 = tpu.memref_squeeze %swap3A_1015 : memref<1x104x128xf32, #tpu.memory_space<vmem>> -> memref<104x128xf32, #tpu.memory_space<vmem>>
        %swap3A_1017 = arith.index_cast %add3A_949 : i32 to index
        %swap3A_1018 = arith.constant 32 : index
        %swap3A_1019 = tpu.vector_load %swap3A_1016[%swap3A_1017, %swap3A_1018] {strides = array<i32>} : memref<104x128xf32, #tpu.memory_space<vmem>>, vector<1x16xf32>,
        %swap3A_1020 = vector.shape_cast %swap3A_1019 : vector<1x16xf32> to vector<16xf32>
        %swap3A_1021 = vector.shape_cast %add3A_1012 : vector<16xf32> to vector<1x16xf32>
        tpu.vector_store %swap3A_1016[%swap3A_1017, %swap3A_1018], %swap3A_1021 {strides = array<i32>} : memref<104x128xf32, #tpu.memory_space<vmem>>, vector<1x16xf32>,
        %get3A_1022 = arith.constant 0 : i32
        %get3A_1023 = arith.constant 0 : i32
        %get3A_1024 = tpu.memref_slice %arg7[%scan3A_109, %get3A_1022, %get3A_1023] : memref<4x104x128xf32, #tpu.memory_space<vmem>> -> memref<1x104x128xf32, #tpu.memory_space<vmem>>
        %get3A_1025 = tpu.memref_squeeze %get3A_1024 : memref<1x104x128xf32, #tpu.memory_space<vmem>> -> memref<104x128xf32, #tpu.memory_space<vmem>>
        %get3A_1026 = arith.index_cast %add3A_949 : i32 to index
        %get3A_1027 = arith.constant 48 : index
        %get3A_1028 = tpu.vector_load %get3A_1025[%get3A_1026, %get3A_1027] {strides = array<i32>} : memref<104x128xf32, #tpu.memory_space<vmem>>, vector<1x16xf32>,
        %get3A_1029 = vector.shape_cast %get3A_1028 : vector<1x16xf32> to vector<16xf32>
        %add3A_1030 = arith.constant 0 : i32
        %add3A_1031 = arith.addi %add3A_1030, %add3A_949 : i32
        %get3A_1032 = arith.index_cast %add3A_1031 : i32 to index
        %get3A_1033 = arith.constant 48 : index
        %get3A_1034 = tpu.vector_load %arg8[%get3A_1032, %get3A_1033] {strides = array<i32>} : memref<200x64xf32, #tpu.memory_space<vmem>>, vector<1x16xf32>,
        %get3A_1035 = vector.shape_cast %get3A_1034 : vector<1x16xf32> to vector<16xf32>
        %add3A_1036 = arith.addf %get3A_1029, %get3A_1035 : vector<16xf32>
        %swap3A_1037 = arith.constant 0 : i32
        %swap3A_1038 = arith.constant 0 : i32
        %swap3A_1039 = tpu.memref_slice %arg7[%scan3A_109, %swap3A_1037, %swap3A_1038] : memref<4x104x128xf32, #tpu.memory_space<vmem>> -> memref<1x104x128xf32, #tpu.memory_space<vmem>>
        %swap3A_1040 = tpu.memref_squeeze %swap3A_1039 : memref<1x104x128xf32, #tpu.memory_space<vmem>> -> memref<104x128xf32, #tpu.memory_space<vmem>>
        %swap3A_1041 = arith.index_cast %add3A_949 : i32 to index
        %swap3A_1042 = arith.constant 48 : index
        %swap3A_1043 = tpu.vector_load %swap3A_1040[%swap3A_1041, %swap3A_1042] {strides = array<i32>} : memref<104x128xf32, #tpu.memory_space<vmem>>, vector<1x16xf32>,
        %swap3A_1044 = vector.shape_cast %swap3A_1043 : vector<1x16xf32> to vector<16xf32>
        %swap3A_1045 = vector.shape_cast %add3A_1036 : vector<16xf32> to vector<1x16xf32>
        tpu.vector_store %swap3A_1040[%swap3A_1041, %swap3A_1042], %swap3A_1045 {strides = array<i32>} : memref<104x128xf32, #tpu.memory_space<vmem>>, vector<1x16xf32>,
        %scan3A_1046 = arith.constant 7 : i32
        %scan3A_1047 = arith.addi %scan3A_335, %scan3A_1046 : i32
        %mul3A_1048 = arith.constant 1 : i32
        %mul3A_1049 = arith.muli %scan3A_1047, %mul3A_1048 : i32
        %add3A_1050 = arith.constant 0 : i32
        %add3A_1051 = arith.addi %add3A_1050, %mul3A_1049 : i32
        %get3A_1052 = arith.constant 0 : i32
        %get3A_1053 = arith.constant 0 : i32
        %get3A_1054 = tpu.memref_slice %arg7[%scan3A_109, %get3A_1052, %get3A_1053] : memref<4x104x128xf32, #tpu.memory_space<vmem>> -> memref<1x104x128xf32, #tpu.memory_space<vmem>>
        %get3A_1055 = tpu.memref_squeeze %get3A_1054 : memref<1x104x128xf32, #tpu.memory_space<vmem>> -> memref<104x128xf32, #tpu.memory_space<vmem>>
        %get3A_1056 = arith.index_cast %add3A_1051 : i32 to index
        %get3A_1057 = arith.constant 0 : index
        %get3A_1058 = tpu.vector_load %get3A_1055[%get3A_1056, %get3A_1057] {strides = array<i32>} : memref<104x128xf32, #tpu.memory_space<vmem>>, vector<1x16xf32>,
        %get3A_1059 = vector.shape_cast %get3A_1058 : vector<1x16xf32> to vector<16xf32>
        %add3A_1060 = arith.constant 0 : i32
        %add3A_1061 = arith.addi %add3A_1060, %add3A_1051 : i32
        %get3A_1062 = arith.index_cast %add3A_1061 : i32 to index
        %get3A_1063 = arith.constant 0 : index
        %get3A_1064 = tpu.vector_load %arg8[%get3A_1062, %get3A_1063] {strides = array<i32>} : memref<200x64xf32, #tpu.memory_space<vmem>>, vector<1x16xf32>,
        %get3A_1065 = vector.shape_cast %get3A_1064 : vector<1x16xf32> to vector<16xf32>
        %add3A_1066 = arith.addf %get3A_1059, %get3A_1065 : vector<16xf32>
        %swap3A_1067 = arith.constant 0 : i32
        %swap3A_1068 = arith.constant 0 : i32
        %swap3A_1069 = tpu.memref_slice %arg7[%scan3A_109, %swap3A_1067, %swap3A_1068] : memref<4x104x128xf32, #tpu.memory_space<vmem>> -> memref<1x104x128xf32, #tpu.memory_space<vmem>>
        %swap3A_1070 = tpu.memref_squeeze %swap3A_1069 : memref<1x104x128xf32, #tpu.memory_space<vmem>> -> memref<104x128xf32, #tpu.memory_space<vmem>>
        %swap3A_1071 = arith.index_cast %add3A_1051 : i32 to index
        %swap3A_1072 = arith.constant 0 : index
        %swap3A_1073 = tpu.vector_load %swap3A_1070[%swap3A_1071, %swap3A_1072] {strides = array<i32>} : memref<104x128xf32, #tpu.memory_space<vmem>>, vector<1x16xf32>,
        %swap3A_1074 = vector.shape_cast %swap3A_1073 : vector<1x16xf32> to vector<16xf32>
        %swap3A_1075 = vector.shape_cast %add3A_1066 : vector<16xf32> to vector<1x16xf32>
        tpu.vector_store %swap3A_1070[%swap3A_1071, %swap3A_1072], %swap3A_1075 {strides = array<i32>} : memref<104x128xf32, #tpu.memory_space<vmem>>, vector<1x16xf32>,
        %get3A_1076 = arith.constant 0 : i32
        %get3A_1077 = arith.constant 0 : i32
        %get3A_1078 = tpu.memref_slice %arg7[%scan3A_109, %get3A_1076, %get3A_1077] : memref<4x104x128xf32, #tpu.memory_space<vmem>> -> memref<1x104x128xf32, #tpu.memory_space<vmem>>
        %get3A_1079 = tpu.memref_squeeze %get3A_1078 : memref<1x104x128xf32, #tpu.memory_space<vmem>> -> memref<104x128xf32, #tpu.memory_space<vmem>>
        %get3A_1080 = arith.index_cast %add3A_1051 : i32 to index
        %get3A_1081 = arith.constant 16 : index
        %get3A_1082 = tpu.vector_load %get3A_1079[%get3A_1080, %get3A_1081] {strides = array<i32>} : memref<104x128xf32, #tpu.memory_space<vmem>>, vector<1x16xf32>,
        %get3A_1083 = vector.shape_cast %get3A_1082 : vector<1x16xf32> to vector<16xf32>
        %add3A_1084 = arith.constant 0 : i32
        %add3A_1085 = arith.addi %add3A_1084, %add3A_1051 : i32
        %get3A_1086 = arith.index_cast %add3A_1085 : i32 to index
        %get3A_1087 = arith.constant 16 : index
        %get3A_1088 = tpu.vector_load %arg8[%get3A_1086, %get3A_1087] {strides = array<i32>} : memref<200x64xf32, #tpu.memory_space<vmem>>, vector<1x16xf32>,
        %get3A_1089 = vector.shape_cast %get3A_1088 : vector<1x16xf32> to vector<16xf32>
        %add3A_1090 = arith.addf %get3A_1083, %get3A_1089 : vector<16xf32>
        %swap3A_1091 = arith.constant 0 : i32
        %swap3A_1092 = arith.constant 0 : i32
        %swap3A_1093 = tpu.memref_slice %arg7[%scan3A_109, %swap3A_1091, %swap3A_1092] : memref<4x104x128xf32, #tpu.memory_space<vmem>> -> memref<1x104x128xf32, #tpu.memory_space<vmem>>
        %swap3A_1094 = tpu.memref_squeeze %swap3A_1093 : memref<1x104x128xf32, #tpu.memory_space<vmem>> -> memref<104x128xf32, #tpu.memory_space<vmem>>
        %swap3A_1095 = arith.index_cast %add3A_1051 : i32 to index
        %swap3A_1096 = arith.constant 16 : index
        %swap3A_1097 = tpu.vector_load %swap3A_1094[%swap3A_1095, %swap3A_1096] {strides = array<i32>} : memref<104x128xf32, #tpu.memory_space<vmem>>, vector<1x16xf32>,
        %swap3A_1098 = vector.shape_cast %swap3A_1097 : vector<1x16xf32> to vector<16xf32>
        %swap3A_1099 = vector.shape_cast %add3A_1090 : vector<16xf32> to vector<1x16xf32>
        tpu.vector_store %swap3A_1094[%swap3A_1095, %swap3A_1096], %swap3A_1099 {strides = array<i32>} : memref<104x128xf32, #tpu.memory_space<vmem>>, vector<1x16xf32>,
        %get3A_1100 = arith.constant 0 : i32
        %get3A_1101 = arith.constant 0 : i32
        %get3A_1102 = tpu.memref_slice %arg7[%scan3A_109, %get3A_1100, %get3A_1101] : memref<4x104x128xf32, #tpu.memory_space<vmem>> -> memref<1x104x128xf32, #tpu.memory_space<vmem>>
        %get3A_1103 = tpu.memref_squeeze %get3A_1102 : memref<1x104x128xf32, #tpu.memory_space<vmem>> -> memref<104x128xf32, #tpu.memory_space<vmem>>
        %get3A_1104 = arith.index_cast %add3A_1051 : i32 to index
        %get3A_1105 = arith.constant 32 : index
        %get3A_1106 = tpu.vector_load %get3A_1103[%get3A_1104, %get3A_1105] {strides = array<i32>} : memref<104x128xf32, #tpu.memory_space<vmem>>, vector<1x16xf32>,
        %get3A_1107 = vector.shape_cast %get3A_1106 : vector<1x16xf32> to vector<16xf32>
        %add3A_1108 = arith.constant 0 : i32
        %add3A_1109 = arith.addi %add3A_1108, %add3A_1051 : i32
        %get3A_1110 = arith.index_cast %add3A_1109 : i32 to index
        %get3A_1111 = arith.constant 32 : index
        %get3A_1112 = tpu.vector_load %arg8[%get3A_1110, %get3A_1111] {strides = array<i32>} : memref<200x64xf32, #tpu.memory_space<vmem>>, vector<1x16xf32>,
        %get3A_1113 = vector.shape_cast %get3A_1112 : vector<1x16xf32> to vector<16xf32>
        %add3A_1114 = arith.addf %get3A_1107, %get3A_1113 : vector<16xf32>
        %swap3A_1115 = arith.constant 0 : i32
        %swap3A_1116 = arith.constant 0 : i32
        %swap3A_1117 = tpu.memref_slice %arg7[%scan3A_109, %swap3A_1115, %swap3A_1116] : memref<4x104x128xf32, #tpu.memory_space<vmem>> -> memref<1x104x128xf32, #tpu.memory_space<vmem>>
        %swap3A_1118 = tpu.memref_squeeze %swap3A_1117 : memref<1x104x128xf32, #tpu.memory_space<vmem>> -> memref<104x128xf32, #tpu.memory_space<vmem>>
        %swap3A_1119 = arith.index_cast %add3A_1051 : i32 to index
        %swap3A_1120 = arith.constant 32 : index
        %swap3A_1121 = tpu.vector_load %swap3A_1118[%swap3A_1119, %swap3A_1120] {strides = array<i32>} : memref<104x128xf32, #tpu.memory_space<vmem>>, vector<1x16xf32>,
        %swap3A_1122 = vector.shape_cast %swap3A_1121 : vector<1x16xf32> to vector<16xf32>
        %swap3A_1123 = vector.shape_cast %add3A_1114 : vector<16xf32> to vector<1x16xf32>
        tpu.vector_store %swap3A_1118[%swap3A_1119, %swap3A_1120], %swap3A_1123 {strides = array<i32>} : memref<104x128xf32, #tpu.memory_space<vmem>>, vector<1x16xf32>,
        %get3A_1124 = arith.constant 0 : i32
        %get3A_1125 = arith.constant 0 : i32
        %get3A_1126 = tpu.memref_slice %arg7[%scan3A_109, %get3A_1124, %get3A_1125] : memref<4x104x128xf32, #tpu.memory_space<vmem>> -> memref<1x104x128xf32, #tpu.memory_space<vmem>>
        %get3A_1127 = tpu.memref_squeeze %get3A_1126 : memref<1x104x128xf32, #tpu.memory_space<vmem>> -> memref<104x128xf32, #tpu.memory_space<vmem>>
        %get3A_1128 = arith.index_cast %add3A_1051 : i32 to index
        %get3A_1129 = arith.constant 48 : index
        %get3A_1130 = tpu.vector_load %get3A_1127[%get3A_1128, %get3A_1129] {strides = array<i32>} : memref<104x128xf32, #tpu.memory_space<vmem>>, vector<1x16xf32>,
        %get3A_1131 = vector.shape_cast %get3A_1130 : vector<1x16xf32> to vector<16xf32>
        %add3A_1132 = arith.constant 0 : i32
        %add3A_1133 = arith.addi %add3A_1132, %add3A_1051 : i32
        %get3A_1134 = arith.index_cast %add3A_1133 : i32 to index
        %get3A_1135 = arith.constant 48 : index
        %get3A_1136 = tpu.vector_load %arg8[%get3A_1134, %get3A_1135] {strides = array<i32>} : memref<200x64xf32, #tpu.memory_space<vmem>>, vector<1x16xf32>,
        %get3A_1137 = vector.shape_cast %get3A_1136 : vector<1x16xf32> to vector<16xf32>
        %add3A_1138 = arith.addf %get3A_1131, %get3A_1137 : vector<16xf32>
        %swap3A_1139 = arith.constant 0 : i32
        %swap3A_1140 = arith.constant 0 : i32
        %swap3A_1141 = tpu.memref_slice %arg7[%scan3A_109, %swap3A_1139, %swap3A_1140] : memref<4x104x128xf32, #tpu.memory_space<vmem>> -> memref<1x104x128xf32, #tpu.memory_space<vmem>>
        %swap3A_1142 = tpu.memref_squeeze %swap3A_1141 : memref<1x104x128xf32, #tpu.memory_space<vmem>> -> memref<104x128xf32, #tpu.memory_space<vmem>>
        %swap3A_1143 = arith.index_cast %add3A_1051 : i32 to index
        %swap3A_1144 = arith.constant 48 : index
        %swap3A_1145 = tpu.vector_load %swap3A_1142[%swap3A_1143, %swap3A_1144] {strides = array<i32>} : memref<104x128xf32, #tpu.memory_space<vmem>>, vector<1x16xf32>,
        %swap3A_1146 = vector.shape_cast %swap3A_1145 : vector<1x16xf32> to vector<16xf32>
        %swap3A_1147 = vector.shape_cast %add3A_1138 : vector<16xf32> to vector<1x16xf32>
        tpu.vector_store %swap3A_1142[%swap3A_1143, %swap3A_1144], %swap3A_1147 {strides = array<i32>} : memref<104x128xf32, #tpu.memory_space<vmem>>, vector<1x16xf32>,
      }
      %scan3A_114 = arith.constant 104 : i32
      %div3A_115 = arith.constant 2 : i32
      %div3A_116 = arith.divsi %add3A_76, %div3A_115 : i32
      %add3A_117 = arith.addi %mul3A_2, %div3A_116 : i32
      %dma_start3A_118 = arith.constant 0 : i32
      %dma_start3A_119 = arith.constant 0 : i32
      %dma_start3A_120 = arith.constant 0 : i32
      %dma_start3A_121 = tpu.memref_slice %arg7[%dma_start3A_118, %dma_start3A_119, %dma_start3A_120] : memref<4x104x128xf32, #tpu.memory_space<vmem>> -> memref<1x104x128xf32, #tpu.memory_space<vmem>>
      %dma_start3A_122 = tpu.memref_squeeze %dma_start3A_121 : memref<1x104x128xf32, #tpu.memory_space<vmem>> -> memref<104x128xf32, #tpu.memory_space<vmem>>
      %dma_start3A_123 = arith.constant 0 : i32
      %dma_start3A_124 = arith.constant 0 : i32
      %dma_start3A_125 = tpu.memref_slice %arg5[%add3A_117, %dma_start3A_123, %dma_start3A_124] : memref<4096x200x128xf32, #tpu.memory_space<hbm>> -> memref<1x104x128xf32, #tpu.memory_space<hbm>>
      %dma_start3A_126 = tpu.memref_squeeze %dma_start3A_125 : memref<1x104x128xf32, #tpu.memory_space<hbm>> -> memref<104x128xf32, #tpu.memory_space<hbm>>
      %dma_start3A_127 = arith.constant 0 : i32
      %dma_start3A_128 = arith.constant 0 : i32
      %dma_start3A_129 = tpu.memref_slice %arg5[%add3A_117, %dma_start3A_127, %dma_start3A_128] : memref<4096x200x128xf32, #tpu.memory_space<hbm>> -> memref<1x104x128xf32, #tpu.memory_space<hbm>>
      %dma_start3A_130 = tpu.memref_squeeze %dma_start3A_129 : memref<1x104x128xf32, #tpu.memory_space<hbm>> -> memref<104x128xf32, #tpu.memory_space<hbm>>
      %dma_start3A_131 = arith.constant 0 : i32
      %dma_start3A_132 = arith.constant 0 : i32
      %dma_start3A_133 = tpu.memref_slice %arg7[%dma_start3A_118, %dma_start3A_131, %dma_start3A_132] : memref<4x104x128xf32, #tpu.memory_space<vmem>> -> memref<1x104x128xf32, #tpu.memory_space<vmem>>
      %dma_start3A_134 = tpu.memref_squeeze %dma_start3A_133 : memref<1x104x128xf32, #tpu.memory_space<vmem>> -> memref<104x128xf32, #tpu.memory_space<vmem>>
      tpu.enqueue_dma source(%dma_start3A_134 : memref<104x128xf32, #tpu.memory_space<vmem>>) target(%dma_start3A_130 : memref<104x128xf32, #tpu.memory_space<hbm>>) target_semaphore(%arg13 : memref<!tpu.dma_semaphore, #tpu.memory_space<semaphore_mem>>)
      %mul3A_135 = arith.constant 4 : i32
      %mul3A_136 = arith.muli %add3A_72, %mul3A_135 : i32
      %add3A_137 = arith.constant 1 : i32
      %add3A_138 = arith.addi %mul3A_136, %add3A_137 : i32
      %dma_wait3A_139 = arith.constant 1 : i32
      %dma_wait3A_140 = arith.constant 0 : i32
      %dma_wait3A_141 = arith.constant 0 : i32
      %dma_wait3A_142 = tpu.memref_slice %arg7[%dma_wait3A_139, %dma_wait3A_140, %dma_wait3A_141] : memref<4x104x128xf32, #tpu.memory_space<vmem>> -> memref<1x96x128xf32, #tpu.memory_space<vmem>>
      %dma_wait3A_143 = tpu.memref_squeeze %dma_wait3A_142 : memref<1x96x128xf32, #tpu.memory_space<vmem>> -> memref<96x128xf32, #tpu.memory_space<vmem>>
      %dma_wait3A_144 = arith.constant 0 : i32
      %dma_wait3A_145 = arith.constant 0 : i32
      %dma_wait3A_146 = tpu.memref_slice %arg3[%dma_wait3A_144, %dma_wait3A_145] : memref<1000001x128xf32, #tpu.memory_space<hbm>> -> memref<96x128xf32, #tpu.memory_space<hbm>>
      %dma_wait3A_147 = arith.constant 0 : i32
      %dma_wait3A_148 = arith.constant 0 : i32
      %dma_wait3A_149 = tpu.memref_slice %arg7[%dma_wait3A_139, %dma_wait3A_147, %dma_wait3A_148] : memref<4x104x128xf32, #tpu.memory_space<vmem>> -> memref<1x96x128xf32, #tpu.memory_space<vmem>>
      %dma_wait3A_150 = tpu.memref_squeeze %dma_wait3A_149 : memref<1x96x128xf32, #tpu.memory_space<vmem>> -> memref<96x128xf32, #tpu.memory_space<vmem>>
      %dma_wait3A_151 = arith.constant 0 : i32
      %dma_wait3A_152 = arith.constant 0 : i32
      %dma_wait3A_153 = tpu.memref_slice %arg3[%dma_wait3A_151, %dma_wait3A_152] : memref<1000001x128xf32, #tpu.memory_space<hbm>> -> memref<96x128xf32, #tpu.memory_space<hbm>>
      tpu.wait_dma2 semaphore(%arg10 : memref<!tpu.dma_semaphore, #tpu.memory_space<semaphore_mem>>) src(%dma_wait3A_153 : memref<96x128xf32, #tpu.memory_space<hbm>>) dst(%dma_wait3A_150 : memref<96x128xf32, #tpu.memory_space<vmem>>)
      %gt3A_154 = arith.constant 0 : i32
      %gt3A_155 = arith.cmpi sgt, %add3A_72, %gt3A_154 : i32
      %convert_element_type3A_156 = arith.extui %gt3A_155 : i1 to i32
      %cond3A_157 = arith.constant 0 : i32
      %cond3A_158 = arith.cmpi ne, %convert_element_type3A_156, %cond3A_157 : i32
      scf.if %cond3A_158 {
        %dma_wait3A_335 = arith.constant 3 : i32
        %dma_wait3A_336 = arith.constant 0 : i32
        %dma_wait3A_337 = arith.constant 0 : i32
        %dma_wait3A_338 = arith.constant 0 : i32
        %dma_wait3A_339 = tpu.memref_slice %arg7[%dma_wait3A_335, %dma_wait3A_337, %dma_wait3A_338] : memref<4x104x128xf32, #tpu.memory_space<vmem>> -> memref<1x96x128xf32, #tpu.memory_space<vmem>>
        %dma_wait3A_340 = tpu.memref_squeeze %dma_wait3A_339 : memref<1x96x128xf32, #tpu.memory_space<vmem>> -> memref<96x128xf32, #tpu.memory_space<vmem>>
        %dma_wait3A_341 = arith.constant 0 : i32
        %dma_wait3A_342 = arith.constant 0 : i32
        %dma_wait3A_343 = tpu.memref_slice %arg5[%dma_wait3A_336, %dma_wait3A_341, %dma_wait3A_342] : memref<4096x200x128xf32, #tpu.memory_space<hbm>> -> memref<1x96x128xf32, #tpu.memory_space<hbm>>
        %dma_wait3A_344 = tpu.memref_squeeze %dma_wait3A_343 : memref<1x96x128xf32, #tpu.memory_space<hbm>> -> memref<96x128xf32, #tpu.memory_space<hbm>>
        %dma_wait3A_345 = arith.constant 0 : i32
        %dma_wait3A_346 = arith.constant 0 : i32
        %dma_wait3A_347 = tpu.memref_slice %arg5[%dma_wait3A_336, %dma_wait3A_345, %dma_wait3A_346] : memref<4096x200x128xf32, #tpu.memory_space<hbm>> -> memref<1x96x128xf32, #tpu.memory_space<hbm>>
        %dma_wait3A_348 = tpu.memref_squeeze %dma_wait3A_347 : memref<1x96x128xf32, #tpu.memory_space<hbm>> -> memref<96x128xf32, #tpu.memory_space<hbm>>
        %dma_wait3A_349 = arith.constant 0 : i32
        %dma_wait3A_350 = arith.constant 0 : i32
        %dma_wait3A_351 = tpu.memref_slice %arg7[%dma_wait3A_335, %dma_wait3A_349, %dma_wait3A_350] : memref<4x104x128xf32, #tpu.memory_space<vmem>> -> memref<1x96x128xf32, #tpu.memory_space<vmem>>
        %dma_wait3A_352 = tpu.memref_squeeze %dma_wait3A_351 : memref<1x96x128xf32, #tpu.memory_space<vmem>> -> memref<96x128xf32, #tpu.memory_space<vmem>>
        tpu.wait_dma2 semaphore(%arg16 : memref<!tpu.dma_semaphore, #tpu.memory_space<semaphore_mem>>) src(%dma_wait3A_352 : memref<96x128xf32, #tpu.memory_space<vmem>>) dst(%dma_wait3A_348 : memref<96x128xf32, #tpu.memory_space<hbm>>)
      } else {
      }
      %add3A_159 = arith.constant 2 : i32
      %add3A_160 = arith.addi %add3A_138, %add3A_159 : i32
      %div3A_161 = arith.constant 2 : i32
      %div3A_162 = arith.divsi %add3A_160, %div3A_161 : i32
      %dma_start3A_163 = arith.constant 3 : i32
      %dma_start3A_164 = arith.constant 0 : i32
      %dma_start3A_165 = arith.constant 0 : i32
      %dma_start3A_166 = tpu.memref_slice %arg7[%dma_start3A_163, %dma_start3A_164, %dma_start3A_165] : memref<4x104x128xf32, #tpu.memory_space<vmem>> -> memref<1x96x128xf32, #tpu.memory_space<vmem>>
      %dma_start3A_167 = tpu.memref_squeeze %dma_start3A_166 : memref<1x96x128xf32, #tpu.memory_space<vmem>> -> memref<96x128xf32, #tpu.memory_space<vmem>>
      %dma_start3A_168 = arith.constant 104 : i32
      %dma_start3A_169 = tpu.memref_slice %arg6[%div3A_162, %dma_start3A_168] : memref<128x200xi32, #tpu.memory_space<vmem>> -> memref<1x96xi32, #tpu.memory_space<vmem>>
      %dma_start3A_170 = tpu.memref_squeeze %dma_start3A_169 : memref<1x96xi32, #tpu.memory_space<vmem>> -> memref<96xi32, #tpu.memory_space<vmem>>
      %dma_start3A_171 = arith.constant 0 : i32
      %dma_start3A_172 = arith.constant 0 : i32
      %dma_start3A_173 = tpu.memref_slice %arg3[%dma_start3A_171, %dma_start3A_172] : memref<1000001x128xf32, #tpu.memory_space<hbm>> -> memref<1000001x128xf32, #tpu.memory_space<hbm>>
      tpu.enqueue_indirect_dma source(%dma_start3A_173 : memref<1000001x128xf32, #tpu.memory_space<hbm>>) target(%dma_start3A_167 : memref<96x128xf32, #tpu.memory_space<vmem>>) offsets(%dma_start3A_170 : memref<96xi32, #tpu.memory_space<vmem>>) semaphore(%arg12 : memref<!tpu.dma_semaphore, #tpu.memory_space<semaphore_mem>>)
      %scan3A_174 = arith.constant 1 : i32
      %scan3A_175 = arith.constant 0 : i32
      %scan3A_176 = arith.constant 96 : i32
      %scan3A_177 = arith.addi %scan3A_175, %scan3A_176 : i32
      %scan3A_178 = arith.constant 8 : i32
      scf.for %scan3A_335 = %scan3A_175 to %scan3A_177 step %scan3A_178  : i32 {
        %mul3A_336 = arith.constant 1 : i32
        %mul3A_337 = arith.muli %scan3A_335, %mul3A_336 : i32
        %add3A_338 = arith.constant 0 : i32
        %add3A_339 = arith.addi %add3A_338, %mul3A_337 : i32
        %get3A = arith.constant 0 : i32
        %get3A_340 = arith.constant 0 : i32
        %get3A_341 = tpu.memref_slice %arg7[%scan3A_174, %get3A, %get3A_340] : memref<4x104x128xf32, #tpu.memory_space<vmem>> -> memref<1x104x128xf32, #tpu.memory_space<vmem>>
        %get3A_342 = tpu.memref_squeeze %get3A_341 : memref<1x104x128xf32, #tpu.memory_space<vmem>> -> memref<104x128xf32, #tpu.memory_space<vmem>>
        %get3A_343 = arith.index_cast %add3A_339 : i32 to index
        %get3A_344 = arith.constant 0 : index
        %get3A_345 = tpu.vector_load %get3A_342[%get3A_343, %get3A_344] {strides = array<i32>} : memref<104x128xf32, #tpu.memory_space<vmem>>, vector<1x16xf32>,
        %get3A_346 = vector.shape_cast %get3A_345 : vector<1x16xf32> to vector<16xf32>
        %add3A_347 = arith.constant 104 : i32
        %add3A_348 = arith.addi %add3A_347, %add3A_339 : i32
        %get3A_349 = arith.index_cast %add3A_348 : i32 to index
        %get3A_350 = arith.constant 0 : index
        %get3A_351 = tpu.vector_load %arg8[%get3A_349, %get3A_350] {strides = array<i32>} : memref<200x64xf32, #tpu.memory_space<vmem>>, vector<1x16xf32>,
        %get3A_352 = vector.shape_cast %get3A_351 : vector<1x16xf32> to vector<16xf32>
        %add3A_353 = arith.addf %get3A_346, %get3A_352 : vector<16xf32>
        %swap3A = arith.constant 0 : i32
        %swap3A_354 = arith.constant 0 : i32
        %swap3A_355 = tpu.memref_slice %arg7[%scan3A_174, %swap3A, %swap3A_354] : memref<4x104x128xf32, #tpu.memory_space<vmem>> -> memref<1x104x128xf32, #tpu.memory_space<vmem>>
        %swap3A_356 = tpu.memref_squeeze %swap3A_355 : memref<1x104x128xf32, #tpu.memory_space<vmem>> -> memref<104x128xf32, #tpu.memory_space<vmem>>
        %swap3A_357 = arith.index_cast %add3A_339 : i32 to index
        %swap3A_358 = arith.constant 0 : index
        %swap3A_359 = tpu.vector_load %swap3A_356[%swap3A_357, %swap3A_358] {strides = array<i32>} : memref<104x128xf32, #tpu.memory_space<vmem>>, vector<1x16xf32>,
        %swap3A_360 = vector.shape_cast %swap3A_359 : vector<1x16xf32> to vector<16xf32>
        %swap3A_361 = vector.shape_cast %add3A_353 : vector<16xf32> to vector<1x16xf32>
        tpu.vector_store %swap3A_356[%swap3A_357, %swap3A_358], %swap3A_361 {strides = array<i32>} : memref<104x128xf32, #tpu.memory_space<vmem>>, vector<1x16xf32>,
        %get3A_362 = arith.constant 0 : i32
        %get3A_363 = arith.constant 0 : i32
        %get3A_364 = tpu.memref_slice %arg7[%scan3A_174, %get3A_362, %get3A_363] : memref<4x104x128xf32, #tpu.memory_space<vmem>> -> memref<1x104x128xf32, #tpu.memory_space<vmem>>
        %get3A_365 = tpu.memref_squeeze %get3A_364 : memref<1x104x128xf32, #tpu.memory_space<vmem>> -> memref<104x128xf32, #tpu.memory_space<vmem>>
        %get3A_366 = arith.index_cast %add3A_339 : i32 to index
        %get3A_367 = arith.constant 16 : index
        %get3A_368 = tpu.vector_load %get3A_365[%get3A_366, %get3A_367] {strides = array<i32>} : memref<104x128xf32, #tpu.memory_space<vmem>>, vector<1x16xf32>,
        %get3A_369 = vector.shape_cast %get3A_368 : vector<1x16xf32> to vector<16xf32>
        %add3A_370 = arith.constant 104 : i32
        %add3A_371 = arith.addi %add3A_370, %add3A_339 : i32
        %get3A_372 = arith.index_cast %add3A_371 : i32 to index
        %get3A_373 = arith.constant 16 : index
        %get3A_374 = tpu.vector_load %arg8[%get3A_372, %get3A_373] {strides = array<i32>} : memref<200x64xf32, #tpu.memory_space<vmem>>, vector<1x16xf32>,
        %get3A_375 = vector.shape_cast %get3A_374 : vector<1x16xf32> to vector<16xf32>
        %add3A_376 = arith.addf %get3A_369, %get3A_375 : vector<16xf32>
        %swap3A_377 = arith.constant 0 : i32
        %swap3A_378 = arith.constant 0 : i32
        %swap3A_379 = tpu.memref_slice %arg7[%scan3A_174, %swap3A_377, %swap3A_378] : memref<4x104x128xf32, #tpu.memory_space<vmem>> -> memref<1x104x128xf32, #tpu.memory_space<vmem>>
        %swap3A_380 = tpu.memref_squeeze %swap3A_379 : memref<1x104x128xf32, #tpu.memory_space<vmem>> -> memref<104x128xf32, #tpu.memory_space<vmem>>
        %swap3A_381 = arith.index_cast %add3A_339 : i32 to index
        %swap3A_382 = arith.constant 16 : index
        %swap3A_383 = tpu.vector_load %swap3A_380[%swap3A_381, %swap3A_382] {strides = array<i32>} : memref<104x128xf32, #tpu.memory_space<vmem>>, vector<1x16xf32>,
        %swap3A_384 = vector.shape_cast %swap3A_383 : vector<1x16xf32> to vector<16xf32>
        %swap3A_385 = vector.shape_cast %add3A_376 : vector<16xf32> to vector<1x16xf32>
        tpu.vector_store %swap3A_380[%swap3A_381, %swap3A_382], %swap3A_385 {strides = array<i32>} : memref<104x128xf32, #tpu.memory_space<vmem>>, vector<1x16xf32>,
        %get3A_386 = arith.constant 0 : i32
        %get3A_387 = arith.constant 0 : i32
        %get3A_388 = tpu.memref_slice %arg7[%scan3A_174, %get3A_386, %get3A_387] : memref<4x104x128xf32, #tpu.memory_space<vmem>> -> memref<1x104x128xf32, #tpu.memory_space<vmem>>
        %get3A_389 = tpu.memref_squeeze %get3A_388 : memref<1x104x128xf32, #tpu.memory_space<vmem>> -> memref<104x128xf32, #tpu.memory_space<vmem>>
        %get3A_390 = arith.index_cast %add3A_339 : i32 to index
        %get3A_391 = arith.constant 32 : index
        %get3A_392 = tpu.vector_load %get3A_389[%get3A_390, %get3A_391] {strides = array<i32>} : memref<104x128xf32, #tpu.memory_space<vmem>>, vector<1x16xf32>,
        %get3A_393 = vector.shape_cast %get3A_392 : vector<1x16xf32> to vector<16xf32>
        %add3A_394 = arith.constant 104 : i32
        %add3A_395 = arith.addi %add3A_394, %add3A_339 : i32
        %get3A_396 = arith.index_cast %add3A_395 : i32 to index
        %get3A_397 = arith.constant 32 : index
        %get3A_398 = tpu.vector_load %arg8[%get3A_396, %get3A_397] {strides = array<i32>} : memref<200x64xf32, #tpu.memory_space<vmem>>, vector<1x16xf32>,
        %get3A_399 = vector.shape_cast %get3A_398 : vector<1x16xf32> to vector<16xf32>
        %add3A_400 = arith.addf %get3A_393, %get3A_399 : vector<16xf32>
        %swap3A_401 = arith.constant 0 : i32
        %swap3A_402 = arith.constant 0 : i32
        %swap3A_403 = tpu.memref_slice %arg7[%scan3A_174, %swap3A_401, %swap3A_402] : memref<4x104x128xf32, #tpu.memory_space<vmem>> -> memref<1x104x128xf32, #tpu.memory_space<vmem>>
        %swap3A_404 = tpu.memref_squeeze %swap3A_403 : memref<1x104x128xf32, #tpu.memory_space<vmem>> -> memref<104x128xf32, #tpu.memory_space<vmem>>
        %swap3A_405 = arith.index_cast %add3A_339 : i32 to index
        %swap3A_406 = arith.constant 32 : index
        %swap3A_407 = tpu.vector_load %swap3A_404[%swap3A_405, %swap3A_406] {strides = array<i32>} : memref<104x128xf32, #tpu.memory_space<vmem>>, vector<1x16xf32>,
        %swap3A_408 = vector.shape_cast %swap3A_407 : vector<1x16xf32> to vector<16xf32>
        %swap3A_409 = vector.shape_cast %add3A_400 : vector<16xf32> to vector<1x16xf32>
        tpu.vector_store %swap3A_404[%swap3A_405, %swap3A_406], %swap3A_409 {strides = array<i32>} : memref<104x128xf32, #tpu.memory_space<vmem>>, vector<1x16xf32>,
        %get3A_410 = arith.constant 0 : i32
        %get3A_411 = arith.constant 0 : i32
        %get3A_412 = tpu.memref_slice %arg7[%scan3A_174, %get3A_410, %get3A_411] : memref<4x104x128xf32, #tpu.memory_space<vmem>> -> memref<1x104x128xf32, #tpu.memory_space<vmem>>
        %get3A_413 = tpu.memref_squeeze %get3A_412 : memref<1x104x128xf32, #tpu.memory_space<vmem>> -> memref<104x128xf32, #tpu.memory_space<vmem>>
        %get3A_414 = arith.index_cast %add3A_339 : i32 to index
        %get3A_415 = arith.constant 48 : index
        %get3A_416 = tpu.vector_load %get3A_413[%get3A_414, %get3A_415] {strides = array<i32>} : memref<104x128xf32, #tpu.memory_space<vmem>>, vector<1x16xf32>,
        %get3A_417 = vector.shape_cast %get3A_416 : vector<1x16xf32> to vector<16xf32>
        %add3A_418 = arith.constant 104 : i32
        %add3A_419 = arith.addi %add3A_418, %add3A_339 : i32
        %get3A_420 = arith.index_cast %add3A_419 : i32 to index
        %get3A_421 = arith.constant 48 : index
        %get3A_422 = tpu.vector_load %arg8[%get3A_420, %get3A_421] {strides = array<i32>} : memref<200x64xf32, #tpu.memory_space<vmem>>, vector<1x16xf32>,
        %get3A_423 = vector.shape_cast %get3A_422 : vector<1x16xf32> to vector<16xf32>
        %add3A_424 = arith.addf %get3A_417, %get3A_423 : vector<16xf32>
        %swap3A_425 = arith.constant 0 : i32
        %swap3A_426 = arith.constant 0 : i32
        %swap3A_427 = tpu.memref_slice %arg7[%scan3A_174, %swap3A_425, %swap3A_426] : memref<4x104x128xf32, #tpu.memory_space<vmem>> -> memref<1x104x128xf32, #tpu.memory_space<vmem>>
        %swap3A_428 = tpu.memref_squeeze %swap3A_427 : memref<1x104x128xf32, #tpu.memory_space<vmem>> -> memref<104x128xf32, #tpu.memory_space<vmem>>
        %swap3A_429 = arith.index_cast %add3A_339 : i32 to index
        %swap3A_430 = arith.constant 48 : index
        %swap3A_431 = tpu.vector_load %swap3A_428[%swap3A_429, %swap3A_430] {strides = array<i32>} : memref<104x128xf32, #tpu.memory_space<vmem>>, vector<1x16xf32>,
        %swap3A_432 = vector.shape_cast %swap3A_431 : vector<1x16xf32> to vector<16xf32>
        %swap3A_433 = vector.shape_cast %add3A_424 : vector<16xf32> to vector<1x16xf32>
        tpu.vector_store %swap3A_428[%swap3A_429, %swap3A_430], %swap3A_433 {strides = array<i32>} : memref<104x128xf32, #tpu.memory_space<vmem>>, vector<1x16xf32>,
        %scan3A_434 = arith.constant 1 : i32
        %scan3A_435 = arith.addi %scan3A_335, %scan3A_434 : i32
        %mul3A_436 = arith.constant 1 : i32
        %mul3A_437 = arith.muli %scan3A_435, %mul3A_436 : i32
        %add3A_438 = arith.constant 0 : i32
        %add3A_439 = arith.addi %add3A_438, %mul3A_437 : i32
        %get3A_440 = arith.constant 0 : i32
        %get3A_441 = arith.constant 0 : i32
        %get3A_442 = tpu.memref_slice %arg7[%scan3A_174, %get3A_440, %get3A_441] : memref<4x104x128xf32, #tpu.memory_space<vmem>> -> memref<1x104x128xf32, #tpu.memory_space<vmem>>
        %get3A_443 = tpu.memref_squeeze %get3A_442 : memref<1x104x128xf32, #tpu.memory_space<vmem>> -> memref<104x128xf32, #tpu.memory_space<vmem>>
        %get3A_444 = arith.index_cast %add3A_439 : i32 to index
        %get3A_445 = arith.constant 0 : index
        %get3A_446 = tpu.vector_load %get3A_443[%get3A_444, %get3A_445] {strides = array<i32>} : memref<104x128xf32, #tpu.memory_space<vmem>>, vector<1x16xf32>,
        %get3A_447 = vector.shape_cast %get3A_446 : vector<1x16xf32> to vector<16xf32>
        %add3A_448 = arith.constant 104 : i32
        %add3A_449 = arith.addi %add3A_448, %add3A_439 : i32
        %get3A_450 = arith.index_cast %add3A_449 : i32 to index
        %get3A_451 = arith.constant 0 : index
        %get3A_452 = tpu.vector_load %arg8[%get3A_450, %get3A_451] {strides = array<i32>} : memref<200x64xf32, #tpu.memory_space<vmem>>, vector<1x16xf32>,
        %get3A_453 = vector.shape_cast %get3A_452 : vector<1x16xf32> to vector<16xf32>
        %add3A_454 = arith.addf %get3A_447, %get3A_453 : vector<16xf32>
        %swap3A_455 = arith.constant 0 : i32
        %swap3A_456 = arith.constant 0 : i32
        %swap3A_457 = tpu.memref_slice %arg7[%scan3A_174, %swap3A_455, %swap3A_456] : memref<4x104x128xf32, #tpu.memory_space<vmem>> -> memref<1x104x128xf32, #tpu.memory_space<vmem>>
        %swap3A_458 = tpu.memref_squeeze %swap3A_457 : memref<1x104x128xf32, #tpu.memory_space<vmem>> -> memref<104x128xf32, #tpu.memory_space<vmem>>
        %swap3A_459 = arith.index_cast %add3A_439 : i32 to index
        %swap3A_460 = arith.constant 0 : index
        %swap3A_461 = tpu.vector_load %swap3A_458[%swap3A_459, %swap3A_460] {strides = array<i32>} : memref<104x128xf32, #tpu.memory_space<vmem>>, vector<1x16xf32>,
        %swap3A_462 = vector.shape_cast %swap3A_461 : vector<1x16xf32> to vector<16xf32>
        %swap3A_463 = vector.shape_cast %add3A_454 : vector<16xf32> to vector<1x16xf32>
        tpu.vector_store %swap3A_458[%swap3A_459, %swap3A_460], %swap3A_463 {strides = array<i32>} : memref<104x128xf32, #tpu.memory_space<vmem>>, vector<1x16xf32>,
        %get3A_464 = arith.constant 0 : i32
        %get3A_465 = arith.constant 0 : i32
        %get3A_466 = tpu.memref_slice %arg7[%scan3A_174, %get3A_464, %get3A_465] : memref<4x104x128xf32, #tpu.memory_space<vmem>> -> memref<1x104x128xf32, #tpu.memory_space<vmem>>
        %get3A_467 = tpu.memref_squeeze %get3A_466 : memref<1x104x128xf32, #tpu.memory_space<vmem>> -> memref<104x128xf32, #tpu.memory_space<vmem>>
        %get3A_468 = arith.index_cast %add3A_439 : i32 to index
        %get3A_469 = arith.constant 16 : index
        %get3A_470 = tpu.vector_load %get3A_467[%get3A_468, %get3A_469] {strides = array<i32>} : memref<104x128xf32, #tpu.memory_space<vmem>>, vector<1x16xf32>,
        %get3A_471 = vector.shape_cast %get3A_470 : vector<1x16xf32> to vector<16xf32>
        %add3A_472 = arith.constant 104 : i32
        %add3A_473 = arith.addi %add3A_472, %add3A_439 : i32
        %get3A_474 = arith.index_cast %add3A_473 : i32 to index
        %get3A_475 = arith.constant 16 : index
        %get3A_476 = tpu.vector_load %arg8[%get3A_474, %get3A_475] {strides = array<i32>} : memref<200x64xf32, #tpu.memory_space<vmem>>, vector<1x16xf32>,
        %get3A_477 = vector.shape_cast %get3A_476 : vector<1x16xf32> to vector<16xf32>
        %add3A_478 = arith.addf %get3A_471, %get3A_477 : vector<16xf32>
        %swap3A_479 = arith.constant 0 : i32
        %swap3A_480 = arith.constant 0 : i32
        %swap3A_481 = tpu.memref_slice %arg7[%scan3A_174, %swap3A_479, %swap3A_480] : memref<4x104x128xf32, #tpu.memory_space<vmem>> -> memref<1x104x128xf32, #tpu.memory_space<vmem>>
        %swap3A_482 = tpu.memref_squeeze %swap3A_481 : memref<1x104x128xf32, #tpu.memory_space<vmem>> -> memref<104x128xf32, #tpu.memory_space<vmem>>
        %swap3A_483 = arith.index_cast %add3A_439 : i32 to index
        %swap3A_484 = arith.constant 16 : index
        %swap3A_485 = tpu.vector_load %swap3A_482[%swap3A_483, %swap3A_484] {strides = array<i32>} : memref<104x128xf32, #tpu.memory_space<vmem>>, vector<1x16xf32>,
        %swap3A_486 = vector.shape_cast %swap3A_485 : vector<1x16xf32> to vector<16xf32>
        %swap3A_487 = vector.shape_cast %add3A_478 : vector<16xf32> to vector<1x16xf32>
        tpu.vector_store %swap3A_482[%swap3A_483, %swap3A_484], %swap3A_487 {strides = array<i32>} : memref<104x128xf32, #tpu.memory_space<vmem>>, vector<1x16xf32>,
        %get3A_488 = arith.constant 0 : i32
        %get3A_489 = arith.constant 0 : i32
        %get3A_490 = tpu.memref_slice %arg7[%scan3A_174, %get3A_488, %get3A_489] : memref<4x104x128xf32, #tpu.memory_space<vmem>> -> memref<1x104x128xf32, #tpu.memory_space<vmem>>
        %get3A_491 = tpu.memref_squeeze %get3A_490 : memref<1x104x128xf32, #tpu.memory_space<vmem>> -> memref<104x128xf32, #tpu.memory_space<vmem>>
        %get3A_492 = arith.index_cast %add3A_439 : i32 to index
        %get3A_493 = arith.constant 32 : index
        %get3A_494 = tpu.vector_load %get3A_491[%get3A_492, %get3A_493] {strides = array<i32>} : memref<104x128xf32, #tpu.memory_space<vmem>>, vector<1x16xf32>,
        %get3A_495 = vector.shape_cast %get3A_494 : vector<1x16xf32> to vector<16xf32>
        %add3A_496 = arith.constant 104 : i32
        %add3A_497 = arith.addi %add3A_496, %add3A_439 : i32
        %get3A_498 = arith.index_cast %add3A_497 : i32 to index
        %get3A_499 = arith.constant 32 : index
        %get3A_500 = tpu.vector_load %arg8[%get3A_498, %get3A_499] {strides = array<i32>} : memref<200x64xf32, #tpu.memory_space<vmem>>, vector<1x16xf32>,
        %get3A_501 = vector.shape_cast %get3A_500 : vector<1x16xf32> to vector<16xf32>
        %add3A_502 = arith.addf %get3A_495, %get3A_501 : vector<16xf32>
        %swap3A_503 = arith.constant 0 : i32
        %swap3A_504 = arith.constant 0 : i32
        %swap3A_505 = tpu.memref_slice %arg7[%scan3A_174, %swap3A_503, %swap3A_504] : memref<4x104x128xf32, #tpu.memory_space<vmem>> -> memref<1x104x128xf32, #tpu.memory_space<vmem>>
        %swap3A_506 = tpu.memref_squeeze %swap3A_505 : memref<1x104x128xf32, #tpu.memory_space<vmem>> -> memref<104x128xf32, #tpu.memory_space<vmem>>
        %swap3A_507 = arith.index_cast %add3A_439 : i32 to index
        %swap3A_508 = arith.constant 32 : index
        %swap3A_509 = tpu.vector_load %swap3A_506[%swap3A_507, %swap3A_508] {strides = array<i32>} : memref<104x128xf32, #tpu.memory_space<vmem>>, vector<1x16xf32>,
        %swap3A_510 = vector.shape_cast %swap3A_509 : vector<1x16xf32> to vector<16xf32>
        %swap3A_511 = vector.shape_cast %add3A_502 : vector<16xf32> to vector<1x16xf32>
        tpu.vector_store %swap3A_506[%swap3A_507, %swap3A_508], %swap3A_511 {strides = array<i32>} : memref<104x128xf32, #tpu.memory_space<vmem>>, vector<1x16xf32>,
        %get3A_512 = arith.constant 0 : i32
        %get3A_513 = arith.constant 0 : i32
        %get3A_514 = tpu.memref_slice %arg7[%scan3A_174, %get3A_512, %get3A_513] : memref<4x104x128xf32, #tpu.memory_space<vmem>> -> memref<1x104x128xf32, #tpu.memory_space<vmem>>
        %get3A_515 = tpu.memref_squeeze %get3A_514 : memref<1x104x128xf32, #tpu.memory_space<vmem>> -> memref<104x128xf32, #tpu.memory_space<vmem>>
        %get3A_516 = arith.index_cast %add3A_439 : i32 to index
        %get3A_517 = arith.constant 48 : index
        %get3A_518 = tpu.vector_load %get3A_515[%get3A_516, %get3A_517] {strides = array<i32>} : memref<104x128xf32, #tpu.memory_space<vmem>>, vector<1x16xf32>,
        %get3A_519 = vector.shape_cast %get3A_518 : vector<1x16xf32> to vector<16xf32>
        %add3A_520 = arith.constant 104 : i32
        %add3A_521 = arith.addi %add3A_520, %add3A_439 : i32
        %get3A_522 = arith.index_cast %add3A_521 : i32 to index
        %get3A_523 = arith.constant 48 : index
        %get3A_524 = tpu.vector_load %arg8[%get3A_522, %get3A_523] {strides = array<i32>} : memref<200x64xf32, #tpu.memory_space<vmem>>, vector<1x16xf32>,
        %get3A_525 = vector.shape_cast %get3A_524 : vector<1x16xf32> to vector<16xf32>
        %add3A_526 = arith.addf %get3A_519, %get3A_525 : vector<16xf32>
        %swap3A_527 = arith.constant 0 : i32
        %swap3A_528 = arith.constant 0 : i32
        %swap3A_529 = tpu.memref_slice %arg7[%scan3A_174, %swap3A_527, %swap3A_528] : memref<4x104x128xf32, #tpu.memory_space<vmem>> -> memref<1x104x128xf32, #tpu.memory_space<vmem>>
        %swap3A_530 = tpu.memref_squeeze %swap3A_529 : memref<1x104x128xf32, #tpu.memory_space<vmem>> -> memref<104x128xf32, #tpu.memory_space<vmem>>
        %swap3A_531 = arith.index_cast %add3A_439 : i32 to index
        %swap3A_532 = arith.constant 48 : index
        %swap3A_533 = tpu.vector_load %swap3A_530[%swap3A_531, %swap3A_532] {strides = array<i32>} : memref<104x128xf32, #tpu.memory_space<vmem>>, vector<1x16xf32>,
        %swap3A_534 = vector.shape_cast %swap3A_533 : vector<1x16xf32> to vector<16xf32>
        %swap3A_535 = vector.shape_cast %add3A_526 : vector<16xf32> to vector<1x16xf32>
        tpu.vector_store %swap3A_530[%swap3A_531, %swap3A_532], %swap3A_535 {strides = array<i32>} : memref<104x128xf32, #tpu.memory_space<vmem>>, vector<1x16xf32>,
        %scan3A_536 = arith.constant 2 : i32
        %scan3A_537 = arith.addi %scan3A_335, %scan3A_536 : i32
        %mul3A_538 = arith.constant 1 : i32
        %mul3A_539 = arith.muli %scan3A_537, %mul3A_538 : i32
        %add3A_540 = arith.constant 0 : i32
        %add3A_541 = arith.addi %add3A_540, %mul3A_539 : i32
        %get3A_542 = arith.constant 0 : i32
        %get3A_543 = arith.constant 0 : i32
        %get3A_544 = tpu.memref_slice %arg7[%scan3A_174, %get3A_542, %get3A_543] : memref<4x104x128xf32, #tpu.memory_space<vmem>> -> memref<1x104x128xf32, #tpu.memory_space<vmem>>
        %get3A_545 = tpu.memref_squeeze %get3A_544 : memref<1x104x128xf32, #tpu.memory_space<vmem>> -> memref<104x128xf32, #tpu.memory_space<vmem>>
        %get3A_546 = arith.index_cast %add3A_541 : i32 to index
        %get3A_547 = arith.constant 0 : index
        %get3A_548 = tpu.vector_load %get3A_545[%get3A_546, %get3A_547] {strides = array<i32>} : memref<104x128xf32, #tpu.memory_space<vmem>>, vector<1x16xf32>,
        %get3A_549 = vector.shape_cast %get3A_548 : vector<1x16xf32> to vector<16xf32>
        %add3A_550 = arith.constant 104 : i32
        %add3A_551 = arith.addi %add3A_550, %add3A_541 : i32
        %get3A_552 = arith.index_cast %add3A_551 : i32 to index
        %get3A_553 = arith.constant 0 : index
        %get3A_554 = tpu.vector_load %arg8[%get3A_552, %get3A_553] {strides = array<i32>} : memref<200x64xf32, #tpu.memory_space<vmem>>, vector<1x16xf32>,
        %get3A_555 = vector.shape_cast %get3A_554 : vector<1x16xf32> to vector<16xf32>
        %add3A_556 = arith.addf %get3A_549, %get3A_555 : vector<16xf32>
        %swap3A_557 = arith.constant 0 : i32
        %swap3A_558 = arith.constant 0 : i32
        %swap3A_559 = tpu.memref_slice %arg7[%scan3A_174, %swap3A_557, %swap3A_558] : memref<4x104x128xf32, #tpu.memory_space<vmem>> -> memref<1x104x128xf32, #tpu.memory_space<vmem>>
        %swap3A_560 = tpu.memref_squeeze %swap3A_559 : memref<1x104x128xf32, #tpu.memory_space<vmem>> -> memref<104x128xf32, #tpu.memory_space<vmem>>
        %swap3A_561 = arith.index_cast %add3A_541 : i32 to index
        %swap3A_562 = arith.constant 0 : index
        %swap3A_563 = tpu.vector_load %swap3A_560[%swap3A_561, %swap3A_562] {strides = array<i32>} : memref<104x128xf32, #tpu.memory_space<vmem>>, vector<1x16xf32>,
        %swap3A_564 = vector.shape_cast %swap3A_563 : vector<1x16xf32> to vector<16xf32>
        %swap3A_565 = vector.shape_cast %add3A_556 : vector<16xf32> to vector<1x16xf32>
        tpu.vector_store %swap3A_560[%swap3A_561, %swap3A_562], %swap3A_565 {strides = array<i32>} : memref<104x128xf32, #tpu.memory_space<vmem>>, vector<1x16xf32>,
        %get3A_566 = arith.constant 0 : i32
        %get3A_567 = arith.constant 0 : i32
        %get3A_568 = tpu.memref_slice %arg7[%scan3A_174, %get3A_566, %get3A_567] : memref<4x104x128xf32, #tpu.memory_space<vmem>> -> memref<1x104x128xf32, #tpu.memory_space<vmem>>
        %get3A_569 = tpu.memref_squeeze %get3A_568 : memref<1x104x128xf32, #tpu.memory_space<vmem>> -> memref<104x128xf32, #tpu.memory_space<vmem>>
        %get3A_570 = arith.index_cast %add3A_541 : i32 to index
        %get3A_571 = arith.constant 16 : index
        %get3A_572 = tpu.vector_load %get3A_569[%get3A_570, %get3A_571] {strides = array<i32>} : memref<104x128xf32, #tpu.memory_space<vmem>>, vector<1x16xf32>,
        %get3A_573 = vector.shape_cast %get3A_572 : vector<1x16xf32> to vector<16xf32>
        %add3A_574 = arith.constant 104 : i32
        %add3A_575 = arith.addi %add3A_574, %add3A_541 : i32
        %get3A_576 = arith.index_cast %add3A_575 : i32 to index
        %get3A_577 = arith.constant 16 : index
        %get3A_578 = tpu.vector_load %arg8[%get3A_576, %get3A_577] {strides = array<i32>} : memref<200x64xf32, #tpu.memory_space<vmem>>, vector<1x16xf32>,
        %get3A_579 = vector.shape_cast %get3A_578 : vector<1x16xf32> to vector<16xf32>
        %add3A_580 = arith.addf %get3A_573, %get3A_579 : vector<16xf32>
        %swap3A_581 = arith.constant 0 : i32
        %swap3A_582 = arith.constant 0 : i32
        %swap3A_583 = tpu.memref_slice %arg7[%scan3A_174, %swap3A_581, %swap3A_582] : memref<4x104x128xf32, #tpu.memory_space<vmem>> -> memref<1x104x128xf32, #tpu.memory_space<vmem>>
        %swap3A_584 = tpu.memref_squeeze %swap3A_583 : memref<1x104x128xf32, #tpu.memory_space<vmem>> -> memref<104x128xf32, #tpu.memory_space<vmem>>
        %swap3A_585 = arith.index_cast %add3A_541 : i32 to index
        %swap3A_586 = arith.constant 16 : index
        %swap3A_587 = tpu.vector_load %swap3A_584[%swap3A_585, %swap3A_586] {strides = array<i32>} : memref<104x128xf32, #tpu.memory_space<vmem>>, vector<1x16xf32>,
        %swap3A_588 = vector.shape_cast %swap3A_587 : vector<1x16xf32> to vector<16xf32>
        %swap3A_589 = vector.shape_cast %add3A_580 : vector<16xf32> to vector<1x16xf32>
        tpu.vector_store %swap3A_584[%swap3A_585, %swap3A_586], %swap3A_589 {strides = array<i32>} : memref<104x128xf32, #tpu.memory_space<vmem>>, vector<1x16xf32>,
        %get3A_590 = arith.constant 0 : i32
        %get3A_591 = arith.constant 0 : i32
        %get3A_592 = tpu.memref_slice %arg7[%scan3A_174, %get3A_590, %get3A_591] : memref<4x104x128xf32, #tpu.memory_space<vmem>> -> memref<1x104x128xf32, #tpu.memory_space<vmem>>
        %get3A_593 = tpu.memref_squeeze %get3A_592 : memref<1x104x128xf32, #tpu.memory_space<vmem>> -> memref<104x128xf32, #tpu.memory_space<vmem>>
        %get3A_594 = arith.index_cast %add3A_541 : i32 to index
        %get3A_595 = arith.constant 32 : index
        %get3A_596 = tpu.vector_load %get3A_593[%get3A_594, %get3A_595] {strides = array<i32>} : memref<104x128xf32, #tpu.memory_space<vmem>>, vector<1x16xf32>,
        %get3A_597 = vector.shape_cast %get3A_596 : vector<1x16xf32> to vector<16xf32>
        %add3A_598 = arith.constant 104 : i32
        %add3A_599 = arith.addi %add3A_598, %add3A_541 : i32
        %get3A_600 = arith.index_cast %add3A_599 : i32 to index
        %get3A_601 = arith.constant 32 : index
        %get3A_602 = tpu.vector_load %arg8[%get3A_600, %get3A_601] {strides = array<i32>} : memref<200x64xf32, #tpu.memory_space<vmem>>, vector<1x16xf32>,
        %get3A_603 = vector.shape_cast %get3A_602 : vector<1x16xf32> to vector<16xf32>
        %add3A_604 = arith.addf %get3A_597, %get3A_603 : vector<16xf32>
        %swap3A_605 = arith.constant 0 : i32
        %swap3A_606 = arith.constant 0 : i32
        %swap3A_607 = tpu.memref_slice %arg7[%scan3A_174, %swap3A_605, %swap3A_606] : memref<4x104x128xf32, #tpu.memory_space<vmem>> -> memref<1x104x128xf32, #tpu.memory_space<vmem>>
        %swap3A_608 = tpu.memref_squeeze %swap3A_607 : memref<1x104x128xf32, #tpu.memory_space<vmem>> -> memref<104x128xf32, #tpu.memory_space<vmem>>
        %swap3A_609 = arith.index_cast %add3A_541 : i32 to index
        %swap3A_610 = arith.constant 32 : index
        %swap3A_611 = tpu.vector_load %swap3A_608[%swap3A_609, %swap3A_610] {strides = array<i32>} : memref<104x128xf32, #tpu.memory_space<vmem>>, vector<1x16xf32>,
        %swap3A_612 = vector.shape_cast %swap3A_611 : vector<1x16xf32> to vector<16xf32>
        %swap3A_613 = vector.shape_cast %add3A_604 : vector<16xf32> to vector<1x16xf32>
        tpu.vector_store %swap3A_608[%swap3A_609, %swap3A_610], %swap3A_613 {strides = array<i32>} : memref<104x128xf32, #tpu.memory_space<vmem>>, vector<1x16xf32>,
        %get3A_614 = arith.constant 0 : i32
        %get3A_615 = arith.constant 0 : i32
        %get3A_616 = tpu.memref_slice %arg7[%scan3A_174, %get3A_614, %get3A_615] : memref<4x104x128xf32, #tpu.memory_space<vmem>> -> memref<1x104x128xf32, #tpu.memory_space<vmem>>
        %get3A_617 = tpu.memref_squeeze %get3A_616 : memref<1x104x128xf32, #tpu.memory_space<vmem>> -> memref<104x128xf32, #tpu.memory_space<vmem>>
        %get3A_618 = arith.index_cast %add3A_541 : i32 to index
        %get3A_619 = arith.constant 48 : index
        %get3A_620 = tpu.vector_load %get3A_617[%get3A_618, %get3A_619] {strides = array<i32>} : memref<104x128xf32, #tpu.memory_space<vmem>>, vector<1x16xf32>,
        %get3A_621 = vector.shape_cast %get3A_620 : vector<1x16xf32> to vector<16xf32>
        %add3A_622 = arith.constant 104 : i32
        %add3A_623 = arith.addi %add3A_622, %add3A_541 : i32
        %get3A_624 = arith.index_cast %add3A_623 : i32 to index
        %get3A_625 = arith.constant 48 : index
        %get3A_626 = tpu.vector_load %arg8[%get3A_624, %get3A_625] {strides = array<i32>} : memref<200x64xf32, #tpu.memory_space<vmem>>, vector<1x16xf32>,
        %get3A_627 = vector.shape_cast %get3A_626 : vector<1x16xf32> to vector<16xf32>
        %add3A_628 = arith.addf %get3A_621, %get3A_627 : vector<16xf32>
        %swap3A_629 = arith.constant 0 : i32
        %swap3A_630 = arith.constant 0 : i32
        %swap3A_631 = tpu.memref_slice %arg7[%scan3A_174, %swap3A_629, %swap3A_630] : memref<4x104x128xf32, #tpu.memory_space<vmem>> -> memref<1x104x128xf32, #tpu.memory_space<vmem>>
        %swap3A_632 = tpu.memref_squeeze %swap3A_631 : memref<1x104x128xf32, #tpu.memory_space<vmem>> -> memref<104x128xf32, #tpu.memory_space<vmem>>
        %swap3A_633 = arith.index_cast %add3A_541 : i32 to index
        %swap3A_634 = arith.constant 48 : index
        %swap3A_635 = tpu.vector_load %swap3A_632[%swap3A_633, %swap3A_634] {strides = array<i32>} : memref<104x128xf32, #tpu.memory_space<vmem>>, vector<1x16xf32>,
        %swap3A_636 = vector.shape_cast %swap3A_635 : vector<1x16xf32> to vector<16xf32>
        %swap3A_637 = vector.shape_cast %add3A_628 : vector<16xf32> to vector<1x16xf32>
        tpu.vector_store %swap3A_632[%swap3A_633, %swap3A_634], %swap3A_637 {strides = array<i32>} : memref<104x128xf32, #tpu.memory_space<vmem>>, vector<1x16xf32>,
        %scan3A_638 = arith.constant 3 : i32
        %scan3A_639 = arith.addi %scan3A_335, %scan3A_638 : i32
        %mul3A_640 = arith.constant 1 : i32
        %mul3A_641 = arith.muli %scan3A_639, %mul3A_640 : i32
        %add3A_642 = arith.constant 0 : i32
        %add3A_643 = arith.addi %add3A_642, %mul3A_641 : i32
        %get3A_644 = arith.constant 0 : i32
        %get3A_645 = arith.constant 0 : i32
        %get3A_646 = tpu.memref_slice %arg7[%scan3A_174, %get3A_644, %get3A_645] : memref<4x104x128xf32, #tpu.memory_space<vmem>> -> memref<1x104x128xf32, #tpu.memory_space<vmem>>
        %get3A_647 = tpu.memref_squeeze %get3A_646 : memref<1x104x128xf32, #tpu.memory_space<vmem>> -> memref<104x128xf32, #tpu.memory_space<vmem>>
        %get3A_648 = arith.index_cast %add3A_643 : i32 to index
        %get3A_649 = arith.constant 0 : index
        %get3A_650 = tpu.vector_load %get3A_647[%get3A_648, %get3A_649] {strides = array<i32>} : memref<104x128xf32, #tpu.memory_space<vmem>>, vector<1x16xf32>,
        %get3A_651 = vector.shape_cast %get3A_650 : vector<1x16xf32> to vector<16xf32>
        %add3A_652 = arith.constant 104 : i32
        %add3A_653 = arith.addi %add3A_652, %add3A_643 : i32
        %get3A_654 = arith.index_cast %add3A_653 : i32 to index
        %get3A_655 = arith.constant 0 : index
        %get3A_656 = tpu.vector_load %arg8[%get3A_654, %get3A_655] {strides = array<i32>} : memref<200x64xf32, #tpu.memory_space<vmem>>, vector<1x16xf32>,
        %get3A_657 = vector.shape_cast %get3A_656 : vector<1x16xf32> to vector<16xf32>
        %add3A_658 = arith.addf %get3A_651, %get3A_657 : vector<16xf32>
        %swap3A_659 = arith.constant 0 : i32
        %swap3A_660 = arith.constant 0 : i32
        %swap3A_661 = tpu.memref_slice %arg7[%scan3A_174, %swap3A_659, %swap3A_660] : memref<4x104x128xf32, #tpu.memory_space<vmem>> -> memref<1x104x128xf32, #tpu.memory_space<vmem>>
        %swap3A_662 = tpu.memref_squeeze %swap3A_661 : memref<1x104x128xf32, #tpu.memory_space<vmem>> -> memref<104x128xf32, #tpu.memory_space<vmem>>
        %swap3A_663 = arith.index_cast %add3A_643 : i32 to index
        %swap3A_664 = arith.constant 0 : index
        %swap3A_665 = tpu.vector_load %swap3A_662[%swap3A_663, %swap3A_664] {strides = array<i32>} : memref<104x128xf32, #tpu.memory_space<vmem>>, vector<1x16xf32>,
        %swap3A_666 = vector.shape_cast %swap3A_665 : vector<1x16xf32> to vector<16xf32>
        %swap3A_667 = vector.shape_cast %add3A_658 : vector<16xf32> to vector<1x16xf32>
        tpu.vector_store %swap3A_662[%swap3A_663, %swap3A_664], %swap3A_667 {strides = array<i32>} : memref<104x128xf32, #tpu.memory_space<vmem>>, vector<1x16xf32>,
        %get3A_668 = arith.constant 0 : i32
        %get3A_669 = arith.constant 0 : i32
        %get3A_670 = tpu.memref_slice %arg7[%scan3A_174, %get3A_668, %get3A_669] : memref<4x104x128xf32, #tpu.memory_space<vmem>> -> memref<1x104x128xf32, #tpu.memory_space<vmem>>
        %get3A_671 = tpu.memref_squeeze %get3A_670 : memref<1x104x128xf32, #tpu.memory_space<vmem>> -> memref<104x128xf32, #tpu.memory_space<vmem>>
        %get3A_672 = arith.index_cast %add3A_643 : i32 to index
        %get3A_673 = arith.constant 16 : index
        %get3A_674 = tpu.vector_load %get3A_671[%get3A_672, %get3A_673] {strides = array<i32>} : memref<104x128xf32, #tpu.memory_space<vmem>>, vector<1x16xf32>,
        %get3A_675 = vector.shape_cast %get3A_674 : vector<1x16xf32> to vector<16xf32>
        %add3A_676 = arith.constant 104 : i32
        %add3A_677 = arith.addi %add3A_676, %add3A_643 : i32
        %get3A_678 = arith.index_cast %add3A_677 : i32 to index
        %get3A_679 = arith.constant 16 : index
        %get3A_680 = tpu.vector_load %arg8[%get3A_678, %get3A_679] {strides = array<i32>} : memref<200x64xf32, #tpu.memory_space<vmem>>, vector<1x16xf32>,
        %get3A_681 = vector.shape_cast %get3A_680 : vector<1x16xf32> to vector<16xf32>
        %add3A_682 = arith.addf %get3A_675, %get3A_681 : vector<16xf32>
        %swap3A_683 = arith.constant 0 : i32
        %swap3A_684 = arith.constant 0 : i32
        %swap3A_685 = tpu.memref_slice %arg7[%scan3A_174, %swap3A_683, %swap3A_684] : memref<4x104x128xf32, #tpu.memory_space<vmem>> -> memref<1x104x128xf32, #tpu.memory_space<vmem>>
        %swap3A_686 = tpu.memref_squeeze %swap3A_685 : memref<1x104x128xf32, #tpu.memory_space<vmem>> -> memref<104x128xf32, #tpu.memory_space<vmem>>
        %swap3A_687 = arith.index_cast %add3A_643 : i32 to index
        %swap3A_688 = arith.constant 16 : index
        %swap3A_689 = tpu.vector_load %swap3A_686[%swap3A_687, %swap3A_688] {strides = array<i32>} : memref<104x128xf32, #tpu.memory_space<vmem>>, vector<1x16xf32>,
        %swap3A_690 = vector.shape_cast %swap3A_689 : vector<1x16xf32> to vector<16xf32>
        %swap3A_691 = vector.shape_cast %add3A_682 : vector<16xf32> to vector<1x16xf32>
        tpu.vector_store %swap3A_686[%swap3A_687, %swap3A_688], %swap3A_691 {strides = array<i32>} : memref<104x128xf32, #tpu.memory_space<vmem>>, vector<1x16xf32>,
        %get3A_692 = arith.constant 0 : i32
        %get3A_693 = arith.constant 0 : i32
        %get3A_694 = tpu.memref_slice %arg7[%scan3A_174, %get3A_692, %get3A_693] : memref<4x104x128xf32, #tpu.memory_space<vmem>> -> memref<1x104x128xf32, #tpu.memory_space<vmem>>
        %get3A_695 = tpu.memref_squeeze %get3A_694 : memref<1x104x128xf32, #tpu.memory_space<vmem>> -> memref<104x128xf32, #tpu.memory_space<vmem>>
        %get3A_696 = arith.index_cast %add3A_643 : i32 to index
        %get3A_697 = arith.constant 32 : index
        %get3A_698 = tpu.vector_load %get3A_695[%get3A_696, %get3A_697] {strides = array<i32>} : memref<104x128xf32, #tpu.memory_space<vmem>>, vector<1x16xf32>,
        %get3A_699 = vector.shape_cast %get3A_698 : vector<1x16xf32> to vector<16xf32>
        %add3A_700 = arith.constant 104 : i32
        %add3A_701 = arith.addi %add3A_700, %add3A_643 : i32
        %get3A_702 = arith.index_cast %add3A_701 : i32 to index
        %get3A_703 = arith.constant 32 : index
        %get3A_704 = tpu.vector_load %arg8[%get3A_702, %get3A_703] {strides = array<i32>} : memref<200x64xf32, #tpu.memory_space<vmem>>, vector<1x16xf32>,
        %get3A_705 = vector.shape_cast %get3A_704 : vector<1x16xf32> to vector<16xf32>
        %add3A_706 = arith.addf %get3A_699, %get3A_705 : vector<16xf32>
        %swap3A_707 = arith.constant 0 : i32
        %swap3A_708 = arith.constant 0 : i32
        %swap3A_709 = tpu.memref_slice %arg7[%scan3A_174, %swap3A_707, %swap3A_708] : memref<4x104x128xf32, #tpu.memory_space<vmem>> -> memref<1x104x128xf32, #tpu.memory_space<vmem>>
        %swap3A_710 = tpu.memref_squeeze %swap3A_709 : memref<1x104x128xf32, #tpu.memory_space<vmem>> -> memref<104x128xf32, #tpu.memory_space<vmem>>
        %swap3A_711 = arith.index_cast %add3A_643 : i32 to index
        %swap3A_712 = arith.constant 32 : index
        %swap3A_713 = tpu.vector_load %swap3A_710[%swap3A_711, %swap3A_712] {strides = array<i32>} : memref<104x128xf32, #tpu.memory_space<vmem>>, vector<1x16xf32>,
        %swap3A_714 = vector.shape_cast %swap3A_713 : vector<1x16xf32> to vector<16xf32>
        %swap3A_715 = vector.shape_cast %add3A_706 : vector<16xf32> to vector<1x16xf32>
        tpu.vector_store %swap3A_710[%swap3A_711, %swap3A_712], %swap3A_715 {strides = array<i32>} : memref<104x128xf32, #tpu.memory_space<vmem>>, vector<1x16xf32>,
        %get3A_716 = arith.constant 0 : i32
        %get3A_717 = arith.constant 0 : i32
        %get3A_718 = tpu.memref_slice %arg7[%scan3A_174, %get3A_716, %get3A_717] : memref<4x104x128xf32, #tpu.memory_space<vmem>> -> memref<1x104x128xf32, #tpu.memory_space<vmem>>
        %get3A_719 = tpu.memref_squeeze %get3A_718 : memref<1x104x128xf32, #tpu.memory_space<vmem>> -> memref<104x128xf32, #tpu.memory_space<vmem>>
        %get3A_720 = arith.index_cast %add3A_643 : i32 to index
        %get3A_721 = arith.constant 48 : index
        %get3A_722 = tpu.vector_load %get3A_719[%get3A_720, %get3A_721] {strides = array<i32>} : memref<104x128xf32, #tpu.memory_space<vmem>>, vector<1x16xf32>,
        %get3A_723 = vector.shape_cast %get3A_722 : vector<1x16xf32> to vector<16xf32>
        %add3A_724 = arith.constant 104 : i32
        %add3A_725 = arith.addi %add3A_724, %add3A_643 : i32
        %get3A_726 = arith.index_cast %add3A_725 : i32 to index
        %get3A_727 = arith.constant 48 : index
        %get3A_728 = tpu.vector_load %arg8[%get3A_726, %get3A_727] {strides = array<i32>} : memref<200x64xf32, #tpu.memory_space<vmem>>, vector<1x16xf32>,
        %get3A_729 = vector.shape_cast %get3A_728 : vector<1x16xf32> to vector<16xf32>
        %add3A_730 = arith.addf %get3A_723, %get3A_729 : vector<16xf32>
        %swap3A_731 = arith.constant 0 : i32
        %swap3A_732 = arith.constant 0 : i32
        %swap3A_733 = tpu.memref_slice %arg7[%scan3A_174, %swap3A_731, %swap3A_732] : memref<4x104x128xf32, #tpu.memory_space<vmem>> -> memref<1x104x128xf32, #tpu.memory_space<vmem>>
        %swap3A_734 = tpu.memref_squeeze %swap3A_733 : memref<1x104x128xf32, #tpu.memory_space<vmem>> -> memref<104x128xf32, #tpu.memory_space<vmem>>
        %swap3A_735 = arith.index_cast %add3A_643 : i32 to index
        %swap3A_736 = arith.constant 48 : index
        %swap3A_737 = tpu.vector_load %swap3A_734[%swap3A_735, %swap3A_736] {strides = array<i32>} : memref<104x128xf32, #tpu.memory_space<vmem>>, vector<1x16xf32>,
        %swap3A_738 = vector.shape_cast %swap3A_737 : vector<1x16xf32> to vector<16xf32>
        %swap3A_739 = vector.shape_cast %add3A_730 : vector<16xf32> to vector<1x16xf32>
        tpu.vector_store %swap3A_734[%swap3A_735, %swap3A_736], %swap3A_739 {strides = array<i32>} : memref<104x128xf32, #tpu.memory_space<vmem>>, vector<1x16xf32>,
        %scan3A_740 = arith.constant 4 : i32
        %scan3A_741 = arith.addi %scan3A_335, %scan3A_740 : i32
        %mul3A_742 = arith.constant 1 : i32
        %mul3A_743 = arith.muli %scan3A_741, %mul3A_742 : i32
        %add3A_744 = arith.constant 0 : i32
        %add3A_745 = arith.addi %add3A_744, %mul3A_743 : i32
        %get3A_746 = arith.constant 0 : i32
        %get3A_747 = arith.constant 0 : i32
        %get3A_748 = tpu.memref_slice %arg7[%scan3A_174, %get3A_746, %get3A_747] : memref<4x104x128xf32, #tpu.memory_space<vmem>> -> memref<1x104x128xf32, #tpu.memory_space<vmem>>
        %get3A_749 = tpu.memref_squeeze %get3A_748 : memref<1x104x128xf32, #tpu.memory_space<vmem>> -> memref<104x128xf32, #tpu.memory_space<vmem>>
        %get3A_750 = arith.index_cast %add3A_745 : i32 to index
        %get3A_751 = arith.constant 0 : index
        %get3A_752 = tpu.vector_load %get3A_749[%get3A_750, %get3A_751] {strides = array<i32>} : memref<104x128xf32, #tpu.memory_space<vmem>>, vector<1x16xf32>,
        %get3A_753 = vector.shape_cast %get3A_752 : vector<1x16xf32> to vector<16xf32>
        %add3A_754 = arith.constant 104 : i32
        %add3A_755 = arith.addi %add3A_754, %add3A_745 : i32
        %get3A_756 = arith.index_cast %add3A_755 : i32 to index
        %get3A_757 = arith.constant 0 : index
        %get3A_758 = tpu.vector_load %arg8[%get3A_756, %get3A_757] {strides = array<i32>} : memref<200x64xf32, #tpu.memory_space<vmem>>, vector<1x16xf32>,
        %get3A_759 = vector.shape_cast %get3A_758 : vector<1x16xf32> to vector<16xf32>
        %add3A_760 = arith.addf %get3A_753, %get3A_759 : vector<16xf32>
        %swap3A_761 = arith.constant 0 : i32
        %swap3A_762 = arith.constant 0 : i32
        %swap3A_763 = tpu.memref_slice %arg7[%scan3A_174, %swap3A_761, %swap3A_762] : memref<4x104x128xf32, #tpu.memory_space<vmem>> -> memref<1x104x128xf32, #tpu.memory_space<vmem>>
        %swap3A_764 = tpu.memref_squeeze %swap3A_763 : memref<1x104x128xf32, #tpu.memory_space<vmem>> -> memref<104x128xf32, #tpu.memory_space<vmem>>
        %swap3A_765 = arith.index_cast %add3A_745 : i32 to index
        %swap3A_766 = arith.constant 0 : index
        %swap3A_767 = tpu.vector_load %swap3A_764[%swap3A_765, %swap3A_766] {strides = array<i32>} : memref<104x128xf32, #tpu.memory_space<vmem>>, vector<1x16xf32>,
        %swap3A_768 = vector.shape_cast %swap3A_767 : vector<1x16xf32> to vector<16xf32>
        %swap3A_769 = vector.shape_cast %add3A_760 : vector<16xf32> to vector<1x16xf32>
        tpu.vector_store %swap3A_764[%swap3A_765, %swap3A_766], %swap3A_769 {strides = array<i32>} : memref<104x128xf32, #tpu.memory_space<vmem>>, vector<1x16xf32>,
        %get3A_770 = arith.constant 0 : i32
        %get3A_771 = arith.constant 0 : i32
        %get3A_772 = tpu.memref_slice %arg7[%scan3A_174, %get3A_770, %get3A_771] : memref<4x104x128xf32, #tpu.memory_space<vmem>> -> memref<1x104x128xf32, #tpu.memory_space<vmem>>
        %get3A_773 = tpu.memref_squeeze %get3A_772 : memref<1x104x128xf32, #tpu.memory_space<vmem>> -> memref<104x128xf32, #tpu.memory_space<vmem>>
        %get3A_774 = arith.index_cast %add3A_745 : i32 to index
        %get3A_775 = arith.constant 16 : index
        %get3A_776 = tpu.vector_load %get3A_773[%get3A_774, %get3A_775] {strides = array<i32>} : memref<104x128xf32, #tpu.memory_space<vmem>>, vector<1x16xf32>,
        %get3A_777 = vector.shape_cast %get3A_776 : vector<1x16xf32> to vector<16xf32>
        %add3A_778 = arith.constant 104 : i32
        %add3A_779 = arith.addi %add3A_778, %add3A_745 : i32
        %get3A_780 = arith.index_cast %add3A_779 : i32 to index
        %get3A_781 = arith.constant 16 : index
        %get3A_782 = tpu.vector_load %arg8[%get3A_780, %get3A_781] {strides = array<i32>} : memref<200x64xf32, #tpu.memory_space<vmem>>, vector<1x16xf32>,
        %get3A_783 = vector.shape_cast %get3A_782 : vector<1x16xf32> to vector<16xf32>
        %add3A_784 = arith.addf %get3A_777, %get3A_783 : vector<16xf32>
        %swap3A_785 = arith.constant 0 : i32
        %swap3A_786 = arith.constant 0 : i32
        %swap3A_787 = tpu.memref_slice %arg7[%scan3A_174, %swap3A_785, %swap3A_786] : memref<4x104x128xf32, #tpu.memory_space<vmem>> -> memref<1x104x128xf32, #tpu.memory_space<vmem>>
        %swap3A_788 = tpu.memref_squeeze %swap3A_787 : memref<1x104x128xf32, #tpu.memory_space<vmem>> -> memref<104x128xf32, #tpu.memory_space<vmem>>
        %swap3A_789 = arith.index_cast %add3A_745 : i32 to index
        %swap3A_790 = arith.constant 16 : index
        %swap3A_791 = tpu.vector_load %swap3A_788[%swap3A_789, %swap3A_790] {strides = array<i32>} : memref<104x128xf32, #tpu.memory_space<vmem>>, vector<1x16xf32>,
        %swap3A_792 = vector.shape_cast %swap3A_791 : vector<1x16xf32> to vector<16xf32>
        %swap3A_793 = vector.shape_cast %add3A_784 : vector<16xf32> to vector<1x16xf32>
        tpu.vector_store %swap3A_788[%swap3A_789, %swap3A_790], %swap3A_793 {strides = array<i32>} : memref<104x128xf32, #tpu.memory_space<vmem>>, vector<1x16xf32>,
        %get3A_794 = arith.constant 0 : i32
        %get3A_795 = arith.constant 0 : i32
        %get3A_796 = tpu.memref_slice %arg7[%scan3A_174, %get3A_794, %get3A_795] : memref<4x104x128xf32, #tpu.memory_space<vmem>> -> memref<1x104x128xf32, #tpu.memory_space<vmem>>
        %get3A_797 = tpu.memref_squeeze %get3A_796 : memref<1x104x128xf32, #tpu.memory_space<vmem>> -> memref<104x128xf32, #tpu.memory_space<vmem>>
        %get3A_798 = arith.index_cast %add3A_745 : i32 to index
        %get3A_799 = arith.constant 32 : index
        %get3A_800 = tpu.vector_load %get3A_797[%get3A_798, %get3A_799] {strides = array<i32>} : memref<104x128xf32, #tpu.memory_space<vmem>>, vector<1x16xf32>,
        %get3A_801 = vector.shape_cast %get3A_800 : vector<1x16xf32> to vector<16xf32>
        %add3A_802 = arith.constant 104 : i32
        %add3A_803 = arith.addi %add3A_802, %add3A_745 : i32
        %get3A_804 = arith.index_cast %add3A_803 : i32 to index
        %get3A_805 = arith.constant 32 : index
        %get3A_806 = tpu.vector_load %arg8[%get3A_804, %get3A_805] {strides = array<i32>} : memref<200x64xf32, #tpu.memory_space<vmem>>, vector<1x16xf32>,
        %get3A_807 = vector.shape_cast %get3A_806 : vector<1x16xf32> to vector<16xf32>
        %add3A_808 = arith.addf %get3A_801, %get3A_807 : vector<16xf32>
        %swap3A_809 = arith.constant 0 : i32
        %swap3A_810 = arith.constant 0 : i32
        %swap3A_811 = tpu.memref_slice %arg7[%scan3A_174, %swap3A_809, %swap3A_810] : memref<4x104x128xf32, #tpu.memory_space<vmem>> -> memref<1x104x128xf32, #tpu.memory_space<vmem>>
        %swap3A_812 = tpu.memref_squeeze %swap3A_811 : memref<1x104x128xf32, #tpu.memory_space<vmem>> -> memref<104x128xf32, #tpu.memory_space<vmem>>
        %swap3A_813 = arith.index_cast %add3A_745 : i32 to index
        %swap3A_814 = arith.constant 32 : index
        %swap3A_815 = tpu.vector_load %swap3A_812[%swap3A_813, %swap3A_814] {strides = array<i32>} : memref<104x128xf32, #tpu.memory_space<vmem>>, vector<1x16xf32>,
        %swap3A_816 = vector.shape_cast %swap3A_815 : vector<1x16xf32> to vector<16xf32>
        %swap3A_817 = vector.shape_cast %add3A_808 : vector<16xf32> to vector<1x16xf32>
        tpu.vector_store %swap3A_812[%swap3A_813, %swap3A_814], %swap3A_817 {strides = array<i32>} : memref<104x128xf32, #tpu.memory_space<vmem>>, vector<1x16xf32>,
        %get3A_818 = arith.constant 0 : i32
        %get3A_819 = arith.constant 0 : i32
        %get3A_820 = tpu.memref_slice %arg7[%scan3A_174, %get3A_818, %get3A_819] : memref<4x104x128xf32, #tpu.memory_space<vmem>> -> memref<1x104x128xf32, #tpu.memory_space<vmem>>
        %get3A_821 = tpu.memref_squeeze %get3A_820 : memref<1x104x128xf32, #tpu.memory_space<vmem>> -> memref<104x128xf32, #tpu.memory_space<vmem>>
        %get3A_822 = arith.index_cast %add3A_745 : i32 to index
        %get3A_823 = arith.constant 48 : index
        %get3A_824 = tpu.vector_load %get3A_821[%get3A_822, %get3A_823] {strides = array<i32>} : memref<104x128xf32, #tpu.memory_space<vmem>>, vector<1x16xf32>,
        %get3A_825 = vector.shape_cast %get3A_824 : vector<1x16xf32> to vector<16xf32>
        %add3A_826 = arith.constant 104 : i32
        %add3A_827 = arith.addi %add3A_826, %add3A_745 : i32
        %get3A_828 = arith.index_cast %add3A_827 : i32 to index
        %get3A_829 = arith.constant 48 : index
        %get3A_830 = tpu.vector_load %arg8[%get3A_828, %get3A_829] {strides = array<i32>} : memref<200x64xf32, #tpu.memory_space<vmem>>, vector<1x16xf32>,
        %get3A_831 = vector.shape_cast %get3A_830 : vector<1x16xf32> to vector<16xf32>
        %add3A_832 = arith.addf %get3A_825, %get3A_831 : vector<16xf32>
        %swap3A_833 = arith.constant 0 : i32
        %swap3A_834 = arith.constant 0 : i32
        %swap3A_835 = tpu.memref_slice %arg7[%scan3A_174, %swap3A_833, %swap3A_834] : memref<4x104x128xf32, #tpu.memory_space<vmem>> -> memref<1x104x128xf32, #tpu.memory_space<vmem>>
        %swap3A_836 = tpu.memref_squeeze %swap3A_835 : memref<1x104x128xf32, #tpu.memory_space<vmem>> -> memref<104x128xf32, #tpu.memory_space<vmem>>
        %swap3A_837 = arith.index_cast %add3A_745 : i32 to index
        %swap3A_838 = arith.constant 48 : index
        %swap3A_839 = tpu.vector_load %swap3A_836[%swap3A_837, %swap3A_838] {strides = array<i32>} : memref<104x128xf32, #tpu.memory_space<vmem>>, vector<1x16xf32>,
        %swap3A_840 = vector.shape_cast %swap3A_839 : vector<1x16xf32> to vector<16xf32>
        %swap3A_841 = vector.shape_cast %add3A_832 : vector<16xf32> to vector<1x16xf32>
        tpu.vector_store %swap3A_836[%swap3A_837, %swap3A_838], %swap3A_841 {strides = array<i32>} : memref<104x128xf32, #tpu.memory_space<vmem>>, vector<1x16xf32>,
        %scan3A_842 = arith.constant 5 : i32
        %scan3A_843 = arith.addi %scan3A_335, %scan3A_842 : i32
        %mul3A_844 = arith.constant 1 : i32
        %mul3A_845 = arith.muli %scan3A_843, %mul3A_844 : i32
        %add3A_846 = arith.constant 0 : i32
        %add3A_847 = arith.addi %add3A_846, %mul3A_845 : i32
        %get3A_848 = arith.constant 0 : i32
        %get3A_849 = arith.constant 0 : i32
        %get3A_850 = tpu.memref_slice %arg7[%scan3A_174, %get3A_848, %get3A_849] : memref<4x104x128xf32, #tpu.memory_space<vmem>> -> memref<1x104x128xf32, #tpu.memory_space<vmem>>
        %get3A_851 = tpu.memref_squeeze %get3A_850 : memref<1x104x128xf32, #tpu.memory_space<vmem>> -> memref<104x128xf32, #tpu.memory_space<vmem>>
        %get3A_852 = arith.index_cast %add3A_847 : i32 to index
        %get3A_853 = arith.constant 0 : index
        %get3A_854 = tpu.vector_load %get3A_851[%get3A_852, %get3A_853] {strides = array<i32>} : memref<104x128xf32, #tpu.memory_space<vmem>>, vector<1x16xf32>,
        %get3A_855 = vector.shape_cast %get3A_854 : vector<1x16xf32> to vector<16xf32>
        %add3A_856 = arith.constant 104 : i32
        %add3A_857 = arith.addi %add3A_856, %add3A_847 : i32
        %get3A_858 = arith.index_cast %add3A_857 : i32 to index
        %get3A_859 = arith.constant 0 : index
        %get3A_860 = tpu.vector_load %arg8[%get3A_858, %get3A_859] {strides = array<i32>} : memref<200x64xf32, #tpu.memory_space<vmem>>, vector<1x16xf32>,
        %get3A_861 = vector.shape_cast %get3A_860 : vector<1x16xf32> to vector<16xf32>
        %add3A_862 = arith.addf %get3A_855, %get3A_861 : vector<16xf32>
        %swap3A_863 = arith.constant 0 : i32
        %swap3A_864 = arith.constant 0 : i32
        %swap3A_865 = tpu.memref_slice %arg7[%scan3A_174, %swap3A_863, %swap3A_864] : memref<4x104x128xf32, #tpu.memory_space<vmem>> -> memref<1x104x128xf32, #tpu.memory_space<vmem>>
        %swap3A_866 = tpu.memref_squeeze %swap3A_865 : memref<1x104x128xf32, #tpu.memory_space<vmem>> -> memref<104x128xf32, #tpu.memory_space<vmem>>
        %swap3A_867 = arith.index_cast %add3A_847 : i32 to index
        %swap3A_868 = arith.constant 0 : index
        %swap3A_869 = tpu.vector_load %swap3A_866[%swap3A_867, %swap3A_868] {strides = array<i32>} : memref<104x128xf32, #tpu.memory_space<vmem>>, vector<1x16xf32>,
        %swap3A_870 = vector.shape_cast %swap3A_869 : vector<1x16xf32> to vector<16xf32>
        %swap3A_871 = vector.shape_cast %add3A_862 : vector<16xf32> to vector<1x16xf32>
        tpu.vector_store %swap3A_866[%swap3A_867, %swap3A_868], %swap3A_871 {strides = array<i32>} : memref<104x128xf32, #tpu.memory_space<vmem>>, vector<1x16xf32>,
        %get3A_872 = arith.constant 0 : i32
        %get3A_873 = arith.constant 0 : i32
        %get3A_874 = tpu.memref_slice %arg7[%scan3A_174, %get3A_872, %get3A_873] : memref<4x104x128xf32, #tpu.memory_space<vmem>> -> memref<1x104x128xf32, #tpu.memory_space<vmem>>
        %get3A_875 = tpu.memref_squeeze %get3A_874 : memref<1x104x128xf32, #tpu.memory_space<vmem>> -> memref<104x128xf32, #tpu.memory_space<vmem>>
        %get3A_876 = arith.index_cast %add3A_847 : i32 to index
        %get3A_877 = arith.constant 16 : index
        %get3A_878 = tpu.vector_load %get3A_875[%get3A_876, %get3A_877] {strides = array<i32>} : memref<104x128xf32, #tpu.memory_space<vmem>>, vector<1x16xf32>,
        %get3A_879 = vector.shape_cast %get3A_878 : vector<1x16xf32> to vector<16xf32>
        %add3A_880 = arith.constant 104 : i32
        %add3A_881 = arith.addi %add3A_880, %add3A_847 : i32
        %get3A_882 = arith.index_cast %add3A_881 : i32 to index
        %get3A_883 = arith.constant 16 : index
        %get3A_884 = tpu.vector_load %arg8[%get3A_882, %get3A_883] {strides = array<i32>} : memref<200x64xf32, #tpu.memory_space<vmem>>, vector<1x16xf32>,
        %get3A_885 = vector.shape_cast %get3A_884 : vector<1x16xf32> to vector<16xf32>
        %add3A_886 = arith.addf %get3A_879, %get3A_885 : vector<16xf32>
        %swap3A_887 = arith.constant 0 : i32
        %swap3A_888 = arith.constant 0 : i32
        %swap3A_889 = tpu.memref_slice %arg7[%scan3A_174, %swap3A_887, %swap3A_888] : memref<4x104x128xf32, #tpu.memory_space<vmem>> -> memref<1x104x128xf32, #tpu.memory_space<vmem>>
        %swap3A_890 = tpu.memref_squeeze %swap3A_889 : memref<1x104x128xf32, #tpu.memory_space<vmem>> -> memref<104x128xf32, #tpu.memory_space<vmem>>
        %swap3A_891 = arith.index_cast %add3A_847 : i32 to index
        %swap3A_892 = arith.constant 16 : index
        %swap3A_893 = tpu.vector_load %swap3A_890[%swap3A_891, %swap3A_892] {strides = array<i32>} : memref<104x128xf32, #tpu.memory_space<vmem>>, vector<1x16xf32>,
        %swap3A_894 = vector.shape_cast %swap3A_893 : vector<1x16xf32> to vector<16xf32>
        %swap3A_895 = vector.shape_cast %add3A_886 : vector<16xf32> to vector<1x16xf32>
        tpu.vector_store %swap3A_890[%swap3A_891, %swap3A_892], %swap3A_895 {strides = array<i32>} : memref<104x128xf32, #tpu.memory_space<vmem>>, vector<1x16xf32>,
        %get3A_896 = arith.constant 0 : i32
        %get3A_897 = arith.constant 0 : i32
        %get3A_898 = tpu.memref_slice %arg7[%scan3A_174, %get3A_896, %get3A_897] : memref<4x104x128xf32, #tpu.memory_space<vmem>> -> memref<1x104x128xf32, #tpu.memory_space<vmem>>
        %get3A_899 = tpu.memref_squeeze %get3A_898 : memref<1x104x128xf32, #tpu.memory_space<vmem>> -> memref<104x128xf32, #tpu.memory_space<vmem>>
        %get3A_900 = arith.index_cast %add3A_847 : i32 to index
        %get3A_901 = arith.constant 32 : index
        %get3A_902 = tpu.vector_load %get3A_899[%get3A_900, %get3A_901] {strides = array<i32>} : memref<104x128xf32, #tpu.memory_space<vmem>>, vector<1x16xf32>,
        %get3A_903 = vector.shape_cast %get3A_902 : vector<1x16xf32> to vector<16xf32>
        %add3A_904 = arith.constant 104 : i32
        %add3A_905 = arith.addi %add3A_904, %add3A_847 : i32
        %get3A_906 = arith.index_cast %add3A_905 : i32 to index
        %get3A_907 = arith.constant 32 : index
        %get3A_908 = tpu.vector_load %arg8[%get3A_906, %get3A_907] {strides = array<i32>} : memref<200x64xf32, #tpu.memory_space<vmem>>, vector<1x16xf32>,
        %get3A_909 = vector.shape_cast %get3A_908 : vector<1x16xf32> to vector<16xf32>
        %add3A_910 = arith.addf %get3A_903, %get3A_909 : vector<16xf32>
        %swap3A_911 = arith.constant 0 : i32
        %swap3A_912 = arith.constant 0 : i32
        %swap3A_913 = tpu.memref_slice %arg7[%scan3A_174, %swap3A_911, %swap3A_912] : memref<4x104x128xf32, #tpu.memory_space<vmem>> -> memref<1x104x128xf32, #tpu.memory_space<vmem>>
        %swap3A_914 = tpu.memref_squeeze %swap3A_913 : memref<1x104x128xf32, #tpu.memory_space<vmem>> -> memref<104x128xf32, #tpu.memory_space<vmem>>
        %swap3A_915 = arith.index_cast %add3A_847 : i32 to index
        %swap3A_916 = arith.constant 32 : index
        %swap3A_917 = tpu.vector_load %swap3A_914[%swap3A_915, %swap3A_916] {strides = array<i32>} : memref<104x128xf32, #tpu.memory_space<vmem>>, vector<1x16xf32>,
        %swap3A_918 = vector.shape_cast %swap3A_917 : vector<1x16xf32> to vector<16xf32>
        %swap3A_919 = vector.shape_cast %add3A_910 : vector<16xf32> to vector<1x16xf32>
        tpu.vector_store %swap3A_914[%swap3A_915, %swap3A_916], %swap3A_919 {strides = array<i32>} : memref<104x128xf32, #tpu.memory_space<vmem>>, vector<1x16xf32>,
        %get3A_920 = arith.constant 0 : i32
        %get3A_921 = arith.constant 0 : i32
        %get3A_922 = tpu.memref_slice %arg7[%scan3A_174, %get3A_920, %get3A_921] : memref<4x104x128xf32, #tpu.memory_space<vmem>> -> memref<1x104x128xf32, #tpu.memory_space<vmem>>
        %get3A_923 = tpu.memref_squeeze %get3A_922 : memref<1x104x128xf32, #tpu.memory_space<vmem>> -> memref<104x128xf32, #tpu.memory_space<vmem>>
        %get3A_924 = arith.index_cast %add3A_847 : i32 to index
        %get3A_925 = arith.constant 48 : index
        %get3A_926 = tpu.vector_load %get3A_923[%get3A_924, %get3A_925] {strides = array<i32>} : memref<104x128xf32, #tpu.memory_space<vmem>>, vector<1x16xf32>,
        %get3A_927 = vector.shape_cast %get3A_926 : vector<1x16xf32> to vector<16xf32>
        %add3A_928 = arith.constant 104 : i32
        %add3A_929 = arith.addi %add3A_928, %add3A_847 : i32
        %get3A_930 = arith.index_cast %add3A_929 : i32 to index
        %get3A_931 = arith.constant 48 : index
        %get3A_932 = tpu.vector_load %arg8[%get3A_930, %get3A_931] {strides = array<i32>} : memref<200x64xf32, #tpu.memory_space<vmem>>, vector<1x16xf32>,
        %get3A_933 = vector.shape_cast %get3A_932 : vector<1x16xf32> to vector<16xf32>
        %add3A_934 = arith.addf %get3A_927, %get3A_933 : vector<16xf32>
        %swap3A_935 = arith.constant 0 : i32
        %swap3A_936 = arith.constant 0 : i32
        %swap3A_937 = tpu.memref_slice %arg7[%scan3A_174, %swap3A_935, %swap3A_936] : memref<4x104x128xf32, #tpu.memory_space<vmem>> -> memref<1x104x128xf32, #tpu.memory_space<vmem>>
        %swap3A_938 = tpu.memref_squeeze %swap3A_937 : memref<1x104x128xf32, #tpu.memory_space<vmem>> -> memref<104x128xf32, #tpu.memory_space<vmem>>
        %swap3A_939 = arith.index_cast %add3A_847 : i32 to index
        %swap3A_940 = arith.constant 48 : index
        %swap3A_941 = tpu.vector_load %swap3A_938[%swap3A_939, %swap3A_940] {strides = array<i32>} : memref<104x128xf32, #tpu.memory_space<vmem>>, vector<1x16xf32>,
        %swap3A_942 = vector.shape_cast %swap3A_941 : vector<1x16xf32> to vector<16xf32>
        %swap3A_943 = vector.shape_cast %add3A_934 : vector<16xf32> to vector<1x16xf32>
        tpu.vector_store %swap3A_938[%swap3A_939, %swap3A_940], %swap3A_943 {strides = array<i32>} : memref<104x128xf32, #tpu.memory_space<vmem>>, vector<1x16xf32>,
        %scan3A_944 = arith.constant 6 : i32
        %scan3A_945 = arith.addi %scan3A_335, %scan3A_944 : i32
        %mul3A_946 = arith.constant 1 : i32
        %mul3A_947 = arith.muli %scan3A_945, %mul3A_946 : i32
        %add3A_948 = arith.constant 0 : i32
        %add3A_949 = arith.addi %add3A_948, %mul3A_947 : i32
        %get3A_950 = arith.constant 0 : i32
        %get3A_951 = arith.constant 0 : i32
        %get3A_952 = tpu.memref_slice %arg7[%scan3A_174, %get3A_950, %get3A_951] : memref<4x104x128xf32, #tpu.memory_space<vmem>> -> memref<1x104x128xf32, #tpu.memory_space<vmem>>
        %get3A_953 = tpu.memref_squeeze %get3A_952 : memref<1x104x128xf32, #tpu.memory_space<vmem>> -> memref<104x128xf32, #tpu.memory_space<vmem>>
        %get3A_954 = arith.index_cast %add3A_949 : i32 to index
        %get3A_955 = arith.constant 0 : index
        %get3A_956 = tpu.vector_load %get3A_953[%get3A_954, %get3A_955] {strides = array<i32>} : memref<104x128xf32, #tpu.memory_space<vmem>>, vector<1x16xf32>,
        %get3A_957 = vector.shape_cast %get3A_956 : vector<1x16xf32> to vector<16xf32>
        %add3A_958 = arith.constant 104 : i32
        %add3A_959 = arith.addi %add3A_958, %add3A_949 : i32
        %get3A_960 = arith.index_cast %add3A_959 : i32 to index
        %get3A_961 = arith.constant 0 : index
        %get3A_962 = tpu.vector_load %arg8[%get3A_960, %get3A_961] {strides = array<i32>} : memref<200x64xf32, #tpu.memory_space<vmem>>, vector<1x16xf32>,
        %get3A_963 = vector.shape_cast %get3A_962 : vector<1x16xf32> to vector<16xf32>
        %add3A_964 = arith.addf %get3A_957, %get3A_963 : vector<16xf32>
        %swap3A_965 = arith.constant 0 : i32
        %swap3A_966 = arith.constant 0 : i32
        %swap3A_967 = tpu.memref_slice %arg7[%scan3A_174, %swap3A_965, %swap3A_966] : memref<4x104x128xf32, #tpu.memory_space<vmem>> -> memref<1x104x128xf32, #tpu.memory_space<vmem>>
        %swap3A_968 = tpu.memref_squeeze %swap3A_967 : memref<1x104x128xf32, #tpu.memory_space<vmem>> -> memref<104x128xf32, #tpu.memory_space<vmem>>
        %swap3A_969 = arith.index_cast %add3A_949 : i32 to index
        %swap3A_970 = arith.constant 0 : index
        %swap3A_971 = tpu.vector_load %swap3A_968[%swap3A_969, %swap3A_970] {strides = array<i32>} : memref<104x128xf32, #tpu.memory_space<vmem>>, vector<1x16xf32>,
        %swap3A_972 = vector.shape_cast %swap3A_971 : vector<1x16xf32> to vector<16xf32>
        %swap3A_973 = vector.shape_cast %add3A_964 : vector<16xf32> to vector<1x16xf32>
        tpu.vector_store %swap3A_968[%swap3A_969, %swap3A_970], %swap3A_973 {strides = array<i32>} : memref<104x128xf32, #tpu.memory_space<vmem>>, vector<1x16xf32>,
        %get3A_974 = arith.constant 0 : i32
        %get3A_975 = arith.constant 0 : i32
        %get3A_976 = tpu.memref_slice %arg7[%scan3A_174, %get3A_974, %get3A_975] : memref<4x104x128xf32, #tpu.memory_space<vmem>> -> memref<1x104x128xf32, #tpu.memory_space<vmem>>
        %get3A_977 = tpu.memref_squeeze %get3A_976 : memref<1x104x128xf32, #tpu.memory_space<vmem>> -> memref<104x128xf32, #tpu.memory_space<vmem>>
        %get3A_978 = arith.index_cast %add3A_949 : i32 to index
        %get3A_979 = arith.constant 16 : index
        %get3A_980 = tpu.vector_load %get3A_977[%get3A_978, %get3A_979] {strides = array<i32>} : memref<104x128xf32, #tpu.memory_space<vmem>>, vector<1x16xf32>,
        %get3A_981 = vector.shape_cast %get3A_980 : vector<1x16xf32> to vector<16xf32>
        %add3A_982 = arith.constant 104 : i32
        %add3A_983 = arith.addi %add3A_982, %add3A_949 : i32
        %get3A_984 = arith.index_cast %add3A_983 : i32 to index
        %get3A_985 = arith.constant 16 : index
        %get3A_986 = tpu.vector_load %arg8[%get3A_984, %get3A_985] {strides = array<i32>} : memref<200x64xf32, #tpu.memory_space<vmem>>, vector<1x16xf32>,
        %get3A_987 = vector.shape_cast %get3A_986 : vector<1x16xf32> to vector<16xf32>
        %add3A_988 = arith.addf %get3A_981, %get3A_987 : vector<16xf32>
        %swap3A_989 = arith.constant 0 : i32
        %swap3A_990 = arith.constant 0 : i32
        %swap3A_991 = tpu.memref_slice %arg7[%scan3A_174, %swap3A_989, %swap3A_990] : memref<4x104x128xf32, #tpu.memory_space<vmem>> -> memref<1x104x128xf32, #tpu.memory_space<vmem>>
        %swap3A_992 = tpu.memref_squeeze %swap3A_991 : memref<1x104x128xf32, #tpu.memory_space<vmem>> -> memref<104x128xf32, #tpu.memory_space<vmem>>
        %swap3A_993 = arith.index_cast %add3A_949 : i32 to index
        %swap3A_994 = arith.constant 16 : index
        %swap3A_995 = tpu.vector_load %swap3A_992[%swap3A_993, %swap3A_994] {strides = array<i32>} : memref<104x128xf32, #tpu.memory_space<vmem>>, vector<1x16xf32>,
        %swap3A_996 = vector.shape_cast %swap3A_995 : vector<1x16xf32> to vector<16xf32>
        %swap3A_997 = vector.shape_cast %add3A_988 : vector<16xf32> to vector<1x16xf32>
        tpu.vector_store %swap3A_992[%swap3A_993, %swap3A_994], %swap3A_997 {strides = array<i32>} : memref<104x128xf32, #tpu.memory_space<vmem>>, vector<1x16xf32>,
        %get3A_998 = arith.constant 0 : i32
        %get3A_999 = arith.constant 0 : i32
        %get3A_1000 = tpu.memref_slice %arg7[%scan3A_174, %get3A_998, %get3A_999] : memref<4x104x128xf32, #tpu.memory_space<vmem>> -> memref<1x104x128xf32, #tpu.memory_space<vmem>>
        %get3A_1001 = tpu.memref_squeeze %get3A_1000 : memref<1x104x128xf32, #tpu.memory_space<vmem>> -> memref<104x128xf32, #tpu.memory_space<vmem>>
        %get3A_1002 = arith.index_cast %add3A_949 : i32 to index
        %get3A_1003 = arith.constant 32 : index
        %get3A_1004 = tpu.vector_load %get3A_1001[%get3A_1002, %get3A_1003] {strides = array<i32>} : memref<104x128xf32, #tpu.memory_space<vmem>>, vector<1x16xf32>,
        %get3A_1005 = vector.shape_cast %get3A_1004 : vector<1x16xf32> to vector<16xf32>
        %add3A_1006 = arith.constant 104 : i32
        %add3A_1007 = arith.addi %add3A_1006, %add3A_949 : i32
        %get3A_1008 = arith.index_cast %add3A_1007 : i32 to index
        %get3A_1009 = arith.constant 32 : index
        %get3A_1010 = tpu.vector_load %arg8[%get3A_1008, %get3A_1009] {strides = array<i32>} : memref<200x64xf32, #tpu.memory_space<vmem>>, vector<1x16xf32>,
        %get3A_1011 = vector.shape_cast %get3A_1010 : vector<1x16xf32> to vector<16xf32>
        %add3A_1012 = arith.addf %get3A_1005, %get3A_1011 : vector<16xf32>
        %swap3A_1013 = arith.constant 0 : i32
        %swap3A_1014 = arith.constant 0 : i32
        %swap3A_1015 = tpu.memref_slice %arg7[%scan3A_174, %swap3A_1013, %swap3A_1014] : memref<4x104x128xf32, #tpu.memory_space<vmem>> -> memref<1x104x128xf32, #tpu.memory_space<vmem>>
        %swap3A_1016 = tpu.memref_squeeze %swap3A_1015 : memref<1x104x128xf32, #tpu.memory_space<vmem>> -> memref<104x128xf32, #tpu.memory_space<vmem>>
        %swap3A_1017 = arith.index_cast %add3A_949 : i32 to index
        %swap3A_1018 = arith.constant 32 : index
        %swap3A_1019 = tpu.vector_load %swap3A_1016[%swap3A_1017, %swap3A_1018] {strides = array<i32>} : memref<104x128xf32, #tpu.memory_space<vmem>>, vector<1x16xf32>,
        %swap3A_1020 = vector.shape_cast %swap3A_1019 : vector<1x16xf32> to vector<16xf32>
        %swap3A_1021 = vector.shape_cast %add3A_1012 : vector<16xf32> to vector<1x16xf32>
        tpu.vector_store %swap3A_1016[%swap3A_1017, %swap3A_1018], %swap3A_1021 {strides = array<i32>} : memref<104x128xf32, #tpu.memory_space<vmem>>, vector<1x16xf32>,
        %get3A_1022 = arith.constant 0 : i32
        %get3A_1023 = arith.constant 0 : i32
        %get3A_1024 = tpu.memref_slice %arg7[%scan3A_174, %get3A_1022, %get3A_1023] : memref<4x104x128xf32, #tpu.memory_space<vmem>> -> memref<1x104x128xf32, #tpu.memory_space<vmem>>
        %get3A_1025 = tpu.memref_squeeze %get3A_1024 : memref<1x104x128xf32, #tpu.memory_space<vmem>> -> memref<104x128xf32, #tpu.memory_space<vmem>>
        %get3A_1026 = arith.index_cast %add3A_949 : i32 to index
        %get3A_1027 = arith.constant 48 : index
        %get3A_1028 = tpu.vector_load %get3A_1025[%get3A_1026, %get3A_1027] {strides = array<i32>} : memref<104x128xf32, #tpu.memory_space<vmem>>, vector<1x16xf32>,
        %get3A_1029 = vector.shape_cast %get3A_1028 : vector<1x16xf32> to vector<16xf32>
        %add3A_1030 = arith.constant 104 : i32
        %add3A_1031 = arith.addi %add3A_1030, %add3A_949 : i32
        %get3A_1032 = arith.index_cast %add3A_1031 : i32 to index
        %get3A_1033 = arith.constant 48 : index
        %get3A_1034 = tpu.vector_load %arg8[%get3A_1032, %get3A_1033] {strides = array<i32>} : memref<200x64xf32, #tpu.memory_space<vmem>>, vector<1x16xf32>,
        %get3A_1035 = vector.shape_cast %get3A_1034 : vector<1x16xf32> to vector<16xf32>
        %add3A_1036 = arith.addf %get3A_1029, %get3A_1035 : vector<16xf32>
        %swap3A_1037 = arith.constant 0 : i32
        %swap3A_1038 = arith.constant 0 : i32
        %swap3A_1039 = tpu.memref_slice %arg7[%scan3A_174, %swap3A_1037, %swap3A_1038] : memref<4x104x128xf32, #tpu.memory_space<vmem>> -> memref<1x104x128xf32, #tpu.memory_space<vmem>>
        %swap3A_1040 = tpu.memref_squeeze %swap3A_1039 : memref<1x104x128xf32, #tpu.memory_space<vmem>> -> memref<104x128xf32, #tpu.memory_space<vmem>>
        %swap3A_1041 = arith.index_cast %add3A_949 : i32 to index
        %swap3A_1042 = arith.constant 48 : index
        %swap3A_1043 = tpu.vector_load %swap3A_1040[%swap3A_1041, %swap3A_1042] {strides = array<i32>} : memref<104x128xf32, #tpu.memory_space<vmem>>, vector<1x16xf32>,
        %swap3A_1044 = vector.shape_cast %swap3A_1043 : vector<1x16xf32> to vector<16xf32>
        %swap3A_1045 = vector.shape_cast %add3A_1036 : vector<16xf32> to vector<1x16xf32>
        tpu.vector_store %swap3A_1040[%swap3A_1041, %swap3A_1042], %swap3A_1045 {strides = array<i32>} : memref<104x128xf32, #tpu.memory_space<vmem>>, vector<1x16xf32>,
        %scan3A_1046 = arith.constant 7 : i32
        %scan3A_1047 = arith.addi %scan3A_335, %scan3A_1046 : i32
        %mul3A_1048 = arith.constant 1 : i32
        %mul3A_1049 = arith.muli %scan3A_1047, %mul3A_1048 : i32
        %add3A_1050 = arith.constant 0 : i32
        %add3A_1051 = arith.addi %add3A_1050, %mul3A_1049 : i32
        %get3A_1052 = arith.constant 0 : i32
        %get3A_1053 = arith.constant 0 : i32
        %get3A_1054 = tpu.memref_slice %arg7[%scan3A_174, %get3A_1052, %get3A_1053] : memref<4x104x128xf32, #tpu.memory_space<vmem>> -> memref<1x104x128xf32, #tpu.memory_space<vmem>>
        %get3A_1055 = tpu.memref_squeeze %get3A_1054 : memref<1x104x128xf32, #tpu.memory_space<vmem>> -> memref<104x128xf32, #tpu.memory_space<vmem>>
        %get3A_1056 = arith.index_cast %add3A_1051 : i32 to index
        %get3A_1057 = arith.constant 0 : index
        %get3A_1058 = tpu.vector_load %get3A_1055[%get3A_1056, %get3A_1057] {strides = array<i32>} : memref<104x128xf32, #tpu.memory_space<vmem>>, vector<1x16xf32>,
        %get3A_1059 = vector.shape_cast %get3A_1058 : vector<1x16xf32> to vector<16xf32>
        %add3A_1060 = arith.constant 104 : i32
        %add3A_1061 = arith.addi %add3A_1060, %add3A_1051 : i32
        %get3A_1062 = arith.index_cast %add3A_1061 : i32 to index
        %get3A_1063 = arith.constant 0 : index
        %get3A_1064 = tpu.vector_load %arg8[%get3A_1062, %get3A_1063] {strides = array<i32>} : memref<200x64xf32, #tpu.memory_space<vmem>>, vector<1x16xf32>,
        %get3A_1065 = vector.shape_cast %get3A_1064 : vector<1x16xf32> to vector<16xf32>
        %add3A_1066 = arith.addf %get3A_1059, %get3A_1065 : vector<16xf32>
        %swap3A_1067 = arith.constant 0 : i32
        %swap3A_1068 = arith.constant 0 : i32
        %swap3A_1069 = tpu.memref_slice %arg7[%scan3A_174, %swap3A_1067, %swap3A_1068] : memref<4x104x128xf32, #tpu.memory_space<vmem>> -> memref<1x104x128xf32, #tpu.memory_space<vmem>>
        %swap3A_1070 = tpu.memref_squeeze %swap3A_1069 : memref<1x104x128xf32, #tpu.memory_space<vmem>> -> memref<104x128xf32, #tpu.memory_space<vmem>>
        %swap3A_1071 = arith.index_cast %add3A_1051 : i32 to index
        %swap3A_1072 = arith.constant 0 : index
        %swap3A_1073 = tpu.vector_load %swap3A_1070[%swap3A_1071, %swap3A_1072] {strides = array<i32>} : memref<104x128xf32, #tpu.memory_space<vmem>>, vector<1x16xf32>,
        %swap3A_1074 = vector.shape_cast %swap3A_1073 : vector<1x16xf32> to vector<16xf32>
        %swap3A_1075 = vector.shape_cast %add3A_1066 : vector<16xf32> to vector<1x16xf32>
        tpu.vector_store %swap3A_1070[%swap3A_1071, %swap3A_1072], %swap3A_1075 {strides = array<i32>} : memref<104x128xf32, #tpu.memory_space<vmem>>, vector<1x16xf32>,
        %get3A_1076 = arith.constant 0 : i32
        %get3A_1077 = arith.constant 0 : i32
        %get3A_1078 = tpu.memref_slice %arg7[%scan3A_174, %get3A_1076, %get3A_1077] : memref<4x104x128xf32, #tpu.memory_space<vmem>> -> memref<1x104x128xf32, #tpu.memory_space<vmem>>
        %get3A_1079 = tpu.memref_squeeze %get3A_1078 : memref<1x104x128xf32, #tpu.memory_space<vmem>> -> memref<104x128xf32, #tpu.memory_space<vmem>>
        %get3A_1080 = arith.index_cast %add3A_1051 : i32 to index
        %get3A_1081 = arith.constant 16 : index
        %get3A_1082 = tpu.vector_load %get3A_1079[%get3A_1080, %get3A_1081] {strides = array<i32>} : memref<104x128xf32, #tpu.memory_space<vmem>>, vector<1x16xf32>,
        %get3A_1083 = vector.shape_cast %get3A_1082 : vector<1x16xf32> to vector<16xf32>
        %add3A_1084 = arith.constant 104 : i32
        %add3A_1085 = arith.addi %add3A_1084, %add3A_1051 : i32
        %get3A_1086 = arith.index_cast %add3A_1085 : i32 to index
        %get3A_1087 = arith.constant 16 : index
        %get3A_1088 = tpu.vector_load %arg8[%get3A_1086, %get3A_1087] {strides = array<i32>} : memref<200x64xf32, #tpu.memory_space<vmem>>, vector<1x16xf32>,
        %get3A_1089 = vector.shape_cast %get3A_1088 : vector<1x16xf32> to vector<16xf32>
        %add3A_1090 = arith.addf %get3A_1083, %get3A_1089 : vector<16xf32>
        %swap3A_1091 = arith.constant 0 : i32
        %swap3A_1092 = arith.constant 0 : i32
        %swap3A_1093 = tpu.memref_slice %arg7[%scan3A_174, %swap3A_1091, %swap3A_1092] : memref<4x104x128xf32, #tpu.memory_space<vmem>> -> memref<1x104x128xf32, #tpu.memory_space<vmem>>
        %swap3A_1094 = tpu.memref_squeeze %swap3A_1093 : memref<1x104x128xf32, #tpu.memory_space<vmem>> -> memref<104x128xf32, #tpu.memory_space<vmem>>
        %swap3A_1095 = arith.index_cast %add3A_1051 : i32 to index
        %swap3A_1096 = arith.constant 16 : index
        %swap3A_1097 = tpu.vector_load %swap3A_1094[%swap3A_1095, %swap3A_1096] {strides = array<i32>} : memref<104x128xf32, #tpu.memory_space<vmem>>, vector<1x16xf32>,
        %swap3A_1098 = vector.shape_cast %swap3A_1097 : vector<1x16xf32> to vector<16xf32>
        %swap3A_1099 = vector.shape_cast %add3A_1090 : vector<16xf32> to vector<1x16xf32>
        tpu.vector_store %swap3A_1094[%swap3A_1095, %swap3A_1096], %swap3A_1099 {strides = array<i32>} : memref<104x128xf32, #tpu.memory_space<vmem>>, vector<1x16xf32>,
        %get3A_1100 = arith.constant 0 : i32
        %get3A_1101 = arith.constant 0 : i32
        %get3A_1102 = tpu.memref_slice %arg7[%scan3A_174, %get3A_1100, %get3A_1101] : memref<4x104x128xf32, #tpu.memory_space<vmem>> -> memref<1x104x128xf32, #tpu.memory_space<vmem>>
        %get3A_1103 = tpu.memref_squeeze %get3A_1102 : memref<1x104x128xf32, #tpu.memory_space<vmem>> -> memref<104x128xf32, #tpu.memory_space<vmem>>
        %get3A_1104 = arith.index_cast %add3A_1051 : i32 to index
        %get3A_1105 = arith.constant 32 : index
        %get3A_1106 = tpu.vector_load %get3A_1103[%get3A_1104, %get3A_1105] {strides = array<i32>} : memref<104x128xf32, #tpu.memory_space<vmem>>, vector<1x16xf32>,
        %get3A_1107 = vector.shape_cast %get3A_1106 : vector<1x16xf32> to vector<16xf32>
        %add3A_1108 = arith.constant 104 : i32
        %add3A_1109 = arith.addi %add3A_1108, %add3A_1051 : i32
        %get3A_1110 = arith.index_cast %add3A_1109 : i32 to index
        %get3A_1111 = arith.constant 32 : index
        %get3A_1112 = tpu.vector_load %arg8[%get3A_1110, %get3A_1111] {strides = array<i32>} : memref<200x64xf32, #tpu.memory_space<vmem>>, vector<1x16xf32>,
        %get3A_1113 = vector.shape_cast %get3A_1112 : vector<1x16xf32> to vector<16xf32>
        %add3A_1114 = arith.addf %get3A_1107, %get3A_1113 : vector<16xf32>
        %swap3A_1115 = arith.constant 0 : i32
        %swap3A_1116 = arith.constant 0 : i32
        %swap3A_1117 = tpu.memref_slice %arg7[%scan3A_174, %swap3A_1115, %swap3A_1116] : memref<4x104x128xf32, #tpu.memory_space<vmem>> -> memref<1x104x128xf32, #tpu.memory_space<vmem>>
        %swap3A_1118 = tpu.memref_squeeze %swap3A_1117 : memref<1x104x128xf32, #tpu.memory_space<vmem>> -> memref<104x128xf32, #tpu.memory_space<vmem>>
        %swap3A_1119 = arith.index_cast %add3A_1051 : i32 to index
        %swap3A_1120 = arith.constant 32 : index
        %swap3A_1121 = tpu.vector_load %swap3A_1118[%swap3A_1119, %swap3A_1120] {strides = array<i32>} : memref<104x128xf32, #tpu.memory_space<vmem>>, vector<1x16xf32>,
        %swap3A_1122 = vector.shape_cast %swap3A_1121 : vector<1x16xf32> to vector<16xf32>
        %swap3A_1123 = vector.shape_cast %add3A_1114 : vector<16xf32> to vector<1x16xf32>
        tpu.vector_store %swap3A_1118[%swap3A_1119, %swap3A_1120], %swap3A_1123 {strides = array<i32>} : memref<104x128xf32, #tpu.memory_space<vmem>>, vector<1x16xf32>,
        %get3A_1124 = arith.constant 0 : i32
        %get3A_1125 = arith.constant 0 : i32
        %get3A_1126 = tpu.memref_slice %arg7[%scan3A_174, %get3A_1124, %get3A_1125] : memref<4x104x128xf32, #tpu.memory_space<vmem>> -> memref<1x104x128xf32, #tpu.memory_space<vmem>>
        %get3A_1127 = tpu.memref_squeeze %get3A_1126 : memref<1x104x128xf32, #tpu.memory_space<vmem>> -> memref<104x128xf32, #tpu.memory_space<vmem>>
        %get3A_1128 = arith.index_cast %add3A_1051 : i32 to index
        %get3A_1129 = arith.constant 48 : index
        %get3A_1130 = tpu.vector_load %get3A_1127[%get3A_1128, %get3A_1129] {strides = array<i32>} : memref<104x128xf32, #tpu.memory_space<vmem>>, vector<1x16xf32>,
        %get3A_1131 = vector.shape_cast %get3A_1130 : vector<1x16xf32> to vector<16xf32>
        %add3A_1132 = arith.constant 104 : i32
        %add3A_1133 = arith.addi %add3A_1132, %add3A_1051 : i32
        %get3A_1134 = arith.index_cast %add3A_1133 : i32 to index
        %get3A_1135 = arith.constant 48 : index
        %get3A_1136 = tpu.vector_load %arg8[%get3A_1134, %get3A_1135] {strides = array<i32>} : memref<200x64xf32, #tpu.memory_space<vmem>>, vector<1x16xf32>,
        %get3A_1137 = vector.shape_cast %get3A_1136 : vector<1x16xf32> to vector<16xf32>
        %add3A_1138 = arith.addf %get3A_1131, %get3A_1137 : vector<16xf32>
        %swap3A_1139 = arith.constant 0 : i32
        %swap3A_1140 = arith.constant 0 : i32
        %swap3A_1141 = tpu.memref_slice %arg7[%scan3A_174, %swap3A_1139, %swap3A_1140] : memref<4x104x128xf32, #tpu.memory_space<vmem>> -> memref<1x104x128xf32, #tpu.memory_space<vmem>>
        %swap3A_1142 = tpu.memref_squeeze %swap3A_1141 : memref<1x104x128xf32, #tpu.memory_space<vmem>> -> memref<104x128xf32, #tpu.memory_space<vmem>>
        %swap3A_1143 = arith.index_cast %add3A_1051 : i32 to index
        %swap3A_1144 = arith.constant 48 : index
        %swap3A_1145 = tpu.vector_load %swap3A_1142[%swap3A_1143, %swap3A_1144] {strides = array<i32>} : memref<104x128xf32, #tpu.memory_space<vmem>>, vector<1x16xf32>,
        %swap3A_1146 = vector.shape_cast %swap3A_1145 : vector<1x16xf32> to vector<16xf32>
        %swap3A_1147 = vector.shape_cast %add3A_1138 : vector<16xf32> to vector<1x16xf32>
        tpu.vector_store %swap3A_1142[%swap3A_1143, %swap3A_1144], %swap3A_1147 {strides = array<i32>} : memref<104x128xf32, #tpu.memory_space<vmem>>, vector<1x16xf32>,
      }
      %scan3A_179 = arith.constant 96 : i32
      %div3A_180 = arith.constant 2 : i32
      %div3A_181 = arith.divsi %add3A_138, %div3A_180 : i32
      %add3A_182 = arith.addi %mul3A_2, %div3A_181 : i32
      %dma_start3A_183 = arith.constant 1 : i32
      %dma_start3A_184 = arith.constant 0 : i32
      %dma_start3A_185 = arith.constant 0 : i32
      %dma_start3A_186 = tpu.memref_slice %arg7[%dma_start3A_183, %dma_start3A_184, %dma_start3A_185] : memref<4x104x128xf32, #tpu.memory_space<vmem>> -> memref<1x96x128xf32, #tpu.memory_space<vmem>>
      %dma_start3A_187 = tpu.memref_squeeze %dma_start3A_186 : memref<1x96x128xf32, #tpu.memory_space<vmem>> -> memref<96x128xf32, #tpu.memory_space<vmem>>
      %dma_start3A_188 = arith.constant 104 : i32
      %dma_start3A_189 = arith.constant 0 : i32
      %dma_start3A_190 = tpu.memref_slice %arg5[%add3A_182, %dma_start3A_188, %dma_start3A_189] : memref<4096x200x128xf32, #tpu.memory_space<hbm>> -> memref<1x96x128xf32, #tpu.memory_space<hbm>>
      %dma_start3A_191 = tpu.memref_squeeze %dma_start3A_190 : memref<1x96x128xf32, #tpu.memory_space<hbm>> -> memref<96x128xf32, #tpu.memory_space<hbm>>
      %dma_start3A_192 = arith.constant 104 : i32
      %dma_start3A_193 = arith.constant 0 : i32
      %dma_start3A_194 = tpu.memref_slice %arg5[%add3A_182, %dma_start3A_192, %dma_start3A_193] : memref<4096x200x128xf32, #tpu.memory_space<hbm>> -> memref<1x96x128xf32, #tpu.memory_space<hbm>>
      %dma_start3A_195 = tpu.memref_squeeze %dma_start3A_194 : memref<1x96x128xf32, #tpu.memory_space<hbm>> -> memref<96x128xf32, #tpu.memory_space<hbm>>
      %dma_start3A_196 = arith.constant 0 : i32
      %dma_start3A_197 = arith.constant 0 : i32
      %dma_start3A_198 = tpu.memref_slice %arg7[%dma_start3A_183, %dma_start3A_196, %dma_start3A_197] : memref<4x104x128xf32, #tpu.memory_space<vmem>> -> memref<1x96x128xf32, #tpu.memory_space<vmem>>
      %dma_start3A_199 = tpu.memref_squeeze %dma_start3A_198 : memref<1x96x128xf32, #tpu.memory_space<vmem>> -> memref<96x128xf32, #tpu.memory_space<vmem>>
      tpu.enqueue_dma source(%dma_start3A_199 : memref<96x128xf32, #tpu.memory_space<vmem>>) target(%dma_start3A_195 : memref<96x128xf32, #tpu.memory_space<hbm>>) target_semaphore(%arg14 : memref<!tpu.dma_semaphore, #tpu.memory_space<semaphore_mem>>)
      %mul3A_200 = arith.constant 4 : i32
      %mul3A_201 = arith.muli %add3A_72, %mul3A_200 : i32
      %add3A_202 = arith.constant 2 : i32
      %add3A_203 = arith.addi %mul3A_201, %add3A_202 : i32
      %dma_wait3A_204 = arith.constant 2 : i32
      %dma_wait3A_205 = arith.constant 0 : i32
      %dma_wait3A_206 = arith.constant 0 : i32
      %dma_wait3A_207 = tpu.memref_slice %arg7[%dma_wait3A_204, %dma_wait3A_205, %dma_wait3A_206] : memref<4x104x128xf32, #tpu.memory_space<vmem>> -> memref<1x104x128xf32, #tpu.memory_space<vmem>>
      %dma_wait3A_208 = tpu.memref_squeeze %dma_wait3A_207 : memref<1x104x128xf32, #tpu.memory_space<vmem>> -> memref<104x128xf32, #tpu.memory_space<vmem>>
      %dma_wait3A_209 = arith.constant 0 : i32
      %dma_wait3A_210 = arith.constant 0 : i32
      %dma_wait3A_211 = tpu.memref_slice %arg3[%dma_wait3A_209, %dma_wait3A_210] : memref<1000001x128xf32, #tpu.memory_space<hbm>> -> memref<104x128xf32, #tpu.memory_space<hbm>>
      %dma_wait3A_212 = arith.constant 0 : i32
      %dma_wait3A_213 = arith.constant 0 : i32
      %dma_wait3A_214 = tpu.memref_slice %arg7[%dma_wait3A_204, %dma_wait3A_212, %dma_wait3A_213] : memref<4x104x128xf32, #tpu.memory_space<vmem>> -> memref<1x104x128xf32, #tpu.memory_space<vmem>>
      %dma_wait3A_215 = tpu.memref_squeeze %dma_wait3A_214 : memref<1x104x128xf32, #tpu.memory_space<vmem>> -> memref<104x128xf32, #tpu.memory_space<vmem>>
      %dma_wait3A_216 = arith.constant 0 : i32
      %dma_wait3A_217 = arith.constant 0 : i32
      %dma_wait3A_218 = tpu.memref_slice %arg3[%dma_wait3A_216, %dma_wait3A_217] : memref<1000001x128xf32, #tpu.memory_space<hbm>> -> memref<104x128xf32, #tpu.memory_space<hbm>>
      tpu.wait_dma2 semaphore(%arg11 : memref<!tpu.dma_semaphore, #tpu.memory_space<semaphore_mem>>) src(%dma_wait3A_218 : memref<104x128xf32, #tpu.memory_space<hbm>>) dst(%dma_wait3A_215 : memref<104x128xf32, #tpu.memory_space<vmem>>)
      %dma_wait3A_219 = arith.constant 0 : i32
      %dma_wait3A_220 = arith.constant 0 : i32
      %dma_wait3A_221 = arith.constant 0 : i32
      %dma_wait3A_222 = arith.constant 0 : i32
      %dma_wait3A_223 = tpu.memref_slice %arg7[%dma_wait3A_219, %dma_wait3A_221, %dma_wait3A_222] : memref<4x104x128xf32, #tpu.memory_space<vmem>> -> memref<1x104x128xf32, #tpu.memory_space<vmem>>
      %dma_wait3A_224 = tpu.memref_squeeze %dma_wait3A_223 : memref<1x104x128xf32, #tpu.memory_space<vmem>> -> memref<104x128xf32, #tpu.memory_space<vmem>>
      %dma_wait3A_225 = arith.constant 0 : i32
      %dma_wait3A_226 = arith.constant 0 : i32
      %dma_wait3A_227 = tpu.memref_slice %arg5[%dma_wait3A_220, %dma_wait3A_225, %dma_wait3A_226] : memref<4096x200x128xf32, #tpu.memory_space<hbm>> -> memref<1x104x128xf32, #tpu.memory_space<hbm>>
      %dma_wait3A_228 = tpu.memref_squeeze %dma_wait3A_227 : memref<1x104x128xf32, #tpu.memory_space<hbm>> -> memref<104x128xf32, #tpu.memory_space<hbm>>
      %dma_wait3A_229 = arith.constant 0 : i32
      %dma_wait3A_230 = arith.constant 0 : i32
      %dma_wait3A_231 = tpu.memref_slice %arg5[%dma_wait3A_220, %dma_wait3A_229, %dma_wait3A_230] : memref<4096x200x128xf32, #tpu.memory_space<hbm>> -> memref<1x104x128xf32, #tpu.memory_space<hbm>>
      %dma_wait3A_232 = tpu.memref_squeeze %dma_wait3A_231 : memref<1x104x128xf32, #tpu.memory_space<hbm>> -> memref<104x128xf32, #tpu.memory_space<hbm>>
      %dma_wait3A_233 = arith.constant 0 : i32
      %dma_wait3A_234 = arith.constant 0 : i32
      %dma_wait3A_235 = tpu.memref_slice %arg7[%dma_wait3A_219, %dma_wait3A_233, %dma_wait3A_234] : memref<4x104x128xf32, #tpu.memory_space<vmem>> -> memref<1x104x128xf32, #tpu.memory_space<vmem>>
      %dma_wait3A_236 = tpu.memref_squeeze %dma_wait3A_235 : memref<1x104x128xf32, #tpu.memory_space<vmem>> -> memref<104x128xf32, #tpu.memory_space<vmem>>
      tpu.wait_dma2 semaphore(%arg13 : memref<!tpu.dma_semaphore, #tpu.memory_space<semaphore_mem>>) src(%dma_wait3A_236 : memref<104x128xf32, #tpu.memory_space<vmem>>) dst(%dma_wait3A_232 : memref<104x128xf32, #tpu.memory_space<hbm>>)
      %lt3A = arith.constant 63 : i32
      %lt3A_237 = arith.cmpi slt, %add3A_72, %lt3A : i32
      %convert_element_type3A_238 = arith.extui %lt3A_237 : i1 to i32
      %cond3A_239 = arith.constant 0 : i32
      %cond3A_240 = arith.cmpi ne, %convert_element_type3A_238, %cond3A_239 : i32
      scf.if %cond3A_240 {
        %add3A_335 = arith.constant 2 : i32
        %add3A_336 = arith.addi %add3A_203, %add3A_335 : i32
        %div3A_337 = arith.constant 2 : i32
        %div3A_338 = arith.divsi %add3A_336, %div3A_337 : i32
        %dma_start3A_339 = arith.constant 0 : i32
        %dma_start3A_340 = arith.constant 0 : i32
        %dma_start3A_341 = arith.constant 0 : i32
        %dma_start3A_342 = tpu.memref_slice %arg7[%dma_start3A_339, %dma_start3A_340, %dma_start3A_341] : memref<4x104x128xf32, #tpu.memory_space<vmem>> -> memref<1x104x128xf32, #tpu.memory_space<vmem>>
        %dma_start3A_343 = tpu.memref_squeeze %dma_start3A_342 : memref<1x104x128xf32, #tpu.memory_space<vmem>> -> memref<104x128xf32, #tpu.memory_space<vmem>>
        %dma_start3A_344 = arith.constant 0 : i32
        %dma_start3A_345 = tpu.memref_slice %arg6[%div3A_338, %dma_start3A_344] : memref<128x200xi32, #tpu.memory_space<vmem>> -> memref<1x104xi32, #tpu.memory_space<vmem>>
        %dma_start3A_346 = tpu.memref_squeeze %dma_start3A_345 : memref<1x104xi32, #tpu.memory_space<vmem>> -> memref<104xi32, #tpu.memory_space<vmem>>
        %dma_start3A_347 = arith.constant 0 : i32
        %dma_start3A_348 = arith.constant 0 : i32
        %dma_start3A_349 = tpu.memref_slice %arg3[%dma_start3A_347, %dma_start3A_348] : memref<1000001x128xf32, #tpu.memory_space<hbm>> -> memref<1000001x128xf32, #tpu.memory_space<hbm>>
        tpu.enqueue_indirect_dma source(%dma_start3A_349 : memref<1000001x128xf32, #tpu.memory_space<hbm>>) target(%dma_start3A_343 : memref<104x128xf32, #tpu.memory_space<vmem>>) offsets(%dma_start3A_346 : memref<104xi32, #tpu.memory_space<vmem>>) semaphore(%arg9 : memref<!tpu.dma_semaphore, #tpu.memory_space<semaphore_mem>>)
      } else {
      }
      %scan3A_241 = arith.constant 2 : i32
      %scan3A_242 = arith.constant 0 : i32
      %scan3A_243 = arith.constant 104 : i32
      %scan3A_244 = arith.addi %scan3A_242, %scan3A_243 : i32
      %scan3A_245 = arith.constant 8 : i32
      scf.for %scan3A_335 = %scan3A_242 to %scan3A_244 step %scan3A_245  : i32 {
        %mul3A_336 = arith.constant 1 : i32
        %mul3A_337 = arith.muli %scan3A_335, %mul3A_336 : i32
        %add3A_338 = arith.constant 0 : i32
        %add3A_339 = arith.addi %add3A_338, %mul3A_337 : i32
        %get3A = arith.constant 0 : i32
        %get3A_340 = arith.constant 0 : i32
        %get3A_341 = tpu.memref_slice %arg7[%scan3A_241, %get3A, %get3A_340] : memref<4x104x128xf32, #tpu.memory_space<vmem>> -> memref<1x104x128xf32, #tpu.memory_space<vmem>>
        %get3A_342 = tpu.memref_squeeze %get3A_341 : memref<1x104x128xf32, #tpu.memory_space<vmem>> -> memref<104x128xf32, #tpu.memory_space<vmem>>
        %get3A_343 = arith.index_cast %add3A_339 : i32 to index
        %get3A_344 = arith.constant 0 : index
        %get3A_345 = tpu.vector_load %get3A_342[%get3A_343, %get3A_344] {strides = array<i32>} : memref<104x128xf32, #tpu.memory_space<vmem>>, vector<1x16xf32>,
        %get3A_346 = vector.shape_cast %get3A_345 : vector<1x16xf32> to vector<16xf32>
        %add3A_347 = arith.constant 0 : i32
        %add3A_348 = arith.addi %add3A_347, %add3A_339 : i32
        %get3A_349 = arith.index_cast %add3A_348 : i32 to index
        %get3A_350 = arith.constant 0 : index
        %get3A_351 = tpu.vector_load %arg8[%get3A_349, %get3A_350] {strides = array<i32>} : memref<200x64xf32, #tpu.memory_space<vmem>>, vector<1x16xf32>,
        %get3A_352 = vector.shape_cast %get3A_351 : vector<1x16xf32> to vector<16xf32>
        %add3A_353 = arith.addf %get3A_346, %get3A_352 : vector<16xf32>
        %swap3A = arith.constant 0 : i32
        %swap3A_354 = arith.constant 0 : i32
        %swap3A_355 = tpu.memref_slice %arg7[%scan3A_241, %swap3A, %swap3A_354] : memref<4x104x128xf32, #tpu.memory_space<vmem>> -> memref<1x104x128xf32, #tpu.memory_space<vmem>>
        %swap3A_356 = tpu.memref_squeeze %swap3A_355 : memref<1x104x128xf32, #tpu.memory_space<vmem>> -> memref<104x128xf32, #tpu.memory_space<vmem>>
        %swap3A_357 = arith.index_cast %add3A_339 : i32 to index
        %swap3A_358 = arith.constant 0 : index
        %swap3A_359 = tpu.vector_load %swap3A_356[%swap3A_357, %swap3A_358] {strides = array<i32>} : memref<104x128xf32, #tpu.memory_space<vmem>>, vector<1x16xf32>,
        %swap3A_360 = vector.shape_cast %swap3A_359 : vector<1x16xf32> to vector<16xf32>
        %swap3A_361 = vector.shape_cast %add3A_353 : vector<16xf32> to vector<1x16xf32>
        tpu.vector_store %swap3A_356[%swap3A_357, %swap3A_358], %swap3A_361 {strides = array<i32>} : memref<104x128xf32, #tpu.memory_space<vmem>>, vector<1x16xf32>,
        %get3A_362 = arith.constant 0 : i32
        %get3A_363 = arith.constant 0 : i32
        %get3A_364 = tpu.memref_slice %arg7[%scan3A_241, %get3A_362, %get3A_363] : memref<4x104x128xf32, #tpu.memory_space<vmem>> -> memref<1x104x128xf32, #tpu.memory_space<vmem>>
        %get3A_365 = tpu.memref_squeeze %get3A_364 : memref<1x104x128xf32, #tpu.memory_space<vmem>> -> memref<104x128xf32, #tpu.memory_space<vmem>>
        %get3A_366 = arith.index_cast %add3A_339 : i32 to index
        %get3A_367 = arith.constant 16 : index
        %get3A_368 = tpu.vector_load %get3A_365[%get3A_366, %get3A_367] {strides = array<i32>} : memref<104x128xf32, #tpu.memory_space<vmem>>, vector<1x16xf32>,
        %get3A_369 = vector.shape_cast %get3A_368 : vector<1x16xf32> to vector<16xf32>
        %add3A_370 = arith.constant 0 : i32
        %add3A_371 = arith.addi %add3A_370, %add3A_339 : i32
        %get3A_372 = arith.index_cast %add3A_371 : i32 to index
        %get3A_373 = arith.constant 16 : index
        %get3A_374 = tpu.vector_load %arg8[%get3A_372, %get3A_373] {strides = array<i32>} : memref<200x64xf32, #tpu.memory_space<vmem>>, vector<1x16xf32>,
        %get3A_375 = vector.shape_cast %get3A_374 : vector<1x16xf32> to vector<16xf32>
        %add3A_376 = arith.addf %get3A_369, %get3A_375 : vector<16xf32>
        %swap3A_377 = arith.constant 0 : i32
        %swap3A_378 = arith.constant 0 : i32
        %swap3A_379 = tpu.memref_slice %arg7[%scan3A_241, %swap3A_377, %swap3A_378] : memref<4x104x128xf32, #tpu.memory_space<vmem>> -> memref<1x104x128xf32, #tpu.memory_space<vmem>>
        %swap3A_380 = tpu.memref_squeeze %swap3A_379 : memref<1x104x128xf32, #tpu.memory_space<vmem>> -> memref<104x128xf32, #tpu.memory_space<vmem>>
        %swap3A_381 = arith.index_cast %add3A_339 : i32 to index
        %swap3A_382 = arith.constant 16 : index
        %swap3A_383 = tpu.vector_load %swap3A_380[%swap3A_381, %swap3A_382] {strides = array<i32>} : memref<104x128xf32, #tpu.memory_space<vmem>>, vector<1x16xf32>,
        %swap3A_384 = vector.shape_cast %swap3A_383 : vector<1x16xf32> to vector<16xf32>
        %swap3A_385 = vector.shape_cast %add3A_376 : vector<16xf32> to vector<1x16xf32>
        tpu.vector_store %swap3A_380[%swap3A_381, %swap3A_382], %swap3A_385 {strides = array<i32>} : memref<104x128xf32, #tpu.memory_space<vmem>>, vector<1x16xf32>,
        %get3A_386 = arith.constant 0 : i32
        %get3A_387 = arith.constant 0 : i32
        %get3A_388 = tpu.memref_slice %arg7[%scan3A_241, %get3A_386, %get3A_387] : memref<4x104x128xf32, #tpu.memory_space<vmem>> -> memref<1x104x128xf32, #tpu.memory_space<vmem>>
        %get3A_389 = tpu.memref_squeeze %get3A_388 : memref<1x104x128xf32, #tpu.memory_space<vmem>> -> memref<104x128xf32, #tpu.memory_space<vmem>>
        %get3A_390 = arith.index_cast %add3A_339 : i32 to index
        %get3A_391 = arith.constant 32 : index
        %get3A_392 = tpu.vector_load %get3A_389[%get3A_390, %get3A_391] {strides = array<i32>} : memref<104x128xf32, #tpu.memory_space<vmem>>, vector<1x16xf32>,
        %get3A_393 = vector.shape_cast %get3A_392 : vector<1x16xf32> to vector<16xf32>
        %add3A_394 = arith.constant 0 : i32
        %add3A_395 = arith.addi %add3A_394, %add3A_339 : i32
        %get3A_396 = arith.index_cast %add3A_395 : i32 to index
        %get3A_397 = arith.constant 32 : index
        %get3A_398 = tpu.vector_load %arg8[%get3A_396, %get3A_397] {strides = array<i32>} : memref<200x64xf32, #tpu.memory_space<vmem>>, vector<1x16xf32>,
        %get3A_399 = vector.shape_cast %get3A_398 : vector<1x16xf32> to vector<16xf32>
        %add3A_400 = arith.addf %get3A_393, %get3A_399 : vector<16xf32>
        %swap3A_401 = arith.constant 0 : i32
        %swap3A_402 = arith.constant 0 : i32
        %swap3A_403 = tpu.memref_slice %arg7[%scan3A_241, %swap3A_401, %swap3A_402] : memref<4x104x128xf32, #tpu.memory_space<vmem>> -> memref<1x104x128xf32, #tpu.memory_space<vmem>>
        %swap3A_404 = tpu.memref_squeeze %swap3A_403 : memref<1x104x128xf32, #tpu.memory_space<vmem>> -> memref<104x128xf32, #tpu.memory_space<vmem>>
        %swap3A_405 = arith.index_cast %add3A_339 : i32 to index
        %swap3A_406 = arith.constant 32 : index
        %swap3A_407 = tpu.vector_load %swap3A_404[%swap3A_405, %swap3A_406] {strides = array<i32>} : memref<104x128xf32, #tpu.memory_space<vmem>>, vector<1x16xf32>,
        %swap3A_408 = vector.shape_cast %swap3A_407 : vector<1x16xf32> to vector<16xf32>
        %swap3A_409 = vector.shape_cast %add3A_400 : vector<16xf32> to vector<1x16xf32>
        tpu.vector_store %swap3A_404[%swap3A_405, %swap3A_406], %swap3A_409 {strides = array<i32>} : memref<104x128xf32, #tpu.memory_space<vmem>>, vector<1x16xf32>,
        %get3A_410 = arith.constant 0 : i32
        %get3A_411 = arith.constant 0 : i32
        %get3A_412 = tpu.memref_slice %arg7[%scan3A_241, %get3A_410, %get3A_411] : memref<4x104x128xf32, #tpu.memory_space<vmem>> -> memref<1x104x128xf32, #tpu.memory_space<vmem>>
        %get3A_413 = tpu.memref_squeeze %get3A_412 : memref<1x104x128xf32, #tpu.memory_space<vmem>> -> memref<104x128xf32, #tpu.memory_space<vmem>>
        %get3A_414 = arith.index_cast %add3A_339 : i32 to index
        %get3A_415 = arith.constant 48 : index
        %get3A_416 = tpu.vector_load %get3A_413[%get3A_414, %get3A_415] {strides = array<i32>} : memref<104x128xf32, #tpu.memory_space<vmem>>, vector<1x16xf32>,
        %get3A_417 = vector.shape_cast %get3A_416 : vector<1x16xf32> to vector<16xf32>
        %add3A_418 = arith.constant 0 : i32
        %add3A_419 = arith.addi %add3A_418, %add3A_339 : i32
        %get3A_420 = arith.index_cast %add3A_419 : i32 to index
        %get3A_421 = arith.constant 48 : index
        %get3A_422 = tpu.vector_load %arg8[%get3A_420, %get3A_421] {strides = array<i32>} : memref<200x64xf32, #tpu.memory_space<vmem>>, vector<1x16xf32>,
        %get3A_423 = vector.shape_cast %get3A_422 : vector<1x16xf32> to vector<16xf32>
        %add3A_424 = arith.addf %get3A_417, %get3A_423 : vector<16xf32>
        %swap3A_425 = arith.constant 0 : i32
        %swap3A_426 = arith.constant 0 : i32
        %swap3A_427 = tpu.memref_slice %arg7[%scan3A_241, %swap3A_425, %swap3A_426] : memref<4x104x128xf32, #tpu.memory_space<vmem>> -> memref<1x104x128xf32, #tpu.memory_space<vmem>>
        %swap3A_428 = tpu.memref_squeeze %swap3A_427 : memref<1x104x128xf32, #tpu.memory_space<vmem>> -> memref<104x128xf32, #tpu.memory_space<vmem>>
        %swap3A_429 = arith.index_cast %add3A_339 : i32 to index
        %swap3A_430 = arith.constant 48 : index
        %swap3A_431 = tpu.vector_load %swap3A_428[%swap3A_429, %swap3A_430] {strides = array<i32>} : memref<104x128xf32, #tpu.memory_space<vmem>>, vector<1x16xf32>,
        %swap3A_432 = vector.shape_cast %swap3A_431 : vector<1x16xf32> to vector<16xf32>
        %swap3A_433 = vector.shape_cast %add3A_424 : vector<16xf32> to vector<1x16xf32>
        tpu.vector_store %swap3A_428[%swap3A_429, %swap3A_430], %swap3A_433 {strides = array<i32>} : memref<104x128xf32, #tpu.memory_space<vmem>>, vector<1x16xf32>,
        %scan3A_434 = arith.constant 1 : i32
        %scan3A_435 = arith.addi %scan3A_335, %scan3A_434 : i32
        %mul3A_436 = arith.constant 1 : i32
        %mul3A_437 = arith.muli %scan3A_435, %mul3A_436 : i32
        %add3A_438 = arith.constant 0 : i32
        %add3A_439 = arith.addi %add3A_438, %mul3A_437 : i32
        %get3A_440 = arith.constant 0 : i32
        %get3A_441 = arith.constant 0 : i32
        %get3A_442 = tpu.memref_slice %arg7[%scan3A_241, %get3A_440, %get3A_441] : memref<4x104x128xf32, #tpu.memory_space<vmem>> -> memref<1x104x128xf32, #tpu.memory_space<vmem>>
        %get3A_443 = tpu.memref_squeeze %get3A_442 : memref<1x104x128xf32, #tpu.memory_space<vmem>> -> memref<104x128xf32, #tpu.memory_space<vmem>>
        %get3A_444 = arith.index_cast %add3A_439 : i32 to index
        %get3A_445 = arith.constant 0 : index
        %get3A_446 = tpu.vector_load %get3A_443[%get3A_444, %get3A_445] {strides = array<i32>} : memref<104x128xf32, #tpu.memory_space<vmem>>, vector<1x16xf32>,
        %get3A_447 = vector.shape_cast %get3A_446 : vector<1x16xf32> to vector<16xf32>
        %add3A_448 = arith.constant 0 : i32
        %add3A_449 = arith.addi %add3A_448, %add3A_439 : i32
        %get3A_450 = arith.index_cast %add3A_449 : i32 to index
        %get3A_451 = arith.constant 0 : index
        %get3A_452 = tpu.vector_load %arg8[%get3A_450, %get3A_451] {strides = array<i32>} : memref<200x64xf32, #tpu.memory_space<vmem>>, vector<1x16xf32>,
        %get3A_453 = vector.shape_cast %get3A_452 : vector<1x16xf32> to vector<16xf32>
        %add3A_454 = arith.addf %get3A_447, %get3A_453 : vector<16xf32>
        %swap3A_455 = arith.constant 0 : i32
        %swap3A_456 = arith.constant 0 : i32
        %swap3A_457 = tpu.memref_slice %arg7[%scan3A_241, %swap3A_455, %swap3A_456] : memref<4x104x128xf32, #tpu.memory_space<vmem>> -> memref<1x104x128xf32, #tpu.memory_space<vmem>>
        %swap3A_458 = tpu.memref_squeeze %swap3A_457 : memref<1x104x128xf32, #tpu.memory_space<vmem>> -> memref<104x128xf32, #tpu.memory_space<vmem>>
        %swap3A_459 = arith.index_cast %add3A_439 : i32 to index
        %swap3A_460 = arith.constant 0 : index
        %swap3A_461 = tpu.vector_load %swap3A_458[%swap3A_459, %swap3A_460] {strides = array<i32>} : memref<104x128xf32, #tpu.memory_space<vmem>>, vector<1x16xf32>,
        %swap3A_462 = vector.shape_cast %swap3A_461 : vector<1x16xf32> to vector<16xf32>
        %swap3A_463 = vector.shape_cast %add3A_454 : vector<16xf32> to vector<1x16xf32>
        tpu.vector_store %swap3A_458[%swap3A_459, %swap3A_460], %swap3A_463 {strides = array<i32>} : memref<104x128xf32, #tpu.memory_space<vmem>>, vector<1x16xf32>,
        %get3A_464 = arith.constant 0 : i32
        %get3A_465 = arith.constant 0 : i32
        %get3A_466 = tpu.memref_slice %arg7[%scan3A_241, %get3A_464, %get3A_465] : memref<4x104x128xf32, #tpu.memory_space<vmem>> -> memref<1x104x128xf32, #tpu.memory_space<vmem>>
        %get3A_467 = tpu.memref_squeeze %get3A_466 : memref<1x104x128xf32, #tpu.memory_space<vmem>> -> memref<104x128xf32, #tpu.memory_space<vmem>>
        %get3A_468 = arith.index_cast %add3A_439 : i32 to index
        %get3A_469 = arith.constant 16 : index
        %get3A_470 = tpu.vector_load %get3A_467[%get3A_468, %get3A_469] {strides = array<i32>} : memref<104x128xf32, #tpu.memory_space<vmem>>, vector<1x16xf32>,
        %get3A_471 = vector.shape_cast %get3A_470 : vector<1x16xf32> to vector<16xf32>
        %add3A_472 = arith.constant 0 : i32
        %add3A_473 = arith.addi %add3A_472, %add3A_439 : i32
        %get3A_474 = arith.index_cast %add3A_473 : i32 to index
        %get3A_475 = arith.constant 16 : index
        %get3A_476 = tpu.vector_load %arg8[%get3A_474, %get3A_475] {strides = array<i32>} : memref<200x64xf32, #tpu.memory_space<vmem>>, vector<1x16xf32>,
        %get3A_477 = vector.shape_cast %get3A_476 : vector<1x16xf32> to vector<16xf32>
        %add3A_478 = arith.addf %get3A_471, %get3A_477 : vector<16xf32>
        %swap3A_479 = arith.constant 0 : i32
        %swap3A_480 = arith.constant 0 : i32
        %swap3A_481 = tpu.memref_slice %arg7[%scan3A_241, %swap3A_479, %swap3A_480] : memref<4x104x128xf32, #tpu.memory_space<vmem>> -> memref<1x104x128xf32, #tpu.memory_space<vmem>>
        %swap3A_482 = tpu.memref_squeeze %swap3A_481 : memref<1x104x128xf32, #tpu.memory_space<vmem>> -> memref<104x128xf32, #tpu.memory_space<vmem>>
        %swap3A_483 = arith.index_cast %add3A_439 : i32 to index
        %swap3A_484 = arith.constant 16 : index
        %swap3A_485 = tpu.vector_load %swap3A_482[%swap3A_483, %swap3A_484] {strides = array<i32>} : memref<104x128xf32, #tpu.memory_space<vmem>>, vector<1x16xf32>,
        %swap3A_486 = vector.shape_cast %swap3A_485 : vector<1x16xf32> to vector<16xf32>
        %swap3A_487 = vector.shape_cast %add3A_478 : vector<16xf32> to vector<1x16xf32>
        tpu.vector_store %swap3A_482[%swap3A_483, %swap3A_484], %swap3A_487 {strides = array<i32>} : memref<104x128xf32, #tpu.memory_space<vmem>>, vector<1x16xf32>,
        %get3A_488 = arith.constant 0 : i32
        %get3A_489 = arith.constant 0 : i32
        %get3A_490 = tpu.memref_slice %arg7[%scan3A_241, %get3A_488, %get3A_489] : memref<4x104x128xf32, #tpu.memory_space<vmem>> -> memref<1x104x128xf32, #tpu.memory_space<vmem>>
        %get3A_491 = tpu.memref_squeeze %get3A_490 : memref<1x104x128xf32, #tpu.memory_space<vmem>> -> memref<104x128xf32, #tpu.memory_space<vmem>>
        %get3A_492 = arith.index_cast %add3A_439 : i32 to index
        %get3A_493 = arith.constant 32 : index
        %get3A_494 = tpu.vector_load %get3A_491[%get3A_492, %get3A_493] {strides = array<i32>} : memref<104x128xf32, #tpu.memory_space<vmem>>, vector<1x16xf32>,
        %get3A_495 = vector.shape_cast %get3A_494 : vector<1x16xf32> to vector<16xf32>
        %add3A_496 = arith.constant 0 : i32
        %add3A_497 = arith.addi %add3A_496, %add3A_439 : i32
        %get3A_498 = arith.index_cast %add3A_497 : i32 to index
        %get3A_499 = arith.constant 32 : index
        %get3A_500 = tpu.vector_load %arg8[%get3A_498, %get3A_499] {strides = array<i32>} : memref<200x64xf32, #tpu.memory_space<vmem>>, vector<1x16xf32>,
        %get3A_501 = vector.shape_cast %get3A_500 : vector<1x16xf32> to vector<16xf32>
        %add3A_502 = arith.addf %get3A_495, %get3A_501 : vector<16xf32>
        %swap3A_503 = arith.constant 0 : i32
        %swap3A_504 = arith.constant 0 : i32
        %swap3A_505 = tpu.memref_slice %arg7[%scan3A_241, %swap3A_503, %swap3A_504] : memref<4x104x128xf32, #tpu.memory_space<vmem>> -> memref<1x104x128xf32, #tpu.memory_space<vmem>>
        %swap3A_506 = tpu.memref_squeeze %swap3A_505 : memref<1x104x128xf32, #tpu.memory_space<vmem>> -> memref<104x128xf32, #tpu.memory_space<vmem>>
        %swap3A_507 = arith.index_cast %add3A_439 : i32 to index
        %swap3A_508 = arith.constant 32 : index
        %swap3A_509 = tpu.vector_load %swap3A_506[%swap3A_507, %swap3A_508] {strides = array<i32>} : memref<104x128xf32, #tpu.memory_space<vmem>>, vector<1x16xf32>,
        %swap3A_510 = vector.shape_cast %swap3A_509 : vector<1x16xf32> to vector<16xf32>
        %swap3A_511 = vector.shape_cast %add3A_502 : vector<16xf32> to vector<1x16xf32>
        tpu.vector_store %swap3A_506[%swap3A_507, %swap3A_508], %swap3A_511 {strides = array<i32>} : memref<104x128xf32, #tpu.memory_space<vmem>>, vector<1x16xf32>,
        %get3A_512 = arith.constant 0 : i32
        %get3A_513 = arith.constant 0 : i32
        %get3A_514 = tpu.memref_slice %arg7[%scan3A_241, %get3A_512, %get3A_513] : memref<4x104x128xf32, #tpu.memory_space<vmem>> -> memref<1x104x128xf32, #tpu.memory_space<vmem>>
        %get3A_515 = tpu.memref_squeeze %get3A_514 : memref<1x104x128xf32, #tpu.memory_space<vmem>> -> memref<104x128xf32, #tpu.memory_space<vmem>>
        %get3A_516 = arith.index_cast %add3A_439 : i32 to index
        %get3A_517 = arith.constant 48 : index
        %get3A_518 = tpu.vector_load %get3A_515[%get3A_516, %get3A_517] {strides = array<i32>} : memref<104x128xf32, #tpu.memory_space<vmem>>, vector<1x16xf32>,
        %get3A_519 = vector.shape_cast %get3A_518 : vector<1x16xf32> to vector<16xf32>
        %add3A_520 = arith.constant 0 : i32
        %add3A_521 = arith.addi %add3A_520, %add3A_439 : i32
        %get3A_522 = arith.index_cast %add3A_521 : i32 to index
        %get3A_523 = arith.constant 48 : index
        %get3A_524 = tpu.vector_load %arg8[%get3A_522, %get3A_523] {strides = array<i32>} : memref<200x64xf32, #tpu.memory_space<vmem>>, vector<1x16xf32>,
        %get3A_525 = vector.shape_cast %get3A_524 : vector<1x16xf32> to vector<16xf32>
        %add3A_526 = arith.addf %get3A_519, %get3A_525 : vector<16xf32>
        %swap3A_527 = arith.constant 0 : i32
        %swap3A_528 = arith.constant 0 : i32
        %swap3A_529 = tpu.memref_slice %arg7[%scan3A_241, %swap3A_527, %swap3A_528] : memref<4x104x128xf32, #tpu.memory_space<vmem>> -> memref<1x104x128xf32, #tpu.memory_space<vmem>>
        %swap3A_530 = tpu.memref_squeeze %swap3A_529 : memref<1x104x128xf32, #tpu.memory_space<vmem>> -> memref<104x128xf32, #tpu.memory_space<vmem>>
        %swap3A_531 = arith.index_cast %add3A_439 : i32 to index
        %swap3A_532 = arith.constant 48 : index
        %swap3A_533 = tpu.vector_load %swap3A_530[%swap3A_531, %swap3A_532] {strides = array<i32>} : memref<104x128xf32, #tpu.memory_space<vmem>>, vector<1x16xf32>,
        %swap3A_534 = vector.shape_cast %swap3A_533 : vector<1x16xf32> to vector<16xf32>
        %swap3A_535 = vector.shape_cast %add3A_526 : vector<16xf32> to vector<1x16xf32>
        tpu.vector_store %swap3A_530[%swap3A_531, %swap3A_532], %swap3A_535 {strides = array<i32>} : memref<104x128xf32, #tpu.memory_space<vmem>>, vector<1x16xf32>,
        %scan3A_536 = arith.constant 2 : i32
        %scan3A_537 = arith.addi %scan3A_335, %scan3A_536 : i32
        %mul3A_538 = arith.constant 1 : i32
        %mul3A_539 = arith.muli %scan3A_537, %mul3A_538 : i32
        %add3A_540 = arith.constant 0 : i32
        %add3A_541 = arith.addi %add3A_540, %mul3A_539 : i32
        %get3A_542 = arith.constant 0 : i32
        %get3A_543 = arith.constant 0 : i32
        %get3A_544 = tpu.memref_slice %arg7[%scan3A_241, %get3A_542, %get3A_543] : memref<4x104x128xf32, #tpu.memory_space<vmem>> -> memref<1x104x128xf32, #tpu.memory_space<vmem>>
        %get3A_545 = tpu.memref_squeeze %get3A_544 : memref<1x104x128xf32, #tpu.memory_space<vmem>> -> memref<104x128xf32, #tpu.memory_space<vmem>>
        %get3A_546 = arith.index_cast %add3A_541 : i32 to index
        %get3A_547 = arith.constant 0 : index
        %get3A_548 = tpu.vector_load %get3A_545[%get3A_546, %get3A_547] {strides = array<i32>} : memref<104x128xf32, #tpu.memory_space<vmem>>, vector<1x16xf32>,
        %get3A_549 = vector.shape_cast %get3A_548 : vector<1x16xf32> to vector<16xf32>
        %add3A_550 = arith.constant 0 : i32
        %add3A_551 = arith.addi %add3A_550, %add3A_541 : i32
        %get3A_552 = arith.index_cast %add3A_551 : i32 to index
        %get3A_553 = arith.constant 0 : index
        %get3A_554 = tpu.vector_load %arg8[%get3A_552, %get3A_553] {strides = array<i32>} : memref<200x64xf32, #tpu.memory_space<vmem>>, vector<1x16xf32>,
        %get3A_555 = vector.shape_cast %get3A_554 : vector<1x16xf32> to vector<16xf32>
        %add3A_556 = arith.addf %get3A_549, %get3A_555 : vector<16xf32>
        %swap3A_557 = arith.constant 0 : i32
        %swap3A_558 = arith.constant 0 : i32
        %swap3A_559 = tpu.memref_slice %arg7[%scan3A_241, %swap3A_557, %swap3A_558] : memref<4x104x128xf32, #tpu.memory_space<vmem>> -> memref<1x104x128xf32, #tpu.memory_space<vmem>>
        %swap3A_560 = tpu.memref_squeeze %swap3A_559 : memref<1x104x128xf32, #tpu.memory_space<vmem>> -> memref<104x128xf32, #tpu.memory_space<vmem>>
        %swap3A_561 = arith.index_cast %add3A_541 : i32 to index
        %swap3A_562 = arith.constant 0 : index
        %swap3A_563 = tpu.vector_load %swap3A_560[%swap3A_561, %swap3A_562] {strides = array<i32>} : memref<104x128xf32, #tpu.memory_space<vmem>>, vector<1x16xf32>,
        %swap3A_564 = vector.shape_cast %swap3A_563 : vector<1x16xf32> to vector<16xf32>
        %swap3A_565 = vector.shape_cast %add3A_556 : vector<16xf32> to vector<1x16xf32>
        tpu.vector_store %swap3A_560[%swap3A_561, %swap3A_562], %swap3A_565 {strides = array<i32>} : memref<104x128xf32, #tpu.memory_space<vmem>>, vector<1x16xf32>,
        %get3A_566 = arith.constant 0 : i32
        %get3A_567 = arith.constant 0 : i32
        %get3A_568 = tpu.memref_slice %arg7[%scan3A_241, %get3A_566, %get3A_567] : memref<4x104x128xf32, #tpu.memory_space<vmem>> -> memref<1x104x128xf32, #tpu.memory_space<vmem>>
        %get3A_569 = tpu.memref_squeeze %get3A_568 : memref<1x104x128xf32, #tpu.memory_space<vmem>> -> memref<104x128xf32, #tpu.memory_space<vmem>>
        %get3A_570 = arith.index_cast %add3A_541 : i32 to index
        %get3A_571 = arith.constant 16 : index
        %get3A_572 = tpu.vector_load %get3A_569[%get3A_570, %get3A_571] {strides = array<i32>} : memref<104x128xf32, #tpu.memory_space<vmem>>, vector<1x16xf32>,
        %get3A_573 = vector.shape_cast %get3A_572 : vector<1x16xf32> to vector<16xf32>
        %add3A_574 = arith.constant 0 : i32
        %add3A_575 = arith.addi %add3A_574, %add3A_541 : i32
        %get3A_576 = arith.index_cast %add3A_575 : i32 to index
        %get3A_577 = arith.constant 16 : index
        %get3A_578 = tpu.vector_load %arg8[%get3A_576, %get3A_577] {strides = array<i32>} : memref<200x64xf32, #tpu.memory_space<vmem>>, vector<1x16xf32>,
        %get3A_579 = vector.shape_cast %get3A_578 : vector<1x16xf32> to vector<16xf32>
        %add3A_580 = arith.addf %get3A_573, %get3A_579 : vector<16xf32>
        %swap3A_581 = arith.constant 0 : i32
        %swap3A_582 = arith.constant 0 : i32
        %swap3A_583 = tpu.memref_slice %arg7[%scan3A_241, %swap3A_581, %swap3A_582] : memref<4x104x128xf32, #tpu.memory_space<vmem>> -> memref<1x104x128xf32, #tpu.memory_space<vmem>>
        %swap3A_584 = tpu.memref_squeeze %swap3A_583 : memref<1x104x128xf32, #tpu.memory_space<vmem>> -> memref<104x128xf32, #tpu.memory_space<vmem>>
        %swap3A_585 = arith.index_cast %add3A_541 : i32 to index
        %swap3A_586 = arith.constant 16 : index
        %swap3A_587 = tpu.vector_load %swap3A_584[%swap3A_585, %swap3A_586] {strides = array<i32>} : memref<104x128xf32, #tpu.memory_space<vmem>>, vector<1x16xf32>,
        %swap3A_588 = vector.shape_cast %swap3A_587 : vector<1x16xf32> to vector<16xf32>
        %swap3A_589 = vector.shape_cast %add3A_580 : vector<16xf32> to vector<1x16xf32>
        tpu.vector_store %swap3A_584[%swap3A_585, %swap3A_586], %swap3A_589 {strides = array<i32>} : memref<104x128xf32, #tpu.memory_space<vmem>>, vector<1x16xf32>,
        %get3A_590 = arith.constant 0 : i32
        %get3A_591 = arith.constant 0 : i32
        %get3A_592 = tpu.memref_slice %arg7[%scan3A_241, %get3A_590, %get3A_591] : memref<4x104x128xf32, #tpu.memory_space<vmem>> -> memref<1x104x128xf32, #tpu.memory_space<vmem>>
        %get3A_593 = tpu.memref_squeeze %get3A_592 : memref<1x104x128xf32, #tpu.memory_space<vmem>> -> memref<104x128xf32, #tpu.memory_space<vmem>>
        %get3A_594 = arith.index_cast %add3A_541 : i32 to index
        %get3A_595 = arith.constant 32 : index
        %get3A_596 = tpu.vector_load %get3A_593[%get3A_594, %get3A_595] {strides = array<i32>} : memref<104x128xf32, #tpu.memory_space<vmem>>, vector<1x16xf32>,
        %get3A_597 = vector.shape_cast %get3A_596 : vector<1x16xf32> to vector<16xf32>
        %add3A_598 = arith.constant 0 : i32
        %add3A_599 = arith.addi %add3A_598, %add3A_541 : i32
        %get3A_600 = arith.index_cast %add3A_599 : i32 to index
        %get3A_601 = arith.constant 32 : index
        %get3A_602 = tpu.vector_load %arg8[%get3A_600, %get3A_601] {strides = array<i32>} : memref<200x64xf32, #tpu.memory_space<vmem>>, vector<1x16xf32>,
        %get3A_603 = vector.shape_cast %get3A_602 : vector<1x16xf32> to vector<16xf32>
        %add3A_604 = arith.addf %get3A_597, %get3A_603 : vector<16xf32>
        %swap3A_605 = arith.constant 0 : i32
        %swap3A_606 = arith.constant 0 : i32
        %swap3A_607 = tpu.memref_slice %arg7[%scan3A_241, %swap3A_605, %swap3A_606] : memref<4x104x128xf32, #tpu.memory_space<vmem>> -> memref<1x104x128xf32, #tpu.memory_space<vmem>>
        %swap3A_608 = tpu.memref_squeeze %swap3A_607 : memref<1x104x128xf32, #tpu.memory_space<vmem>> -> memref<104x128xf32, #tpu.memory_space<vmem>>
        %swap3A_609 = arith.index_cast %add3A_541 : i32 to index
        %swap3A_610 = arith.constant 32 : index
        %swap3A_611 = tpu.vector_load %swap3A_608[%swap3A_609, %swap3A_610] {strides = array<i32>} : memref<104x128xf32, #tpu.memory_space<vmem>>, vector<1x16xf32>,
        %swap3A_612 = vector.shape_cast %swap3A_611 : vector<1x16xf32> to vector<16xf32>
        %swap3A_613 = vector.shape_cast %add3A_604 : vector<16xf32> to vector<1x16xf32>
        tpu.vector_store %swap3A_608[%swap3A_609, %swap3A_610], %swap3A_613 {strides = array<i32>} : memref<104x128xf32, #tpu.memory_space<vmem>>, vector<1x16xf32>,
        %get3A_614 = arith.constant 0 : i32
        %get3A_615 = arith.constant 0 : i32
        %get3A_616 = tpu.memref_slice %arg7[%scan3A_241, %get3A_614, %get3A_615] : memref<4x104x128xf32, #tpu.memory_space<vmem>> -> memref<1x104x128xf32, #tpu.memory_space<vmem>>
        %get3A_617 = tpu.memref_squeeze %get3A_616 : memref<1x104x128xf32, #tpu.memory_space<vmem>> -> memref<104x128xf32, #tpu.memory_space<vmem>>
        %get3A_618 = arith.index_cast %add3A_541 : i32 to index
        %get3A_619 = arith.constant 48 : index
        %get3A_620 = tpu.vector_load %get3A_617[%get3A_618, %get3A_619] {strides = array<i32>} : memref<104x128xf32, #tpu.memory_space<vmem>>, vector<1x16xf32>,
        %get3A_621 = vector.shape_cast %get3A_620 : vector<1x16xf32> to vector<16xf32>
        %add3A_622 = arith.constant 0 : i32
        %add3A_623 = arith.addi %add3A_622, %add3A_541 : i32
        %get3A_624 = arith.index_cast %add3A_623 : i32 to index
        %get3A_625 = arith.constant 48 : index
        %get3A_626 = tpu.vector_load %arg8[%get3A_624, %get3A_625] {strides = array<i32>} : memref<200x64xf32, #tpu.memory_space<vmem>>, vector<1x16xf32>,
        %get3A_627 = vector.shape_cast %get3A_626 : vector<1x16xf32> to vector<16xf32>
        %add3A_628 = arith.addf %get3A_621, %get3A_627 : vector<16xf32>
        %swap3A_629 = arith.constant 0 : i32
        %swap3A_630 = arith.constant 0 : i32
        %swap3A_631 = tpu.memref_slice %arg7[%scan3A_241, %swap3A_629, %swap3A_630] : memref<4x104x128xf32, #tpu.memory_space<vmem>> -> memref<1x104x128xf32, #tpu.memory_space<vmem>>
        %swap3A_632 = tpu.memref_squeeze %swap3A_631 : memref<1x104x128xf32, #tpu.memory_space<vmem>> -> memref<104x128xf32, #tpu.memory_space<vmem>>
        %swap3A_633 = arith.index_cast %add3A_541 : i32 to index
        %swap3A_634 = arith.constant 48 : index
        %swap3A_635 = tpu.vector_load %swap3A_632[%swap3A_633, %swap3A_634] {strides = array<i32>} : memref<104x128xf32, #tpu.memory_space<vmem>>, vector<1x16xf32>,
        %swap3A_636 = vector.shape_cast %swap3A_635 : vector<1x16xf32> to vector<16xf32>
        %swap3A_637 = vector.shape_cast %add3A_628 : vector<16xf32> to vector<1x16xf32>
        tpu.vector_store %swap3A_632[%swap3A_633, %swap3A_634], %swap3A_637 {strides = array<i32>} : memref<104x128xf32, #tpu.memory_space<vmem>>, vector<1x16xf32>,
        %scan3A_638 = arith.constant 3 : i32
        %scan3A_639 = arith.addi %scan3A_335, %scan3A_638 : i32
        %mul3A_640 = arith.constant 1 : i32
        %mul3A_641 = arith.muli %scan3A_639, %mul3A_640 : i32
        %add3A_642 = arith.constant 0 : i32
        %add3A_643 = arith.addi %add3A_642, %mul3A_641 : i32
        %get3A_644 = arith.constant 0 : i32
        %get3A_645 = arith.constant 0 : i32
        %get3A_646 = tpu.memref_slice %arg7[%scan3A_241, %get3A_644, %get3A_645] : memref<4x104x128xf32, #tpu.memory_space<vmem>> -> memref<1x104x128xf32, #tpu.memory_space<vmem>>
        %get3A_647 = tpu.memref_squeeze %get3A_646 : memref<1x104x128xf32, #tpu.memory_space<vmem>> -> memref<104x128xf32, #tpu.memory_space<vmem>>
        %get3A_648 = arith.index_cast %add3A_643 : i32 to index
        %get3A_649 = arith.constant 0 : index
        %get3A_650 = tpu.vector_load %get3A_647[%get3A_648, %get3A_649] {strides = array<i32>} : memref<104x128xf32, #tpu.memory_space<vmem>>, vector<1x16xf32>,
        %get3A_651 = vector.shape_cast %get3A_650 : vector<1x16xf32> to vector<16xf32>
        %add3A_652 = arith.constant 0 : i32
        %add3A_653 = arith.addi %add3A_652, %add3A_643 : i32
        %get3A_654 = arith.index_cast %add3A_653 : i32 to index
        %get3A_655 = arith.constant 0 : index
        %get3A_656 = tpu.vector_load %arg8[%get3A_654, %get3A_655] {strides = array<i32>} : memref<200x64xf32, #tpu.memory_space<vmem>>, vector<1x16xf32>,
        %get3A_657 = vector.shape_cast %get3A_656 : vector<1x16xf32> to vector<16xf32>
        %add3A_658 = arith.addf %get3A_651, %get3A_657 : vector<16xf32>
        %swap3A_659 = arith.constant 0 : i32
        %swap3A_660 = arith.constant 0 : i32
        %swap3A_661 = tpu.memref_slice %arg7[%scan3A_241, %swap3A_659, %swap3A_660] : memref<4x104x128xf32, #tpu.memory_space<vmem>> -> memref<1x104x128xf32, #tpu.memory_space<vmem>>
        %swap3A_662 = tpu.memref_squeeze %swap3A_661 : memref<1x104x128xf32, #tpu.memory_space<vmem>> -> memref<104x128xf32, #tpu.memory_space<vmem>>
        %swap3A_663 = arith.index_cast %add3A_643 : i32 to index
        %swap3A_664 = arith.constant 0 : index
        %swap3A_665 = tpu.vector_load %swap3A_662[%swap3A_663, %swap3A_664] {strides = array<i32>} : memref<104x128xf32, #tpu.memory_space<vmem>>, vector<1x16xf32>,
        %swap3A_666 = vector.shape_cast %swap3A_665 : vector<1x16xf32> to vector<16xf32>
        %swap3A_667 = vector.shape_cast %add3A_658 : vector<16xf32> to vector<1x16xf32>
        tpu.vector_store %swap3A_662[%swap3A_663, %swap3A_664], %swap3A_667 {strides = array<i32>} : memref<104x128xf32, #tpu.memory_space<vmem>>, vector<1x16xf32>,
        %get3A_668 = arith.constant 0 : i32
        %get3A_669 = arith.constant 0 : i32
        %get3A_670 = tpu.memref_slice %arg7[%scan3A_241, %get3A_668, %get3A_669] : memref<4x104x128xf32, #tpu.memory_space<vmem>> -> memref<1x104x128xf32, #tpu.memory_space<vmem>>
        %get3A_671 = tpu.memref_squeeze %get3A_670 : memref<1x104x128xf32, #tpu.memory_space<vmem>> -> memref<104x128xf32, #tpu.memory_space<vmem>>
        %get3A_672 = arith.index_cast %add3A_643 : i32 to index
        %get3A_673 = arith.constant 16 : index
        %get3A_674 = tpu.vector_load %get3A_671[%get3A_672, %get3A_673] {strides = array<i32>} : memref<104x128xf32, #tpu.memory_space<vmem>>, vector<1x16xf32>,
        %get3A_675 = vector.shape_cast %get3A_674 : vector<1x16xf32> to vector<16xf32>
        %add3A_676 = arith.constant 0 : i32
        %add3A_677 = arith.addi %add3A_676, %add3A_643 : i32
        %get3A_678 = arith.index_cast %add3A_677 : i32 to index
        %get3A_679 = arith.constant 16 : index
        %get3A_680 = tpu.vector_load %arg8[%get3A_678, %get3A_679] {strides = array<i32>} : memref<200x64xf32, #tpu.memory_space<vmem>>, vector<1x16xf32>,
        %get3A_681 = vector.shape_cast %get3A_680 : vector<1x16xf32> to vector<16xf32>
        %add3A_682 = arith.addf %get3A_675, %get3A_681 : vector<16xf32>
        %swap3A_683 = arith.constant 0 : i32
        %swap3A_684 = arith.constant 0 : i32
        %swap3A_685 = tpu.memref_slice %arg7[%scan3A_241, %swap3A_683, %swap3A_684] : memref<4x104x128xf32, #tpu.memory_space<vmem>> -> memref<1x104x128xf32, #tpu.memory_space<vmem>>
        %swap3A_686 = tpu.memref_squeeze %swap3A_685 : memref<1x104x128xf32, #tpu.memory_space<vmem>> -> memref<104x128xf32, #tpu.memory_space<vmem>>
        %swap3A_687 = arith.index_cast %add3A_643 : i32 to index
        %swap3A_688 = arith.constant 16 : index
        %swap3A_689 = tpu.vector_load %swap3A_686[%swap3A_687, %swap3A_688] {strides = array<i32>} : memref<104x128xf32, #tpu.memory_space<vmem>>, vector<1x16xf32>,
        %swap3A_690 = vector.shape_cast %swap3A_689 : vector<1x16xf32> to vector<16xf32>
        %swap3A_691 = vector.shape_cast %add3A_682 : vector<16xf32> to vector<1x16xf32>
        tpu.vector_store %swap3A_686[%swap3A_687, %swap3A_688], %swap3A_691 {strides = array<i32>} : memref<104x128xf32, #tpu.memory_space<vmem>>, vector<1x16xf32>,
        %get3A_692 = arith.constant 0 : i32
        %get3A_693 = arith.constant 0 : i32
        %get3A_694 = tpu.memref_slice %arg7[%scan3A_241, %get3A_692, %get3A_693] : memref<4x104x128xf32, #tpu.memory_space<vmem>> -> memref<1x104x128xf32, #tpu.memory_space<vmem>>
        %get3A_695 = tpu.memref_squeeze %get3A_694 : memref<1x104x128xf32, #tpu.memory_space<vmem>> -> memref<104x128xf32, #tpu.memory_space<vmem>>
        %get3A_696 = arith.index_cast %add3A_643 : i32 to index
        %get3A_697 = arith.constant 32 : index
        %get3A_698 = tpu.vector_load %get3A_695[%get3A_696, %get3A_697] {strides = array<i32>} : memref<104x128xf32, #tpu.memory_space<vmem>>, vector<1x16xf32>,
        %get3A_699 = vector.shape_cast %get3A_698 : vector<1x16xf32> to vector<16xf32>
        %add3A_700 = arith.constant 0 : i32
        %add3A_701 = arith.addi %add3A_700, %add3A_643 : i32
        %get3A_702 = arith.index_cast %add3A_701 : i32 to index
        %get3A_703 = arith.constant 32 : index
        %get3A_704 = tpu.vector_load %arg8[%get3A_702, %get3A_703] {strides = array<i32>} : memref<200x64xf32, #tpu.memory_space<vmem>>, vector<1x16xf32>,
        %get3A_705 = vector.shape_cast %get3A_704 : vector<1x16xf32> to vector<16xf32>
        %add3A_706 = arith.addf %get3A_699, %get3A_705 : vector<16xf32>
        %swap3A_707 = arith.constant 0 : i32
        %swap3A_708 = arith.constant 0 : i32
        %swap3A_709 = tpu.memref_slice %arg7[%scan3A_241, %swap3A_707, %swap3A_708] : memref<4x104x128xf32, #tpu.memory_space<vmem>> -> memref<1x104x128xf32, #tpu.memory_space<vmem>>
        %swap3A_710 = tpu.memref_squeeze %swap3A_709 : memref<1x104x128xf32, #tpu.memory_space<vmem>> -> memref<104x128xf32, #tpu.memory_space<vmem>>
        %swap3A_711 = arith.index_cast %add3A_643 : i32 to index
        %swap3A_712 = arith.constant 32 : index
        %swap3A_713 = tpu.vector_load %swap3A_710[%swap3A_711, %swap3A_712] {strides = array<i32>} : memref<104x128xf32, #tpu.memory_space<vmem>>, vector<1x16xf32>,
        %swap3A_714 = vector.shape_cast %swap3A_713 : vector<1x16xf32> to vector<16xf32>
        %swap3A_715 = vector.shape_cast %add3A_706 : vector<16xf32> to vector<1x16xf32>
        tpu.vector_store %swap3A_710[%swap3A_711, %swap3A_712], %swap3A_715 {strides = array<i32>} : memref<104x128xf32, #tpu.memory_space<vmem>>, vector<1x16xf32>,
        %get3A_716 = arith.constant 0 : i32
        %get3A_717 = arith.constant 0 : i32
        %get3A_718 = tpu.memref_slice %arg7[%scan3A_241, %get3A_716, %get3A_717] : memref<4x104x128xf32, #tpu.memory_space<vmem>> -> memref<1x104x128xf32, #tpu.memory_space<vmem>>
        %get3A_719 = tpu.memref_squeeze %get3A_718 : memref<1x104x128xf32, #tpu.memory_space<vmem>> -> memref<104x128xf32, #tpu.memory_space<vmem>>
        %get3A_720 = arith.index_cast %add3A_643 : i32 to index
        %get3A_721 = arith.constant 48 : index
        %get3A_722 = tpu.vector_load %get3A_719[%get3A_720, %get3A_721] {strides = array<i32>} : memref<104x128xf32, #tpu.memory_space<vmem>>, vector<1x16xf32>,
        %get3A_723 = vector.shape_cast %get3A_722 : vector<1x16xf32> to vector<16xf32>
        %add3A_724 = arith.constant 0 : i32
        %add3A_725 = arith.addi %add3A_724, %add3A_643 : i32
        %get3A_726 = arith.index_cast %add3A_725 : i32 to index
        %get3A_727 = arith.constant 48 : index
        %get3A_728 = tpu.vector_load %arg8[%get3A_726, %get3A_727] {strides = array<i32>} : memref<200x64xf32, #tpu.memory_space<vmem>>, vector<1x16xf32>,
        %get3A_729 = vector.shape_cast %get3A_728 : vector<1x16xf32> to vector<16xf32>
        %add3A_730 = arith.addf %get3A_723, %get3A_729 : vector<16xf32>
        %swap3A_731 = arith.constant 0 : i32
        %swap3A_732 = arith.constant 0 : i32
        %swap3A_733 = tpu.memref_slice %arg7[%scan3A_241, %swap3A_731, %swap3A_732] : memref<4x104x128xf32, #tpu.memory_space<vmem>> -> memref<1x104x128xf32, #tpu.memory_space<vmem>>
        %swap3A_734 = tpu.memref_squeeze %swap3A_733 : memref<1x104x128xf32, #tpu.memory_space<vmem>> -> memref<104x128xf32, #tpu.memory_space<vmem>>
        %swap3A_735 = arith.index_cast %add3A_643 : i32 to index
        %swap3A_736 = arith.constant 48 : index
        %swap3A_737 = tpu.vector_load %swap3A_734[%swap3A_735, %swap3A_736] {strides = array<i32>} : memref<104x128xf32, #tpu.memory_space<vmem>>, vector<1x16xf32>,
        %swap3A_738 = vector.shape_cast %swap3A_737 : vector<1x16xf32> to vector<16xf32>
        %swap3A_739 = vector.shape_cast %add3A_730 : vector<16xf32> to vector<1x16xf32>
        tpu.vector_store %swap3A_734[%swap3A_735, %swap3A_736], %swap3A_739 {strides = array<i32>} : memref<104x128xf32, #tpu.memory_space<vmem>>, vector<1x16xf32>,
        %scan3A_740 = arith.constant 4 : i32
        %scan3A_741 = arith.addi %scan3A_335, %scan3A_740 : i32
        %mul3A_742 = arith.constant 1 : i32
        %mul3A_743 = arith.muli %scan3A_741, %mul3A_742 : i32
        %add3A_744 = arith.constant 0 : i32
        %add3A_745 = arith.addi %add3A_744, %mul3A_743 : i32
        %get3A_746 = arith.constant 0 : i32
        %get3A_747 = arith.constant 0 : i32
        %get3A_748 = tpu.memref_slice %arg7[%scan3A_241, %get3A_746, %get3A_747] : memref<4x104x128xf32, #tpu.memory_space<vmem>> -> memref<1x104x128xf32, #tpu.memory_space<vmem>>
        %get3A_749 = tpu.memref_squeeze %get3A_748 : memref<1x104x128xf32, #tpu.memory_space<vmem>> -> memref<104x128xf32, #tpu.memory_space<vmem>>
        %get3A_750 = arith.index_cast %add3A_745 : i32 to index
        %get3A_751 = arith.constant 0 : index
        %get3A_752 = tpu.vector_load %get3A_749[%get3A_750, %get3A_751] {strides = array<i32>} : memref<104x128xf32, #tpu.memory_space<vmem>>, vector<1x16xf32>,
        %get3A_753 = vector.shape_cast %get3A_752 : vector<1x16xf32> to vector<16xf32>
        %add3A_754 = arith.constant 0 : i32
        %add3A_755 = arith.addi %add3A_754, %add3A_745 : i32
        %get3A_756 = arith.index_cast %add3A_755 : i32 to index
        %get3A_757 = arith.constant 0 : index
        %get3A_758 = tpu.vector_load %arg8[%get3A_756, %get3A_757] {strides = array<i32>} : memref<200x64xf32, #tpu.memory_space<vmem>>, vector<1x16xf32>,
        %get3A_759 = vector.shape_cast %get3A_758 : vector<1x16xf32> to vector<16xf32>
        %add3A_760 = arith.addf %get3A_753, %get3A_759 : vector<16xf32>
        %swap3A_761 = arith.constant 0 : i32
        %swap3A_762 = arith.constant 0 : i32
        %swap3A_763 = tpu.memref_slice %arg7[%scan3A_241, %swap3A_761, %swap3A_762] : memref<4x104x128xf32, #tpu.memory_space<vmem>> -> memref<1x104x128xf32, #tpu.memory_space<vmem>>
        %swap3A_764 = tpu.memref_squeeze %swap3A_763 : memref<1x104x128xf32, #tpu.memory_space<vmem>> -> memref<104x128xf32, #tpu.memory_space<vmem>>
        %swap3A_765 = arith.index_cast %add3A_745 : i32 to index
        %swap3A_766 = arith.constant 0 : index
        %swap3A_767 = tpu.vector_load %swap3A_764[%swap3A_765, %swap3A_766] {strides = array<i32>} : memref<104x128xf32, #tpu.memory_space<vmem>>, vector<1x16xf32>,
        %swap3A_768 = vector.shape_cast %swap3A_767 : vector<1x16xf32> to vector<16xf32>
        %swap3A_769 = vector.shape_cast %add3A_760 : vector<16xf32> to vector<1x16xf32>
        tpu.vector_store %swap3A_764[%swap3A_765, %swap3A_766], %swap3A_769 {strides = array<i32>} : memref<104x128xf32, #tpu.memory_space<vmem>>, vector<1x16xf32>,
        %get3A_770 = arith.constant 0 : i32
        %get3A_771 = arith.constant 0 : i32
        %get3A_772 = tpu.memref_slice %arg7[%scan3A_241, %get3A_770, %get3A_771] : memref<4x104x128xf32, #tpu.memory_space<vmem>> -> memref<1x104x128xf32, #tpu.memory_space<vmem>>
        %get3A_773 = tpu.memref_squeeze %get3A_772 : memref<1x104x128xf32, #tpu.memory_space<vmem>> -> memref<104x128xf32, #tpu.memory_space<vmem>>
        %get3A_774 = arith.index_cast %add3A_745 : i32 to index
        %get3A_775 = arith.constant 16 : index
        %get3A_776 = tpu.vector_load %get3A_773[%get3A_774, %get3A_775] {strides = array<i32>} : memref<104x128xf32, #tpu.memory_space<vmem>>, vector<1x16xf32>,
        %get3A_777 = vector.shape_cast %get3A_776 : vector<1x16xf32> to vector<16xf32>
        %add3A_778 = arith.constant 0 : i32
        %add3A_779 = arith.addi %add3A_778, %add3A_745 : i32
        %get3A_780 = arith.index_cast %add3A_779 : i32 to index
        %get3A_781 = arith.constant 16 : index
        %get3A_782 = tpu.vector_load %arg8[%get3A_780, %get3A_781] {strides = array<i32>} : memref<200x64xf32, #tpu.memory_space<vmem>>, vector<1x16xf32>,
        %get3A_783 = vector.shape_cast %get3A_782 : vector<1x16xf32> to vector<16xf32>
        %add3A_784 = arith.addf %get3A_777, %get3A_783 : vector<16xf32>
        %swap3A_785 = arith.constant 0 : i32
        %swap3A_786 = arith.constant 0 : i32
        %swap3A_787 = tpu.memref_slice %arg7[%scan3A_241, %swap3A_785, %swap3A_786] : memref<4x104x128xf32, #tpu.memory_space<vmem>> -> memref<1x104x128xf32, #tpu.memory_space<vmem>>
        %swap3A_788 = tpu.memref_squeeze %swap3A_787 : memref<1x104x128xf32, #tpu.memory_space<vmem>> -> memref<104x128xf32, #tpu.memory_space<vmem>>
        %swap3A_789 = arith.index_cast %add3A_745 : i32 to index
        %swap3A_790 = arith.constant 16 : index
        %swap3A_791 = tpu.vector_load %swap3A_788[%swap3A_789, %swap3A_790] {strides = array<i32>} : memref<104x128xf32, #tpu.memory_space<vmem>>, vector<1x16xf32>,
        %swap3A_792 = vector.shape_cast %swap3A_791 : vector<1x16xf32> to vector<16xf32>
        %swap3A_793 = vector.shape_cast %add3A_784 : vector<16xf32> to vector<1x16xf32>
        tpu.vector_store %swap3A_788[%swap3A_789, %swap3A_790], %swap3A_793 {strides = array<i32>} : memref<104x128xf32, #tpu.memory_space<vmem>>, vector<1x16xf32>,
        %get3A_794 = arith.constant 0 : i32
        %get3A_795 = arith.constant 0 : i32
        %get3A_796 = tpu.memref_slice %arg7[%scan3A_241, %get3A_794, %get3A_795] : memref<4x104x128xf32, #tpu.memory_space<vmem>> -> memref<1x104x128xf32, #tpu.memory_space<vmem>>
        %get3A_797 = tpu.memref_squeeze %get3A_796 : memref<1x104x128xf32, #tpu.memory_space<vmem>> -> memref<104x128xf32, #tpu.memory_space<vmem>>
        %get3A_798 = arith.index_cast %add3A_745 : i32 to index
        %get3A_799 = arith.constant 32 : index
        %get3A_800 = tpu.vector_load %get3A_797[%get3A_798, %get3A_799] {strides = array<i32>} : memref<104x128xf32, #tpu.memory_space<vmem>>, vector<1x16xf32>,
        %get3A_801 = vector.shape_cast %get3A_800 : vector<1x16xf32> to vector<16xf32>
        %add3A_802 = arith.constant 0 : i32
        %add3A_803 = arith.addi %add3A_802, %add3A_745 : i32
        %get3A_804 = arith.index_cast %add3A_803 : i32 to index
        %get3A_805 = arith.constant 32 : index
        %get3A_806 = tpu.vector_load %arg8[%get3A_804, %get3A_805] {strides = array<i32>} : memref<200x64xf32, #tpu.memory_space<vmem>>, vector<1x16xf32>,
        %get3A_807 = vector.shape_cast %get3A_806 : vector<1x16xf32> to vector<16xf32>
        %add3A_808 = arith.addf %get3A_801, %get3A_807 : vector<16xf32>
        %swap3A_809 = arith.constant 0 : i32
        %swap3A_810 = arith.constant 0 : i32
        %swap3A_811 = tpu.memref_slice %arg7[%scan3A_241, %swap3A_809, %swap3A_810] : memref<4x104x128xf32, #tpu.memory_space<vmem>> -> memref<1x104x128xf32, #tpu.memory_space<vmem>>
        %swap3A_812 = tpu.memref_squeeze %swap3A_811 : memref<1x104x128xf32, #tpu.memory_space<vmem>> -> memref<104x128xf32, #tpu.memory_space<vmem>>
        %swap3A_813 = arith.index_cast %add3A_745 : i32 to index
        %swap3A_814 = arith.constant 32 : index
        %swap3A_815 = tpu.vector_load %swap3A_812[%swap3A_813, %swap3A_814] {strides = array<i32>} : memref<104x128xf32, #tpu.memory_space<vmem>>, vector<1x16xf32>,
        %swap3A_816 = vector.shape_cast %swap3A_815 : vector<1x16xf32> to vector<16xf32>
        %swap3A_817 = vector.shape_cast %add3A_808 : vector<16xf32> to vector<1x16xf32>
        tpu.vector_store %swap3A_812[%swap3A_813, %swap3A_814], %swap3A_817 {strides = array<i32>} : memref<104x128xf32, #tpu.memory_space<vmem>>, vector<1x16xf32>,
        %get3A_818 = arith.constant 0 : i32
        %get3A_819 = arith.constant 0 : i32
        %get3A_820 = tpu.memref_slice %arg7[%scan3A_241, %get3A_818, %get3A_819] : memref<4x104x128xf32, #tpu.memory_space<vmem>> -> memref<1x104x128xf32, #tpu.memory_space<vmem>>
        %get3A_821 = tpu.memref_squeeze %get3A_820 : memref<1x104x128xf32, #tpu.memory_space<vmem>> -> memref<104x128xf32, #tpu.memory_space<vmem>>
        %get3A_822 = arith.index_cast %add3A_745 : i32 to index
        %get3A_823 = arith.constant 48 : index
        %get3A_824 = tpu.vector_load %get3A_821[%get3A_822, %get3A_823] {strides = array<i32>} : memref<104x128xf32, #tpu.memory_space<vmem>>, vector<1x16xf32>,
        %get3A_825 = vector.shape_cast %get3A_824 : vector<1x16xf32> to vector<16xf32>
        %add3A_826 = arith.constant 0 : i32
        %add3A_827 = arith.addi %add3A_826, %add3A_745 : i32
        %get3A_828 = arith.index_cast %add3A_827 : i32 to index
        %get3A_829 = arith.constant 48 : index
        %get3A_830 = tpu.vector_load %arg8[%get3A_828, %get3A_829] {strides = array<i32>} : memref<200x64xf32, #tpu.memory_space<vmem>>, vector<1x16xf32>,
        %get3A_831 = vector.shape_cast %get3A_830 : vector<1x16xf32> to vector<16xf32>
        %add3A_832 = arith.addf %get3A_825, %get3A_831 : vector<16xf32>
        %swap3A_833 = arith.constant 0 : i32
        %swap3A_834 = arith.constant 0 : i32
        %swap3A_835 = tpu.memref_slice %arg7[%scan3A_241, %swap3A_833, %swap3A_834] : memref<4x104x128xf32, #tpu.memory_space<vmem>> -> memref<1x104x128xf32, #tpu.memory_space<vmem>>
        %swap3A_836 = tpu.memref_squeeze %swap3A_835 : memref<1x104x128xf32, #tpu.memory_space<vmem>> -> memref<104x128xf32, #tpu.memory_space<vmem>>
        %swap3A_837 = arith.index_cast %add3A_745 : i32 to index
        %swap3A_838 = arith.constant 48 : index
        %swap3A_839 = tpu.vector_load %swap3A_836[%swap3A_837, %swap3A_838] {strides = array<i32>} : memref<104x128xf32, #tpu.memory_space<vmem>>, vector<1x16xf32>,
        %swap3A_840 = vector.shape_cast %swap3A_839 : vector<1x16xf32> to vector<16xf32>
        %swap3A_841 = vector.shape_cast %add3A_832 : vector<16xf32> to vector<1x16xf32>
        tpu.vector_store %swap3A_836[%swap3A_837, %swap3A_838], %swap3A_841 {strides = array<i32>} : memref<104x128xf32, #tpu.memory_space<vmem>>, vector<1x16xf32>,
        %scan3A_842 = arith.constant 5 : i32
        %scan3A_843 = arith.addi %scan3A_335, %scan3A_842 : i32
        %mul3A_844 = arith.constant 1 : i32
        %mul3A_845 = arith.muli %scan3A_843, %mul3A_844 : i32
        %add3A_846 = arith.constant 0 : i32
        %add3A_847 = arith.addi %add3A_846, %mul3A_845 : i32
        %get3A_848 = arith.constant 0 : i32
        %get3A_849 = arith.constant 0 : i32
        %get3A_850 = tpu.memref_slice %arg7[%scan3A_241, %get3A_848, %get3A_849] : memref<4x104x128xf32, #tpu.memory_space<vmem>> -> memref<1x104x128xf32, #tpu.memory_space<vmem>>
        %get3A_851 = tpu.memref_squeeze %get3A_850 : memref<1x104x128xf32, #tpu.memory_space<vmem>> -> memref<104x128xf32, #tpu.memory_space<vmem>>
        %get3A_852 = arith.index_cast %add3A_847 : i32 to index
        %get3A_853 = arith.constant 0 : index
        %get3A_854 = tpu.vector_load %get3A_851[%get3A_852, %get3A_853] {strides = array<i32>} : memref<104x128xf32, #tpu.memory_space<vmem>>, vector<1x16xf32>,
        %get3A_855 = vector.shape_cast %get3A_854 : vector<1x16xf32> to vector<16xf32>
        %add3A_856 = arith.constant 0 : i32
        %add3A_857 = arith.addi %add3A_856, %add3A_847 : i32
        %get3A_858 = arith.index_cast %add3A_857 : i32 to index
        %get3A_859 = arith.constant 0 : index
        %get3A_860 = tpu.vector_load %arg8[%get3A_858, %get3A_859] {strides = array<i32>} : memref<200x64xf32, #tpu.memory_space<vmem>>, vector<1x16xf32>,
        %get3A_861 = vector.shape_cast %get3A_860 : vector<1x16xf32> to vector<16xf32>
        %add3A_862 = arith.addf %get3A_855, %get3A_861 : vector<16xf32>
        %swap3A_863 = arith.constant 0 : i32
        %swap3A_864 = arith.constant 0 : i32
        %swap3A_865 = tpu.memref_slice %arg7[%scan3A_241, %swap3A_863, %swap3A_864] : memref<4x104x128xf32, #tpu.memory_space<vmem>> -> memref<1x104x128xf32, #tpu.memory_space<vmem>>
        %swap3A_866 = tpu.memref_squeeze %swap3A_865 : memref<1x104x128xf32, #tpu.memory_space<vmem>> -> memref<104x128xf32, #tpu.memory_space<vmem>>
        %swap3A_867 = arith.index_cast %add3A_847 : i32 to index
        %swap3A_868 = arith.constant 0 : index
        %swap3A_869 = tpu.vector_load %swap3A_866[%swap3A_867, %swap3A_868] {strides = array<i32>} : memref<104x128xf32, #tpu.memory_space<vmem>>, vector<1x16xf32>,
        %swap3A_870 = vector.shape_cast %swap3A_869 : vector<1x16xf32> to vector<16xf32>
        %swap3A_871 = vector.shape_cast %add3A_862 : vector<16xf32> to vector<1x16xf32>
        tpu.vector_store %swap3A_866[%swap3A_867, %swap3A_868], %swap3A_871 {strides = array<i32>} : memref<104x128xf32, #tpu.memory_space<vmem>>, vector<1x16xf32>,
        %get3A_872 = arith.constant 0 : i32
        %get3A_873 = arith.constant 0 : i32
        %get3A_874 = tpu.memref_slice %arg7[%scan3A_241, %get3A_872, %get3A_873] : memref<4x104x128xf32, #tpu.memory_space<vmem>> -> memref<1x104x128xf32, #tpu.memory_space<vmem>>
        %get3A_875 = tpu.memref_squeeze %get3A_874 : memref<1x104x128xf32, #tpu.memory_space<vmem>> -> memref<104x128xf32, #tpu.memory_space<vmem>>
        %get3A_876 = arith.index_cast %add3A_847 : i32 to index
        %get3A_877 = arith.constant 16 : index
        %get3A_878 = tpu.vector_load %get3A_875[%get3A_876, %get3A_877] {strides = array<i32>} : memref<104x128xf32, #tpu.memory_space<vmem>>, vector<1x16xf32>,
        %get3A_879 = vector.shape_cast %get3A_878 : vector<1x16xf32> to vector<16xf32>
        %add3A_880 = arith.constant 0 : i32
        %add3A_881 = arith.addi %add3A_880, %add3A_847 : i32
        %get3A_882 = arith.index_cast %add3A_881 : i32 to index
        %get3A_883 = arith.constant 16 : index
        %get3A_884 = tpu.vector_load %arg8[%get3A_882, %get3A_883] {strides = array<i32>} : memref<200x64xf32, #tpu.memory_space<vmem>>, vector<1x16xf32>,
        %get3A_885 = vector.shape_cast %get3A_884 : vector<1x16xf32> to vector<16xf32>
        %add3A_886 = arith.addf %get3A_879, %get3A_885 : vector<16xf32>
        %swap3A_887 = arith.constant 0 : i32
        %swap3A_888 = arith.constant 0 : i32
        %swap3A_889 = tpu.memref_slice %arg7[%scan3A_241, %swap3A_887, %swap3A_888] : memref<4x104x128xf32, #tpu.memory_space<vmem>> -> memref<1x104x128xf32, #tpu.memory_space<vmem>>
        %swap3A_890 = tpu.memref_squeeze %swap3A_889 : memref<1x104x128xf32, #tpu.memory_space<vmem>> -> memref<104x128xf32, #tpu.memory_space<vmem>>
        %swap3A_891 = arith.index_cast %add3A_847 : i32 to index
        %swap3A_892 = arith.constant 16 : index
        %swap3A_893 = tpu.vector_load %swap3A_890[%swap3A_891, %swap3A_892] {strides = array<i32>} : memref<104x128xf32, #tpu.memory_space<vmem>>, vector<1x16xf32>,
        %swap3A_894 = vector.shape_cast %swap3A_893 : vector<1x16xf32> to vector<16xf32>
        %swap3A_895 = vector.shape_cast %add3A_886 : vector<16xf32> to vector<1x16xf32>
        tpu.vector_store %swap3A_890[%swap3A_891, %swap3A_892], %swap3A_895 {strides = array<i32>} : memref<104x128xf32, #tpu.memory_space<vmem>>, vector<1x16xf32>,
        %get3A_896 = arith.constant 0 : i32
        %get3A_897 = arith.constant 0 : i32
        %get3A_898 = tpu.memref_slice %arg7[%scan3A_241, %get3A_896, %get3A_897] : memref<4x104x128xf32, #tpu.memory_space<vmem>> -> memref<1x104x128xf32, #tpu.memory_space<vmem>>
        %get3A_899 = tpu.memref_squeeze %get3A_898 : memref<1x104x128xf32, #tpu.memory_space<vmem>> -> memref<104x128xf32, #tpu.memory_space<vmem>>
        %get3A_900 = arith.index_cast %add3A_847 : i32 to index
        %get3A_901 = arith.constant 32 : index
        %get3A_902 = tpu.vector_load %get3A_899[%get3A_900, %get3A_901] {strides = array<i32>} : memref<104x128xf32, #tpu.memory_space<vmem>>, vector<1x16xf32>,
        %get3A_903 = vector.shape_cast %get3A_902 : vector<1x16xf32> to vector<16xf32>
        %add3A_904 = arith.constant 0 : i32
        %add3A_905 = arith.addi %add3A_904, %add3A_847 : i32
        %get3A_906 = arith.index_cast %add3A_905 : i32 to index
        %get3A_907 = arith.constant 32 : index
        %get3A_908 = tpu.vector_load %arg8[%get3A_906, %get3A_907] {strides = array<i32>} : memref<200x64xf32, #tpu.memory_space<vmem>>, vector<1x16xf32>,
        %get3A_909 = vector.shape_cast %get3A_908 : vector<1x16xf32> to vector<16xf32>
        %add3A_910 = arith.addf %get3A_903, %get3A_909 : vector<16xf32>
        %swap3A_911 = arith.constant 0 : i32
        %swap3A_912 = arith.constant 0 : i32
        %swap3A_913 = tpu.memref_slice %arg7[%scan3A_241, %swap3A_911, %swap3A_912] : memref<4x104x128xf32, #tpu.memory_space<vmem>> -> memref<1x104x128xf32, #tpu.memory_space<vmem>>
        %swap3A_914 = tpu.memref_squeeze %swap3A_913 : memref<1x104x128xf32, #tpu.memory_space<vmem>> -> memref<104x128xf32, #tpu.memory_space<vmem>>
        %swap3A_915 = arith.index_cast %add3A_847 : i32 to index
        %swap3A_916 = arith.constant 32 : index
        %swap3A_917 = tpu.vector_load %swap3A_914[%swap3A_915, %swap3A_916] {strides = array<i32>} : memref<104x128xf32, #tpu.memory_space<vmem>>, vector<1x16xf32>,
        %swap3A_918 = vector.shape_cast %swap3A_917 : vector<1x16xf32> to vector<16xf32>
        %swap3A_919 = vector.shape_cast %add3A_910 : vector<16xf32> to vector<1x16xf32>
        tpu.vector_store %swap3A_914[%swap3A_915, %swap3A_916], %swap3A_919 {strides = array<i32>} : memref<104x128xf32, #tpu.memory_space<vmem>>, vector<1x16xf32>,
        %get3A_920 = arith.constant 0 : i32
        %get3A_921 = arith.constant 0 : i32
        %get3A_922 = tpu.memref_slice %arg7[%scan3A_241, %get3A_920, %get3A_921] : memref<4x104x128xf32, #tpu.memory_space<vmem>> -> memref<1x104x128xf32, #tpu.memory_space<vmem>>
        %get3A_923 = tpu.memref_squeeze %get3A_922 : memref<1x104x128xf32, #tpu.memory_space<vmem>> -> memref<104x128xf32, #tpu.memory_space<vmem>>
        %get3A_924 = arith.index_cast %add3A_847 : i32 to index
        %get3A_925 = arith.constant 48 : index
        %get3A_926 = tpu.vector_load %get3A_923[%get3A_924, %get3A_925] {strides = array<i32>} : memref<104x128xf32, #tpu.memory_space<vmem>>, vector<1x16xf32>,
        %get3A_927 = vector.shape_cast %get3A_926 : vector<1x16xf32> to vector<16xf32>
        %add3A_928 = arith.constant 0 : i32
        %add3A_929 = arith.addi %add3A_928, %add3A_847 : i32
        %get3A_930 = arith.index_cast %add3A_929 : i32 to index
        %get3A_931 = arith.constant 48 : index
        %get3A_932 = tpu.vector_load %arg8[%get3A_930, %get3A_931] {strides = array<i32>} : memref<200x64xf32, #tpu.memory_space<vmem>>, vector<1x16xf32>,
        %get3A_933 = vector.shape_cast %get3A_932 : vector<1x16xf32> to vector<16xf32>
        %add3A_934 = arith.addf %get3A_927, %get3A_933 : vector<16xf32>
        %swap3A_935 = arith.constant 0 : i32
        %swap3A_936 = arith.constant 0 : i32
        %swap3A_937 = tpu.memref_slice %arg7[%scan3A_241, %swap3A_935, %swap3A_936] : memref<4x104x128xf32, #tpu.memory_space<vmem>> -> memref<1x104x128xf32, #tpu.memory_space<vmem>>
        %swap3A_938 = tpu.memref_squeeze %swap3A_937 : memref<1x104x128xf32, #tpu.memory_space<vmem>> -> memref<104x128xf32, #tpu.memory_space<vmem>>
        %swap3A_939 = arith.index_cast %add3A_847 : i32 to index
        %swap3A_940 = arith.constant 48 : index
        %swap3A_941 = tpu.vector_load %swap3A_938[%swap3A_939, %swap3A_940] {strides = array<i32>} : memref<104x128xf32, #tpu.memory_space<vmem>>, vector<1x16xf32>,
        %swap3A_942 = vector.shape_cast %swap3A_941 : vector<1x16xf32> to vector<16xf32>
        %swap3A_943 = vector.shape_cast %add3A_934 : vector<16xf32> to vector<1x16xf32>
        tpu.vector_store %swap3A_938[%swap3A_939, %swap3A_940], %swap3A_943 {strides = array<i32>} : memref<104x128xf32, #tpu.memory_space<vmem>>, vector<1x16xf32>,
        %scan3A_944 = arith.constant 6 : i32
        %scan3A_945 = arith.addi %scan3A_335, %scan3A_944 : i32
        %mul3A_946 = arith.constant 1 : i32
        %mul3A_947 = arith.muli %scan3A_945, %mul3A_946 : i32
        %add3A_948 = arith.constant 0 : i32
        %add3A_949 = arith.addi %add3A_948, %mul3A_947 : i32
        %get3A_950 = arith.constant 0 : i32
        %get3A_951 = arith.constant 0 : i32
        %get3A_952 = tpu.memref_slice %arg7[%scan3A_241, %get3A_950, %get3A_951] : memref<4x104x128xf32, #tpu.memory_space<vmem>> -> memref<1x104x128xf32, #tpu.memory_space<vmem>>
        %get3A_953 = tpu.memref_squeeze %get3A_952 : memref<1x104x128xf32, #tpu.memory_space<vmem>> -> memref<104x128xf32, #tpu.memory_space<vmem>>
        %get3A_954 = arith.index_cast %add3A_949 : i32 to index
        %get3A_955 = arith.constant 0 : index
        %get3A_956 = tpu.vector_load %get3A_953[%get3A_954, %get3A_955] {strides = array<i32>} : memref<104x128xf32, #tpu.memory_space<vmem>>, vector<1x16xf32>,
        %get3A_957 = vector.shape_cast %get3A_956 : vector<1x16xf32> to vector<16xf32>
        %add3A_958 = arith.constant 0 : i32
        %add3A_959 = arith.addi %add3A_958, %add3A_949 : i32
        %get3A_960 = arith.index_cast %add3A_959 : i32 to index
        %get3A_961 = arith.constant 0 : index
        %get3A_962 = tpu.vector_load %arg8[%get3A_960, %get3A_961] {strides = array<i32>} : memref<200x64xf32, #tpu.memory_space<vmem>>, vector<1x16xf32>,
        %get3A_963 = vector.shape_cast %get3A_962 : vector<1x16xf32> to vector<16xf32>
        %add3A_964 = arith.addf %get3A_957, %get3A_963 : vector<16xf32>
        %swap3A_965 = arith.constant 0 : i32
        %swap3A_966 = arith.constant 0 : i32
        %swap3A_967 = tpu.memref_slice %arg7[%scan3A_241, %swap3A_965, %swap3A_966] : memref<4x104x128xf32, #tpu.memory_space<vmem>> -> memref<1x104x128xf32, #tpu.memory_space<vmem>>
        %swap3A_968 = tpu.memref_squeeze %swap3A_967 : memref<1x104x128xf32, #tpu.memory_space<vmem>> -> memref<104x128xf32, #tpu.memory_space<vmem>>
        %swap3A_969 = arith.index_cast %add3A_949 : i32 to index
        %swap3A_970 = arith.constant 0 : index
        %swap3A_971 = tpu.vector_load %swap3A_968[%swap3A_969, %swap3A_970] {strides = array<i32>} : memref<104x128xf32, #tpu.memory_space<vmem>>, vector<1x16xf32>,
        %swap3A_972 = vector.shape_cast %swap3A_971 : vector<1x16xf32> to vector<16xf32>
        %swap3A_973 = vector.shape_cast %add3A_964 : vector<16xf32> to vector<1x16xf32>
        tpu.vector_store %swap3A_968[%swap3A_969, %swap3A_970], %swap3A_973 {strides = array<i32>} : memref<104x128xf32, #tpu.memory_space<vmem>>, vector<1x16xf32>,
        %get3A_974 = arith.constant 0 : i32
        %get3A_975 = arith.constant 0 : i32
        %get3A_976 = tpu.memref_slice %arg7[%scan3A_241, %get3A_974, %get3A_975] : memref<4x104x128xf32, #tpu.memory_space<vmem>> -> memref<1x104x128xf32, #tpu.memory_space<vmem>>
        %get3A_977 = tpu.memref_squeeze %get3A_976 : memref<1x104x128xf32, #tpu.memory_space<vmem>> -> memref<104x128xf32, #tpu.memory_space<vmem>>
        %get3A_978 = arith.index_cast %add3A_949 : i32 to index
        %get3A_979 = arith.constant 16 : index
        %get3A_980 = tpu.vector_load %get3A_977[%get3A_978, %get3A_979] {strides = array<i32>} : memref<104x128xf32, #tpu.memory_space<vmem>>, vector<1x16xf32>,
        %get3A_981 = vector.shape_cast %get3A_980 : vector<1x16xf32> to vector<16xf32>
        %add3A_982 = arith.constant 0 : i32
        %add3A_983 = arith.addi %add3A_982, %add3A_949 : i32
        %get3A_984 = arith.index_cast %add3A_983 : i32 to index
        %get3A_985 = arith.constant 16 : index
        %get3A_986 = tpu.vector_load %arg8[%get3A_984, %get3A_985] {strides = array<i32>} : memref<200x64xf32, #tpu.memory_space<vmem>>, vector<1x16xf32>,
        %get3A_987 = vector.shape_cast %get3A_986 : vector<1x16xf32> to vector<16xf32>
        %add3A_988 = arith.addf %get3A_981, %get3A_987 : vector<16xf32>
        %swap3A_989 = arith.constant 0 : i32
        %swap3A_990 = arith.constant 0 : i32
        %swap3A_991 = tpu.memref_slice %arg7[%scan3A_241, %swap3A_989, %swap3A_990] : memref<4x104x128xf32, #tpu.memory_space<vmem>> -> memref<1x104x128xf32, #tpu.memory_space<vmem>>
        %swap3A_992 = tpu.memref_squeeze %swap3A_991 : memref<1x104x128xf32, #tpu.memory_space<vmem>> -> memref<104x128xf32, #tpu.memory_space<vmem>>
        %swap3A_993 = arith.index_cast %add3A_949 : i32 to index
        %swap3A_994 = arith.constant 16 : index
        %swap3A_995 = tpu.vector_load %swap3A_992[%swap3A_993, %swap3A_994] {strides = array<i32>} : memref<104x128xf32, #tpu.memory_space<vmem>>, vector<1x16xf32>,
        %swap3A_996 = vector.shape_cast %swap3A_995 : vector<1x16xf32> to vector<16xf32>
        %swap3A_997 = vector.shape_cast %add3A_988 : vector<16xf32> to vector<1x16xf32>
        tpu.vector_store %swap3A_992[%swap3A_993, %swap3A_994], %swap3A_997 {strides = array<i32>} : memref<104x128xf32, #tpu.memory_space<vmem>>, vector<1x16xf32>,
        %get3A_998 = arith.constant 0 : i32
        %get3A_999 = arith.constant 0 : i32
        %get3A_1000 = tpu.memref_slice %arg7[%scan3A_241, %get3A_998, %get3A_999] : memref<4x104x128xf32, #tpu.memory_space<vmem>> -> memref<1x104x128xf32, #tpu.memory_space<vmem>>
        %get3A_1001 = tpu.memref_squeeze %get3A_1000 : memref<1x104x128xf32, #tpu.memory_space<vmem>> -> memref<104x128xf32, #tpu.memory_space<vmem>>
        %get3A_1002 = arith.index_cast %add3A_949 : i32 to index
        %get3A_1003 = arith.constant 32 : index
        %get3A_1004 = tpu.vector_load %get3A_1001[%get3A_1002, %get3A_1003] {strides = array<i32>} : memref<104x128xf32, #tpu.memory_space<vmem>>, vector<1x16xf32>,
        %get3A_1005 = vector.shape_cast %get3A_1004 : vector<1x16xf32> to vector<16xf32>
        %add3A_1006 = arith.constant 0 : i32
        %add3A_1007 = arith.addi %add3A_1006, %add3A_949 : i32
        %get3A_1008 = arith.index_cast %add3A_1007 : i32 to index
        %get3A_1009 = arith.constant 32 : index
        %get3A_1010 = tpu.vector_load %arg8[%get3A_1008, %get3A_1009] {strides = array<i32>} : memref<200x64xf32, #tpu.memory_space<vmem>>, vector<1x16xf32>,
        %get3A_1011 = vector.shape_cast %get3A_1010 : vector<1x16xf32> to vector<16xf32>
        %add3A_1012 = arith.addf %get3A_1005, %get3A_1011 : vector<16xf32>
        %swap3A_1013 = arith.constant 0 : i32
        %swap3A_1014 = arith.constant 0 : i32
        %swap3A_1015 = tpu.memref_slice %arg7[%scan3A_241, %swap3A_1013, %swap3A_1014] : memref<4x104x128xf32, #tpu.memory_space<vmem>> -> memref<1x104x128xf32, #tpu.memory_space<vmem>>
        %swap3A_1016 = tpu.memref_squeeze %swap3A_1015 : memref<1x104x128xf32, #tpu.memory_space<vmem>> -> memref<104x128xf32, #tpu.memory_space<vmem>>
        %swap3A_1017 = arith.index_cast %add3A_949 : i32 to index
        %swap3A_1018 = arith.constant 32 : index
        %swap3A_1019 = tpu.vector_load %swap3A_1016[%swap3A_1017, %swap3A_1018] {strides = array<i32>} : memref<104x128xf32, #tpu.memory_space<vmem>>, vector<1x16xf32>,
        %swap3A_1020 = vector.shape_cast %swap3A_1019 : vector<1x16xf32> to vector<16xf32>
        %swap3A_1021 = vector.shape_cast %add3A_1012 : vector<16xf32> to vector<1x16xf32>
        tpu.vector_store %swap3A_1016[%swap3A_1017, %swap3A_1018], %swap3A_1021 {strides = array<i32>} : memref<104x128xf32, #tpu.memory_space<vmem>>, vector<1x16xf32>,
        %get3A_1022 = arith.constant 0 : i32
        %get3A_1023 = arith.constant 0 : i32
        %get3A_1024 = tpu.memref_slice %arg7[%scan3A_241, %get3A_1022, %get3A_1023] : memref<4x104x128xf32, #tpu.memory_space<vmem>> -> memref<1x104x128xf32, #tpu.memory_space<vmem>>
        %get3A_1025 = tpu.memref_squeeze %get3A_1024 : memref<1x104x128xf32, #tpu.memory_space<vmem>> -> memref<104x128xf32, #tpu.memory_space<vmem>>
        %get3A_1026 = arith.index_cast %add3A_949 : i32 to index
        %get3A_1027 = arith.constant 48 : index
        %get3A_1028 = tpu.vector_load %get3A_1025[%get3A_1026, %get3A_1027] {strides = array<i32>} : memref<104x128xf32, #tpu.memory_space<vmem>>, vector<1x16xf32>,
        %get3A_1029 = vector.shape_cast %get3A_1028 : vector<1x16xf32> to vector<16xf32>
        %add3A_1030 = arith.constant 0 : i32
        %add3A_1031 = arith.addi %add3A_1030, %add3A_949 : i32
        %get3A_1032 = arith.index_cast %add3A_1031 : i32 to index
        %get3A_1033 = arith.constant 48 : index
        %get3A_1034 = tpu.vector_load %arg8[%get3A_1032, %get3A_1033] {strides = array<i32>} : memref<200x64xf32, #tpu.memory_space<vmem>>, vector<1x16xf32>,
        %get3A_1035 = vector.shape_cast %get3A_1034 : vector<1x16xf32> to vector<16xf32>
        %add3A_1036 = arith.addf %get3A_1029, %get3A_1035 : vector<16xf32>
        %swap3A_1037 = arith.constant 0 : i32
        %swap3A_1038 = arith.constant 0 : i32
        %swap3A_1039 = tpu.memref_slice %arg7[%scan3A_241, %swap3A_1037, %swap3A_1038] : memref<4x104x128xf32, #tpu.memory_space<vmem>> -> memref<1x104x128xf32, #tpu.memory_space<vmem>>
        %swap3A_1040 = tpu.memref_squeeze %swap3A_1039 : memref<1x104x128xf32, #tpu.memory_space<vmem>> -> memref<104x128xf32, #tpu.memory_space<vmem>>
        %swap3A_1041 = arith.index_cast %add3A_949 : i32 to index
        %swap3A_1042 = arith.constant 48 : index
        %swap3A_1043 = tpu.vector_load %swap3A_1040[%swap3A_1041, %swap3A_1042] {strides = array<i32>} : memref<104x128xf32, #tpu.memory_space<vmem>>, vector<1x16xf32>,
        %swap3A_1044 = vector.shape_cast %swap3A_1043 : vector<1x16xf32> to vector<16xf32>
        %swap3A_1045 = vector.shape_cast %add3A_1036 : vector<16xf32> to vector<1x16xf32>
        tpu.vector_store %swap3A_1040[%swap3A_1041, %swap3A_1042], %swap3A_1045 {strides = array<i32>} : memref<104x128xf32, #tpu.memory_space<vmem>>, vector<1x16xf32>,
        %scan3A_1046 = arith.constant 7 : i32
        %scan3A_1047 = arith.addi %scan3A_335, %scan3A_1046 : i32
        %mul3A_1048 = arith.constant 1 : i32
        %mul3A_1049 = arith.muli %scan3A_1047, %mul3A_1048 : i32
        %add3A_1050 = arith.constant 0 : i32
        %add3A_1051 = arith.addi %add3A_1050, %mul3A_1049 : i32
        %get3A_1052 = arith.constant 0 : i32
        %get3A_1053 = arith.constant 0 : i32
        %get3A_1054 = tpu.memref_slice %arg7[%scan3A_241, %get3A_1052, %get3A_1053] : memref<4x104x128xf32, #tpu.memory_space<vmem>> -> memref<1x104x128xf32, #tpu.memory_space<vmem>>
        %get3A_1055 = tpu.memref_squeeze %get3A_1054 : memref<1x104x128xf32, #tpu.memory_space<vmem>> -> memref<104x128xf32, #tpu.memory_space<vmem>>
        %get3A_1056 = arith.index_cast %add3A_1051 : i32 to index
        %get3A_1057 = arith.constant 0 : index
        %get3A_1058 = tpu.vector_load %get3A_1055[%get3A_1056, %get3A_1057] {strides = array<i32>} : memref<104x128xf32, #tpu.memory_space<vmem>>, vector<1x16xf32>,
        %get3A_1059 = vector.shape_cast %get3A_1058 : vector<1x16xf32> to vector<16xf32>
        %add3A_1060 = arith.constant 0 : i32
        %add3A_1061 = arith.addi %add3A_1060, %add3A_1051 : i32
        %get3A_1062 = arith.index_cast %add3A_1061 : i32 to index
        %get3A_1063 = arith.constant 0 : index
        %get3A_1064 = tpu.vector_load %arg8[%get3A_1062, %get3A_1063] {strides = array<i32>} : memref<200x64xf32, #tpu.memory_space<vmem>>, vector<1x16xf32>,
        %get3A_1065 = vector.shape_cast %get3A_1064 : vector<1x16xf32> to vector<16xf32>
        %add3A_1066 = arith.addf %get3A_1059, %get3A_1065 : vector<16xf32>
        %swap3A_1067 = arith.constant 0 : i32
        %swap3A_1068 = arith.constant 0 : i32
        %swap3A_1069 = tpu.memref_slice %arg7[%scan3A_241, %swap3A_1067, %swap3A_1068] : memref<4x104x128xf32, #tpu.memory_space<vmem>> -> memref<1x104x128xf32, #tpu.memory_space<vmem>>
        %swap3A_1070 = tpu.memref_squeeze %swap3A_1069 : memref<1x104x128xf32, #tpu.memory_space<vmem>> -> memref<104x128xf32, #tpu.memory_space<vmem>>
        %swap3A_1071 = arith.index_cast %add3A_1051 : i32 to index
        %swap3A_1072 = arith.constant 0 : index
        %swap3A_1073 = tpu.vector_load %swap3A_1070[%swap3A_1071, %swap3A_1072] {strides = array<i32>} : memref<104x128xf32, #tpu.memory_space<vmem>>, vector<1x16xf32>,
        %swap3A_1074 = vector.shape_cast %swap3A_1073 : vector<1x16xf32> to vector<16xf32>
        %swap3A_1075 = vector.shape_cast %add3A_1066 : vector<16xf32> to vector<1x16xf32>
        tpu.vector_store %swap3A_1070[%swap3A_1071, %swap3A_1072], %swap3A_1075 {strides = array<i32>} : memref<104x128xf32, #tpu.memory_space<vmem>>, vector<1x16xf32>,
        %get3A_1076 = arith.constant 0 : i32
        %get3A_1077 = arith.constant 0 : i32
        %get3A_1078 = tpu.memref_slice %arg7[%scan3A_241, %get3A_1076, %get3A_1077] : memref<4x104x128xf32, #tpu.memory_space<vmem>> -> memref<1x104x128xf32, #tpu.memory_space<vmem>>
        %get3A_1079 = tpu.memref_squeeze %get3A_1078 : memref<1x104x128xf32, #tpu.memory_space<vmem>> -> memref<104x128xf32, #tpu.memory_space<vmem>>
        %get3A_1080 = arith.index_cast %add3A_1051 : i32 to index
        %get3A_1081 = arith.constant 16 : index
        %get3A_1082 = tpu.vector_load %get3A_1079[%get3A_1080, %get3A_1081] {strides = array<i32>} : memref<104x128xf32, #tpu.memory_space<vmem>>, vector<1x16xf32>,
        %get3A_1083 = vector.shape_cast %get3A_1082 : vector<1x16xf32> to vector<16xf32>
        %add3A_1084 = arith.constant 0 : i32
        %add3A_1085 = arith.addi %add3A_1084, %add3A_1051 : i32
        %get3A_1086 = arith.index_cast %add3A_1085 : i32 to index
        %get3A_1087 = arith.constant 16 : index
        %get3A_1088 = tpu.vector_load %arg8[%get3A_1086, %get3A_1087] {strides = array<i32>} : memref<200x64xf32, #tpu.memory_space<vmem>>, vector<1x16xf32>,
        %get3A_1089 = vector.shape_cast %get3A_1088 : vector<1x16xf32> to vector<16xf32>
        %add3A_1090 = arith.addf %get3A_1083, %get3A_1089 : vector<16xf32>
        %swap3A_1091 = arith.constant 0 : i32
        %swap3A_1092 = arith.constant 0 : i32
        %swap3A_1093 = tpu.memref_slice %arg7[%scan3A_241, %swap3A_1091, %swap3A_1092] : memref<4x104x128xf32, #tpu.memory_space<vmem>> -> memref<1x104x128xf32, #tpu.memory_space<vmem>>
        %swap3A_1094 = tpu.memref_squeeze %swap3A_1093 : memref<1x104x128xf32, #tpu.memory_space<vmem>> -> memref<104x128xf32, #tpu.memory_space<vmem>>
        %swap3A_1095 = arith.index_cast %add3A_1051 : i32 to index
        %swap3A_1096 = arith.constant 16 : index
        %swap3A_1097 = tpu.vector_load %swap3A_1094[%swap3A_1095, %swap3A_1096] {strides = array<i32>} : memref<104x128xf32, #tpu.memory_space<vmem>>, vector<1x16xf32>,
        %swap3A_1098 = vector.shape_cast %swap3A_1097 : vector<1x16xf32> to vector<16xf32>
        %swap3A_1099 = vector.shape_cast %add3A_1090 : vector<16xf32> to vector<1x16xf32>
        tpu.vector_store %swap3A_1094[%swap3A_1095, %swap3A_1096], %swap3A_1099 {strides = array<i32>} : memref<104x128xf32, #tpu.memory_space<vmem>>, vector<1x16xf32>,
        %get3A_1100 = arith.constant 0 : i32
        %get3A_1101 = arith.constant 0 : i32
        %get3A_1102 = tpu.memref_slice %arg7[%scan3A_241, %get3A_1100, %get3A_1101] : memref<4x104x128xf32, #tpu.memory_space<vmem>> -> memref<1x104x128xf32, #tpu.memory_space<vmem>>
        %get3A_1103 = tpu.memref_squeeze %get3A_1102 : memref<1x104x128xf32, #tpu.memory_space<vmem>> -> memref<104x128xf32, #tpu.memory_space<vmem>>
        %get3A_1104 = arith.index_cast %add3A_1051 : i32 to index
        %get3A_1105 = arith.constant 32 : index
        %get3A_1106 = tpu.vector_load %get3A_1103[%get3A_1104, %get3A_1105] {strides = array<i32>} : memref<104x128xf32, #tpu.memory_space<vmem>>, vector<1x16xf32>,
        %get3A_1107 = vector.shape_cast %get3A_1106 : vector<1x16xf32> to vector<16xf32>
        %add3A_1108 = arith.constant 0 : i32
        %add3A_1109 = arith.addi %add3A_1108, %add3A_1051 : i32
        %get3A_1110 = arith.index_cast %add3A_1109 : i32 to index
        %get3A_1111 = arith.constant 32 : index
        %get3A_1112 = tpu.vector_load %arg8[%get3A_1110, %get3A_1111] {strides = array<i32>} : memref<200x64xf32, #tpu.memory_space<vmem>>, vector<1x16xf32>,
        %get3A_1113 = vector.shape_cast %get3A_1112 : vector<1x16xf32> to vector<16xf32>
        %add3A_1114 = arith.addf %get3A_1107, %get3A_1113 : vector<16xf32>
        %swap3A_1115 = arith.constant 0 : i32
        %swap3A_1116 = arith.constant 0 : i32
        %swap3A_1117 = tpu.memref_slice %arg7[%scan3A_241, %swap3A_1115, %swap3A_1116] : memref<4x104x128xf32, #tpu.memory_space<vmem>> -> memref<1x104x128xf32, #tpu.memory_space<vmem>>
        %swap3A_1118 = tpu.memref_squeeze %swap3A_1117 : memref<1x104x128xf32, #tpu.memory_space<vmem>> -> memref<104x128xf32, #tpu.memory_space<vmem>>
        %swap3A_1119 = arith.index_cast %add3A_1051 : i32 to index
        %swap3A_1120 = arith.constant 32 : index
        %swap3A_1121 = tpu.vector_load %swap3A_1118[%swap3A_1119, %swap3A_1120] {strides = array<i32>} : memref<104x128xf32, #tpu.memory_space<vmem>>, vector<1x16xf32>,
        %swap3A_1122 = vector.shape_cast %swap3A_1121 : vector<1x16xf32> to vector<16xf32>
        %swap3A_1123 = vector.shape_cast %add3A_1114 : vector<16xf32> to vector<1x16xf32>
        tpu.vector_store %swap3A_1118[%swap3A_1119, %swap3A_1120], %swap3A_1123 {strides = array<i32>} : memref<104x128xf32, #tpu.memory_space<vmem>>, vector<1x16xf32>,
        %get3A_1124 = arith.constant 0 : i32
        %get3A_1125 = arith.constant 0 : i32
        %get3A_1126 = tpu.memref_slice %arg7[%scan3A_241, %get3A_1124, %get3A_1125] : memref<4x104x128xf32, #tpu.memory_space<vmem>> -> memref<1x104x128xf32, #tpu.memory_space<vmem>>
        %get3A_1127 = tpu.memref_squeeze %get3A_1126 : memref<1x104x128xf32, #tpu.memory_space<vmem>> -> memref<104x128xf32, #tpu.memory_space<vmem>>
        %get3A_1128 = arith.index_cast %add3A_1051 : i32 to index
        %get3A_1129 = arith.constant 48 : index
        %get3A_1130 = tpu.vector_load %get3A_1127[%get3A_1128, %get3A_1129] {strides = array<i32>} : memref<104x128xf32, #tpu.memory_space<vmem>>, vector<1x16xf32>,
        %get3A_1131 = vector.shape_cast %get3A_1130 : vector<1x16xf32> to vector<16xf32>
        %add3A_1132 = arith.constant 0 : i32
        %add3A_1133 = arith.addi %add3A_1132, %add3A_1051 : i32
        %get3A_1134 = arith.index_cast %add3A_1133 : i32 to index
        %get3A_1135 = arith.constant 48 : index
        %get3A_1136 = tpu.vector_load %arg8[%get3A_1134, %get3A_1135] {strides = array<i32>} : memref<200x64xf32, #tpu.memory_space<vmem>>, vector<1x16xf32>,
        %get3A_1137 = vector.shape_cast %get3A_1136 : vector<1x16xf32> to vector<16xf32>
        %add3A_1138 = arith.addf %get3A_1131, %get3A_1137 : vector<16xf32>
        %swap3A_1139 = arith.constant 0 : i32
        %swap3A_1140 = arith.constant 0 : i32
        %swap3A_1141 = tpu.memref_slice %arg7[%scan3A_241, %swap3A_1139, %swap3A_1140] : memref<4x104x128xf32, #tpu.memory_space<vmem>> -> memref<1x104x128xf32, #tpu.memory_space<vmem>>
        %swap3A_1142 = tpu.memref_squeeze %swap3A_1141 : memref<1x104x128xf32, #tpu.memory_space<vmem>> -> memref<104x128xf32, #tpu.memory_space<vmem>>
        %swap3A_1143 = arith.index_cast %add3A_1051 : i32 to index
        %swap3A_1144 = arith.constant 48 : index
        %swap3A_1145 = tpu.vector_load %swap3A_1142[%swap3A_1143, %swap3A_1144] {strides = array<i32>} : memref<104x128xf32, #tpu.memory_space<vmem>>, vector<1x16xf32>,
        %swap3A_1146 = vector.shape_cast %swap3A_1145 : vector<1x16xf32> to vector<16xf32>
        %swap3A_1147 = vector.shape_cast %add3A_1138 : vector<16xf32> to vector<1x16xf32>
        tpu.vector_store %swap3A_1142[%swap3A_1143, %swap3A_1144], %swap3A_1147 {strides = array<i32>} : memref<104x128xf32, #tpu.memory_space<vmem>>, vector<1x16xf32>,
      }
      %scan3A_246 = arith.constant 104 : i32
      %div3A_247 = arith.constant 2 : i32
      %div3A_248 = arith.divsi %add3A_203, %div3A_247 : i32
      %add3A_249 = arith.addi %mul3A_2, %div3A_248 : i32
      %dma_start3A_250 = arith.constant 2 : i32
      %dma_start3A_251 = arith.constant 0 : i32
      %dma_start3A_252 = arith.constant 0 : i32
      %dma_start3A_253 = tpu.memref_slice %arg7[%dma_start3A_250, %dma_start3A_251, %dma_start3A_252] : memref<4x104x128xf32, #tpu.memory_space<vmem>> -> memref<1x104x128xf32, #tpu.memory_space<vmem>>
      %dma_start3A_254 = tpu.memref_squeeze %dma_start3A_253 : memref<1x104x128xf32, #tpu.memory_space<vmem>> -> memref<104x128xf32, #tpu.memory_space<vmem>>
      %dma_start3A_255 = arith.constant 0 : i32
      %dma_start3A_256 = arith.constant 0 : i32
      %dma_start3A_257 = tpu.memref_slice %arg5[%add3A_249, %dma_start3A_255, %dma_start3A_256] : memref<4096x200x128xf32, #tpu.memory_space<hbm>> -> memref<1x104x128xf32, #tpu.memory_space<hbm>>
      %dma_start3A_258 = tpu.memref_squeeze %dma_start3A_257 : memref<1x104x128xf32, #tpu.memory_space<hbm>> -> memref<104x128xf32, #tpu.memory_space<hbm>>
      %dma_start3A_259 = arith.constant 0 : i32
      %dma_start3A_260 = arith.constant 0 : i32
      %dma_start3A_261 = tpu.memref_slice %arg5[%add3A_249, %dma_start3A_259, %dma_start3A_260] : memref<4096x200x128xf32, #tpu.memory_space<hbm>> -> memref<1x104x128xf32, #tpu.memory_space<hbm>>
      %dma_start3A_262 = tpu.memref_squeeze %dma_start3A_261 : memref<1x104x128xf32, #tpu.memory_space<hbm>> -> memref<104x128xf32, #tpu.memory_space<hbm>>
      %dma_start3A_263 = arith.constant 0 : i32
      %dma_start3A_264 = arith.constant 0 : i32
      %dma_start3A_265 = tpu.memref_slice %arg7[%dma_start3A_250, %dma_start3A_263, %dma_start3A_264] : memref<4x104x128xf32, #tpu.memory_space<vmem>> -> memref<1x104x128xf32, #tpu.memory_space<vmem>>
      %dma_start3A_266 = tpu.memref_squeeze %dma_start3A_265 : memref<1x104x128xf32, #tpu.memory_space<vmem>> -> memref<104x128xf32, #tpu.memory_space<vmem>>
      tpu.enqueue_dma source(%dma_start3A_266 : memref<104x128xf32, #tpu.memory_space<vmem>>) target(%dma_start3A_262 : memref<104x128xf32, #tpu.memory_space<hbm>>) target_semaphore(%arg15 : memref<!tpu.dma_semaphore, #tpu.memory_space<semaphore_mem>>)
      %mul3A_267 = arith.constant 4 : i32
      %mul3A_268 = arith.muli %add3A_72, %mul3A_267 : i32
      %add3A_269 = arith.constant 3 : i32
      %add3A_270 = arith.addi %mul3A_268, %add3A_269 : i32
      %dma_wait3A_271 = arith.constant 3 : i32
      %dma_wait3A_272 = arith.constant 0 : i32
      %dma_wait3A_273 = arith.constant 0 : i32
      %dma_wait3A_274 = tpu.memref_slice %arg7[%dma_wait3A_271, %dma_wait3A_272, %dma_wait3A_273] : memref<4x104x128xf32, #tpu.memory_space<vmem>> -> memref<1x96x128xf32, #tpu.memory_space<vmem>>
      %dma_wait3A_275 = tpu.memref_squeeze %dma_wait3A_274 : memref<1x96x128xf32, #tpu.memory_space<vmem>> -> memref<96x128xf32, #tpu.memory_space<vmem>>
      %dma_wait3A_276 = arith.constant 0 : i32
      %dma_wait3A_277 = arith.constant 0 : i32
      %dma_wait3A_278 = tpu.memref_slice %arg3[%dma_wait3A_276, %dma_wait3A_277] : memref<1000001x128xf32, #tpu.memory_space<hbm>> -> memref<96x128xf32, #tpu.memory_space<hbm>>
      %dma_wait3A_279 = arith.constant 0 : i32
      %dma_wait3A_280 = arith.constant 0 : i32
      %dma_wait3A_281 = tpu.memref_slice %arg7[%dma_wait3A_271, %dma_wait3A_279, %dma_wait3A_280] : memref<4x104x128xf32, #tpu.memory_space<vmem>> -> memref<1x96x128xf32, #tpu.memory_space<vmem>>
      %dma_wait3A_282 = tpu.memref_squeeze %dma_wait3A_281 : memref<1x96x128xf32, #tpu.memory_space<vmem>> -> memref<96x128xf32, #tpu.memory_space<vmem>>
      %dma_wait3A_283 = arith.constant 0 : i32
      %dma_wait3A_284 = arith.constant 0 : i32
      %dma_wait3A_285 = tpu.memref_slice %arg3[%dma_wait3A_283, %dma_wait3A_284] : memref<1000001x128xf32, #tpu.memory_space<hbm>> -> memref<96x128xf32, #tpu.memory_space<hbm>>
      tpu.wait_dma2 semaphore(%arg12 : memref<!tpu.dma_semaphore, #tpu.memory_space<semaphore_mem>>) src(%dma_wait3A_285 : memref<96x128xf32, #tpu.memory_space<hbm>>) dst(%dma_wait3A_282 : memref<96x128xf32, #tpu.memory_space<vmem>>)
      %dma_wait3A_286 = arith.constant 1 : i32
      %dma_wait3A_287 = arith.constant 0 : i32
      %dma_wait3A_288 = arith.constant 0 : i32
      %dma_wait3A_289 = arith.constant 0 : i32
      %dma_wait3A_290 = tpu.memref_slice %arg7[%dma_wait3A_286, %dma_wait3A_288, %dma_wait3A_289] : memref<4x104x128xf32, #tpu.memory_space<vmem>> -> memref<1x96x128xf32, #tpu.memory_space<vmem>>
      %dma_wait3A_291 = tpu.memref_squeeze %dma_wait3A_290 : memref<1x96x128xf32, #tpu.memory_space<vmem>> -> memref<96x128xf32, #tpu.memory_space<vmem>>
      %dma_wait3A_292 = arith.constant 0 : i32
      %dma_wait3A_293 = arith.constant 0 : i32
      %dma_wait3A_294 = tpu.memref_slice %arg5[%dma_wait3A_287, %dma_wait3A_292, %dma_wait3A_293] : memref<4096x200x128xf32, #tpu.memory_space<hbm>> -> memref<1x96x128xf32, #tpu.memory_space<hbm>>
      %dma_wait3A_295 = tpu.memref_squeeze %dma_wait3A_294 : memref<1x96x128xf32, #tpu.memory_space<hbm>> -> memref<96x128xf32, #tpu.memory_space<hbm>>
      %dma_wait3A_296 = arith.constant 0 : i32
      %dma_wait3A_297 = arith.constant 0 : i32
      %dma_wait3A_298 = tpu.memref_slice %arg5[%dma_wait3A_287, %dma_wait3A_296, %dma_wait3A_297] : memref<4096x200x128xf32, #tpu.memory_space<hbm>> -> memref<1x96x128xf32, #tpu.memory_space<hbm>>
      %dma_wait3A_299 = tpu.memref_squeeze %dma_wait3A_298 : memref<1x96x128xf32, #tpu.memory_space<hbm>> -> memref<96x128xf32, #tpu.memory_space<hbm>>
      %dma_wait3A_300 = arith.constant 0 : i32
      %dma_wait3A_301 = arith.constant 0 : i32
      %dma_wait3A_302 = tpu.memref_slice %arg7[%dma_wait3A_286, %dma_wait3A_300, %dma_wait3A_301] : memref<4x104x128xf32, #tpu.memory_space<vmem>> -> memref<1x96x128xf32, #tpu.memory_space<vmem>>
      %dma_wait3A_303 = tpu.memref_squeeze %dma_wait3A_302 : memref<1x96x128xf32, #tpu.memory_space<vmem>> -> memref<96x128xf32, #tpu.memory_space<vmem>>
      tpu.wait_dma2 semaphore(%arg14 : memref<!tpu.dma_semaphore, #tpu.memory_space<semaphore_mem>>) src(%dma_wait3A_303 : memref<96x128xf32, #tpu.memory_space<vmem>>) dst(%dma_wait3A_299 : memref<96x128xf32, #tpu.memory_space<hbm>>)
      %lt3A_304 = arith.constant 63 : i32
      %lt3A_305 = arith.cmpi slt, %add3A_72, %lt3A_304 : i32
      %convert_element_type3A_306 = arith.extui %lt3A_305 : i1 to i32
      %cond3A_307 = arith.constant 0 : i32
      %cond3A_308 = arith.cmpi ne, %convert_element_type3A_306, %cond3A_307 : i32
      scf.if %cond3A_308 {
        %add3A_335 = arith.constant 2 : i32
        %add3A_336 = arith.addi %add3A_270, %add3A_335 : i32
        %div3A_337 = arith.constant 2 : i32
        %div3A_338 = arith.divsi %add3A_336, %div3A_337 : i32
        %dma_start3A_339 = arith.constant 1 : i32
        %dma_start3A_340 = arith.constant 0 : i32
        %dma_start3A_341 = arith.constant 0 : i32
        %dma_start3A_342 = tpu.memref_slice %arg7[%dma_start3A_339, %dma_start3A_340, %dma_start3A_341] : memref<4x104x128xf32, #tpu.memory_space<vmem>> -> memref<1x96x128xf32, #tpu.memory_space<vmem>>
        %dma_start3A_343 = tpu.memref_squeeze %dma_start3A_342 : memref<1x96x128xf32, #tpu.memory_space<vmem>> -> memref<96x128xf32, #tpu.memory_space<vmem>>
        %dma_start3A_344 = arith.constant 104 : i32
        %dma_start3A_345 = tpu.memref_slice %arg6[%div3A_338, %dma_start3A_344] : memref<128x200xi32, #tpu.memory_space<vmem>> -> memref<1x96xi32, #tpu.memory_space<vmem>>
        %dma_start3A_346 = tpu.memref_squeeze %dma_start3A_345 : memref<1x96xi32, #tpu.memory_space<vmem>> -> memref<96xi32, #tpu.memory_space<vmem>>
        %dma_start3A_347 = arith.constant 0 : i32
        %dma_start3A_348 = arith.constant 0 : i32
        %dma_start3A_349 = tpu.memref_slice %arg3[%dma_start3A_347, %dma_start3A_348] : memref<1000001x128xf32, #tpu.memory_space<hbm>> -> memref<1000001x128xf32, #tpu.memory_space<hbm>>
        tpu.enqueue_indirect_dma source(%dma_start3A_349 : memref<1000001x128xf32, #tpu.memory_space<hbm>>) target(%dma_start3A_343 : memref<96x128xf32, #tpu.memory_space<vmem>>) offsets(%dma_start3A_346 : memref<96xi32, #tpu.memory_space<vmem>>) semaphore(%arg10 : memref<!tpu.dma_semaphore, #tpu.memory_space<semaphore_mem>>)
      } else {
      }
      %scan3A_309 = arith.constant 3 : i32
      %scan3A_310 = arith.constant 0 : i32
      %scan3A_311 = arith.constant 96 : i32
      %scan3A_312 = arith.addi %scan3A_310, %scan3A_311 : i32
      %scan3A_313 = arith.constant 8 : i32
      scf.for %scan3A_335 = %scan3A_310 to %scan3A_312 step %scan3A_313  : i32 {
        %mul3A_336 = arith.constant 1 : i32
        %mul3A_337 = arith.muli %scan3A_335, %mul3A_336 : i32
        %add3A_338 = arith.constant 0 : i32
        %add3A_339 = arith.addi %add3A_338, %mul3A_337 : i32
        %get3A = arith.constant 0 : i32
        %get3A_340 = arith.constant 0 : i32
        %get3A_341 = tpu.memref_slice %arg7[%scan3A_309, %get3A, %get3A_340] : memref<4x104x128xf32, #tpu.memory_space<vmem>> -> memref<1x104x128xf32, #tpu.memory_space<vmem>>
        %get3A_342 = tpu.memref_squeeze %get3A_341 : memref<1x104x128xf32, #tpu.memory_space<vmem>> -> memref<104x128xf32, #tpu.memory_space<vmem>>
        %get3A_343 = arith.index_cast %add3A_339 : i32 to index
        %get3A_344 = arith.constant 0 : index
        %get3A_345 = tpu.vector_load %get3A_342[%get3A_343, %get3A_344] {strides = array<i32>} : memref<104x128xf32, #tpu.memory_space<vmem>>, vector<1x16xf32>,
        %get3A_346 = vector.shape_cast %get3A_345 : vector<1x16xf32> to vector<16xf32>
        %add3A_347 = arith.constant 104 : i32
        %add3A_348 = arith.addi %add3A_347, %add3A_339 : i32
        %get3A_349 = arith.index_cast %add3A_348 : i32 to index
        %get3A_350 = arith.constant 0 : index
        %get3A_351 = tpu.vector_load %arg8[%get3A_349, %get3A_350] {strides = array<i32>} : memref<200x64xf32, #tpu.memory_space<vmem>>, vector<1x16xf32>,
        %get3A_352 = vector.shape_cast %get3A_351 : vector<1x16xf32> to vector<16xf32>
        %add3A_353 = arith.addf %get3A_346, %get3A_352 : vector<16xf32>
        %swap3A = arith.constant 0 : i32
        %swap3A_354 = arith.constant 0 : i32
        %swap3A_355 = tpu.memref_slice %arg7[%scan3A_309, %swap3A, %swap3A_354] : memref<4x104x128xf32, #tpu.memory_space<vmem>> -> memref<1x104x128xf32, #tpu.memory_space<vmem>>
        %swap3A_356 = tpu.memref_squeeze %swap3A_355 : memref<1x104x128xf32, #tpu.memory_space<vmem>> -> memref<104x128xf32, #tpu.memory_space<vmem>>
        %swap3A_357 = arith.index_cast %add3A_339 : i32 to index
        %swap3A_358 = arith.constant 0 : index
        %swap3A_359 = tpu.vector_load %swap3A_356[%swap3A_357, %swap3A_358] {strides = array<i32>} : memref<104x128xf32, #tpu.memory_space<vmem>>, vector<1x16xf32>,
        %swap3A_360 = vector.shape_cast %swap3A_359 : vector<1x16xf32> to vector<16xf32>
        %swap3A_361 = vector.shape_cast %add3A_353 : vector<16xf32> to vector<1x16xf32>
        tpu.vector_store %swap3A_356[%swap3A_357, %swap3A_358], %swap3A_361 {strides = array<i32>} : memref<104x128xf32, #tpu.memory_space<vmem>>, vector<1x16xf32>,
        %get3A_362 = arith.constant 0 : i32
        %get3A_363 = arith.constant 0 : i32
        %get3A_364 = tpu.memref_slice %arg7[%scan3A_309, %get3A_362, %get3A_363] : memref<4x104x128xf32, #tpu.memory_space<vmem>> -> memref<1x104x128xf32, #tpu.memory_space<vmem>>
        %get3A_365 = tpu.memref_squeeze %get3A_364 : memref<1x104x128xf32, #tpu.memory_space<vmem>> -> memref<104x128xf32, #tpu.memory_space<vmem>>
        %get3A_366 = arith.index_cast %add3A_339 : i32 to index
        %get3A_367 = arith.constant 16 : index
        %get3A_368 = tpu.vector_load %get3A_365[%get3A_366, %get3A_367] {strides = array<i32>} : memref<104x128xf32, #tpu.memory_space<vmem>>, vector<1x16xf32>,
        %get3A_369 = vector.shape_cast %get3A_368 : vector<1x16xf32> to vector<16xf32>
        %add3A_370 = arith.constant 104 : i32
        %add3A_371 = arith.addi %add3A_370, %add3A_339 : i32
        %get3A_372 = arith.index_cast %add3A_371 : i32 to index
        %get3A_373 = arith.constant 16 : index
        %get3A_374 = tpu.vector_load %arg8[%get3A_372, %get3A_373] {strides = array<i32>} : memref<200x64xf32, #tpu.memory_space<vmem>>, vector<1x16xf32>,
        %get3A_375 = vector.shape_cast %get3A_374 : vector<1x16xf32> to vector<16xf32>
        %add3A_376 = arith.addf %get3A_369, %get3A_375 : vector<16xf32>
        %swap3A_377 = arith.constant 0 : i32
        %swap3A_378 = arith.constant 0 : i32
        %swap3A_379 = tpu.memref_slice %arg7[%scan3A_309, %swap3A_377, %swap3A_378] : memref<4x104x128xf32, #tpu.memory_space<vmem>> -> memref<1x104x128xf32, #tpu.memory_space<vmem>>
        %swap3A_380 = tpu.memref_squeeze %swap3A_379 : memref<1x104x128xf32, #tpu.memory_space<vmem>> -> memref<104x128xf32, #tpu.memory_space<vmem>>
        %swap3A_381 = arith.index_cast %add3A_339 : i32 to index
        %swap3A_382 = arith.constant 16 : index
        %swap3A_383 = tpu.vector_load %swap3A_380[%swap3A_381, %swap3A_382] {strides = array<i32>} : memref<104x128xf32, #tpu.memory_space<vmem>>, vector<1x16xf32>,
        %swap3A_384 = vector.shape_cast %swap3A_383 : vector<1x16xf32> to vector<16xf32>
        %swap3A_385 = vector.shape_cast %add3A_376 : vector<16xf32> to vector<1x16xf32>
        tpu.vector_store %swap3A_380[%swap3A_381, %swap3A_382], %swap3A_385 {strides = array<i32>} : memref<104x128xf32, #tpu.memory_space<vmem>>, vector<1x16xf32>,
        %get3A_386 = arith.constant 0 : i32
        %get3A_387 = arith.constant 0 : i32
        %get3A_388 = tpu.memref_slice %arg7[%scan3A_309, %get3A_386, %get3A_387] : memref<4x104x128xf32, #tpu.memory_space<vmem>> -> memref<1x104x128xf32, #tpu.memory_space<vmem>>
        %get3A_389 = tpu.memref_squeeze %get3A_388 : memref<1x104x128xf32, #tpu.memory_space<vmem>> -> memref<104x128xf32, #tpu.memory_space<vmem>>
        %get3A_390 = arith.index_cast %add3A_339 : i32 to index
        %get3A_391 = arith.constant 32 : index
        %get3A_392 = tpu.vector_load %get3A_389[%get3A_390, %get3A_391] {strides = array<i32>} : memref<104x128xf32, #tpu.memory_space<vmem>>, vector<1x16xf32>,
        %get3A_393 = vector.shape_cast %get3A_392 : vector<1x16xf32> to vector<16xf32>
        %add3A_394 = arith.constant 104 : i32
        %add3A_395 = arith.addi %add3A_394, %add3A_339 : i32
        %get3A_396 = arith.index_cast %add3A_395 : i32 to index
        %get3A_397 = arith.constant 32 : index
        %get3A_398 = tpu.vector_load %arg8[%get3A_396, %get3A_397] {strides = array<i32>} : memref<200x64xf32, #tpu.memory_space<vmem>>, vector<1x16xf32>,
        %get3A_399 = vector.shape_cast %get3A_398 : vector<1x16xf32> to vector<16xf32>
        %add3A_400 = arith.addf %get3A_393, %get3A_399 : vector<16xf32>
        %swap3A_401 = arith.constant 0 : i32
        %swap3A_402 = arith.constant 0 : i32
        %swap3A_403 = tpu.memref_slice %arg7[%scan3A_309, %swap3A_401, %swap3A_402] : memref<4x104x128xf32, #tpu.memory_space<vmem>> -> memref<1x104x128xf32, #tpu.memory_space<vmem>>
        %swap3A_404 = tpu.memref_squeeze %swap3A_403 : memref<1x104x128xf32, #tpu.memory_space<vmem>> -> memref<104x128xf32, #tpu.memory_space<vmem>>
        %swap3A_405 = arith.index_cast %add3A_339 : i32 to index
        %swap3A_406 = arith.constant 32 : index
        %swap3A_407 = tpu.vector_load %swap3A_404[%swap3A_405, %swap3A_406] {strides = array<i32>} : memref<104x128xf32, #tpu.memory_space<vmem>>, vector<1x16xf32>,
        %swap3A_408 = vector.shape_cast %swap3A_407 : vector<1x16xf32> to vector<16xf32>
        %swap3A_409 = vector.shape_cast %add3A_400 : vector<16xf32> to vector<1x16xf32>
        tpu.vector_store %swap3A_404[%swap3A_405, %swap3A_406], %swap3A_409 {strides = array<i32>} : memref<104x128xf32, #tpu.memory_space<vmem>>, vector<1x16xf32>,
        %get3A_410 = arith.constant 0 : i32
        %get3A_411 = arith.constant 0 : i32
        %get3A_412 = tpu.memref_slice %arg7[%scan3A_309, %get3A_410, %get3A_411] : memref<4x104x128xf32, #tpu.memory_space<vmem>> -> memref<1x104x128xf32, #tpu.memory_space<vmem>>
        %get3A_413 = tpu.memref_squeeze %get3A_412 : memref<1x104x128xf32, #tpu.memory_space<vmem>> -> memref<104x128xf32, #tpu.memory_space<vmem>>
        %get3A_414 = arith.index_cast %add3A_339 : i32 to index
        %get3A_415 = arith.constant 48 : index
        %get3A_416 = tpu.vector_load %get3A_413[%get3A_414, %get3A_415] {strides = array<i32>} : memref<104x128xf32, #tpu.memory_space<vmem>>, vector<1x16xf32>,
        %get3A_417 = vector.shape_cast %get3A_416 : vector<1x16xf32> to vector<16xf32>
        %add3A_418 = arith.constant 104 : i32
        %add3A_419 = arith.addi %add3A_418, %add3A_339 : i32
        %get3A_420 = arith.index_cast %add3A_419 : i32 to index
        %get3A_421 = arith.constant 48 : index
        %get3A_422 = tpu.vector_load %arg8[%get3A_420, %get3A_421] {strides = array<i32>} : memref<200x64xf32, #tpu.memory_space<vmem>>, vector<1x16xf32>,
        %get3A_423 = vector.shape_cast %get3A_422 : vector<1x16xf32> to vector<16xf32>
        %add3A_424 = arith.addf %get3A_417, %get3A_423 : vector<16xf32>
        %swap3A_425 = arith.constant 0 : i32
        %swap3A_426 = arith.constant 0 : i32
        %swap3A_427 = tpu.memref_slice %arg7[%scan3A_309, %swap3A_425, %swap3A_426] : memref<4x104x128xf32, #tpu.memory_space<vmem>> -> memref<1x104x128xf32, #tpu.memory_space<vmem>>
        %swap3A_428 = tpu.memref_squeeze %swap3A_427 : memref<1x104x128xf32, #tpu.memory_space<vmem>> -> memref<104x128xf32, #tpu.memory_space<vmem>>
        %swap3A_429 = arith.index_cast %add3A_339 : i32 to index
        %swap3A_430 = arith.constant 48 : index
        %swap3A_431 = tpu.vector_load %swap3A_428[%swap3A_429, %swap3A_430] {strides = array<i32>} : memref<104x128xf32, #tpu.memory_space<vmem>>, vector<1x16xf32>,
        %swap3A_432 = vector.shape_cast %swap3A_431 : vector<1x16xf32> to vector<16xf32>
        %swap3A_433 = vector.shape_cast %add3A_424 : vector<16xf32> to vector<1x16xf32>
        tpu.vector_store %swap3A_428[%swap3A_429, %swap3A_430], %swap3A_433 {strides = array<i32>} : memref<104x128xf32, #tpu.memory_space<vmem>>, vector<1x16xf32>,
        %scan3A_434 = arith.constant 1 : i32
        %scan3A_435 = arith.addi %scan3A_335, %scan3A_434 : i32
        %mul3A_436 = arith.constant 1 : i32
        %mul3A_437 = arith.muli %scan3A_435, %mul3A_436 : i32
        %add3A_438 = arith.constant 0 : i32
        %add3A_439 = arith.addi %add3A_438, %mul3A_437 : i32
        %get3A_440 = arith.constant 0 : i32
        %get3A_441 = arith.constant 0 : i32
        %get3A_442 = tpu.memref_slice %arg7[%scan3A_309, %get3A_440, %get3A_441] : memref<4x104x128xf32, #tpu.memory_space<vmem>> -> memref<1x104x128xf32, #tpu.memory_space<vmem>>
        %get3A_443 = tpu.memref_squeeze %get3A_442 : memref<1x104x128xf32, #tpu.memory_space<vmem>> -> memref<104x128xf32, #tpu.memory_space<vmem>>
        %get3A_444 = arith.index_cast %add3A_439 : i32 to index
        %get3A_445 = arith.constant 0 : index
        %get3A_446 = tpu.vector_load %get3A_443[%get3A_444, %get3A_445] {strides = array<i32>} : memref<104x128xf32, #tpu.memory_space<vmem>>, vector<1x16xf32>,
        %get3A_447 = vector.shape_cast %get3A_446 : vector<1x16xf32> to vector<16xf32>
        %add3A_448 = arith.constant 104 : i32
        %add3A_449 = arith.addi %add3A_448, %add3A_439 : i32
        %get3A_450 = arith.index_cast %add3A_449 : i32 to index
        %get3A_451 = arith.constant 0 : index
        %get3A_452 = tpu.vector_load %arg8[%get3A_450, %get3A_451] {strides = array<i32>} : memref<200x64xf32, #tpu.memory_space<vmem>>, vector<1x16xf32>,
        %get3A_453 = vector.shape_cast %get3A_452 : vector<1x16xf32> to vector<16xf32>
        %add3A_454 = arith.addf %get3A_447, %get3A_453 : vector<16xf32>
        %swap3A_455 = arith.constant 0 : i32
        %swap3A_456 = arith.constant 0 : i32
        %swap3A_457 = tpu.memref_slice %arg7[%scan3A_309, %swap3A_455, %swap3A_456] : memref<4x104x128xf32, #tpu.memory_space<vmem>> -> memref<1x104x128xf32, #tpu.memory_space<vmem>>
        %swap3A_458 = tpu.memref_squeeze %swap3A_457 : memref<1x104x128xf32, #tpu.memory_space<vmem>> -> memref<104x128xf32, #tpu.memory_space<vmem>>
        %swap3A_459 = arith.index_cast %add3A_439 : i32 to index
        %swap3A_460 = arith.constant 0 : index
        %swap3A_461 = tpu.vector_load %swap3A_458[%swap3A_459, %swap3A_460] {strides = array<i32>} : memref<104x128xf32, #tpu.memory_space<vmem>>, vector<1x16xf32>,
        %swap3A_462 = vector.shape_cast %swap3A_461 : vector<1x16xf32> to vector<16xf32>
        %swap3A_463 = vector.shape_cast %add3A_454 : vector<16xf32> to vector<1x16xf32>
        tpu.vector_store %swap3A_458[%swap3A_459, %swap3A_460], %swap3A_463 {strides = array<i32>} : memref<104x128xf32, #tpu.memory_space<vmem>>, vector<1x16xf32>,
        %get3A_464 = arith.constant 0 : i32
        %get3A_465 = arith.constant 0 : i32
        %get3A_466 = tpu.memref_slice %arg7[%scan3A_309, %get3A_464, %get3A_465] : memref<4x104x128xf32, #tpu.memory_space<vmem>> -> memref<1x104x128xf32, #tpu.memory_space<vmem>>
        %get3A_467 = tpu.memref_squeeze %get3A_466 : memref<1x104x128xf32, #tpu.memory_space<vmem>> -> memref<104x128xf32, #tpu.memory_space<vmem>>
        %get3A_468 = arith.index_cast %add3A_439 : i32 to index
        %get3A_469 = arith.constant 16 : index
        %get3A_470 = tpu.vector_load %get3A_467[%get3A_468, %get3A_469] {strides = array<i32>} : memref<104x128xf32, #tpu.memory_space<vmem>>, vector<1x16xf32>,
        %get3A_471 = vector.shape_cast %get3A_470 : vector<1x16xf32> to vector<16xf32>
        %add3A_472 = arith.constant 104 : i32
        %add3A_473 = arith.addi %add3A_472, %add3A_439 : i32
        %get3A_474 = arith.index_cast %add3A_473 : i32 to index
        %get3A_475 = arith.constant 16 : index
        %get3A_476 = tpu.vector_load %arg8[%get3A_474, %get3A_475] {strides = array<i32>} : memref<200x64xf32, #tpu.memory_space<vmem>>, vector<1x16xf32>,
        %get3A_477 = vector.shape_cast %get3A_476 : vector<1x16xf32> to vector<16xf32>
        %add3A_478 = arith.addf %get3A_471, %get3A_477 : vector<16xf32>
        %swap3A_479 = arith.constant 0 : i32
        %swap3A_480 = arith.constant 0 : i32
        %swap3A_481 = tpu.memref_slice %arg7[%scan3A_309, %swap3A_479, %swap3A_480] : memref<4x104x128xf32, #tpu.memory_space<vmem>> -> memref<1x104x128xf32, #tpu.memory_space<vmem>>
        %swap3A_482 = tpu.memref_squeeze %swap3A_481 : memref<1x104x128xf32, #tpu.memory_space<vmem>> -> memref<104x128xf32, #tpu.memory_space<vmem>>
        %swap3A_483 = arith.index_cast %add3A_439 : i32 to index
        %swap3A_484 = arith.constant 16 : index
        %swap3A_485 = tpu.vector_load %swap3A_482[%swap3A_483, %swap3A_484] {strides = array<i32>} : memref<104x128xf32, #tpu.memory_space<vmem>>, vector<1x16xf32>,
        %swap3A_486 = vector.shape_cast %swap3A_485 : vector<1x16xf32> to vector<16xf32>
        %swap3A_487 = vector.shape_cast %add3A_478 : vector<16xf32> to vector<1x16xf32>
        tpu.vector_store %swap3A_482[%swap3A_483, %swap3A_484], %swap3A_487 {strides = array<i32>} : memref<104x128xf32, #tpu.memory_space<vmem>>, vector<1x16xf32>,
        %get3A_488 = arith.constant 0 : i32
        %get3A_489 = arith.constant 0 : i32
        %get3A_490 = tpu.memref_slice %arg7[%scan3A_309, %get3A_488, %get3A_489] : memref<4x104x128xf32, #tpu.memory_space<vmem>> -> memref<1x104x128xf32, #tpu.memory_space<vmem>>
        %get3A_491 = tpu.memref_squeeze %get3A_490 : memref<1x104x128xf32, #tpu.memory_space<vmem>> -> memref<104x128xf32, #tpu.memory_space<vmem>>
        %get3A_492 = arith.index_cast %add3A_439 : i32 to index
        %get3A_493 = arith.constant 32 : index
        %get3A_494 = tpu.vector_load %get3A_491[%get3A_492, %get3A_493] {strides = array<i32>} : memref<104x128xf32, #tpu.memory_space<vmem>>, vector<1x16xf32>,
        %get3A_495 = vector.shape_cast %get3A_494 : vector<1x16xf32> to vector<16xf32>
        %add3A_496 = arith.constant 104 : i32
        %add3A_497 = arith.addi %add3A_496, %add3A_439 : i32
        %get3A_498 = arith.index_cast %add3A_497 : i32 to index
        %get3A_499 = arith.constant 32 : index
        %get3A_500 = tpu.vector_load %arg8[%get3A_498, %get3A_499] {strides = array<i32>} : memref<200x64xf32, #tpu.memory_space<vmem>>, vector<1x16xf32>,
        %get3A_501 = vector.shape_cast %get3A_500 : vector<1x16xf32> to vector<16xf32>
        %add3A_502 = arith.addf %get3A_495, %get3A_501 : vector<16xf32>
        %swap3A_503 = arith.constant 0 : i32
        %swap3A_504 = arith.constant 0 : i32
        %swap3A_505 = tpu.memref_slice %arg7[%scan3A_309, %swap3A_503, %swap3A_504] : memref<4x104x128xf32, #tpu.memory_space<vmem>> -> memref<1x104x128xf32, #tpu.memory_space<vmem>>
        %swap3A_506 = tpu.memref_squeeze %swap3A_505 : memref<1x104x128xf32, #tpu.memory_space<vmem>> -> memref<104x128xf32, #tpu.memory_space<vmem>>
        %swap3A_507 = arith.index_cast %add3A_439 : i32 to index
        %swap3A_508 = arith.constant 32 : index
        %swap3A_509 = tpu.vector_load %swap3A_506[%swap3A_507, %swap3A_508] {strides = array<i32>} : memref<104x128xf32, #tpu.memory_space<vmem>>, vector<1x16xf32>,
        %swap3A_510 = vector.shape_cast %swap3A_509 : vector<1x16xf32> to vector<16xf32>
        %swap3A_511 = vector.shape_cast %add3A_502 : vector<16xf32> to vector<1x16xf32>
        tpu.vector_store %swap3A_506[%swap3A_507, %swap3A_508], %swap3A_511 {strides = array<i32>} : memref<104x128xf32, #tpu.memory_space<vmem>>, vector<1x16xf32>,
        %get3A_512 = arith.constant 0 : i32
        %get3A_513 = arith.constant 0 : i32
        %get3A_514 = tpu.memref_slice %arg7[%scan3A_309, %get3A_512, %get3A_513] : memref<4x104x128xf32, #tpu.memory_space<vmem>> -> memref<1x104x128xf32, #tpu.memory_space<vmem>>
        %get3A_515 = tpu.memref_squeeze %get3A_514 : memref<1x104x128xf32, #tpu.memory_space<vmem>> -> memref<104x128xf32, #tpu.memory_space<vmem>>
        %get3A_516 = arith.index_cast %add3A_439 : i32 to index
        %get3A_517 = arith.constant 48 : index
        %get3A_518 = tpu.vector_load %get3A_515[%get3A_516, %get3A_517] {strides = array<i32>} : memref<104x128xf32, #tpu.memory_space<vmem>>, vector<1x16xf32>,
        %get3A_519 = vector.shape_cast %get3A_518 : vector<1x16xf32> to vector<16xf32>
        %add3A_520 = arith.constant 104 : i32
        %add3A_521 = arith.addi %add3A_520, %add3A_439 : i32
        %get3A_522 = arith.index_cast %add3A_521 : i32 to index
        %get3A_523 = arith.constant 48 : index
        %get3A_524 = tpu.vector_load %arg8[%get3A_522, %get3A_523] {strides = array<i32>} : memref<200x64xf32, #tpu.memory_space<vmem>>, vector<1x16xf32>,
        %get3A_525 = vector.shape_cast %get3A_524 : vector<1x16xf32> to vector<16xf32>
        %add3A_526 = arith.addf %get3A_519, %get3A_525 : vector<16xf32>
        %swap3A_527 = arith.constant 0 : i32
        %swap3A_528 = arith.constant 0 : i32
        %swap3A_529 = tpu.memref_slice %arg7[%scan3A_309, %swap3A_527, %swap3A_528] : memref<4x104x128xf32, #tpu.memory_space<vmem>> -> memref<1x104x128xf32, #tpu.memory_space<vmem>>
        %swap3A_530 = tpu.memref_squeeze %swap3A_529 : memref<1x104x128xf32, #tpu.memory_space<vmem>> -> memref<104x128xf32, #tpu.memory_space<vmem>>
        %swap3A_531 = arith.index_cast %add3A_439 : i32 to index
        %swap3A_532 = arith.constant 48 : index
        %swap3A_533 = tpu.vector_load %swap3A_530[%swap3A_531, %swap3A_532] {strides = array<i32>} : memref<104x128xf32, #tpu.memory_space<vmem>>, vector<1x16xf32>,
        %swap3A_534 = vector.shape_cast %swap3A_533 : vector<1x16xf32> to vector<16xf32>
        %swap3A_535 = vector.shape_cast %add3A_526 : vector<16xf32> to vector<1x16xf32>
        tpu.vector_store %swap3A_530[%swap3A_531, %swap3A_532], %swap3A_535 {strides = array<i32>} : memref<104x128xf32, #tpu.memory_space<vmem>>, vector<1x16xf32>,
        %scan3A_536 = arith.constant 2 : i32
        %scan3A_537 = arith.addi %scan3A_335, %scan3A_536 : i32
        %mul3A_538 = arith.constant 1 : i32
        %mul3A_539 = arith.muli %scan3A_537, %mul3A_538 : i32
        %add3A_540 = arith.constant 0 : i32
        %add3A_541 = arith.addi %add3A_540, %mul3A_539 : i32
        %get3A_542 = arith.constant 0 : i32
        %get3A_543 = arith.constant 0 : i32
        %get3A_544 = tpu.memref_slice %arg7[%scan3A_309, %get3A_542, %get3A_543] : memref<4x104x128xf32, #tpu.memory_space<vmem>> -> memref<1x104x128xf32, #tpu.memory_space<vmem>>
        %get3A_545 = tpu.memref_squeeze %get3A_544 : memref<1x104x128xf32, #tpu.memory_space<vmem>> -> memref<104x128xf32, #tpu.memory_space<vmem>>
        %get3A_546 = arith.index_cast %add3A_541 : i32 to index
        %get3A_547 = arith.constant 0 : index
        %get3A_548 = tpu.vector_load %get3A_545[%get3A_546, %get3A_547] {strides = array<i32>} : memref<104x128xf32, #tpu.memory_space<vmem>>, vector<1x16xf32>,
        %get3A_549 = vector.shape_cast %get3A_548 : vector<1x16xf32> to vector<16xf32>
        %add3A_550 = arith.constant 104 : i32
        %add3A_551 = arith.addi %add3A_550, %add3A_541 : i32
        %get3A_552 = arith.index_cast %add3A_551 : i32 to index
        %get3A_553 = arith.constant 0 : index
        %get3A_554 = tpu.vector_load %arg8[%get3A_552, %get3A_553] {strides = array<i32>} : memref<200x64xf32, #tpu.memory_space<vmem>>, vector<1x16xf32>,
        %get3A_555 = vector.shape_cast %get3A_554 : vector<1x16xf32> to vector<16xf32>
        %add3A_556 = arith.addf %get3A_549, %get3A_555 : vector<16xf32>
        %swap3A_557 = arith.constant 0 : i32
        %swap3A_558 = arith.constant 0 : i32
        %swap3A_559 = tpu.memref_slice %arg7[%scan3A_309, %swap3A_557, %swap3A_558] : memref<4x104x128xf32, #tpu.memory_space<vmem>> -> memref<1x104x128xf32, #tpu.memory_space<vmem>>
        %swap3A_560 = tpu.memref_squeeze %swap3A_559 : memref<1x104x128xf32, #tpu.memory_space<vmem>> -> memref<104x128xf32, #tpu.memory_space<vmem>>
        %swap3A_561 = arith.index_cast %add3A_541 : i32 to index
        %swap3A_562 = arith.constant 0 : index
        %swap3A_563 = tpu.vector_load %swap3A_560[%swap3A_561, %swap3A_562] {strides = array<i32>} : memref<104x128xf32, #tpu.memory_space<vmem>>, vector<1x16xf32>,
        %swap3A_564 = vector.shape_cast %swap3A_563 : vector<1x16xf32> to vector<16xf32>
        %swap3A_565 = vector.shape_cast %add3A_556 : vector<16xf32> to vector<1x16xf32>
        tpu.vector_store %swap3A_560[%swap3A_561, %swap3A_562], %swap3A_565 {strides = array<i32>} : memref<104x128xf32, #tpu.memory_space<vmem>>, vector<1x16xf32>,
        %get3A_566 = arith.constant 0 : i32
        %get3A_567 = arith.constant 0 : i32
        %get3A_568 = tpu.memref_slice %arg7[%scan3A_309, %get3A_566, %get3A_567] : memref<4x104x128xf32, #tpu.memory_space<vmem>> -> memref<1x104x128xf32, #tpu.memory_space<vmem>>
        %get3A_569 = tpu.memref_squeeze %get3A_568 : memref<1x104x128xf32, #tpu.memory_space<vmem>> -> memref<104x128xf32, #tpu.memory_space<vmem>>
        %get3A_570 = arith.index_cast %add3A_541 : i32 to index
        %get3A_571 = arith.constant 16 : index
        %get3A_572 = tpu.vector_load %get3A_569[%get3A_570, %get3A_571] {strides = array<i32>} : memref<104x128xf32, #tpu.memory_space<vmem>>, vector<1x16xf32>,
        %get3A_573 = vector.shape_cast %get3A_572 : vector<1x16xf32> to vector<16xf32>
        %add3A_574 = arith.constant 104 : i32
        %add3A_575 = arith.addi %add3A_574, %add3A_541 : i32
        %get3A_576 = arith.index_cast %add3A_575 : i32 to index
        %get3A_577 = arith.constant 16 : index
        %get3A_578 = tpu.vector_load %arg8[%get3A_576, %get3A_577] {strides = array<i32>} : memref<200x64xf32, #tpu.memory_space<vmem>>, vector<1x16xf32>,
        %get3A_579 = vector.shape_cast %get3A_578 : vector<1x16xf32> to vector<16xf32>
        %add3A_580 = arith.addf %get3A_573, %get3A_579 : vector<16xf32>
        %swap3A_581 = arith.constant 0 : i32
        %swap3A_582 = arith.constant 0 : i32
        %swap3A_583 = tpu.memref_slice %arg7[%scan3A_309, %swap3A_581, %swap3A_582] : memref<4x104x128xf32, #tpu.memory_space<vmem>> -> memref<1x104x128xf32, #tpu.memory_space<vmem>>
        %swap3A_584 = tpu.memref_squeeze %swap3A_583 : memref<1x104x128xf32, #tpu.memory_space<vmem>> -> memref<104x128xf32, #tpu.memory_space<vmem>>
        %swap3A_585 = arith.index_cast %add3A_541 : i32 to index
        %swap3A_586 = arith.constant 16 : index
        %swap3A_587 = tpu.vector_load %swap3A_584[%swap3A_585, %swap3A_586] {strides = array<i32>} : memref<104x128xf32, #tpu.memory_space<vmem>>, vector<1x16xf32>,
        %swap3A_588 = vector.shape_cast %swap3A_587 : vector<1x16xf32> to vector<16xf32>
        %swap3A_589 = vector.shape_cast %add3A_580 : vector<16xf32> to vector<1x16xf32>
        tpu.vector_store %swap3A_584[%swap3A_585, %swap3A_586], %swap3A_589 {strides = array<i32>} : memref<104x128xf32, #tpu.memory_space<vmem>>, vector<1x16xf32>,
        %get3A_590 = arith.constant 0 : i32
        %get3A_591 = arith.constant 0 : i32
        %get3A_592 = tpu.memref_slice %arg7[%scan3A_309, %get3A_590, %get3A_591] : memref<4x104x128xf32, #tpu.memory_space<vmem>> -> memref<1x104x128xf32, #tpu.memory_space<vmem>>
        %get3A_593 = tpu.memref_squeeze %get3A_592 : memref<1x104x128xf32, #tpu.memory_space<vmem>> -> memref<104x128xf32, #tpu.memory_space<vmem>>
        %get3A_594 = arith.index_cast %add3A_541 : i32 to index
        %get3A_595 = arith.constant 32 : index
        %get3A_596 = tpu.vector_load %get3A_593[%get3A_594, %get3A_595] {strides = array<i32>} : memref<104x128xf32, #tpu.memory_space<vmem>>, vector<1x16xf32>,
        %get3A_597 = vector.shape_cast %get3A_596 : vector<1x16xf32> to vector<16xf32>
        %add3A_598 = arith.constant 104 : i32
        %add3A_599 = arith.addi %add3A_598, %add3A_541 : i32
        %get3A_600 = arith.index_cast %add3A_599 : i32 to index
        %get3A_601 = arith.constant 32 : index
        %get3A_602 = tpu.vector_load %arg8[%get3A_600, %get3A_601] {strides = array<i32>} : memref<200x64xf32, #tpu.memory_space<vmem>>, vector<1x16xf32>,
        %get3A_603 = vector.shape_cast %get3A_602 : vector<1x16xf32> to vector<16xf32>
        %add3A_604 = arith.addf %get3A_597, %get3A_603 : vector<16xf32>
        %swap3A_605 = arith.constant 0 : i32
        %swap3A_606 = arith.constant 0 : i32
        %swap3A_607 = tpu.memref_slice %arg7[%scan3A_309, %swap3A_605, %swap3A_606] : memref<4x104x128xf32, #tpu.memory_space<vmem>> -> memref<1x104x128xf32, #tpu.memory_space<vmem>>
        %swap3A_608 = tpu.memref_squeeze %swap3A_607 : memref<1x104x128xf32, #tpu.memory_space<vmem>> -> memref<104x128xf32, #tpu.memory_space<vmem>>
        %swap3A_609 = arith.index_cast %add3A_541 : i32 to index
        %swap3A_610 = arith.constant 32 : index
        %swap3A_611 = tpu.vector_load %swap3A_608[%swap3A_609, %swap3A_610] {strides = array<i32>} : memref<104x128xf32, #tpu.memory_space<vmem>>, vector<1x16xf32>,
        %swap3A_612 = vector.shape_cast %swap3A_611 : vector<1x16xf32> to vector<16xf32>
        %swap3A_613 = vector.shape_cast %add3A_604 : vector<16xf32> to vector<1x16xf32>
        tpu.vector_store %swap3A_608[%swap3A_609, %swap3A_610], %swap3A_613 {strides = array<i32>} : memref<104x128xf32, #tpu.memory_space<vmem>>, vector<1x16xf32>,
        %get3A_614 = arith.constant 0 : i32
        %get3A_615 = arith.constant 0 : i32
        %get3A_616 = tpu.memref_slice %arg7[%scan3A_309, %get3A_614, %get3A_615] : memref<4x104x128xf32, #tpu.memory_space<vmem>> -> memref<1x104x128xf32, #tpu.memory_space<vmem>>
        %get3A_617 = tpu.memref_squeeze %get3A_616 : memref<1x104x128xf32, #tpu.memory_space<vmem>> -> memref<104x128xf32, #tpu.memory_space<vmem>>
        %get3A_618 = arith.index_cast %add3A_541 : i32 to index
        %get3A_619 = arith.constant 48 : index
        %get3A_620 = tpu.vector_load %get3A_617[%get3A_618, %get3A_619] {strides = array<i32>} : memref<104x128xf32, #tpu.memory_space<vmem>>, vector<1x16xf32>,
        %get3A_621 = vector.shape_cast %get3A_620 : vector<1x16xf32> to vector<16xf32>
        %add3A_622 = arith.constant 104 : i32
        %add3A_623 = arith.addi %add3A_622, %add3A_541 : i32
        %get3A_624 = arith.index_cast %add3A_623 : i32 to index
        %get3A_625 = arith.constant 48 : index
        %get3A_626 = tpu.vector_load %arg8[%get3A_624, %get3A_625] {strides = array<i32>} : memref<200x64xf32, #tpu.memory_space<vmem>>, vector<1x16xf32>,
        %get3A_627 = vector.shape_cast %get3A_626 : vector<1x16xf32> to vector<16xf32>
        %add3A_628 = arith.addf %get3A_621, %get3A_627 : vector<16xf32>
        %swap3A_629 = arith.constant 0 : i32
        %swap3A_630 = arith.constant 0 : i32
        %swap3A_631 = tpu.memref_slice %arg7[%scan3A_309, %swap3A_629, %swap3A_630] : memref<4x104x128xf32, #tpu.memory_space<vmem>> -> memref<1x104x128xf32, #tpu.memory_space<vmem>>
        %swap3A_632 = tpu.memref_squeeze %swap3A_631 : memref<1x104x128xf32, #tpu.memory_space<vmem>> -> memref<104x128xf32, #tpu.memory_space<vmem>>
        %swap3A_633 = arith.index_cast %add3A_541 : i32 to index
        %swap3A_634 = arith.constant 48 : index
        %swap3A_635 = tpu.vector_load %swap3A_632[%swap3A_633, %swap3A_634] {strides = array<i32>} : memref<104x128xf32, #tpu.memory_space<vmem>>, vector<1x16xf32>,
        %swap3A_636 = vector.shape_cast %swap3A_635 : vector<1x16xf32> to vector<16xf32>
        %swap3A_637 = vector.shape_cast %add3A_628 : vector<16xf32> to vector<1x16xf32>
        tpu.vector_store %swap3A_632[%swap3A_633, %swap3A_634], %swap3A_637 {strides = array<i32>} : memref<104x128xf32, #tpu.memory_space<vmem>>, vector<1x16xf32>,
        %scan3A_638 = arith.constant 3 : i32
        %scan3A_639 = arith.addi %scan3A_335, %scan3A_638 : i32
        %mul3A_640 = arith.constant 1 : i32
        %mul3A_641 = arith.muli %scan3A_639, %mul3A_640 : i32
        %add3A_642 = arith.constant 0 : i32
        %add3A_643 = arith.addi %add3A_642, %mul3A_641 : i32
        %get3A_644 = arith.constant 0 : i32
        %get3A_645 = arith.constant 0 : i32
        %get3A_646 = tpu.memref_slice %arg7[%scan3A_309, %get3A_644, %get3A_645] : memref<4x104x128xf32, #tpu.memory_space<vmem>> -> memref<1x104x128xf32, #tpu.memory_space<vmem>>
        %get3A_647 = tpu.memref_squeeze %get3A_646 : memref<1x104x128xf32, #tpu.memory_space<vmem>> -> memref<104x128xf32, #tpu.memory_space<vmem>>
        %get3A_648 = arith.index_cast %add3A_643 : i32 to index
        %get3A_649 = arith.constant 0 : index
        %get3A_650 = tpu.vector_load %get3A_647[%get3A_648, %get3A_649] {strides = array<i32>} : memref<104x128xf32, #tpu.memory_space<vmem>>, vector<1x16xf32>,
        %get3A_651 = vector.shape_cast %get3A_650 : vector<1x16xf32> to vector<16xf32>
        %add3A_652 = arith.constant 104 : i32
        %add3A_653 = arith.addi %add3A_652, %add3A_643 : i32
        %get3A_654 = arith.index_cast %add3A_653 : i32 to index
        %get3A_655 = arith.constant 0 : index
        %get3A_656 = tpu.vector_load %arg8[%get3A_654, %get3A_655] {strides = array<i32>} : memref<200x64xf32, #tpu.memory_space<vmem>>, vector<1x16xf32>,
        %get3A_657 = vector.shape_cast %get3A_656 : vector<1x16xf32> to vector<16xf32>
        %add3A_658 = arith.addf %get3A_651, %get3A_657 : vector<16xf32>
        %swap3A_659 = arith.constant 0 : i32
        %swap3A_660 = arith.constant 0 : i32
        %swap3A_661 = tpu.memref_slice %arg7[%scan3A_309, %swap3A_659, %swap3A_660] : memref<4x104x128xf32, #tpu.memory_space<vmem>> -> memref<1x104x128xf32, #tpu.memory_space<vmem>>
        %swap3A_662 = tpu.memref_squeeze %swap3A_661 : memref<1x104x128xf32, #tpu.memory_space<vmem>> -> memref<104x128xf32, #tpu.memory_space<vmem>>
        %swap3A_663 = arith.index_cast %add3A_643 : i32 to index
        %swap3A_664 = arith.constant 0 : index
        %swap3A_665 = tpu.vector_load %swap3A_662[%swap3A_663, %swap3A_664] {strides = array<i32>} : memref<104x128xf32, #tpu.memory_space<vmem>>, vector<1x16xf32>,
        %swap3A_666 = vector.shape_cast %swap3A_665 : vector<1x16xf32> to vector<16xf32>
        %swap3A_667 = vector.shape_cast %add3A_658 : vector<16xf32> to vector<1x16xf32>
        tpu.vector_store %swap3A_662[%swap3A_663, %swap3A_664], %swap3A_667 {strides = array<i32>} : memref<104x128xf32, #tpu.memory_space<vmem>>, vector<1x16xf32>,
        %get3A_668 = arith.constant 0 : i32
        %get3A_669 = arith.constant 0 : i32
        %get3A_670 = tpu.memref_slice %arg7[%scan3A_309, %get3A_668, %get3A_669] : memref<4x104x128xf32, #tpu.memory_space<vmem>> -> memref<1x104x128xf32, #tpu.memory_space<vmem>>
        %get3A_671 = tpu.memref_squeeze %get3A_670 : memref<1x104x128xf32, #tpu.memory_space<vmem>> -> memref<104x128xf32, #tpu.memory_space<vmem>>
        %get3A_672 = arith.index_cast %add3A_643 : i32 to index
        %get3A_673 = arith.constant 16 : index
        %get3A_674 = tpu.vector_load %get3A_671[%get3A_672, %get3A_673] {strides = array<i32>} : memref<104x128xf32, #tpu.memory_space<vmem>>, vector<1x16xf32>,
        %get3A_675 = vector.shape_cast %get3A_674 : vector<1x16xf32> to vector<16xf32>
        %add3A_676 = arith.constant 104 : i32
        %add3A_677 = arith.addi %add3A_676, %add3A_643 : i32
        %get3A_678 = arith.index_cast %add3A_677 : i32 to index
        %get3A_679 = arith.constant 16 : index
        %get3A_680 = tpu.vector_load %arg8[%get3A_678, %get3A_679] {strides = array<i32>} : memref<200x64xf32, #tpu.memory_space<vmem>>, vector<1x16xf32>,
        %get3A_681 = vector.shape_cast %get3A_680 : vector<1x16xf32> to vector<16xf32>
        %add3A_682 = arith.addf %get3A_675, %get3A_681 : vector<16xf32>
        %swap3A_683 = arith.constant 0 : i32
        %swap3A_684 = arith.constant 0 : i32
        %swap3A_685 = tpu.memref_slice %arg7[%scan3A_309, %swap3A_683, %swap3A_684] : memref<4x104x128xf32, #tpu.memory_space<vmem>> -> memref<1x104x128xf32, #tpu.memory_space<vmem>>
        %swap3A_686 = tpu.memref_squeeze %swap3A_685 : memref<1x104x128xf32, #tpu.memory_space<vmem>> -> memref<104x128xf32, #tpu.memory_space<vmem>>
        %swap3A_687 = arith.index_cast %add3A_643 : i32 to index
        %swap3A_688 = arith.constant 16 : index
        %swap3A_689 = tpu.vector_load %swap3A_686[%swap3A_687, %swap3A_688] {strides = array<i32>} : memref<104x128xf32, #tpu.memory_space<vmem>>, vector<1x16xf32>,
        %swap3A_690 = vector.shape_cast %swap3A_689 : vector<1x16xf32> to vector<16xf32>
        %swap3A_691 = vector.shape_cast %add3A_682 : vector<16xf32> to vector<1x16xf32>
        tpu.vector_store %swap3A_686[%swap3A_687, %swap3A_688], %swap3A_691 {strides = array<i32>} : memref<104x128xf32, #tpu.memory_space<vmem>>, vector<1x16xf32>,
        %get3A_692 = arith.constant 0 : i32
        %get3A_693 = arith.constant 0 : i32
        %get3A_694 = tpu.memref_slice %arg7[%scan3A_309, %get3A_692, %get3A_693] : memref<4x104x128xf32, #tpu.memory_space<vmem>> -> memref<1x104x128xf32, #tpu.memory_space<vmem>>
        %get3A_695 = tpu.memref_squeeze %get3A_694 : memref<1x104x128xf32, #tpu.memory_space<vmem>> -> memref<104x128xf32, #tpu.memory_space<vmem>>
        %get3A_696 = arith.index_cast %add3A_643 : i32 to index
        %get3A_697 = arith.constant 32 : index
        %get3A_698 = tpu.vector_load %get3A_695[%get3A_696, %get3A_697] {strides = array<i32>} : memref<104x128xf32, #tpu.memory_space<vmem>>, vector<1x16xf32>,
        %get3A_699 = vector.shape_cast %get3A_698 : vector<1x16xf32> to vector<16xf32>
        %add3A_700 = arith.constant 104 : i32
        %add3A_701 = arith.addi %add3A_700, %add3A_643 : i32
        %get3A_702 = arith.index_cast %add3A_701 : i32 to index
        %get3A_703 = arith.constant 32 : index
        %get3A_704 = tpu.vector_load %arg8[%get3A_702, %get3A_703] {strides = array<i32>} : memref<200x64xf32, #tpu.memory_space<vmem>>, vector<1x16xf32>,
        %get3A_705 = vector.shape_cast %get3A_704 : vector<1x16xf32> to vector<16xf32>
        %add3A_706 = arith.addf %get3A_699, %get3A_705 : vector<16xf32>
        %swap3A_707 = arith.constant 0 : i32
        %swap3A_708 = arith.constant 0 : i32
        %swap3A_709 = tpu.memref_slice %arg7[%scan3A_309, %swap3A_707, %swap3A_708] : memref<4x104x128xf32, #tpu.memory_space<vmem>> -> memref<1x104x128xf32, #tpu.memory_space<vmem>>
        %swap3A_710 = tpu.memref_squeeze %swap3A_709 : memref<1x104x128xf32, #tpu.memory_space<vmem>> -> memref<104x128xf32, #tpu.memory_space<vmem>>
        %swap3A_711 = arith.index_cast %add3A_643 : i32 to index
        %swap3A_712 = arith.constant 32 : index
        %swap3A_713 = tpu.vector_load %swap3A_710[%swap3A_711, %swap3A_712] {strides = array<i32>} : memref<104x128xf32, #tpu.memory_space<vmem>>, vector<1x16xf32>,
        %swap3A_714 = vector.shape_cast %swap3A_713 : vector<1x16xf32> to vector<16xf32>
        %swap3A_715 = vector.shape_cast %add3A_706 : vector<16xf32> to vector<1x16xf32>
        tpu.vector_store %swap3A_710[%swap3A_711, %swap3A_712], %swap3A_715 {strides = array<i32>} : memref<104x128xf32, #tpu.memory_space<vmem>>, vector<1x16xf32>,
        %get3A_716 = arith.constant 0 : i32
        %get3A_717 = arith.constant 0 : i32
        %get3A_718 = tpu.memref_slice %arg7[%scan3A_309, %get3A_716, %get3A_717] : memref<4x104x128xf32, #tpu.memory_space<vmem>> -> memref<1x104x128xf32, #tpu.memory_space<vmem>>
        %get3A_719 = tpu.memref_squeeze %get3A_718 : memref<1x104x128xf32, #tpu.memory_space<vmem>> -> memref<104x128xf32, #tpu.memory_space<vmem>>
        %get3A_720 = arith.index_cast %add3A_643 : i32 to index
        %get3A_721 = arith.constant 48 : index
        %get3A_722 = tpu.vector_load %get3A_719[%get3A_720, %get3A_721] {strides = array<i32>} : memref<104x128xf32, #tpu.memory_space<vmem>>, vector<1x16xf32>,
        %get3A_723 = vector.shape_cast %get3A_722 : vector<1x16xf32> to vector<16xf32>
        %add3A_724 = arith.constant 104 : i32
        %add3A_725 = arith.addi %add3A_724, %add3A_643 : i32
        %get3A_726 = arith.index_cast %add3A_725 : i32 to index
        %get3A_727 = arith.constant 48 : index
        %get3A_728 = tpu.vector_load %arg8[%get3A_726, %get3A_727] {strides = array<i32>} : memref<200x64xf32, #tpu.memory_space<vmem>>, vector<1x16xf32>,
        %get3A_729 = vector.shape_cast %get3A_728 : vector<1x16xf32> to vector<16xf32>
        %add3A_730 = arith.addf %get3A_723, %get3A_729 : vector<16xf32>
        %swap3A_731 = arith.constant 0 : i32
        %swap3A_732 = arith.constant 0 : i32
        %swap3A_733 = tpu.memref_slice %arg7[%scan3A_309, %swap3A_731, %swap3A_732] : memref<4x104x128xf32, #tpu.memory_space<vmem>> -> memref<1x104x128xf32, #tpu.memory_space<vmem>>
        %swap3A_734 = tpu.memref_squeeze %swap3A_733 : memref<1x104x128xf32, #tpu.memory_space<vmem>> -> memref<104x128xf32, #tpu.memory_space<vmem>>
        %swap3A_735 = arith.index_cast %add3A_643 : i32 to index
        %swap3A_736 = arith.constant 48 : index
        %swap3A_737 = tpu.vector_load %swap3A_734[%swap3A_735, %swap3A_736] {strides = array<i32>} : memref<104x128xf32, #tpu.memory_space<vmem>>, vector<1x16xf32>,
        %swap3A_738 = vector.shape_cast %swap3A_737 : vector<1x16xf32> to vector<16xf32>
        %swap3A_739 = vector.shape_cast %add3A_730 : vector<16xf32> to vector<1x16xf32>
        tpu.vector_store %swap3A_734[%swap3A_735, %swap3A_736], %swap3A_739 {strides = array<i32>} : memref<104x128xf32, #tpu.memory_space<vmem>>, vector<1x16xf32>,
        %scan3A_740 = arith.constant 4 : i32
        %scan3A_741 = arith.addi %scan3A_335, %scan3A_740 : i32
        %mul3A_742 = arith.constant 1 : i32
        %mul3A_743 = arith.muli %scan3A_741, %mul3A_742 : i32
        %add3A_744 = arith.constant 0 : i32
        %add3A_745 = arith.addi %add3A_744, %mul3A_743 : i32
        %get3A_746 = arith.constant 0 : i32
        %get3A_747 = arith.constant 0 : i32
        %get3A_748 = tpu.memref_slice %arg7[%scan3A_309, %get3A_746, %get3A_747] : memref<4x104x128xf32, #tpu.memory_space<vmem>> -> memref<1x104x128xf32, #tpu.memory_space<vmem>>
        %get3A_749 = tpu.memref_squeeze %get3A_748 : memref<1x104x128xf32, #tpu.memory_space<vmem>> -> memref<104x128xf32, #tpu.memory_space<vmem>>
        %get3A_750 = arith.index_cast %add3A_745 : i32 to index
        %get3A_751 = arith.constant 0 : index
        %get3A_752 = tpu.vector_load %get3A_749[%get3A_750, %get3A_751] {strides = array<i32>} : memref<104x128xf32, #tpu.memory_space<vmem>>, vector<1x16xf32>,
        %get3A_753 = vector.shape_cast %get3A_752 : vector<1x16xf32> to vector<16xf32>
        %add3A_754 = arith.constant 104 : i32
        %add3A_755 = arith.addi %add3A_754, %add3A_745 : i32
        %get3A_756 = arith.index_cast %add3A_755 : i32 to index
        %get3A_757 = arith.constant 0 : index
        %get3A_758 = tpu.vector_load %arg8[%get3A_756, %get3A_757] {strides = array<i32>} : memref<200x64xf32, #tpu.memory_space<vmem>>, vector<1x16xf32>,
        %get3A_759 = vector.shape_cast %get3A_758 : vector<1x16xf32> to vector<16xf32>
        %add3A_760 = arith.addf %get3A_753, %get3A_759 : vector<16xf32>
        %swap3A_761 = arith.constant 0 : i32
        %swap3A_762 = arith.constant 0 : i32
        %swap3A_763 = tpu.memref_slice %arg7[%scan3A_309, %swap3A_761, %swap3A_762] : memref<4x104x128xf32, #tpu.memory_space<vmem>> -> memref<1x104x128xf32, #tpu.memory_space<vmem>>
        %swap3A_764 = tpu.memref_squeeze %swap3A_763 : memref<1x104x128xf32, #tpu.memory_space<vmem>> -> memref<104x128xf32, #tpu.memory_space<vmem>>
        %swap3A_765 = arith.index_cast %add3A_745 : i32 to index
        %swap3A_766 = arith.constant 0 : index
        %swap3A_767 = tpu.vector_load %swap3A_764[%swap3A_765, %swap3A_766] {strides = array<i32>} : memref<104x128xf32, #tpu.memory_space<vmem>>, vector<1x16xf32>,
        %swap3A_768 = vector.shape_cast %swap3A_767 : vector<1x16xf32> to vector<16xf32>
        %swap3A_769 = vector.shape_cast %add3A_760 : vector<16xf32> to vector<1x16xf32>
        tpu.vector_store %swap3A_764[%swap3A_765, %swap3A_766], %swap3A_769 {strides = array<i32>} : memref<104x128xf32, #tpu.memory_space<vmem>>, vector<1x16xf32>,
        %get3A_770 = arith.constant 0 : i32
        %get3A_771 = arith.constant 0 : i32
        %get3A_772 = tpu.memref_slice %arg7[%scan3A_309, %get3A_770, %get3A_771] : memref<4x104x128xf32, #tpu.memory_space<vmem>> -> memref<1x104x128xf32, #tpu.memory_space<vmem>>
        %get3A_773 = tpu.memref_squeeze %get3A_772 : memref<1x104x128xf32, #tpu.memory_space<vmem>> -> memref<104x128xf32, #tpu.memory_space<vmem>>
        %get3A_774 = arith.index_cast %add3A_745 : i32 to index
        %get3A_775 = arith.constant 16 : index
        %get3A_776 = tpu.vector_load %get3A_773[%get3A_774, %get3A_775] {strides = array<i32>} : memref<104x128xf32, #tpu.memory_space<vmem>>, vector<1x16xf32>,
        %get3A_777 = vector.shape_cast %get3A_776 : vector<1x16xf32> to vector<16xf32>
        %add3A_778 = arith.constant 104 : i32
        %add3A_779 = arith.addi %add3A_778, %add3A_745 : i32
        %get3A_780 = arith.index_cast %add3A_779 : i32 to index
        %get3A_781 = arith.constant 16 : index
        %get3A_782 = tpu.vector_load %arg8[%get3A_780, %get3A_781] {strides = array<i32>} : memref<200x64xf32, #tpu.memory_space<vmem>>, vector<1x16xf32>,
        %get3A_783 = vector.shape_cast %get3A_782 : vector<1x16xf32> to vector<16xf32>
        %add3A_784 = arith.addf %get3A_777, %get3A_783 : vector<16xf32>
        %swap3A_785 = arith.constant 0 : i32
        %swap3A_786 = arith.constant 0 : i32
        %swap3A_787 = tpu.memref_slice %arg7[%scan3A_309, %swap3A_785, %swap3A_786] : memref<4x104x128xf32, #tpu.memory_space<vmem>> -> memref<1x104x128xf32, #tpu.memory_space<vmem>>
        %swap3A_788 = tpu.memref_squeeze %swap3A_787 : memref<1x104x128xf32, #tpu.memory_space<vmem>> -> memref<104x128xf32, #tpu.memory_space<vmem>>
        %swap3A_789 = arith.index_cast %add3A_745 : i32 to index
        %swap3A_790 = arith.constant 16 : index
        %swap3A_791 = tpu.vector_load %swap3A_788[%swap3A_789, %swap3A_790] {strides = array<i32>} : memref<104x128xf32, #tpu.memory_space<vmem>>, vector<1x16xf32>,
        %swap3A_792 = vector.shape_cast %swap3A_791 : vector<1x16xf32> to vector<16xf32>
        %swap3A_793 = vector.shape_cast %add3A_784 : vector<16xf32> to vector<1x16xf32>
        tpu.vector_store %swap3A_788[%swap3A_789, %swap3A_790], %swap3A_793 {strides = array<i32>} : memref<104x128xf32, #tpu.memory_space<vmem>>, vector<1x16xf32>,
        %get3A_794 = arith.constant 0 : i32
        %get3A_795 = arith.constant 0 : i32
        %get3A_796 = tpu.memref_slice %arg7[%scan3A_309, %get3A_794, %get3A_795] : memref<4x104x128xf32, #tpu.memory_space<vmem>> -> memref<1x104x128xf32, #tpu.memory_space<vmem>>
        %get3A_797 = tpu.memref_squeeze %get3A_796 : memref<1x104x128xf32, #tpu.memory_space<vmem>> -> memref<104x128xf32, #tpu.memory_space<vmem>>
        %get3A_798 = arith.index_cast %add3A_745 : i32 to index
        %get3A_799 = arith.constant 32 : index
        %get3A_800 = tpu.vector_load %get3A_797[%get3A_798, %get3A_799] {strides = array<i32>} : memref<104x128xf32, #tpu.memory_space<vmem>>, vector<1x16xf32>,
        %get3A_801 = vector.shape_cast %get3A_800 : vector<1x16xf32> to vector<16xf32>
        %add3A_802 = arith.constant 104 : i32
        %add3A_803 = arith.addi %add3A_802, %add3A_745 : i32
        %get3A_804 = arith.index_cast %add3A_803 : i32 to index
        %get3A_805 = arith.constant 32 : index
        %get3A_806 = tpu.vector_load %arg8[%get3A_804, %get3A_805] {strides = array<i32>} : memref<200x64xf32, #tpu.memory_space<vmem>>, vector<1x16xf32>,
        %get3A_807 = vector.shape_cast %get3A_806 : vector<1x16xf32> to vector<16xf32>
        %add3A_808 = arith.addf %get3A_801, %get3A_807 : vector<16xf32>
        %swap3A_809 = arith.constant 0 : i32
        %swap3A_810 = arith.constant 0 : i32
        %swap3A_811 = tpu.memref_slice %arg7[%scan3A_309, %swap3A_809, %swap3A_810] : memref<4x104x128xf32, #tpu.memory_space<vmem>> -> memref<1x104x128xf32, #tpu.memory_space<vmem>>
        %swap3A_812 = tpu.memref_squeeze %swap3A_811 : memref<1x104x128xf32, #tpu.memory_space<vmem>> -> memref<104x128xf32, #tpu.memory_space<vmem>>
        %swap3A_813 = arith.index_cast %add3A_745 : i32 to index
        %swap3A_814 = arith.constant 32 : index
        %swap3A_815 = tpu.vector_load %swap3A_812[%swap3A_813, %swap3A_814] {strides = array<i32>} : memref<104x128xf32, #tpu.memory_space<vmem>>, vector<1x16xf32>,
        %swap3A_816 = vector.shape_cast %swap3A_815 : vector<1x16xf32> to vector<16xf32>
        %swap3A_817 = vector.shape_cast %add3A_808 : vector<16xf32> to vector<1x16xf32>
        tpu.vector_store %swap3A_812[%swap3A_813, %swap3A_814], %swap3A_817 {strides = array<i32>} : memref<104x128xf32, #tpu.memory_space<vmem>>, vector<1x16xf32>,
        %get3A_818 = arith.constant 0 : i32
        %get3A_819 = arith.constant 0 : i32
        %get3A_820 = tpu.memref_slice %arg7[%scan3A_309, %get3A_818, %get3A_819] : memref<4x104x128xf32, #tpu.memory_space<vmem>> -> memref<1x104x128xf32, #tpu.memory_space<vmem>>
        %get3A_821 = tpu.memref_squeeze %get3A_820 : memref<1x104x128xf32, #tpu.memory_space<vmem>> -> memref<104x128xf32, #tpu.memory_space<vmem>>
        %get3A_822 = arith.index_cast %add3A_745 : i32 to index
        %get3A_823 = arith.constant 48 : index
        %get3A_824 = tpu.vector_load %get3A_821[%get3A_822, %get3A_823] {strides = array<i32>} : memref<104x128xf32, #tpu.memory_space<vmem>>, vector<1x16xf32>,
        %get3A_825 = vector.shape_cast %get3A_824 : vector<1x16xf32> to vector<16xf32>
        %add3A_826 = arith.constant 104 : i32
        %add3A_827 = arith.addi %add3A_826, %add3A_745 : i32
        %get3A_828 = arith.index_cast %add3A_827 : i32 to index
        %get3A_829 = arith.constant 48 : index
        %get3A_830 = tpu.vector_load %arg8[%get3A_828, %get3A_829] {strides = array<i32>} : memref<200x64xf32, #tpu.memory_space<vmem>>, vector<1x16xf32>,
        %get3A_831 = vector.shape_cast %get3A_830 : vector<1x16xf32> to vector<16xf32>
        %add3A_832 = arith.addf %get3A_825, %get3A_831 : vector<16xf32>
        %swap3A_833 = arith.constant 0 : i32
        %swap3A_834 = arith.constant 0 : i32
        %swap3A_835 = tpu.memref_slice %arg7[%scan3A_309, %swap3A_833, %swap3A_834] : memref<4x104x128xf32, #tpu.memory_space<vmem>> -> memref<1x104x128xf32, #tpu.memory_space<vmem>>
        %swap3A_836 = tpu.memref_squeeze %swap3A_835 : memref<1x104x128xf32, #tpu.memory_space<vmem>> -> memref<104x128xf32, #tpu.memory_space<vmem>>
        %swap3A_837 = arith.index_cast %add3A_745 : i32 to index
        %swap3A_838 = arith.constant 48 : index
        %swap3A_839 = tpu.vector_load %swap3A_836[%swap3A_837, %swap3A_838] {strides = array<i32>} : memref<104x128xf32, #tpu.memory_space<vmem>>, vector<1x16xf32>,
        %swap3A_840 = vector.shape_cast %swap3A_839 : vector<1x16xf32> to vector<16xf32>
        %swap3A_841 = vector.shape_cast %add3A_832 : vector<16xf32> to vector<1x16xf32>
        tpu.vector_store %swap3A_836[%swap3A_837, %swap3A_838], %swap3A_841 {strides = array<i32>} : memref<104x128xf32, #tpu.memory_space<vmem>>, vector<1x16xf32>,
        %scan3A_842 = arith.constant 5 : i32
        %scan3A_843 = arith.addi %scan3A_335, %scan3A_842 : i32
        %mul3A_844 = arith.constant 1 : i32
        %mul3A_845 = arith.muli %scan3A_843, %mul3A_844 : i32
        %add3A_846 = arith.constant 0 : i32
        %add3A_847 = arith.addi %add3A_846, %mul3A_845 : i32
        %get3A_848 = arith.constant 0 : i32
        %get3A_849 = arith.constant 0 : i32
        %get3A_850 = tpu.memref_slice %arg7[%scan3A_309, %get3A_848, %get3A_849] : memref<4x104x128xf32, #tpu.memory_space<vmem>> -> memref<1x104x128xf32, #tpu.memory_space<vmem>>
        %get3A_851 = tpu.memref_squeeze %get3A_850 : memref<1x104x128xf32, #tpu.memory_space<vmem>> -> memref<104x128xf32, #tpu.memory_space<vmem>>
        %get3A_852 = arith.index_cast %add3A_847 : i32 to index
        %get3A_853 = arith.constant 0 : index
        %get3A_854 = tpu.vector_load %get3A_851[%get3A_852, %get3A_853] {strides = array<i32>} : memref<104x128xf32, #tpu.memory_space<vmem>>, vector<1x16xf32>,
        %get3A_855 = vector.shape_cast %get3A_854 : vector<1x16xf32> to vector<16xf32>
        %add3A_856 = arith.constant 104 : i32
        %add3A_857 = arith.addi %add3A_856, %add3A_847 : i32
        %get3A_858 = arith.index_cast %add3A_857 : i32 to index
        %get3A_859 = arith.constant 0 : index
        %get3A_860 = tpu.vector_load %arg8[%get3A_858, %get3A_859] {strides = array<i32>} : memref<200x64xf32, #tpu.memory_space<vmem>>, vector<1x16xf32>,
        %get3A_861 = vector.shape_cast %get3A_860 : vector<1x16xf32> to vector<16xf32>
        %add3A_862 = arith.addf %get3A_855, %get3A_861 : vector<16xf32>
        %swap3A_863 = arith.constant 0 : i32
        %swap3A_864 = arith.constant 0 : i32
        %swap3A_865 = tpu.memref_slice %arg7[%scan3A_309, %swap3A_863, %swap3A_864] : memref<4x104x128xf32, #tpu.memory_space<vmem>> -> memref<1x104x128xf32, #tpu.memory_space<vmem>>
        %swap3A_866 = tpu.memref_squeeze %swap3A_865 : memref<1x104x128xf32, #tpu.memory_space<vmem>> -> memref<104x128xf32, #tpu.memory_space<vmem>>
        %swap3A_867 = arith.index_cast %add3A_847 : i32 to index
        %swap3A_868 = arith.constant 0 : index
        %swap3A_869 = tpu.vector_load %swap3A_866[%swap3A_867, %swap3A_868] {strides = array<i32>} : memref<104x128xf32, #tpu.memory_space<vmem>>, vector<1x16xf32>,
        %swap3A_870 = vector.shape_cast %swap3A_869 : vector<1x16xf32> to vector<16xf32>
        %swap3A_871 = vector.shape_cast %add3A_862 : vector<16xf32> to vector<1x16xf32>
        tpu.vector_store %swap3A_866[%swap3A_867, %swap3A_868], %swap3A_871 {strides = array<i32>} : memref<104x128xf32, #tpu.memory_space<vmem>>, vector<1x16xf32>,
        %get3A_872 = arith.constant 0 : i32
        %get3A_873 = arith.constant 0 : i32
        %get3A_874 = tpu.memref_slice %arg7[%scan3A_309, %get3A_872, %get3A_873] : memref<4x104x128xf32, #tpu.memory_space<vmem>> -> memref<1x104x128xf32, #tpu.memory_space<vmem>>
        %get3A_875 = tpu.memref_squeeze %get3A_874 : memref<1x104x128xf32, #tpu.memory_space<vmem>> -> memref<104x128xf32, #tpu.memory_space<vmem>>
        %get3A_876 = arith.index_cast %add3A_847 : i32 to index
        %get3A_877 = arith.constant 16 : index
        %get3A_878 = tpu.vector_load %get3A_875[%get3A_876, %get3A_877] {strides = array<i32>} : memref<104x128xf32, #tpu.memory_space<vmem>>, vector<1x16xf32>,
        %get3A_879 = vector.shape_cast %get3A_878 : vector<1x16xf32> to vector<16xf32>
        %add3A_880 = arith.constant 104 : i32
        %add3A_881 = arith.addi %add3A_880, %add3A_847 : i32
        %get3A_882 = arith.index_cast %add3A_881 : i32 to index
        %get3A_883 = arith.constant 16 : index
        %get3A_884 = tpu.vector_load %arg8[%get3A_882, %get3A_883] {strides = array<i32>} : memref<200x64xf32, #tpu.memory_space<vmem>>, vector<1x16xf32>,
        %get3A_885 = vector.shape_cast %get3A_884 : vector<1x16xf32> to vector<16xf32>
        %add3A_886 = arith.addf %get3A_879, %get3A_885 : vector<16xf32>
        %swap3A_887 = arith.constant 0 : i32
        %swap3A_888 = arith.constant 0 : i32
        %swap3A_889 = tpu.memref_slice %arg7[%scan3A_309, %swap3A_887, %swap3A_888] : memref<4x104x128xf32, #tpu.memory_space<vmem>> -> memref<1x104x128xf32, #tpu.memory_space<vmem>>
        %swap3A_890 = tpu.memref_squeeze %swap3A_889 : memref<1x104x128xf32, #tpu.memory_space<vmem>> -> memref<104x128xf32, #tpu.memory_space<vmem>>
        %swap3A_891 = arith.index_cast %add3A_847 : i32 to index
        %swap3A_892 = arith.constant 16 : index
        %swap3A_893 = tpu.vector_load %swap3A_890[%swap3A_891, %swap3A_892] {strides = array<i32>} : memref<104x128xf32, #tpu.memory_space<vmem>>, vector<1x16xf32>,
        %swap3A_894 = vector.shape_cast %swap3A_893 : vector<1x16xf32> to vector<16xf32>
        %swap3A_895 = vector.shape_cast %add3A_886 : vector<16xf32> to vector<1x16xf32>
        tpu.vector_store %swap3A_890[%swap3A_891, %swap3A_892], %swap3A_895 {strides = array<i32>} : memref<104x128xf32, #tpu.memory_space<vmem>>, vector<1x16xf32>,
        %get3A_896 = arith.constant 0 : i32
        %get3A_897 = arith.constant 0 : i32
        %get3A_898 = tpu.memref_slice %arg7[%scan3A_309, %get3A_896, %get3A_897] : memref<4x104x128xf32, #tpu.memory_space<vmem>> -> memref<1x104x128xf32, #tpu.memory_space<vmem>>
        %get3A_899 = tpu.memref_squeeze %get3A_898 : memref<1x104x128xf32, #tpu.memory_space<vmem>> -> memref<104x128xf32, #tpu.memory_space<vmem>>
        %get3A_900 = arith.index_cast %add3A_847 : i32 to index
        %get3A_901 = arith.constant 32 : index
        %get3A_902 = tpu.vector_load %get3A_899[%get3A_900, %get3A_901] {strides = array<i32>} : memref<104x128xf32, #tpu.memory_space<vmem>>, vector<1x16xf32>,
        %get3A_903 = vector.shape_cast %get3A_902 : vector<1x16xf32> to vector<16xf32>
        %add3A_904 = arith.constant 104 : i32
        %add3A_905 = arith.addi %add3A_904, %add3A_847 : i32
        %get3A_906 = arith.index_cast %add3A_905 : i32 to index
        %get3A_907 = arith.constant 32 : index
        %get3A_908 = tpu.vector_load %arg8[%get3A_906, %get3A_907] {strides = array<i32>} : memref<200x64xf32, #tpu.memory_space<vmem>>, vector<1x16xf32>,
        %get3A_909 = vector.shape_cast %get3A_908 : vector<1x16xf32> to vector<16xf32>
        %add3A_910 = arith.addf %get3A_903, %get3A_909 : vector<16xf32>
        %swap3A_911 = arith.constant 0 : i32
        %swap3A_912 = arith.constant 0 : i32
        %swap3A_913 = tpu.memref_slice %arg7[%scan3A_309, %swap3A_911, %swap3A_912] : memref<4x104x128xf32, #tpu.memory_space<vmem>> -> memref<1x104x128xf32, #tpu.memory_space<vmem>>
        %swap3A_914 = tpu.memref_squeeze %swap3A_913 : memref<1x104x128xf32, #tpu.memory_space<vmem>> -> memref<104x128xf32, #tpu.memory_space<vmem>>
        %swap3A_915 = arith.index_cast %add3A_847 : i32 to index
        %swap3A_916 = arith.constant 32 : index
        %swap3A_917 = tpu.vector_load %swap3A_914[%swap3A_915, %swap3A_916] {strides = array<i32>} : memref<104x128xf32, #tpu.memory_space<vmem>>, vector<1x16xf32>,
        %swap3A_918 = vector.shape_cast %swap3A_917 : vector<1x16xf32> to vector<16xf32>
        %swap3A_919 = vector.shape_cast %add3A_910 : vector<16xf32> to vector<1x16xf32>
        tpu.vector_store %swap3A_914[%swap3A_915, %swap3A_916], %swap3A_919 {strides = array<i32>} : memref<104x128xf32, #tpu.memory_space<vmem>>, vector<1x16xf32>,
        %get3A_920 = arith.constant 0 : i32
        %get3A_921 = arith.constant 0 : i32
        %get3A_922 = tpu.memref_slice %arg7[%scan3A_309, %get3A_920, %get3A_921] : memref<4x104x128xf32, #tpu.memory_space<vmem>> -> memref<1x104x128xf32, #tpu.memory_space<vmem>>
        %get3A_923 = tpu.memref_squeeze %get3A_922 : memref<1x104x128xf32, #tpu.memory_space<vmem>> -> memref<104x128xf32, #tpu.memory_space<vmem>>
        %get3A_924 = arith.index_cast %add3A_847 : i32 to index
        %get3A_925 = arith.constant 48 : index
        %get3A_926 = tpu.vector_load %get3A_923[%get3A_924, %get3A_925] {strides = array<i32>} : memref<104x128xf32, #tpu.memory_space<vmem>>, vector<1x16xf32>,
        %get3A_927 = vector.shape_cast %get3A_926 : vector<1x16xf32> to vector<16xf32>
        %add3A_928 = arith.constant 104 : i32
        %add3A_929 = arith.addi %add3A_928, %add3A_847 : i32
        %get3A_930 = arith.index_cast %add3A_929 : i32 to index
        %get3A_931 = arith.constant 48 : index
        %get3A_932 = tpu.vector_load %arg8[%get3A_930, %get3A_931] {strides = array<i32>} : memref<200x64xf32, #tpu.memory_space<vmem>>, vector<1x16xf32>,
        %get3A_933 = vector.shape_cast %get3A_932 : vector<1x16xf32> to vector<16xf32>
        %add3A_934 = arith.addf %get3A_927, %get3A_933 : vector<16xf32>
        %swap3A_935 = arith.constant 0 : i32
        %swap3A_936 = arith.constant 0 : i32
        %swap3A_937 = tpu.memref_slice %arg7[%scan3A_309, %swap3A_935, %swap3A_936] : memref<4x104x128xf32, #tpu.memory_space<vmem>> -> memref<1x104x128xf32, #tpu.memory_space<vmem>>
        %swap3A_938 = tpu.memref_squeeze %swap3A_937 : memref<1x104x128xf32, #tpu.memory_space<vmem>> -> memref<104x128xf32, #tpu.memory_space<vmem>>
        %swap3A_939 = arith.index_cast %add3A_847 : i32 to index
        %swap3A_940 = arith.constant 48 : index
        %swap3A_941 = tpu.vector_load %swap3A_938[%swap3A_939, %swap3A_940] {strides = array<i32>} : memref<104x128xf32, #tpu.memory_space<vmem>>, vector<1x16xf32>,
        %swap3A_942 = vector.shape_cast %swap3A_941 : vector<1x16xf32> to vector<16xf32>
        %swap3A_943 = vector.shape_cast %add3A_934 : vector<16xf32> to vector<1x16xf32>
        tpu.vector_store %swap3A_938[%swap3A_939, %swap3A_940], %swap3A_943 {strides = array<i32>} : memref<104x128xf32, #tpu.memory_space<vmem>>, vector<1x16xf32>,
        %scan3A_944 = arith.constant 6 : i32
        %scan3A_945 = arith.addi %scan3A_335, %scan3A_944 : i32
        %mul3A_946 = arith.constant 1 : i32
        %mul3A_947 = arith.muli %scan3A_945, %mul3A_946 : i32
        %add3A_948 = arith.constant 0 : i32
        %add3A_949 = arith.addi %add3A_948, %mul3A_947 : i32
        %get3A_950 = arith.constant 0 : i32
        %get3A_951 = arith.constant 0 : i32
        %get3A_952 = tpu.memref_slice %arg7[%scan3A_309, %get3A_950, %get3A_951] : memref<4x104x128xf32, #tpu.memory_space<vmem>> -> memref<1x104x128xf32, #tpu.memory_space<vmem>>
        %get3A_953 = tpu.memref_squeeze %get3A_952 : memref<1x104x128xf32, #tpu.memory_space<vmem>> -> memref<104x128xf32, #tpu.memory_space<vmem>>
        %get3A_954 = arith.index_cast %add3A_949 : i32 to index
        %get3A_955 = arith.constant 0 : index
        %get3A_956 = tpu.vector_load %get3A_953[%get3A_954, %get3A_955] {strides = array<i32>} : memref<104x128xf32, #tpu.memory_space<vmem>>, vector<1x16xf32>,
        %get3A_957 = vector.shape_cast %get3A_956 : vector<1x16xf32> to vector<16xf32>
        %add3A_958 = arith.constant 104 : i32
        %add3A_959 = arith.addi %add3A_958, %add3A_949 : i32
        %get3A_960 = arith.index_cast %add3A_959 : i32 to index
        %get3A_961 = arith.constant 0 : index
        %get3A_962 = tpu.vector_load %arg8[%get3A_960, %get3A_961] {strides = array<i32>} : memref<200x64xf32, #tpu.memory_space<vmem>>, vector<1x16xf32>,
        %get3A_963 = vector.shape_cast %get3A_962 : vector<1x16xf32> to vector<16xf32>
        %add3A_964 = arith.addf %get3A_957, %get3A_963 : vector<16xf32>
        %swap3A_965 = arith.constant 0 : i32
        %swap3A_966 = arith.constant 0 : i32
        %swap3A_967 = tpu.memref_slice %arg7[%scan3A_309, %swap3A_965, %swap3A_966] : memref<4x104x128xf32, #tpu.memory_space<vmem>> -> memref<1x104x128xf32, #tpu.memory_space<vmem>>
        %swap3A_968 = tpu.memref_squeeze %swap3A_967 : memref<1x104x128xf32, #tpu.memory_space<vmem>> -> memref<104x128xf32, #tpu.memory_space<vmem>>
        %swap3A_969 = arith.index_cast %add3A_949 : i32 to index
        %swap3A_970 = arith.constant 0 : index
        %swap3A_971 = tpu.vector_load %swap3A_968[%swap3A_969, %swap3A_970] {strides = array<i32>} : memref<104x128xf32, #tpu.memory_space<vmem>>, vector<1x16xf32>,
        %swap3A_972 = vector.shape_cast %swap3A_971 : vector<1x16xf32> to vector<16xf32>
        %swap3A_973 = vector.shape_cast %add3A_964 : vector<16xf32> to vector<1x16xf32>
        tpu.vector_store %swap3A_968[%swap3A_969, %swap3A_970], %swap3A_973 {strides = array<i32>} : memref<104x128xf32, #tpu.memory_space<vmem>>, vector<1x16xf32>,
        %get3A_974 = arith.constant 0 : i32
        %get3A_975 = arith.constant 0 : i32
        %get3A_976 = tpu.memref_slice %arg7[%scan3A_309, %get3A_974, %get3A_975] : memref<4x104x128xf32, #tpu.memory_space<vmem>> -> memref<1x104x128xf32, #tpu.memory_space<vmem>>
        %get3A_977 = tpu.memref_squeeze %get3A_976 : memref<1x104x128xf32, #tpu.memory_space<vmem>> -> memref<104x128xf32, #tpu.memory_space<vmem>>
        %get3A_978 = arith.index_cast %add3A_949 : i32 to index
        %get3A_979 = arith.constant 16 : index
        %get3A_980 = tpu.vector_load %get3A_977[%get3A_978, %get3A_979] {strides = array<i32>} : memref<104x128xf32, #tpu.memory_space<vmem>>, vector<1x16xf32>,
        %get3A_981 = vector.shape_cast %get3A_980 : vector<1x16xf32> to vector<16xf32>
        %add3A_982 = arith.constant 104 : i32
        %add3A_983 = arith.addi %add3A_982, %add3A_949 : i32
        %get3A_984 = arith.index_cast %add3A_983 : i32 to index
        %get3A_985 = arith.constant 16 : index
        %get3A_986 = tpu.vector_load %arg8[%get3A_984, %get3A_985] {strides = array<i32>} : memref<200x64xf32, #tpu.memory_space<vmem>>, vector<1x16xf32>,
        %get3A_987 = vector.shape_cast %get3A_986 : vector<1x16xf32> to vector<16xf32>
        %add3A_988 = arith.addf %get3A_981, %get3A_987 : vector<16xf32>
        %swap3A_989 = arith.constant 0 : i32
        %swap3A_990 = arith.constant 0 : i32
        %swap3A_991 = tpu.memref_slice %arg7[%scan3A_309, %swap3A_989, %swap3A_990] : memref<4x104x128xf32, #tpu.memory_space<vmem>> -> memref<1x104x128xf32, #tpu.memory_space<vmem>>
        %swap3A_992 = tpu.memref_squeeze %swap3A_991 : memref<1x104x128xf32, #tpu.memory_space<vmem>> -> memref<104x128xf32, #tpu.memory_space<vmem>>
        %swap3A_993 = arith.index_cast %add3A_949 : i32 to index
        %swap3A_994 = arith.constant 16 : index
        %swap3A_995 = tpu.vector_load %swap3A_992[%swap3A_993, %swap3A_994] {strides = array<i32>} : memref<104x128xf32, #tpu.memory_space<vmem>>, vector<1x16xf32>,
        %swap3A_996 = vector.shape_cast %swap3A_995 : vector<1x16xf32> to vector<16xf32>
        %swap3A_997 = vector.shape_cast %add3A_988 : vector<16xf32> to vector<1x16xf32>
        tpu.vector_store %swap3A_992[%swap3A_993, %swap3A_994], %swap3A_997 {strides = array<i32>} : memref<104x128xf32, #tpu.memory_space<vmem>>, vector<1x16xf32>,
        %get3A_998 = arith.constant 0 : i32
        %get3A_999 = arith.constant 0 : i32
        %get3A_1000 = tpu.memref_slice %arg7[%scan3A_309, %get3A_998, %get3A_999] : memref<4x104x128xf32, #tpu.memory_space<vmem>> -> memref<1x104x128xf32, #tpu.memory_space<vmem>>
        %get3A_1001 = tpu.memref_squeeze %get3A_1000 : memref<1x104x128xf32, #tpu.memory_space<vmem>> -> memref<104x128xf32, #tpu.memory_space<vmem>>
        %get3A_1002 = arith.index_cast %add3A_949 : i32 to index
        %get3A_1003 = arith.constant 32 : index
        %get3A_1004 = tpu.vector_load %get3A_1001[%get3A_1002, %get3A_1003] {strides = array<i32>} : memref<104x128xf32, #tpu.memory_space<vmem>>, vector<1x16xf32>,
        %get3A_1005 = vector.shape_cast %get3A_1004 : vector<1x16xf32> to vector<16xf32>
        %add3A_1006 = arith.constant 104 : i32
        %add3A_1007 = arith.addi %add3A_1006, %add3A_949 : i32
        %get3A_1008 = arith.index_cast %add3A_1007 : i32 to index
        %get3A_1009 = arith.constant 32 : index
        %get3A_1010 = tpu.vector_load %arg8[%get3A_1008, %get3A_1009] {strides = array<i32>} : memref<200x64xf32, #tpu.memory_space<vmem>>, vector<1x16xf32>,
        %get3A_1011 = vector.shape_cast %get3A_1010 : vector<1x16xf32> to vector<16xf32>
        %add3A_1012 = arith.addf %get3A_1005, %get3A_1011 : vector<16xf32>
        %swap3A_1013 = arith.constant 0 : i32
        %swap3A_1014 = arith.constant 0 : i32
        %swap3A_1015 = tpu.memref_slice %arg7[%scan3A_309, %swap3A_1013, %swap3A_1014] : memref<4x104x128xf32, #tpu.memory_space<vmem>> -> memref<1x104x128xf32, #tpu.memory_space<vmem>>
        %swap3A_1016 = tpu.memref_squeeze %swap3A_1015 : memref<1x104x128xf32, #tpu.memory_space<vmem>> -> memref<104x128xf32, #tpu.memory_space<vmem>>
        %swap3A_1017 = arith.index_cast %add3A_949 : i32 to index
        %swap3A_1018 = arith.constant 32 : index
        %swap3A_1019 = tpu.vector_load %swap3A_1016[%swap3A_1017, %swap3A_1018] {strides = array<i32>} : memref<104x128xf32, #tpu.memory_space<vmem>>, vector<1x16xf32>,
        %swap3A_1020 = vector.shape_cast %swap3A_1019 : vector<1x16xf32> to vector<16xf32>
        %swap3A_1021 = vector.shape_cast %add3A_1012 : vector<16xf32> to vector<1x16xf32>
        tpu.vector_store %swap3A_1016[%swap3A_1017, %swap3A_1018], %swap3A_1021 {strides = array<i32>} : memref<104x128xf32, #tpu.memory_space<vmem>>, vector<1x16xf32>,
        %get3A_1022 = arith.constant 0 : i32
        %get3A_1023 = arith.constant 0 : i32
        %get3A_1024 = tpu.memref_slice %arg7[%scan3A_309, %get3A_1022, %get3A_1023] : memref<4x104x128xf32, #tpu.memory_space<vmem>> -> memref<1x104x128xf32, #tpu.memory_space<vmem>>
        %get3A_1025 = tpu.memref_squeeze %get3A_1024 : memref<1x104x128xf32, #tpu.memory_space<vmem>> -> memref<104x128xf32, #tpu.memory_space<vmem>>
        %get3A_1026 = arith.index_cast %add3A_949 : i32 to index
        %get3A_1027 = arith.constant 48 : index
        %get3A_1028 = tpu.vector_load %get3A_1025[%get3A_1026, %get3A_1027] {strides = array<i32>} : memref<104x128xf32, #tpu.memory_space<vmem>>, vector<1x16xf32>,
        %get3A_1029 = vector.shape_cast %get3A_1028 : vector<1x16xf32> to vector<16xf32>
        %add3A_1030 = arith.constant 104 : i32
        %add3A_1031 = arith.addi %add3A_1030, %add3A_949 : i32
        %get3A_1032 = arith.index_cast %add3A_1031 : i32 to index
        %get3A_1033 = arith.constant 48 : index
        %get3A_1034 = tpu.vector_load %arg8[%get3A_1032, %get3A_1033] {strides = array<i32>} : memref<200x64xf32, #tpu.memory_space<vmem>>, vector<1x16xf32>,
        %get3A_1035 = vector.shape_cast %get3A_1034 : vector<1x16xf32> to vector<16xf32>
        %add3A_1036 = arith.addf %get3A_1029, %get3A_1035 : vector<16xf32>
        %swap3A_1037 = arith.constant 0 : i32
        %swap3A_1038 = arith.constant 0 : i32
        %swap3A_1039 = tpu.memref_slice %arg7[%scan3A_309, %swap3A_1037, %swap3A_1038] : memref<4x104x128xf32, #tpu.memory_space<vmem>> -> memref<1x104x128xf32, #tpu.memory_space<vmem>>
        %swap3A_1040 = tpu.memref_squeeze %swap3A_1039 : memref<1x104x128xf32, #tpu.memory_space<vmem>> -> memref<104x128xf32, #tpu.memory_space<vmem>>
        %swap3A_1041 = arith.index_cast %add3A_949 : i32 to index
        %swap3A_1042 = arith.constant 48 : index
        %swap3A_1043 = tpu.vector_load %swap3A_1040[%swap3A_1041, %swap3A_1042] {strides = array<i32>} : memref<104x128xf32, #tpu.memory_space<vmem>>, vector<1x16xf32>,
        %swap3A_1044 = vector.shape_cast %swap3A_1043 : vector<1x16xf32> to vector<16xf32>
        %swap3A_1045 = vector.shape_cast %add3A_1036 : vector<16xf32> to vector<1x16xf32>
        tpu.vector_store %swap3A_1040[%swap3A_1041, %swap3A_1042], %swap3A_1045 {strides = array<i32>} : memref<104x128xf32, #tpu.memory_space<vmem>>, vector<1x16xf32>,
        %scan3A_1046 = arith.constant 7 : i32
        %scan3A_1047 = arith.addi %scan3A_335, %scan3A_1046 : i32
        %mul3A_1048 = arith.constant 1 : i32
        %mul3A_1049 = arith.muli %scan3A_1047, %mul3A_1048 : i32
        %add3A_1050 = arith.constant 0 : i32
        %add3A_1051 = arith.addi %add3A_1050, %mul3A_1049 : i32
        %get3A_1052 = arith.constant 0 : i32
        %get3A_1053 = arith.constant 0 : i32
        %get3A_1054 = tpu.memref_slice %arg7[%scan3A_309, %get3A_1052, %get3A_1053] : memref<4x104x128xf32, #tpu.memory_space<vmem>> -> memref<1x104x128xf32, #tpu.memory_space<vmem>>
        %get3A_1055 = tpu.memref_squeeze %get3A_1054 : memref<1x104x128xf32, #tpu.memory_space<vmem>> -> memref<104x128xf32, #tpu.memory_space<vmem>>
        %get3A_1056 = arith.index_cast %add3A_1051 : i32 to index
        %get3A_1057 = arith.constant 0 : index
        %get3A_1058 = tpu.vector_load %get3A_1055[%get3A_1056, %get3A_1057] {strides = array<i32>} : memref<104x128xf32, #tpu.memory_space<vmem>>, vector<1x16xf32>,
        %get3A_1059 = vector.shape_cast %get3A_1058 : vector<1x16xf32> to vector<16xf32>
        %add3A_1060 = arith.constant 104 : i32
        %add3A_1061 = arith.addi %add3A_1060, %add3A_1051 : i32
        %get3A_1062 = arith.index_cast %add3A_1061 : i32 to index
        %get3A_1063 = arith.constant 0 : index
        %get3A_1064 = tpu.vector_load %arg8[%get3A_1062, %get3A_1063] {strides = array<i32>} : memref<200x64xf32, #tpu.memory_space<vmem>>, vector<1x16xf32>,
        %get3A_1065 = vector.shape_cast %get3A_1064 : vector<1x16xf32> to vector<16xf32>
        %add3A_1066 = arith.addf %get3A_1059, %get3A_1065 : vector<16xf32>
        %swap3A_1067 = arith.constant 0 : i32
        %swap3A_1068 = arith.constant 0 : i32
        %swap3A_1069 = tpu.memref_slice %arg7[%scan3A_309, %swap3A_1067, %swap3A_1068] : memref<4x104x128xf32, #tpu.memory_space<vmem>> -> memref<1x104x128xf32, #tpu.memory_space<vmem>>
        %swap3A_1070 = tpu.memref_squeeze %swap3A_1069 : memref<1x104x128xf32, #tpu.memory_space<vmem>> -> memref<104x128xf32, #tpu.memory_space<vmem>>
        %swap3A_1071 = arith.index_cast %add3A_1051 : i32 to index
        %swap3A_1072 = arith.constant 0 : index
        %swap3A_1073 = tpu.vector_load %swap3A_1070[%swap3A_1071, %swap3A_1072] {strides = array<i32>} : memref<104x128xf32, #tpu.memory_space<vmem>>, vector<1x16xf32>,
        %swap3A_1074 = vector.shape_cast %swap3A_1073 : vector<1x16xf32> to vector<16xf32>
        %swap3A_1075 = vector.shape_cast %add3A_1066 : vector<16xf32> to vector<1x16xf32>
        tpu.vector_store %swap3A_1070[%swap3A_1071, %swap3A_1072], %swap3A_1075 {strides = array<i32>} : memref<104x128xf32, #tpu.memory_space<vmem>>, vector<1x16xf32>,
        %get3A_1076 = arith.constant 0 : i32
        %get3A_1077 = arith.constant 0 : i32
        %get3A_1078 = tpu.memref_slice %arg7[%scan3A_309, %get3A_1076, %get3A_1077] : memref<4x104x128xf32, #tpu.memory_space<vmem>> -> memref<1x104x128xf32, #tpu.memory_space<vmem>>
        %get3A_1079 = tpu.memref_squeeze %get3A_1078 : memref<1x104x128xf32, #tpu.memory_space<vmem>> -> memref<104x128xf32, #tpu.memory_space<vmem>>
        %get3A_1080 = arith.index_cast %add3A_1051 : i32 to index
        %get3A_1081 = arith.constant 16 : index
        %get3A_1082 = tpu.vector_load %get3A_1079[%get3A_1080, %get3A_1081] {strides = array<i32>} : memref<104x128xf32, #tpu.memory_space<vmem>>, vector<1x16xf32>,
        %get3A_1083 = vector.shape_cast %get3A_1082 : vector<1x16xf32> to vector<16xf32>
        %add3A_1084 = arith.constant 104 : i32
        %add3A_1085 = arith.addi %add3A_1084, %add3A_1051 : i32
        %get3A_1086 = arith.index_cast %add3A_1085 : i32 to index
        %get3A_1087 = arith.constant 16 : index
        %get3A_1088 = tpu.vector_load %arg8[%get3A_1086, %get3A_1087] {strides = array<i32>} : memref<200x64xf32, #tpu.memory_space<vmem>>, vector<1x16xf32>,
        %get3A_1089 = vector.shape_cast %get3A_1088 : vector<1x16xf32> to vector<16xf32>
        %add3A_1090 = arith.addf %get3A_1083, %get3A_1089 : vector<16xf32>
        %swap3A_1091 = arith.constant 0 : i32
        %swap3A_1092 = arith.constant 0 : i32
        %swap3A_1093 = tpu.memref_slice %arg7[%scan3A_309, %swap3A_1091, %swap3A_1092] : memref<4x104x128xf32, #tpu.memory_space<vmem>> -> memref<1x104x128xf32, #tpu.memory_space<vmem>>
        %swap3A_1094 = tpu.memref_squeeze %swap3A_1093 : memref<1x104x128xf32, #tpu.memory_space<vmem>> -> memref<104x128xf32, #tpu.memory_space<vmem>>
        %swap3A_1095 = arith.index_cast %add3A_1051 : i32 to index
        %swap3A_1096 = arith.constant 16 : index
        %swap3A_1097 = tpu.vector_load %swap3A_1094[%swap3A_1095, %swap3A_1096] {strides = array<i32>} : memref<104x128xf32, #tpu.memory_space<vmem>>, vector<1x16xf32>,
        %swap3A_1098 = vector.shape_cast %swap3A_1097 : vector<1x16xf32> to vector<16xf32>
        %swap3A_1099 = vector.shape_cast %add3A_1090 : vector<16xf32> to vector<1x16xf32>
        tpu.vector_store %swap3A_1094[%swap3A_1095, %swap3A_1096], %swap3A_1099 {strides = array<i32>} : memref<104x128xf32, #tpu.memory_space<vmem>>, vector<1x16xf32>,
        %get3A_1100 = arith.constant 0 : i32
        %get3A_1101 = arith.constant 0 : i32
        %get3A_1102 = tpu.memref_slice %arg7[%scan3A_309, %get3A_1100, %get3A_1101] : memref<4x104x128xf32, #tpu.memory_space<vmem>> -> memref<1x104x128xf32, #tpu.memory_space<vmem>>
        %get3A_1103 = tpu.memref_squeeze %get3A_1102 : memref<1x104x128xf32, #tpu.memory_space<vmem>> -> memref<104x128xf32, #tpu.memory_space<vmem>>
        %get3A_1104 = arith.index_cast %add3A_1051 : i32 to index
        %get3A_1105 = arith.constant 32 : index
        %get3A_1106 = tpu.vector_load %get3A_1103[%get3A_1104, %get3A_1105] {strides = array<i32>} : memref<104x128xf32, #tpu.memory_space<vmem>>, vector<1x16xf32>,
        %get3A_1107 = vector.shape_cast %get3A_1106 : vector<1x16xf32> to vector<16xf32>
        %add3A_1108 = arith.constant 104 : i32
        %add3A_1109 = arith.addi %add3A_1108, %add3A_1051 : i32
        %get3A_1110 = arith.index_cast %add3A_1109 : i32 to index
        %get3A_1111 = arith.constant 32 : index
        %get3A_1112 = tpu.vector_load %arg8[%get3A_1110, %get3A_1111] {strides = array<i32>} : memref<200x64xf32, #tpu.memory_space<vmem>>, vector<1x16xf32>,
        %get3A_1113 = vector.shape_cast %get3A_1112 : vector<1x16xf32> to vector<16xf32>
        %add3A_1114 = arith.addf %get3A_1107, %get3A_1113 : vector<16xf32>
        %swap3A_1115 = arith.constant 0 : i32
        %swap3A_1116 = arith.constant 0 : i32
        %swap3A_1117 = tpu.memref_slice %arg7[%scan3A_309, %swap3A_1115, %swap3A_1116] : memref<4x104x128xf32, #tpu.memory_space<vmem>> -> memref<1x104x128xf32, #tpu.memory_space<vmem>>
        %swap3A_1118 = tpu.memref_squeeze %swap3A_1117 : memref<1x104x128xf32, #tpu.memory_space<vmem>> -> memref<104x128xf32, #tpu.memory_space<vmem>>
        %swap3A_1119 = arith.index_cast %add3A_1051 : i32 to index
        %swap3A_1120 = arith.constant 32 : index
        %swap3A_1121 = tpu.vector_load %swap3A_1118[%swap3A_1119, %swap3A_1120] {strides = array<i32>} : memref<104x128xf32, #tpu.memory_space<vmem>>, vector<1x16xf32>,
        %swap3A_1122 = vector.shape_cast %swap3A_1121 : vector<1x16xf32> to vector<16xf32>
        %swap3A_1123 = vector.shape_cast %add3A_1114 : vector<16xf32> to vector<1x16xf32>
        tpu.vector_store %swap3A_1118[%swap3A_1119, %swap3A_1120], %swap3A_1123 {strides = array<i32>} : memref<104x128xf32, #tpu.memory_space<vmem>>, vector<1x16xf32>,
        %get3A_1124 = arith.constant 0 : i32
        %get3A_1125 = arith.constant 0 : i32
        %get3A_1126 = tpu.memref_slice %arg7[%scan3A_309, %get3A_1124, %get3A_1125] : memref<4x104x128xf32, #tpu.memory_space<vmem>> -> memref<1x104x128xf32, #tpu.memory_space<vmem>>
        %get3A_1127 = tpu.memref_squeeze %get3A_1126 : memref<1x104x128xf32, #tpu.memory_space<vmem>> -> memref<104x128xf32, #tpu.memory_space<vmem>>
        %get3A_1128 = arith.index_cast %add3A_1051 : i32 to index
        %get3A_1129 = arith.constant 48 : index
        %get3A_1130 = tpu.vector_load %get3A_1127[%get3A_1128, %get3A_1129] {strides = array<i32>} : memref<104x128xf32, #tpu.memory_space<vmem>>, vector<1x16xf32>,
        %get3A_1131 = vector.shape_cast %get3A_1130 : vector<1x16xf32> to vector<16xf32>
        %add3A_1132 = arith.constant 104 : i32
        %add3A_1133 = arith.addi %add3A_1132, %add3A_1051 : i32
        %get3A_1134 = arith.index_cast %add3A_1133 : i32 to index
        %get3A_1135 = arith.constant 48 : index
        %get3A_1136 = tpu.vector_load %arg8[%get3A_1134, %get3A_1135] {strides = array<i32>} : memref<200x64xf32, #tpu.memory_space<vmem>>, vector<1x16xf32>,
        %get3A_1137 = vector.shape_cast %get3A_1136 : vector<1x16xf32> to vector<16xf32>
        %add3A_1138 = arith.addf %get3A_1131, %get3A_1137 : vector<16xf32>
        %swap3A_1139 = arith.constant 0 : i32
        %swap3A_1140 = arith.constant 0 : i32
        %swap3A_1141 = tpu.memref_slice %arg7[%scan3A_309, %swap3A_1139, %swap3A_1140] : memref<4x104x128xf32, #tpu.memory_space<vmem>> -> memref<1x104x128xf32, #tpu.memory_space<vmem>>
        %swap3A_1142 = tpu.memref_squeeze %swap3A_1141 : memref<1x104x128xf32, #tpu.memory_space<vmem>> -> memref<104x128xf32, #tpu.memory_space<vmem>>
        %swap3A_1143 = arith.index_cast %add3A_1051 : i32 to index
        %swap3A_1144 = arith.constant 48 : index
        %swap3A_1145 = tpu.vector_load %swap3A_1142[%swap3A_1143, %swap3A_1144] {strides = array<i32>} : memref<104x128xf32, #tpu.memory_space<vmem>>, vector<1x16xf32>,
        %swap3A_1146 = vector.shape_cast %swap3A_1145 : vector<1x16xf32> to vector<16xf32>
        %swap3A_1147 = vector.shape_cast %add3A_1138 : vector<16xf32> to vector<1x16xf32>
        tpu.vector_store %swap3A_1142[%swap3A_1143, %swap3A_1144], %swap3A_1147 {strides = array<i32>} : memref<104x128xf32, #tpu.memory_space<vmem>>, vector<1x16xf32>,
      }
      %scan3A_314 = arith.constant 96 : i32
      %div3A_315 = arith.constant 2 : i32
      %div3A_316 = arith.divsi %add3A_270, %div3A_315 : i32
      %add3A_317 = arith.addi %mul3A_2, %div3A_316 : i32
      %dma_start3A_318 = arith.constant 3 : i32
      %dma_start3A_319 = arith.constant 0 : i32
      %dma_start3A_320 = arith.constant 0 : i32
      %dma_start3A_321 = tpu.memref_slice %arg7[%dma_start3A_318, %dma_start3A_319, %dma_start3A_320] : memref<4x104x128xf32, #tpu.memory_space<vmem>> -> memref<1x96x128xf32, #tpu.memory_space<vmem>>
      %dma_start3A_322 = tpu.memref_squeeze %dma_start3A_321 : memref<1x96x128xf32, #tpu.memory_space<vmem>> -> memref<96x128xf32, #tpu.memory_space<vmem>>
      %dma_start3A_323 = arith.constant 104 : i32
      %dma_start3A_324 = arith.constant 0 : i32
      %dma_start3A_325 = tpu.memref_slice %arg5[%add3A_317, %dma_start3A_323, %dma_start3A_324] : memref<4096x200x128xf32, #tpu.memory_space<hbm>> -> memref<1x96x128xf32, #tpu.memory_space<hbm>>
      %dma_start3A_326 = tpu.memref_squeeze %dma_start3A_325 : memref<1x96x128xf32, #tpu.memory_space<hbm>> -> memref<96x128xf32, #tpu.memory_space<hbm>>
      %dma_start3A_327 = arith.constant 104 : i32
      %dma_start3A_328 = arith.constant 0 : i32
      %dma_start3A_329 = tpu.memref_slice %arg5[%add3A_317, %dma_start3A_327, %dma_start3A_328] : memref<4096x200x128xf32, #tpu.memory_space<hbm>> -> memref<1x96x128xf32, #tpu.memory_space<hbm>>
      %dma_start3A_330 = tpu.memref_squeeze %dma_start3A_329 : memref<1x96x128xf32, #tpu.memory_space<hbm>> -> memref<96x128xf32, #tpu.memory_space<hbm>>
      %dma_start3A_331 = arith.constant 0 : i32
      %dma_start3A_332 = arith.constant 0 : i32
      %dma_start3A_333 = tpu.memref_slice %arg7[%dma_start3A_318, %dma_start3A_331, %dma_start3A_332] : memref<4x104x128xf32, #tpu.memory_space<vmem>> -> memref<1x96x128xf32, #tpu.memory_space<vmem>>
      %dma_start3A_334 = tpu.memref_squeeze %dma_start3A_333 : memref<1x96x128xf32, #tpu.memory_space<vmem>> -> memref<96x128xf32, #tpu.memory_space<vmem>>
      tpu.enqueue_dma source(%dma_start3A_334 : memref<96x128xf32, #tpu.memory_space<vmem>>) target(%dma_start3A_330 : memref<96x128xf32, #tpu.memory_space<hbm>>) target_semaphore(%arg16 : memref<!tpu.dma_semaphore, #tpu.memory_space<semaphore_mem>>)
    }
    %scan3A_32 = arith.constant 64 : i32
    %dma_wait3A = arith.constant 2 : i32
    %dma_wait3A_33 = arith.constant 0 : i32
    %dma_wait3A_34 = arith.constant 0 : i32
    %dma_wait3A_35 = arith.constant 0 : i32
    %dma_wait3A_36 = tpu.memref_slice %arg7[%dma_wait3A, %dma_wait3A_34, %dma_wait3A_35] : memref<4x104x128xf32, #tpu.memory_space<vmem>> -> memref<1x104x128xf32, #tpu.memory_space<vmem>>
    %dma_wait3A_37 = tpu.memref_squeeze %dma_wait3A_36 : memref<1x104x128xf32, #tpu.memory_space<vmem>> -> memref<104x128xf32, #tpu.memory_space<vmem>>
    %dma_wait3A_38 = arith.constant 0 : i32
    %dma_wait3A_39 = arith.constant 0 : i32
    %dma_wait3A_40 = tpu.memref_slice %arg5[%dma_wait3A_33, %dma_wait3A_38, %dma_wait3A_39] : memref<4096x200x128xf32, #tpu.memory_space<hbm>> -> memref<1x104x128xf32, #tpu.memory_space<hbm>>
    %dma_wait3A_41 = tpu.memref_squeeze %dma_wait3A_40 : memref<1x104x128xf32, #tpu.memory_space<hbm>> -> memref<104x128xf32, #tpu.memory_space<hbm>>
    %dma_wait3A_42 = arith.constant 0 : i32
    %dma_wait3A_43 = arith.constant 0 : i32
    %dma_wait3A_44 = tpu.memref_slice %arg5[%dma_wait3A_33, %dma_wait3A_42, %dma_wait3A_43] : memref<4096x200x128xf32, #tpu.memory_space<hbm>> -> memref<1x104x128xf32, #tpu.memory_space<hbm>>
    %dma_wait3A_45 = tpu.memref_squeeze %dma_wait3A_44 : memref<1x104x128xf32, #tpu.memory_space<hbm>> -> memref<104x128xf32, #tpu.memory_space<hbm>>
    %dma_wait3A_46 = arith.constant 0 : i32
    %dma_wait3A_47 = arith.constant 0 : i32
    %dma_wait3A_48 = tpu.memref_slice %arg7[%dma_wait3A, %dma_wait3A_46, %dma_wait3A_47] : memref<4x104x128xf32, #tpu.memory_space<vmem>> -> memref<1x104x128xf32, #tpu.memory_space<vmem>>
    %dma_wait3A_49 = tpu.memref_squeeze %dma_wait3A_48 : memref<1x104x128xf32, #tpu.memory_space<vmem>> -> memref<104x128xf32, #tpu.memory_space<vmem>>
    tpu.wait_dma2 semaphore(%arg15 : memref<!tpu.dma_semaphore, #tpu.memory_space<semaphore_mem>>) src(%dma_wait3A_49 : memref<104x128xf32, #tpu.memory_space<vmem>>) dst(%dma_wait3A_45 : memref<104x128xf32, #tpu.memory_space<hbm>>)
    %dma_wait3A_50 = arith.constant 3 : i32
    %dma_wait3A_51 = arith.constant 0 : i32
    %dma_wait3A_52 = arith.constant 0 : i32
    %dma_wait3A_53 = arith.constant 0 : i32
    %dma_wait3A_54 = tpu.memref_slice %arg7[%dma_wait3A_50, %dma_wait3A_52, %dma_wait3A_53] : memref<4x104x128xf32, #tpu.memory_space<vmem>> -> memref<1x96x128xf32, #tpu.memory_space<vmem>>
    %dma_wait3A_55 = tpu.memref_squeeze %dma_wait3A_54 : memref<1x96x128xf32, #tpu.memory_space<vmem>> -> memref<96x128xf32, #tpu.memory_space<vmem>>
    %dma_wait3A_56 = arith.constant 0 : i32
    %dma_wait3A_57 = arith.constant 0 : i32
    %dma_wait3A_58 = tpu.memref_slice %arg5[%dma_wait3A_51, %dma_wait3A_56, %dma_wait3A_57] : memref<4096x200x128xf32, #tpu.memory_space<hbm>> -> memref<1x96x128xf32, #tpu.memory_space<hbm>>
    %dma_wait3A_59 = tpu.memref_squeeze %dma_wait3A_58 : memref<1x96x128xf32, #tpu.memory_space<hbm>> -> memref<96x128xf32, #tpu.memory_space<hbm>>
    %dma_wait3A_60 = arith.constant 0 : i32
    %dma_wait3A_61 = arith.constant 0 : i32
    %dma_wait3A_62 = tpu.memref_slice %arg5[%dma_wait3A_51, %dma_wait3A_60, %dma_wait3A_61] : memref<4096x200x128xf32, #tpu.memory_space<hbm>> -> memref<1x96x128xf32, #tpu.memory_space<hbm>>
    %dma_wait3A_63 = tpu.memref_squeeze %dma_wait3A_62 : memref<1x96x128xf32, #tpu.memory_space<hbm>> -> memref<96x128xf32, #tpu.memory_space<hbm>>
    %dma_wait3A_64 = arith.constant 0 : i32
    %dma_wait3A_65 = arith.constant 0 : i32
    %dma_wait3A_66 = tpu.memref_slice %arg7[%dma_wait3A_50, %dma_wait3A_64, %dma_wait3A_65] : memref<4x104x128xf32, #tpu.memory_space<vmem>> -> memref<1x96x128xf32, #tpu.memory_space<vmem>>
    %dma_wait3A_67 = tpu.memref_squeeze %dma_wait3A_66 : memref<1x96x128xf32, #tpu.memory_space<vmem>> -> memref<96x128xf32, #tpu.memory_space<vmem>>
    tpu.wait_dma2 semaphore(%arg16 : memref<!tpu.dma_semaphore, #tpu.memory_space<semaphore_mem>>) src(%dma_wait3A_67 : memref<96x128xf32, #tpu.memory_space<vmem>>) dst(%dma_wait3A_63 : memref<96x128xf32, #tpu.memory_space<hbm>>)
    return
  }
}

</mosaic_0001>

<sc_bundles>
// kernel: kernel.3.cloned.1.call-start
scs
__scs_entry_jumppad:
0x0: {  	(pc) =	sbr.rel $0x88, $3  }
0x1: {  	(tag) =	ssettag $0x0;
	lr =	simm.s32 $0x1  }
0x2: {  	[smem:$0x3F9E] =	sst lr;
	_ =	strace $0xD0000000  }
0x3: {  	_ = 	snop  }
0x4: {  	_ = 	snop  }
0x5: {  	_ = 	snop  }
0x6: {  	_ = 	snop  }
0x7: {  	_ = 	snop  }
__scs_overlays_trampoline_lowered:
0x8: {  	[smem:$0x3FAD] =	sst s0  }
0x9: {  	[smem:$0x3FAE] =	sst s1  }
0xa: {  	[smem:$0x3FAF] =	sst s2  }
0xb: {  	[smem:$0x3FB0] =	sst s3  }
0xc: {  	[smem:$0x3FB1] =	sst s4  }
0xd: {  	[smem:$0x3FB2] =	sst s5  }
0xe: {  	[smem:$0x3FB3] =	sst s6  }
0xf: {  	[smem:$0x3FB4] =	sst s7  }
0x10: {  	[smem:$0x3FB5] =	sst s8  }
0x11: {  	[smem:$0x3FB6] =	sst s9;
	s0 =	simm.s32 @!p0 $0x0  }
0x12: {  	s1 =	sld [smem:$0x3F9C];
	s0 =	simm.s32 @p0 $0x1  }
0x13: {  	[smem:$0x3FB7] =	sst s0;
	s0 =	simm.s32 @!p1 $0x0  }
0x14: {  	s2 =	sld [smem:$0x3F9B];
	s0 =	simm.s32 @p1 $0x1  }
0x15: {  	[smem:$0x3FB8] =	sst s0;
	s0 =	simm.s32 @!p2 $0x0  }
0x16: {  	s3 =	sld [smem:$0x3FDB];
	s0 =	simm.s32 @p2 $0x1  }
0x17: {  	s4 =	simm.s32 $0x1BF5;
	[smem:$0x3FBA] =	sst s0  }
0x18: {  	s0 =	sld [smem:$0x3F9D];
	_ =	swait.ge [sflag:s4], $0x0  }
0x19: {  	s7 =	sld [smem:$0x3F9E]  }
0x1a: {  	s8 =	sadd.s32 $0xFFFFE003, lr  }
0x1b: {  	s9 =	sadd.s32 $0xFFFFFEF7, lr;
	s5 =	simm.s32 $0xFFFFFFFF;
	p2 =	slt.u32 s8, $0xFFFFF086  }
0x1c: {  	p1 =	slt.u32 s9, $0xF7A;
	s5 =	simm.s32 @!p2 $0x0  }
0x1d: {  	s5 =	simm.s32 @p1 $0x1;
	p0 =	seq.s32 s7, s2  }
0x1e: {  	s7 =	smul.u32 @!p0 $0xF7A, s2;
	p2 =	seq.s32 @!p0 s5, $0x0  }
0x1f: {  	s9 =	smul.u32 $0xF7A, s1;
	s8 =	simm.s32 @!p0 $0x1BF5;
	p2 =	por !p2, p0  }
0x20: {  	[sflag:s8] =	ssyncset.s32 @!p0 $0xFFFFF086;
	s6 =	sadd.s32 @!p0 s3, s7;
	s7 =	simm.s32 @!p0 $0x108  }
0x21: {  	s3 =	sadd.s32 s3, s9;
	s6 =	sadd.s32 @!p0 $0x88, s6;
	s7 =	simm.s32 @p2 $0x1082  }
0x22: {  	[simem:s7], [sflag:s8] =	dma.local @!p0 [hbm:s6], $0xF7A  }
0x23: {  	s9 =	sor.u32 $0xD0000000, s2;
	s6 =	simm.s32 $0x108;
	_ =	swait.ge @!p0 [sflag:s8], $0x0  }
0x24: {  	s3 =	sadd.s32 $0x88, s3;
	s6 =	simm.s32 @!p1 $0x1082;
	[sflag:s4] =	ssyncset.s32 $0xFFFFF086  }
0x25: {  	[simem:s6], [sflag:s4] =	dma.local [hbm:s3], $0xF7A  }
0x26: {  	[smem:$0x3F9E] =	sst s1;
	(tag) =	ssettag s2;
	_ =	strace s9  }
0x27: {  	s1 =	sld [smem:$0x3FAE]  }
0x28: {  	s2 =	sld [smem:$0x3FAF]  }
0x29: {  	s4 =	sld [smem:$0x3FB1]  }
0x2a: {  	p0 =	seq.s32 s5, $0x0;
	s5 =	sld [smem:$0x3FB2]  }
0x2b: {  	s6 =	sld [smem:$0x3FB3]  }
0x2c: {  	s7 =	sld [smem:$0x3FB4]  }
0x2d: {  	s3 =	simm.s32 $0x108;
	s8 =	sld [smem:$0x3FB5]  }
0x2e: {  	s3 =	simm.s32 @!p0 $0x1082;
	s9 =	sld [smem:$0x3FB6]  }
0x2f: {  	lr =	sadd.s32 s0, s3;
	s0 =	sld [smem:$0x3FAD]  }
0x30: {  	s3 =	sld [smem:$0x3FB0]  }
0x31: {  	[smem:$0x3FB9] =	sst s10  }
0x32: {  	s10 =	sld [smem:$0x3FB7];
	_ =	sdelay $0x3  }
0x33: {  	p0 =	seq.s32 s10, $0x1;
	s10 =	sld [smem:$0x3FB9];
	_ =	sdelay $0x3  }
0x34: {  	[smem:$0x3FB9] =	sst s10  }
0x35: {  	s10 =	sld [smem:$0x3FB8];
	_ =	sdelay $0x3  }
0x36: {  	p1 =	seq.s32 s10, $0x1;
	s10 =	sld [smem:$0x3FB9];
	_ =	sdelay $0x3  }
0x37: {  	[smem:$0x3FB9] =	sst s10  }
0x38: {  	s10 =	sld [smem:$0x3FBA]  }
0x39: {  	_ = 	snop;
	(pc) =	sbr.ind lr, $3  }
0x3a: {  	_ = 	snop  }
0x3b: {  	_ = 	snop  }
0x3c: {  	p2 =	seq.s32 s10, $0x1;
	s10 =	sld [smem:$0x3FB9]  }
0x3d: {  	_ =	shalt  }
0x3e: {  	_ =	shalt  }
0x3f: {  	_ =	shalt  }
0x40: {  	_ =	shalt  }
0x41: {  	_ =	shalt  }
0x42: {  	_ =	shalt  }
0x43: {  	_ =	shalt  }
0x44: {  	_ =	shalt  }
0x45: {  	_ =	shalt  }
0x46: {  	_ =	shalt  }
0x47: {  	_ =	shalt  }
0x48: {  	_ =	shalt  }
0x49: {  	_ =	shalt  }
0x4a: {  	_ =	shalt  }
0x4b: {  	_ =	shalt  }
0x4c: {  	_ =	shalt  }
0x4d: {  	_ =	shalt  }
0x4e: {  	_ =	shalt  }
0x4f: {  	_ =	shalt  }
0x50: {  	_ =	shalt  }
0x51: {  	_ =	shalt  }
0x52: {  	_ =	shalt  }
0x53: {  	_ =	shalt  }
0x54: {  	_ =	shalt  }
0x55: {  	_ =	shalt  }
0x56: {  	_ =	shalt  }
0x57: {  	_ =	shalt  }
0x58: {  	_ =	shalt  }
0x59: {  	_ =	shalt  }
0x5a: {  	_ =	shalt  }
0x5b: {  	_ =	shalt  }
0x5c: {  	_ =	shalt  }
0x5d: {  	_ =	shalt  }
0x5e: {  	_ =	shalt  }
0x5f: {  	_ =	shalt  }
0x60: {  	_ =	shalt  }
0x61: {  	_ =	shalt  }
0x62: {  	_ =	shalt  }
0x63: {  	_ =	shalt  }
0x64: {  	_ =	shalt  }
0x65: {  	_ =	shalt  }
0x66: {  	_ =	shalt  }
0x67: {  	_ =	shalt  }
0x68: {  	_ =	shalt  }
0x69: {  	_ =	shalt  }
0x6a: {  	_ =	shalt  }
0x6b: {  	_ =	shalt  }
0x6c: {  	_ =	shalt  }
0x6d: {  	_ =	shalt  }
0x6e: {  	_ =	shalt  }
0x6f: {  	_ =	shalt  }
0x70: {  	_ =	shalt  }
0x71: {  	_ =	shalt  }
0x72: {  	_ =	shalt  }
0x73: {  	_ =	shalt  }
0x74: {  	_ =	shalt  }
0x75: {  	_ =	shalt  }
0x76: {  	_ =	shalt  }
0x77: {  	_ =	shalt  }
0x78: {  	_ =	shalt  }
0x79: {  	_ =	shalt  }
0x7a: {  	_ =	shalt  }
0x7b: {  	_ =	shalt  }
0x7c: {  	_ =	shalt  }
0x7d: {  	_ =	shalt  }
0x7e: {  	_ =	shalt  }
0x7f: {  	_ =	shalt  }
0x80: {  	_ =	shalt  }
0x81: {  	_ =	shalt  }
0x82: {  	_ =	shalt  }
0x83: {  	_ =	shalt  }
0x84: {  	_ =	shalt  }
0x85: {  	_ =	shalt  }
0x86: {  	_ =	shalt  }
0x87: {  	_ =	shalt  }
.Lfunc_end0:
.L_simem_size_0:
called_computation.1_lowered:
.L_overlay_start_0:
0x88: {  	s2 =	sld [smem:$0x3FD9]  }
0x89: {  	s3 =	sld [smem:$0x3FFE];
	_ =	sdelay $0x1  }
0x8a: {  	s1 =	srdreg.scid  }
0x8b: {  	s0 =	sand.u32 $0x1, s1  }
0x8c: {  	s17 =	sshll.u32 s0, $0xA;
	s2 =	sadd.s32 s3, s2  }
0x8d: {  	s2 =	sadd.s32 s2, s17  }
0x8e: {  	[smem:$0x3FC5] =	sst s2  }
0x8f: {  	_ = 	snop  }
0x90: {  	s2 =	sld [smem:$0x3FD0];
	(tm) =	ssettm $0x1  }
0x91: {  	s18 =	sld [smem:$0x3FFB];
	_ =	sdelay $0x3  }
0x92: {  	_ =	strace s18  }
0x93: {  	s3 =	sld [smem:$0x3FFC];
	_ =	sdelay $0x3  }
0x94: {  	_ =	strace s3  }
0x95: {  	s3 =	sld [smem:$0x3FFD];
	_ =	sdelay $0x3  }
0x96: {  	_ =	strace s3  }
0x97: {  	_ =	strace $0x8FFFFFFF  }
0x98: {  	s19 =	sld [smem:$0x3FDB];
	_ =	sdelay $0x1  }
0x99: {  	s4 =	simm.s32 $_scs_section_size  }
0x9a: {  	s5 =	simm.s32 $_size__tile_overlayer_lowered;
	s6 =	simm.s32 $_tile_overlayer_lowered  }
0x9b: {  	s22 =	simm.s32 $0x1BFF;
	s21 =	sshll.u32 s6, $0x1;
	s3 =	sadd.s32 s4, s19  }
0x9c: {  	s7 =	simm.s32 $0x0;
	s20 =	sshll.u32 s5, $0x1;
	s5 =	sadd.s32 s21, s3  }
0x9d: {  	[timem:s7], [sflag:s22] =	dma.local [hbm:s5], s20  }
0x9e: {  	_ =	swait.ge [sflag:s22], s20  }
0x9f: {  	s4 =	ssub.s32 $0x0, s20;
	[sflag:s22] =	ssyncset.done $0x0  }
0xa0: {  	[sflag:s22] =	ssyncadd.s32 s4;
	_ =	sdelay $0x1  }
0xa1: {  	s23 =	simm.s32 $0x1B8B  }
0xa2: {  	_ =	swait.ge [sflag:s23], $0x1  }
0xa3: {  	[sflag:s23] =	ssyncset.done $0x0  }
0xa4: {  	s25 =	simm.s32 $0x1B8E;
	s24 =	sld [smem:$0x3FFE];
	[sflag:s23] =	ssyncadd.s32 $0xFFFFFFFF  }
0xa5: {  	s26 =	simm.s32 $execute0_lowered;
	[smem:$0x3FD2] =	sst s25  }
0xa6: {  	s5 =	sshll.u32 s26, $0x1;
	_ =	strace $0x80000046;
	[dreg:$0x1] =	wrdreg $0xFFFFFFFF  }
0xa7: {  	s28 =	simm.s32 $_size_execute0_lowered;
	s3 =	sadd.s32 s3, s5;
	[dreg:$0x0] =	wrdreg $0x0  }
0xa8: {  	s5 =	sshll.u32 s28, $0x1;
	[dreg:$0x2] =	wrdreg s3  }
0xa9: {  	[dreg:$0x3] =	wrdreg s5  }
0xaa: {  	[dreg:$0x4] =	wrdreg $0xC0  }
0xab: {  	_ =	task [dreg:s7], $0x5FFFF  }
0xac: {  	[dreg:$0x1] =	wrdreg $0xFFFFFFFF  }
0xad: {  	[dreg:$0x0] =	wrdreg $0x60  }
0xae: {  	[dreg:$0x2] =	wrdreg s2  }
0xaf: {  	[dreg:$0x3] =	wrdreg s24  }
0xb0: {  	[dreg:$0x4] =	wrdreg $0x9  }
0xb1: {  	_ =	task.clear_ibuf [dreg:s7], $0x5FFFF;
	_ =	strace $0x90000046  }
0xb2: {  	s29 =	simm.s32 $0x9;
	_ =	strace $0x80000048  }
0xb3: {  	_ =	swait.ge [sflag:s29], $0x1  }
0xb4: {  	[sflag:s29] =	ssyncadd.s32 $0xFFFFFFFF  }
0xb5: {  	_ =	strace $0x90000048  }
0xb6: {  	_ =	sfence  }
0xb7: {  	s30 =	sld [smem:$0x0];
	_ =	sdelay $0x2  }
0xb8: {  	s31 =	sshll.u32 s1, $0xD;
	s1 =	sshrl.u32 s1, $0x2  }
0xb9: {  	s3 =	sand.u32 $0x4000, s31;
	s1 =	sadd.s32 s1, s30  }
0xba: {  	s0 =	sor.u32 s3, s0;
	s1 =	sshll.u32 s1, $0x11  }
0xbb: {  	s0 =	sor.u32 s1, s0  }
0xbc: {  	s0 =	sadd.s32 $0x8F2B, s0  }
0xbd: {  	[sflag:s0] =	ssyncadd.remote.s32 $0x1  }
0xbe: {  	_ =	sfence.sel $0xFFFF  }
0xbf: {  	[dreg:$0x0] =	wrdreg $0xFFFFFFFF;
	(pc) =	sbr.abs _section_cstart, $3  }
0xc0: {  	[dreg:$0x1] =	wrdreg $0xFFFFFFFF  }
0xc1: {  	_ =	task.clear_ibuf [dreg:s7], $0x2FFFF;
	_ =	strace $0x9FFFFFFF  }
0xc2: {  	(tm) =	ssettm $0x7FFFFFFF  }
0xc3: {  	_ =	shalt  }
tec
execute0_lowered:
.L_overlay_start_1:
0x0: {  	(tag) =	ssettag $0x1  }
0x1: {  	s0 =	rddreg [dreg:$0x0]  }
0x2: {  	s1 =	rddreg [dreg:$0x1]  }
0x3: {  	s2 =	srdreg.scid;
	s3 =	stileid.u32  }
0x4: {  	s10 =	simm.s32 $0x9;
	s11 =	simm.s32 $0x68;
	s12 =	simm.s32 $0x6400  }
0x5: {  	s13 =	simm.s32 $0x60;
	s14 =	simm.s32 $0x9800;
	s15 =	simm.s32 $0x1  }
0x6: {  	s16 =	simm.s32 $0xCC00;
	s17 =	simm.s32 $0x2;
	s18 =	simm.s32 $0x10000  }
0x7: {  	s19 =	simm.s32 $0x3;
	s20 =	simm.s32 $0x5;
	s21 =	simm.s32 $0x4  }
0x8: {  	s22 =	simm.s32 $0x6;
	s23 =	simm.s32 $0x7;
	s24 =	simm.s32 $0x8  }
0x9: {  	s25 =	simm.s32 $0x0;
	s4 =	sand.u32 $0x1, s2;
	s2 =	simm.s32 $0x0  }
0xa: {  	s3 =	sshll.u32 s3, $0x8;
	s6 =	sadd.s32 $0xF43200, s1;
	s5 =	sshll.u32 s4, $0x7  }
0xb: {  	[smem:$0x7FF] =	sst s2;
	s30 =	ssub.s32 $0x2, s4;
	s3 =	sor.u32 s5, s3  }
0xc: {  	s4 =	sadd.s32 $0xF43A00, s1;
	s8 =	sshrl.u32 s30, $0x1;
	s7 =	smul.u32 $0x19, s3  }
0xd: {  	_ =	strace $0x80000047;
	[dreg:$0x3] =	wrdreg s6;
	s31 =	ssub.s32 s30, s8  }
0xe: {  	s6 =	sadd.s32 $0xC00, s1;
	s8 =	smax.u32 s31, $0x1;
	s7 =	sadd.s32 s0, s7  }
.LBB2_1:
0xf: {  	s0 =	rddreg [dreg:$0x3];
	s1 =	simm.s32 $0x13400  }
0x10: {  	[tilespmem:s1], [sflag:$0x9] =	stream.linear.gather [hbm4b:s0+s2], $0x3200, $0x38;
	[tilespmem:$0x16600] =	vst v63  }
0x11: {  	_ =	swait.ge [sflag:s10], $0x3200  }
0x12: {  	[sflag:s10] =	ssyncset.done $0x0  }
0x13: {  	[sflag:s10] =	ssyncadd.s32 $0xFFFFCE00  }
0x14: {  	[tilespmem:s2], [sflag:$0x9] =	stream.linear.gather [hbm4b:s7+s2], $0x6400, $0x38;
	[tilespmem:$0x16600] =	vst v63  }
0x15: {  	_ =	swait.ge [sflag:s10], $0x6400  }
0x16: {  	[sflag:s10] =	ssyncset.done $0x0  }
0x17: {  	[sflag:s10] =	ssyncadd.s32 $0xFFFF9C00  }
0x18: {  	[tilespmem:s12], [sflag:$0x1] =	stream.indirect.gather [hbm4b:s4+s11], $0x80, s2, s11, $0xb8;
	[tilespmem:$0x16600] =	vst v63  }
0x19: {  	s26 =	simm.s32 $0x0  }
0x1a: {  	[tilespmem:s14], [sflag:$0x2] =	stream.indirect.gather [hbm4b:s4+s13], $0x80, s11, s13, $0xb8;
	[tilespmem:$0x16600] =	vst v63  }
.LBB2_2:
0x1b: {  	_ =	swait.ge [sflag:s15], $0x3400  }
0x1c: {  	p0 =	seq.s32 s26, $0x0;
	[sflag:s15] =	ssyncset.done $0x0  }
0x1d: {  	s28 =	sshllo.u32 s26, $0x1;
	s0 =	simm.s32 @!p0 $0x7;
	[sflag:s15] =	ssyncadd.s32 $0xFFFFCC00  }
0x1e: {  	s1 =	smul.u32 $0x320, s28;
	_ =	swait.ge @!p0 [sflag:s0], $0x3400  }
0x1f: {  	[sflag:s0] =	ssyncset.done @!p0 $0x0  }
0x20: {  	s30 =	sshra.s32 s1, $0x2;
	[sflag:s0] =	ssyncadd.s32 @!p0 $0xFFFFCC00;
	s0 =	simm.s32 $0x6600  }
0x21: {  	[tilespmem:s16], [sflag:$0x3] =	stream.indirect.gather [hbm4b:s4+s11], $0x80, s30, s11, $0xb8;
	[tilespmem:$0x16600] =	vst v63  }
0x22: {  	s31 =	simm.s32 $0x13500;
	v0 =	vld [tilespmem:s0+$0xFFFFFE00]  }
0x23: {  	v1 =	vld [tilespmem:s31+$0xFFFFFF00];
	_ =	sdelay $0x4  }
0x24: {  	v0 =	vadd.f32 v1, v0;
	_ =	sdelay $0x1  }
0x25: {  	[tilespmem:s0+$0xFFFFFE00] =	vst v0;
	v0 =	vld [tilespmem:s0+$0xFFFFFE10]  }
0x26: {  	v1 =	vld [tilespmem:s31+$0xFFFFFF10];
	_ =	sdelay $0x4  }
0x27: {  	v0 =	vadd.f32 v1, v0;
	_ =	sdelay $0x1  }
0x28: {  	[tilespmem:s0+$0xFFFFFE10] =	vst v0;
	v0 =	vld [tilespmem:s0+$0xFFFFFE20]  }
0x29: {  	v1 =	vld [tilespmem:s31+$0xFFFFFF20];
	_ =	sdelay $0x4  }
0x2a: {  	v0 =	vadd.f32 v1, v0;
	_ =	sdelay $0x1  }
0x2b: {  	[tilespmem:s0+$0xFFFFFE20] =	vst v0;
	v0 =	vld [tilespmem:s0+$0xFFFFFE30]  }
0x2c: {  	v1 =	vld [tilespmem:s31+$0xFFFFFF30];
	_ =	sdelay $0x4  }
0x2d: {  	v0 =	vadd.f32 v1, v0;
	_ =	sdelay $0x1  }
0x2e: {  	[tilespmem:s0+$0xFFFFFE30] =	vst v0;
	v0 =	vld [tilespmem:s0+$0xFFFFFE80]  }
0x2f: {  	v1 =	vld [tilespmem:s31+$0xFFFFFF40];
	_ =	sdelay $0x4  }
0x30: {  	v0 =	vadd.f32 v1, v0;
	_ =	sdelay $0x1  }
0x31: {  	[tilespmem:s0+$0xFFFFFE80] =	vst v0;
	v0 =	vld [tilespmem:s0+$0xFFFFFE90]  }
0x32: {  	v1 =	vld [tilespmem:s31+$0xFFFFFF50];
	_ =	sdelay $0x4  }
0x33: {  	v0 =	vadd.f32 v1, v0;
	_ =	sdelay $0x1  }
0x34: {  	[tilespmem:s0+$0xFFFFFE90] =	vst v0;
	v0 =	vld [tilespmem:s0+$0xFFFFFEA0]  }
0x35: {  	v1 =	vld [tilespmem:s31+$0xFFFFFF60];
	_ =	sdelay $0x4  }
0x36: {  	v0 =	vadd.f32 v1, v0;
	_ =	sdelay $0x1  }
0x37: {  	[tilespmem:s0+$0xFFFFFEA0] =	vst v0;
	v0 =	vld [tilespmem:s0+$0xFFFFFEB0]  }
0x38: {  	v1 =	vld [tilespmem:s31+$0xFFFFFF70];
	_ =	sdelay $0x4  }
0x39: {  	v0 =	vadd.f32 v1, v0;
	_ =	sdelay $0x1  }
0x3a: {  	[tilespmem:s0+$0xFFFFFEB0] =	vst v0;
	v0 =	vld [tilespmem:s0+$0xFFFFFF00]  }
0x3b: {  	v1 =	vld [tilespmem:s31+$0xFFFFFF80];
	_ =	sdelay $0x4  }
0x3c: {  	v0 =	vadd.f32 v1, v0;
	_ =	sdelay $0x1  }
0x3d: {  	[tilespmem:s0+$0xFFFFFF00] =	vst v0;
	v0 =	vld [tilespmem:s0+$0xFFFFFF10]  }
0x3e: {  	v1 =	vld [tilespmem:s31+$0xFFFFFF90];
	_ =	sdelay $0x4  }
0x3f: {  	v0 =	vadd.f32 v1, v0;
	_ =	sdelay $0x1  }
0x40: {  	[tilespmem:s0+$0xFFFFFF10] =	vst v0;
	v0 =	vld [tilespmem:s0+$0xFFFFFF20]  }
0x41: {  	v1 =	vld [tilespmem:s31+$0xFFFFFFA0];
	_ =	sdelay $0x4  }
0x42: {  	v0 =	vadd.f32 v1, v0;
	_ =	sdelay $0x1  }
0x43: {  	[tilespmem:s0+$0xFFFFFF20] =	vst v0;
	v0 =	vld [tilespmem:s0+$0xFFFFFF30]  }
0x44: {  	v1 =	vld [tilespmem:s31+$0xFFFFFFB0];
	_ =	sdelay $0x4  }
0x45: {  	v0 =	vadd.f32 v1, v0;
	_ =	sdelay $0x1  }
0x46: {  	[tilespmem:s0+$0xFFFFFF30] =	vst v0;
	v0 =	vld [tilespmem:s0+$0xFFFFFF80]  }
0x47: {  	v1 =	vld [tilespmem:s31+$0xFFFFFFC0];
	_ =	sdelay $0x4  }
0x48: {  	v0 =	vadd.f32 v1, v0;
	_ =	sdelay $0x1  }
0x49: {  	[tilespmem:s0+$0xFFFFFF80] =	vst v0;
	v0 =	vld [tilespmem:s0+$0xFFFFFF90]  }
0x4a: {  	v1 =	vld [tilespmem:s31+$0xFFFFFFD0];
	_ =	sdelay $0x4  }
0x4b: {  	v0 =	vadd.f32 v1, v0;
	_ =	sdelay $0x1  }
0x4c: {  	[tilespmem:s0+$0xFFFFFF90] =	vst v0;
	v0 =	vld [tilespmem:s0+$0xFFFFFFA0]  }
0x4d: {  	v1 =	vld [tilespmem:s31+$0xFFFFFFE0];
	_ =	sdelay $0x4  }
0x4e: {  	v0 =	vadd.f32 v1, v0;
	_ =	sdelay $0x1  }
0x4f: {  	[tilespmem:s0+$0xFFFFFFA0] =	vst v0;
	v0 =	vld [tilespmem:s0+$0xFFFFFFB0]  }
0x50: {  	v1 =	vld [tilespmem:s31+$0xFFFFFFF0];
	_ =	sdelay $0x4  }
0x51: {  	v0 =	vadd.f32 v1, v0;
	_ =	sdelay $0x1  }
0x52: {  	[tilespmem:s0+$0xFFFFFFB0] =	vst v0;
	v0 =	vld [tilespmem:s0+$0x0]  }
0x53: {  	v1 =	vld [tilespmem:s31+$0x0];
	_ =	sdelay $0x4  }
0x54: {  	v0 =	vadd.f32 v1, v0;
	_ =	sdelay $0x1  }
0x55: {  	[tilespmem:s0+$0x0] =	vst v0;
	v0 =	vld [tilespmem:s0+$0x10]  }
0x56: {  	v1 =	vld [tilespmem:s31+$0x10];
	_ =	sdelay $0x4  }
0x57: {  	v0 =	vadd.f32 v1, v0;
	_ =	sdelay $0x1  }
0x58: {  	[tilespmem:s0+$0x10] =	vst v0;
	v0 =	vld [tilespmem:s0+$0x20]  }
0x59: {  	v1 =	vld [tilespmem:s31+$0x20];
	_ =	sdelay $0x4  }
0x5a: {  	v0 =	vadd.f32 v1, v0;
	_ =	sdelay $0x1  }
0x5b: {  	[tilespmem:s0+$0x20] =	vst v0;
	v0 =	vld [tilespmem:s0+$0x30]  }
0x5c: {  	v1 =	vld [tilespmem:s31+$0x30];
	_ =	sdelay $0x4  }
0x5d: {  	v0 =	vadd.f32 v1, v0;
	_ =	sdelay $0x1  }
0x5e: {  	[tilespmem:s0+$0x30] =	vst v0;
	v0 =	vld [tilespmem:s0+$0x80]  }
0x5f: {  	v1 =	vld [tilespmem:s31+$0x40];
	_ =	sdelay $0x4  }
0x60: {  	v0 =	vadd.f32 v1, v0;
	_ =	sdelay $0x1  }
0x61: {  	[tilespmem:s0+$0x80] =	vst v0;
	v0 =	vld [tilespmem:s0+$0x90]  }
0x62: {  	v1 =	vld [tilespmem:s31+$0x50];
	_ =	sdelay $0x4  }
0x63: {  	v0 =	vadd.f32 v1, v0;
	_ =	sdelay $0x1  }
0x64: {  	[tilespmem:s0+$0x90] =	vst v0;
	v0 =	vld [tilespmem:s0+$0xA0]  }
0x65: {  	v1 =	vld [tilespmem:s31+$0x60];
	_ =	sdelay $0x4  }
0x66: {  	v0 =	vadd.f32 v1, v0;
	_ =	sdelay $0x1  }
0x67: {  	[tilespmem:s0+$0xA0] =	vst v0;
	v0 =	vld [tilespmem:s0+$0xB0]  }
0x68: {  	v1 =	vld [tilespmem:s31+$0x70];
	_ =	sdelay $0x4  }
0x69: {  	v0 =	vadd.f32 v1, v0;
	_ =	sdelay $0x1  }
0x6a: {  	[tilespmem:s0+$0xB0] =	vst v0;
	v0 =	vld [tilespmem:s0+$0x100]  }
0x6b: {  	v1 =	vld [tilespmem:s31+$0x80];
	_ =	sdelay $0x4  }
0x6c: {  	v0 =	vadd.f32 v1, v0;
	_ =	sdelay $0x1  }
0x6d: {  	[tilespmem:s0+$0x100] =	vst v0;
	v0 =	vld [tilespmem:s0+$0x110]  }
0x6e: {  	v1 =	vld [tilespmem:s31+$0x90];
	_ =	sdelay $0x4  }
0x6f: {  	v0 =	vadd.f32 v1, v0;
	_ =	sdelay $0x1  }
0x70: {  	[tilespmem:s0+$0x110] =	vst v0;
	v0 =	vld [tilespmem:s0+$0x120]  }
0x71: {  	v1 =	vld [tilespmem:s31+$0xA0];
	_ =	sdelay $0x4  }
0x72: {  	v0 =	vadd.f32 v1, v0;
	_ =	sdelay $0x1  }
0x73: {  	[tilespmem:s0+$0x120] =	vst v0;
	v0 =	vld [tilespmem:s0+$0x130]  }
0x74: {  	v1 =	vld [tilespmem:s31+$0xB0];
	_ =	sdelay $0x4  }
0x75: {  	v0 =	vadd.f32 v1, v0;
	_ =	sdelay $0x1  }
0x76: {  	[tilespmem:s0+$0x130] =	vst v0;
	v0 =	vld [tilespmem:s0+$0x180]  }
0x77: {  	v1 =	vld [tilespmem:s31+$0xC0];
	_ =	sdelay $0x4  }
0x78: {  	v0 =	vadd.f32 v1, v0;
	_ =	sdelay $0x1  }
0x79: {  	[tilespmem:s0+$0x180] =	vst v0;
	v0 =	vld [tilespmem:s0+$0x190]  }
0x7a: {  	v1 =	vld [tilespmem:s31+$0xD0];
	_ =	sdelay $0x4  }
0x7b: {  	v0 =	vadd.f32 v1, v0;
	_ =	sdelay $0x1  }
0x7c: {  	[tilespmem:s0+$0x190] =	vst v0;
	v0 =	vld [tilespmem:s0+$0x1A0]  }
0x7d: {  	v1 =	vld [tilespmem:s31+$0xE0];
	_ =	sdelay $0x4  }
0x7e: {  	v0 =	vadd.f32 v1, v0;
	_ =	sdelay $0x1  }
0x7f: {  	[tilespmem:s0+$0x1A0] =	vst v0;
	v0 =	vld [tilespmem:s0+$0x1B0]  }
0x80: {  	v1 =	vld [tilespmem:s31+$0xF0];
	_ =	sdelay $0x4  }
0x81: {  	s29 =	sshll.u32 s26, $0x2;
	v0 =	vadd.f32 v1, v0  }
0x82: {  	s9 =	simm.s32 $0x0;
	s5 =	simm.s32 $0x6A00;
	s1 =	sshll.u32 s26, $0x1  }
.LBB2_3:
0x83: {  	v1 =	vld [tilespmem:s5+$0xFFFFFE00];
	[tilespmem:s0+$0x1B0] =	vst v0;
	s31 =	sadd.s32 $0x200, s31;
	s0 =	smov.u32 s5  }
0x84: {  	s9 =	sadd.s32 $0x8, s9;
	v0 =	vld [tilespmem:s31+$0xFFFFFF00]  }
0x85: {  	p1 =	slt.u32 s9, $0x60;
	_ =	sdelay $0x3  }
0x86: {  	v0 =	vadd.f32 v0, v1;
	_ =	sdelay $0x1  }
0x87: {  	[tilespmem:s5+$0xFFFFFE00] =	vst v0;
	v0 =	vld [tilespmem:s5+$0xFFFFFE10]  }
0x88: {  	v1 =	vld [tilespmem:s31+$0xFFFFFF10];
	_ =	sdelay $0x4  }
0x89: {  	v0 =	vadd.f32 v1, v0;
	_ =	sdelay $0x1  }
0x8a: {  	[tilespmem:s5+$0xFFFFFE10] =	vst v0;
	v0 =	vld [tilespmem:s5+$0xFFFFFE20]  }
0x8b: {  	v1 =	vld [tilespmem:s31+$0xFFFFFF20];
	_ =	sdelay $0x4  }
0x8c: {  	v0 =	vadd.f32 v1, v0;
	_ =	sdelay $0x1  }
0x8d: {  	[tilespmem:s5+$0xFFFFFE20] =	vst v0;
	v0 =	vld [tilespmem:s5+$0xFFFFFE30]  }
0x8e: {  	v1 =	vld [tilespmem:s31+$0xFFFFFF30];
	_ =	sdelay $0x4  }
0x8f: {  	v0 =	vadd.f32 v1, v0;
	_ =	sdelay $0x1  }
0x90: {  	[tilespmem:s5+$0xFFFFFE30] =	vst v0;
	v0 =	vld [tilespmem:s5+$0xFFFFFE80]  }
0x91: {  	v1 =	vld [tilespmem:s31+$0xFFFFFF40];
	_ =	sdelay $0x4  }
0x92: {  	v0 =	vadd.f32 v1, v0;
	_ =	sdelay $0x1  }
0x93: {  	[tilespmem:s5+$0xFFFFFE80] =	vst v0;
	v0 =	vld [tilespmem:s5+$0xFFFFFE90]  }
0x94: {  	v1 =	vld [tilespmem:s31+$0xFFFFFF50];
	_ =	sdelay $0x4  }
0x95: {  	v0 =	vadd.f32 v1, v0;
	_ =	sdelay $0x1  }
0x96: {  	[tilespmem:s5+$0xFFFFFE90] =	vst v0;
	v0 =	vld [tilespmem:s5+$0xFFFFFEA0]  }
0x97: {  	v1 =	vld [tilespmem:s31+$0xFFFFFF60];
	_ =	sdelay $0x4  }
0x98: {  	v0 =	vadd.f32 v1, v0;
	_ =	sdelay $0x1  }
0x99: {  	[tilespmem:s5+$0xFFFFFEA0] =	vst v0;
	v0 =	vld [tilespmem:s5+$0xFFFFFEB0]  }
0x9a: {  	v1 =	vld [tilespmem:s31+$0xFFFFFF70];
	_ =	sdelay $0x4  }
0x9b: {  	v0 =	vadd.f32 v1, v0;
	_ =	sdelay $0x1  }
0x9c: {  	[tilespmem:s5+$0xFFFFFEB0] =	vst v0;
	v0 =	vld [tilespmem:s5+$0xFFFFFF00]  }
0x9d: {  	v1 =	vld [tilespmem:s31+$0xFFFFFF80];
	_ =	sdelay $0x4  }
0x9e: {  	v0 =	vadd.f32 v1, v0;
	_ =	sdelay $0x1  }
0x9f: {  	[tilespmem:s5+$0xFFFFFF00] =	vst v0;
	v0 =	vld [tilespmem:s5+$0xFFFFFF10]  }
0xa0: {  	v1 =	vld [tilespmem:s31+$0xFFFFFF90];
	_ =	sdelay $0x4  }
0xa1: {  	v0 =	vadd.f32 v1, v0;
	_ =	sdelay $0x1  }
0xa2: {  	[tilespmem:s5+$0xFFFFFF10] =	vst v0;
	v0 =	vld [tilespmem:s5+$0xFFFFFF20]  }
0xa3: {  	v1 =	vld [tilespmem:s31+$0xFFFFFFA0];
	_ =	sdelay $0x4  }
0xa4: {  	v0 =	vadd.f32 v1, v0;
	_ =	sdelay $0x1  }
0xa5: {  	[tilespmem:s5+$0xFFFFFF20] =	vst v0;
	v0 =	vld [tilespmem:s5+$0xFFFFFF30]  }
0xa6: {  	v1 =	vld [tilespmem:s31+$0xFFFFFFB0];
	_ =	sdelay $0x4  }
0xa7: {  	v0 =	vadd.f32 v1, v0;
	_ =	sdelay $0x1  }
0xa8: {  	[tilespmem:s5+$0xFFFFFF30] =	vst v0;
	v0 =	vld [tilespmem:s5+$0xFFFFFF80]  }
0xa9: {  	v1 =	vld [tilespmem:s31+$0xFFFFFFC0];
	_ =	sdelay $0x4  }
0xaa: {  	v0 =	vadd.f32 v1, v0;
	_ =	sdelay $0x1  }
0xab: {  	[tilespmem:s5+$0xFFFFFF80] =	vst v0;
	v0 =	vld [tilespmem:s5+$0xFFFFFF90]  }
0xac: {  	v1 =	vld [tilespmem:s31+$0xFFFFFFD0];
	_ =	sdelay $0x4  }
0xad: {  	v0 =	vadd.f32 v1, v0;
	_ =	sdelay $0x1  }
0xae: {  	[tilespmem:s5+$0xFFFFFF90] =	vst v0;
	v0 =	vld [tilespmem:s5+$0xFFFFFFA0]  }
0xaf: {  	v1 =	vld [tilespmem:s31+$0xFFFFFFE0];
	_ =	sdelay $0x4  }
0xb0: {  	v0 =	vadd.f32 v1, v0;
	_ =	sdelay $0x1  }
0xb1: {  	[tilespmem:s5+$0xFFFFFFA0] =	vst v0;
	v0 =	vld [tilespmem:s5+$0xFFFFFFB0]  }
0xb2: {  	v1 =	vld [tilespmem:s31+$0xFFFFFFF0];
	_ =	sdelay $0x4  }
0xb3: {  	v0 =	vadd.f32 v1, v0;
	_ =	sdelay $0x1  }
0xb4: {  	[tilespmem:s5+$0xFFFFFFB0] =	vst v0;
	v0 =	vld [tilespmem:s5+$0x0]  }
0xb5: {  	v1 =	vld [tilespmem:s31+$0x0];
	_ =	sdelay $0x4  }
0xb6: {  	v0 =	vadd.f32 v1, v0;
	_ =	sdelay $0x1  }
0xb7: {  	[tilespmem:s5+$0x0] =	vst v0;
	v0 =	vld [tilespmem:s5+$0x10]  }
0xb8: {  	v1 =	vld [tilespmem:s31+$0x10];
	_ =	sdelay $0x4  }
0xb9: {  	v0 =	vadd.f32 v1, v0;
	_ =	sdelay $0x1  }
0xba: {  	[tilespmem:s5+$0x10] =	vst v0;
	v0 =	vld [tilespmem:s5+$0x20]  }
0xbb: {  	v1 =	vld [tilespmem:s31+$0x20];
	_ =	sdelay $0x4  }
0xbc: {  	v0 =	vadd.f32 v1, v0;
	_ =	sdelay $0x1  }
0xbd: {  	[tilespmem:s5+$0x20] =	vst v0;
	v0 =	vld [tilespmem:s5+$0x30]  }
0xbe: {  	v1 =	vld [tilespmem:s31+$0x30];
	_ =	sdelay $0x4  }
0xbf: {  	v0 =	vadd.f32 v1, v0;
	_ =	sdelay $0x1  }
0xc0: {  	[tilespmem:s5+$0x30] =	vst v0;
	v0 =	vld [tilespmem:s5+$0x80]  }
0xc1: {  	v1 =	vld [tilespmem:s31+$0x40];
	_ =	sdelay $0x4  }
0xc2: {  	v0 =	vadd.f32 v1, v0;
	_ =	sdelay $0x1  }
0xc3: {  	[tilespmem:s5+$0x80] =	vst v0;
	v0 =	vld [tilespmem:s5+$0x90]  }
0xc4: {  	v1 =	vld [tilespmem:s31+$0x50];
	_ =	sdelay $0x4  }
0xc5: {  	v0 =	vadd.f32 v1, v0;
	_ =	sdelay $0x1  }
0xc6: {  	[tilespmem:s5+$0x90] =	vst v0;
	v0 =	vld [tilespmem:s5+$0xA0]  }
0xc7: {  	v1 =	vld [tilespmem:s31+$0x60];
	_ =	sdelay $0x4  }
0xc8: {  	v0 =	vadd.f32 v1, v0;
	_ =	sdelay $0x1  }
0xc9: {  	[tilespmem:s5+$0xA0] =	vst v0;
	v0 =	vld [tilespmem:s5+$0xB0]  }
0xca: {  	v1 =	vld [tilespmem:s31+$0x70];
	_ =	sdelay $0x4  }
0xcb: {  	v0 =	vadd.f32 v1, v0;
	_ =	sdelay $0x1  }
0xcc: {  	[tilespmem:s5+$0xB0] =	vst v0;
	v0 =	vld [tilespmem:s5+$0x100]  }
0xcd: {  	v1 =	vld [tilespmem:s31+$0x80];
	_ =	sdelay $0x4  }
0xce: {  	v0 =	vadd.f32 v1, v0;
	_ =	sdelay $0x1  }
0xcf: {  	[tilespmem:s5+$0x100] =	vst v0;
	v0 =	vld [tilespmem:s5+$0x110]  }
0xd0: {  	v1 =	vld [tilespmem:s31+$0x90];
	_ =	sdelay $0x4  }
0xd1: {  	v0 =	vadd.f32 v1, v0;
	_ =	sdelay $0x1  }
0xd2: {  	[tilespmem:s5+$0x110] =	vst v0;
	v0 =	vld [tilespmem:s5+$0x120]  }
0xd3: {  	v1 =	vld [tilespmem:s31+$0xA0];
	_ =	sdelay $0x4  }
0xd4: {  	v0 =	vadd.f32 v1, v0;
	_ =	sdelay $0x1  }
0xd5: {  	[tilespmem:s5+$0x120] =	vst v0;
	v0 =	vld [tilespmem:s5+$0x130]  }
0xd6: {  	v1 =	vld [tilespmem:s31+$0xB0];
	_ =	sdelay $0x4  }
0xd7: {  	v0 =	vadd.f32 v1, v0;
	_ =	sdelay $0x1  }
0xd8: {  	[tilespmem:s5+$0x130] =	vst v0;
	v0 =	vld [tilespmem:s5+$0x180]  }
0xd9: {  	v1 =	vld [tilespmem:s31+$0xC0];
	_ =	sdelay $0x4  }
0xda: {  	v0 =	vadd.f32 v1, v0;
	_ =	sdelay $0x1  }
0xdb: {  	[tilespmem:s5+$0x180] =	vst v0;
	v0 =	vld [tilespmem:s5+$0x190]  }
0xdc: {  	v1 =	vld [tilespmem:s31+$0xD0];
	_ =	sdelay $0x4  }
0xdd: {  	v0 =	vadd.f32 v1, v0;
	_ =	sdelay $0x1  }
0xde: {  	[tilespmem:s5+$0x190] =	vst v0;
	v0 =	vld [tilespmem:s5+$0x1A0]  }
0xdf: {  	v1 =	vld [tilespmem:s31+$0xE0];
	_ =	sdelay $0x4  }
0xe0: {  	v0 =	vadd.f32 v1, v0;
	_ =	sdelay $0x1  }
0xe1: {  	[tilespmem:s5+$0x1A0] =	vst v0;
	v0 =	vld [tilespmem:s5+$0x1B0]  }
0xe2: {  	v1 =	vld [tilespmem:s31+$0xF0];
	_ =	sdelay $0x1  }
.Ltmp0:
0xe3: {  	(pc) =	sbr.rel @p1 .LBB2_3-.Ltmp0, $3  }
0xe4: {  	_ =	sdelay $0x1  }
0xe5: {  	v0 =	vadd.f32 v1, v0  }
0xe6: {  	s5 =	sadd.s32 $0x400, s5  }
0xe7: {  	s31 =	sor.u32 s3, s1  }
0xe8: {  	s1 =	smul.u32 $0xC80, s31;
	_ =	sdelay $0x1  }
0xe9: {  	[tilespmem:s0+$0x1B0] =	vst v0;
	s5 =	sadd.s32 s6, s1  }
0xea: {  	[hbm4b:s5+s2] =	stream.linear.scatter [tilespmem:s12], [sflag:$0x5], $0x3400, $0x38;
	[tilespmem:$0x16600] =	vst v63  }
0xeb: {  	_ =	swait.ge [sflag:s17], $0x3000  }
0xec: {  	[sflag:s17] =	ssyncset.done $0x0  }
0xed: {  	s0 =	simm.s32 @!p0 $0x8;
	[sflag:s17] =	ssyncadd.s32 $0xFFFFD000  }
0xee: {  	_ =	swait.ge @!p0 [sflag:s0], $0x3000  }
0xef: {  	[sflag:s0] =	ssyncset.done @!p0 $0x0  }
0xf0: {  	s9 =	sadd.s32 $0x68, s30;
	[sflag:s0] =	ssyncadd.s32 @!p0 $0xFFFFD000;
	s0 =	simm.s32 $0x9BB0  }
0xf1: {  	[tilespmem:s18], [sflag:$0x4] =	stream.indirect.gather [hbm4b:s4+s13], $0x80, s9, s13, $0xb8;
	[tilespmem:$0x16600] =	vst v63  }
0xf2: {  	s30 =	simm.s32 $0x14FF0;
	v0 =	vld [tilespmem:s0+$0xFFFFFC50]  }
0xf3: {  	v1 =	vld [tilespmem:s30+$0xFFFFFE10];
	_ =	sdelay $0x4  }
0xf4: {  	v0 =	vadd.f32 v1, v0;
	_ =	sdelay $0x1  }
0xf5: {  	[tilespmem:s0+$0xFFFFFC50] =	vst v0;
	v0 =	vld [tilespmem:s0+$0xFFFFFC60]  }
0xf6: {  	v1 =	vld [tilespmem:s30+$0xFFFFFE20];
	_ =	sdelay $0x4  }
0xf7: {  	v0 =	vadd.f32 v1, v0;
	_ =	sdelay $0x1  }
0xf8: {  	[tilespmem:s0+$0xFFFFFC60] =	vst v0;
	v0 =	vld [tilespmem:s0+$0xFFFFFC70]  }
0xf9: {  	v1 =	vld [tilespmem:s30+$0xFFFFFE30];
	_ =	sdelay $0x4  }
0xfa: {  	v0 =	vadd.f32 v1, v0;
	_ =	sdelay $0x1  }
0xfb: {  	[tilespmem:s0+$0xFFFFFC70] =	vst v0;
	v0 =	vld [tilespmem:s0+$0xFFFFFC80]  }
0xfc: {  	v1 =	vld [tilespmem:s30+$0xFFFFFE40];
	_ =	sdelay $0x4  }
0xfd: {  	v0 =	vadd.f32 v1, v0;
	_ =	sdelay $0x1  }
0xfe: {  	[tilespmem:s0+$0xFFFFFC80] =	vst v0;
	v0 =	vld [tilespmem:s0+$0xFFFFFCD0]  }
0xff: {  	v1 =	vld [tilespmem:s30+$0xFFFFFE50];
	_ =	sdelay $0x4  }
0x100: {  	v0 =	vadd.f32 v1, v0;
	_ =	sdelay $0x1  }
0x101: {  	[tilespmem:s0+$0xFFFFFCD0] =	vst v0;
	v0 =	vld [tilespmem:s0+$0xFFFFFCE0]  }
0x102: {  	v1 =	vld [tilespmem:s30+$0xFFFFFE60];
	_ =	sdelay $0x4  }
0x103: {  	v0 =	vadd.f32 v1, v0;
	_ =	sdelay $0x1  }
0x104: {  	[tilespmem:s0+$0xFFFFFCE0] =	vst v0;
	v0 =	vld [tilespmem:s0+$0xFFFFFCF0]  }
0x105: {  	v1 =	vld [tilespmem:s30+$0xFFFFFE70];
	_ =	sdelay $0x4  }
0x106: {  	v0 =	vadd.f32 v1, v0;
	_ =	sdelay $0x1  }
0x107: {  	[tilespmem:s0+$0xFFFFFCF0] =	vst v0;
	v0 =	vld [tilespmem:s0+$0xFFFFFD00]  }
0x108: {  	v1 =	vld [tilespmem:s30+$0xFFFFFE80];
	_ =	sdelay $0x4  }
0x109: {  	v0 =	vadd.f32 v1, v0;
	_ =	sdelay $0x1  }
0x10a: {  	[tilespmem:s0+$0xFFFFFD00] =	vst v0;
	v0 =	vld [tilespmem:s0+$0xFFFFFD50]  }
0x10b: {  	v1 =	vld [tilespmem:s30+$0xFFFFFE90];
	_ =	sdelay $0x4  }
0x10c: {  	v0 =	vadd.f32 v1, v0;
	_ =	sdelay $0x1  }
0x10d: {  	[tilespmem:s0+$0xFFFFFD50] =	vst v0;
	v0 =	vld [tilespmem:s0+$0xFFFFFD60]  }
0x10e: {  	v1 =	vld [tilespmem:s30+$0xFFFFFEA0];
	_ =	sdelay $0x4  }
0x10f: {  	v0 =	vadd.f32 v1, v0;
	_ =	sdelay $0x1  }
0x110: {  	[tilespmem:s0+$0xFFFFFD60] =	vst v0;
	v0 =	vld [tilespmem:s0+$0xFFFFFD70]  }
0x111: {  	v1 =	vld [tilespmem:s30+$0xFFFFFEB0];
	_ =	sdelay $0x4  }
0x112: {  	v0 =	vadd.f32 v1, v0;
	_ =	sdelay $0x1  }
0x113: {  	[tilespmem:s0+$0xFFFFFD70] =	vst v0;
	v0 =	vld [tilespmem:s0+$0xFFFFFD80]  }
0x114: {  	v1 =	vld [tilespmem:s30+$0xFFFFFEC0];
	_ =	sdelay $0x4  }
0x115: {  	v0 =	vadd.f32 v1, v0;
	_ =	sdelay $0x1  }
0x116: {  	[tilespmem:s0+$0xFFFFFD80] =	vst v0;
	v0 =	vld [tilespmem:s0+$0xFFFFFDD0]  }
0x117: {  	v1 =	vld [tilespmem:s30+$0xFFFFFED0];
	_ =	sdelay $0x4  }
0x118: {  	v0 =	vadd.f32 v1, v0;
	_ =	sdelay $0x1  }
0x119: {  	[tilespmem:s0+$0xFFFFFDD0] =	vst v0;
	v0 =	vld [tilespmem:s0+$0xFFFFFDE0]  }
0x11a: {  	v1 =	vld [tilespmem:s30+$0xFFFFFEE0];
	_ =	sdelay $0x4  }
0x11b: {  	v0 =	vadd.f32 v1, v0;
	_ =	sdelay $0x1  }
0x11c: {  	[tilespmem:s0+$0xFFFFFDE0] =	vst v0;
	v0 =	vld [tilespmem:s0+$0xFFFFFDF0]  }
0x11d: {  	v1 =	vld [tilespmem:s30+$0xFFFFFEF0];
	_ =	sdelay $0x4  }
0x11e: {  	v0 =	vadd.f32 v1, v0;
	_ =	sdelay $0x1  }
0x11f: {  	[tilespmem:s0+$0xFFFFFDF0] =	vst v0;
	v0 =	vld [tilespmem:s0+$0xFFFFFE00]  }
0x120: {  	v1 =	vld [tilespmem:s30+$0xFFFFFF00];
	_ =	sdelay $0x4  }
0x121: {  	v0 =	vadd.f32 v1, v0;
	_ =	sdelay $0x1  }
0x122: {  	[tilespmem:s0+$0xFFFFFE00] =	vst v0;
	v0 =	vld [tilespmem:s0+$0xFFFFFE50]  }
0x123: {  	v1 =	vld [tilespmem:s30+$0xFFFFFF10];
	_ =	sdelay $0x4  }
0x124: {  	v0 =	vadd.f32 v1, v0;
	_ =	sdelay $0x1  }
0x125: {  	[tilespmem:s0+$0xFFFFFE50] =	vst v0;
	v0 =	vld [tilespmem:s0+$0xFFFFFE60]  }
0x126: {  	v1 =	vld [tilespmem:s30+$0xFFFFFF20];
	_ =	sdelay $0x4  }
0x127: {  	v0 =	vadd.f32 v1, v0;
	_ =	sdelay $0x1  }
0x128: {  	[tilespmem:s0+$0xFFFFFE60] =	vst v0;
	v0 =	vld [tilespmem:s0+$0xFFFFFE70]  }
0x129: {  	v1 =	vld [tilespmem:s30+$0xFFFFFF30];
	_ =	sdelay $0x4  }
0x12a: {  	v0 =	vadd.f32 v1, v0;
	_ =	sdelay $0x1  }
0x12b: {  	[tilespmem:s0+$0xFFFFFE70] =	vst v0;
	v0 =	vld [tilespmem:s0+$0xFFFFFE80]  }
0x12c: {  	v1 =	vld [tilespmem:s30+$0xFFFFFF40];
	_ =	sdelay $0x4  }
0x12d: {  	v0 =	vadd.f32 v1, v0;
	_ =	sdelay $0x1  }
0x12e: {  	[tilespmem:s0+$0xFFFFFE80] =	vst v0;
	v0 =	vld [tilespmem:s0+$0xFFFFFED0]  }
0x12f: {  	v1 =	vld [tilespmem:s30+$0xFFFFFF50];
	_ =	sdelay $0x4  }
0x130: {  	v0 =	vadd.f32 v1, v0;
	_ =	sdelay $0x1  }
0x131: {  	[tilespmem:s0+$0xFFFFFED0] =	vst v0;
	v0 =	vld [tilespmem:s0+$0xFFFFFEE0]  }
0x132: {  	v1 =	vld [tilespmem:s30+$0xFFFFFF60];
	_ =	sdelay $0x4  }
0x133: {  	v0 =	vadd.f32 v1, v0;
	_ =	sdelay $0x1  }
0x134: {  	[tilespmem:s0+$0xFFFFFEE0] =	vst v0;
	v0 =	vld [tilespmem:s0+$0xFFFFFEF0]  }
0x135: {  	v1 =	vld [tilespmem:s30+$0xFFFFFF70];
	_ =	sdelay $0x4  }
0x136: {  	v0 =	vadd.f32 v1, v0;
	_ =	sdelay $0x1  }
0x137: {  	[tilespmem:s0+$0xFFFFFEF0] =	vst v0;
	v0 =	vld [tilespmem:s0+$0xFFFFFF00]  }
0x138: {  	v1 =	vld [tilespmem:s30+$0xFFFFFF80];
	_ =	sdelay $0x4  }
0x139: {  	v0 =	vadd.f32 v1, v0;
	_ =	sdelay $0x1  }
0x13a: {  	[tilespmem:s0+$0xFFFFFF00] =	vst v0;
	v0 =	vld [tilespmem:s0+$0xFFFFFF50]  }
0x13b: {  	v1 =	vld [tilespmem:s30+$0xFFFFFF90];
	_ =	sdelay $0x4  }
0x13c: {  	v0 =	vadd.f32 v1, v0;
	_ =	sdelay $0x1  }
0x13d: {  	[tilespmem:s0+$0xFFFFFF50] =	vst v0;
	v0 =	vld [tilespmem:s0+$0xFFFFFF60]  }
0x13e: {  	v1 =	vld [tilespmem:s30+$0xFFFFFFA0];
	_ =	sdelay $0x4  }
0x13f: {  	v0 =	vadd.f32 v1, v0;
	_ =	sdelay $0x1  }
0x140: {  	[tilespmem:s0+$0xFFFFFF60] =	vst v0;
	v0 =	vld [tilespmem:s0+$0xFFFFFF70]  }
0x141: {  	v1 =	vld [tilespmem:s30+$0xFFFFFFB0];
	_ =	sdelay $0x4  }
0x142: {  	v0 =	vadd.f32 v1, v0;
	_ =	sdelay $0x1  }
0x143: {  	[tilespmem:s0+$0xFFFFFF70] =	vst v0;
	v0 =	vld [tilespmem:s0+$0xFFFFFF80]  }
0x144: {  	v1 =	vld [tilespmem:s30+$0xFFFFFFC0];
	_ =	sdelay $0x4  }
0x145: {  	v0 =	vadd.f32 v1, v0;
	_ =	sdelay $0x1  }
0x146: {  	[tilespmem:s0+$0xFFFFFF80] =	vst v0;
	v0 =	vld [tilespmem:s0+$0xFFFFFFD0]  }
0x147: {  	v1 =	vld [tilespmem:s30+$0xFFFFFFD0];
	_ =	sdelay $0x4  }
0x148: {  	v0 =	vadd.f32 v1, v0;
	_ =	sdelay $0x1  }
0x149: {  	[tilespmem:s0+$0xFFFFFFD0] =	vst v0;
	v0 =	vld [tilespmem:s0+$0xFFFFFFE0]  }
0x14a: {  	v1 =	vld [tilespmem:s30+$0xFFFFFFE0];
	_ =	sdelay $0x4  }
0x14b: {  	v0 =	vadd.f32 v1, v0;
	_ =	sdelay $0x1  }
0x14c: {  	[tilespmem:s0+$0xFFFFFFE0] =	vst v0;
	v0 =	vld [tilespmem:s0+$0xFFFFFFF0]  }
0x14d: {  	v1 =	vld [tilespmem:s30+$0xFFFFFFF0];
	_ =	sdelay $0x4  }
0x14e: {  	v0 =	vadd.f32 v1, v0;
	_ =	sdelay $0x1  }
0x14f: {  	[tilespmem:s0+$0xFFFFFFF0] =	vst v0;
	v0 =	vld [tilespmem:s0+$0x0]  }
0x150: {  	v1 =	vld [tilespmem:s30+$0x0];
	_ =	sdelay $0x4  }
0x151: {  	v0 =	vadd.f32 v1, v0  }
0x152: {  	s1 =	simm.s32 $0x0;
	s5 =	simm.s32 $0x9FB0  }
.LBB2_5:
0x153: {  	v1 =	vld [tilespmem:s5+$0xFFFFFC50];
	[tilespmem:s0+$0x0] =	vst v0;
	s30 =	sadd.s32 $0x200, s30;
	s0 =	smov.u32 s5  }
0x154: {  	s1 =	sadd.s32 $0x8, s1;
	v0 =	vld [tilespmem:s30+$0xFFFFFE10]  }
0x155: {  	p0 =	slt.u32 s1, $0x58;
	_ =	sdelay $0x3  }
0x156: {  	v0 =	vadd.f32 v0, v1;
	_ =	sdelay $0x1  }
0x157: {  	[tilespmem:s5+$0xFFFFFC50] =	vst v0;
	v0 =	vld [tilespmem:s5+$0xFFFFFC60]  }
0x158: {  	v1 =	vld [tilespmem:s30+$0xFFFFFE20];
	_ =	sdelay $0x4  }
0x159: {  	v0 =	vadd.f32 v1, v0;
	_ =	sdelay $0x1  }
0x15a: {  	[tilespmem:s5+$0xFFFFFC60] =	vst v0;
	v0 =	vld [tilespmem:s5+$0xFFFFFC70]  }
0x15b: {  	v1 =	vld [tilespmem:s30+$0xFFFFFE30];
	_ =	sdelay $0x4  }
0x15c: {  	v0 =	vadd.f32 v1, v0;
	_ =	sdelay $0x1  }
0x15d: {  	[tilespmem:s5+$0xFFFFFC70] =	vst v0;
	v0 =	vld [tilespmem:s5+$0xFFFFFC80]  }
0x15e: {  	v1 =	vld [tilespmem:s30+$0xFFFFFE40];
	_ =	sdelay $0x4  }
0x15f: {  	v0 =	vadd.f32 v1, v0;
	_ =	sdelay $0x1  }
0x160: {  	[tilespmem:s5+$0xFFFFFC80] =	vst v0;
	v0 =	vld [tilespmem:s5+$0xFFFFFCD0]  }
0x161: {  	v1 =	vld [tilespmem:s30+$0xFFFFFE50];
	_ =	sdelay $0x4  }
0x162: {  	v0 =	vadd.f32 v1, v0;
	_ =	sdelay $0x1  }
0x163: {  	[tilespmem:s5+$0xFFFFFCD0] =	vst v0;
	v0 =	vld [tilespmem:s5+$0xFFFFFCE0]  }
0x164: {  	v1 =	vld [tilespmem:s30+$0xFFFFFE60];
	_ =	sdelay $0x4  }
0x165: {  	v0 =	vadd.f32 v1, v0;
	_ =	sdelay $0x1  }
0x166: {  	[tilespmem:s5+$0xFFFFFCE0] =	vst v0;
	v0 =	vld [tilespmem:s5+$0xFFFFFCF0]  }
0x167: {  	v1 =	vld [tilespmem:s30+$0xFFFFFE70];
	_ =	sdelay $0x4  }
0x168: {  	v0 =	vadd.f32 v1, v0;
	_ =	sdelay $0x1  }
0x169: {  	[tilespmem:s5+$0xFFFFFCF0] =	vst v0;
	v0 =	vld [tilespmem:s5+$0xFFFFFD00]  }
0x16a: {  	v1 =	vld [tilespmem:s30+$0xFFFFFE80];
	_ =	sdelay $0x4  }
0x16b: {  	v0 =	vadd.f32 v1, v0;
	_ =	sdelay $0x1  }
0x16c: {  	[tilespmem:s5+$0xFFFFFD00] =	vst v0;
	v0 =	vld [tilespmem:s5+$0xFFFFFD50]  }
0x16d: {  	v1 =	vld [tilespmem:s30+$0xFFFFFE90];
	_ =	sdelay $0x4  }
0x16e: {  	v0 =	vadd.f32 v1, v0;
	_ =	sdelay $0x1  }
0x16f: {  	[tilespmem:s5+$0xFFFFFD50] =	vst v0;
	v0 =	vld [tilespmem:s5+$0xFFFFFD60]  }
0x170: {  	v1 =	vld [tilespmem:s30+$0xFFFFFEA0];
	_ =	sdelay $0x4  }
0x171: {  	v0 =	vadd.f32 v1, v0;
	_ =	sdelay $0x1  }
0x172: {  	[tilespmem:s5+$0xFFFFFD60] =	vst v0;
	v0 =	vld [tilespmem:s5+$0xFFFFFD70]  }
0x173: {  	v1 =	vld [tilespmem:s30+$0xFFFFFEB0];
	_ =	sdelay $0x4  }
0x174: {  	v0 =	vadd.f32 v1, v0;
	_ =	sdelay $0x1  }
0x175: {  	[tilespmem:s5+$0xFFFFFD70] =	vst v0;
	v0 =	vld [tilespmem:s5+$0xFFFFFD80]  }
0x176: {  	v1 =	vld [tilespmem:s30+$0xFFFFFEC0];
	_ =	sdelay $0x4  }
0x177: {  	v0 =	vadd.f32 v1, v0;
	_ =	sdelay $0x1  }
0x178: {  	[tilespmem:s5+$0xFFFFFD80] =	vst v0;
	v0 =	vld [tilespmem:s5+$0xFFFFFDD0]  }
0x179: {  	v1 =	vld [tilespmem:s30+$0xFFFFFED0];
	_ =	sdelay $0x4  }
0x17a: {  	v0 =	vadd.f32 v1, v0;
	_ =	sdelay $0x1  }
0x17b: {  	[tilespmem:s5+$0xFFFFFDD0] =	vst v0;
	v0 =	vld [tilespmem:s5+$0xFFFFFDE0]  }
0x17c: {  	v1 =	vld [tilespmem:s30+$0xFFFFFEE0];
	_ =	sdelay $0x4  }
0x17d: {  	v0 =	vadd.f32 v1, v0;
	_ =	sdelay $0x1  }
0x17e: {  	[tilespmem:s5+$0xFFFFFDE0] =	vst v0;
	v0 =	vld [tilespmem:s5+$0xFFFFFDF0]  }
0x17f: {  	v1 =	vld [tilespmem:s30+$0xFFFFFEF0];
	_ =	sdelay $0x4  }
0x180: {  	v0 =	vadd.f32 v1, v0;
	_ =	sdelay $0x1  }
0x181: {  	[tilespmem:s5+$0xFFFFFDF0] =	vst v0;
	v0 =	vld [tilespmem:s5+$0xFFFFFE00]  }
0x182: {  	v1 =	vld [tilespmem:s30+$0xFFFFFF00];
	_ =	sdelay $0x4  }
0x183: {  	v0 =	vadd.f32 v1, v0;
	_ =	sdelay $0x1  }
0x184: {  	[tilespmem:s5+$0xFFFFFE00] =	vst v0;
	v0 =	vld [tilespmem:s5+$0xFFFFFE50]  }
0x185: {  	v1 =	vld [tilespmem:s30+$0xFFFFFF10];
	_ =	sdelay $0x4  }
0x186: {  	v0 =	vadd.f32 v1, v0;
	_ =	sdelay $0x1  }
0x187: {  	[tilespmem:s5+$0xFFFFFE50] =	vst v0;
	v0 =	vld [tilespmem:s5+$0xFFFFFE60]  }
0x188: {  	v1 =	vld [tilespmem:s30+$0xFFFFFF20];
	_ =	sdelay $0x4  }
0x189: {  	v0 =	vadd.f32 v1, v0;
	_ =	sdelay $0x1  }
0x18a: {  	[tilespmem:s5+$0xFFFFFE60] =	vst v0;
	v0 =	vld [tilespmem:s5+$0xFFFFFE70]  }
0x18b: {  	v1 =	vld [tilespmem:s30+$0xFFFFFF30];
	_ =	sdelay $0x4  }
0x18c: {  	v0 =	vadd.f32 v1, v0;
	_ =	sdelay $0x1  }
0x18d: {  	[tilespmem:s5+$0xFFFFFE70] =	vst v0;
	v0 =	vld [tilespmem:s5+$0xFFFFFE80]  }
0x18e: {  	v1 =	vld [tilespmem:s30+$0xFFFFFF40];
	_ =	sdelay $0x4  }
0x18f: {  	v0 =	vadd.f32 v1, v0;
	_ =	sdelay $0x1  }
0x190: {  	[tilespmem:s5+$0xFFFFFE80] =	vst v0;
	v0 =	vld [tilespmem:s5+$0xFFFFFED0]  }
0x191: {  	v1 =	vld [tilespmem:s30+$0xFFFFFF50];
	_ =	sdelay $0x4  }
0x192: {  	v0 =	vadd.f32 v1, v0;
	_ =	sdelay $0x1  }
0x193: {  	[tilespmem:s5+$0xFFFFFED0] =	vst v0;
	v0 =	vld [tilespmem:s5+$0xFFFFFEE0]  }
0x194: {  	v1 =	vld [tilespmem:s30+$0xFFFFFF60];
	_ =	sdelay $0x4  }
0x195: {  	v0 =	vadd.f32 v1, v0;
	_ =	sdelay $0x1  }
0x196: {  	[tilespmem:s5+$0xFFFFFEE0] =	vst v0;
	v0 =	vld [tilespmem:s5+$0xFFFFFEF0]  }
0x197: {  	v1 =	vld [tilespmem:s30+$0xFFFFFF70];
	_ =	sdelay $0x4  }
0x198: {  	v0 =	vadd.f32 v1, v0;
	_ =	sdelay $0x1  }
0x199: {  	[tilespmem:s5+$0xFFFFFEF0] =	vst v0;
	v0 =	vld [tilespmem:s5+$0xFFFFFF00]  }
0x19a: {  	v1 =	vld [tilespmem:s30+$0xFFFFFF80];
	_ =	sdelay $0x4  }
0x19b: {  	v0 =	vadd.f32 v1, v0;
	_ =	sdelay $0x1  }
0x19c: {  	[tilespmem:s5+$0xFFFFFF00] =	vst v0;
	v0 =	vld [tilespmem:s5+$0xFFFFFF50]  }
0x19d: {  	v1 =	vld [tilespmem:s30+$0xFFFFFF90];
	_ =	sdelay $0x4  }
0x19e: {  	v0 =	vadd.f32 v1, v0;
	_ =	sdelay $0x1  }
0x19f: {  	[tilespmem:s5+$0xFFFFFF50] =	vst v0;
	v0 =	vld [tilespmem:s5+$0xFFFFFF60]  }
0x1a0: {  	v1 =	vld [tilespmem:s30+$0xFFFFFFA0];
	_ =	sdelay $0x4  }
0x1a1: {  	v0 =	vadd.f32 v1, v0;
	_ =	sdelay $0x1  }
0x1a2: {  	[tilespmem:s5+$0xFFFFFF60] =	vst v0;
	v0 =	vld [tilespmem:s5+$0xFFFFFF70]  }
0x1a3: {  	v1 =	vld [tilespmem:s30+$0xFFFFFFB0];
	_ =	sdelay $0x4  }
0x1a4: {  	v0 =	vadd.f32 v1, v0;
	_ =	sdelay $0x1  }
0x1a5: {  	[tilespmem:s5+$0xFFFFFF70] =	vst v0;
	v0 =	vld [tilespmem:s5+$0xFFFFFF80]  }
0x1a6: {  	v1 =	vld [tilespmem:s30+$0xFFFFFFC0];
	_ =	sdelay $0x4  }
0x1a7: {  	v0 =	vadd.f32 v1, v0;
	_ =	sdelay $0x1  }
0x1a8: {  	[tilespmem:s5+$0xFFFFFF80] =	vst v0;
	v0 =	vld [tilespmem:s5+$0xFFFFFFD0]  }
0x1a9: {  	v1 =	vld [tilespmem:s30+$0xFFFFFFD0];
	_ =	sdelay $0x4  }
0x1aa: {  	v0 =	vadd.f32 v1, v0;
	_ =	sdelay $0x1  }
0x1ab: {  	[tilespmem:s5+$0xFFFFFFD0] =	vst v0;
	v0 =	vld [tilespmem:s5+$0xFFFFFFE0]  }
0x1ac: {  	v1 =	vld [tilespmem:s30+$0xFFFFFFE0];
	_ =	sdelay $0x4  }
0x1ad: {  	v0 =	vadd.f32 v1, v0;
	_ =	sdelay $0x1  }
0x1ae: {  	[tilespmem:s5+$0xFFFFFFE0] =	vst v0;
	v0 =	vld [tilespmem:s5+$0xFFFFFFF0]  }
0x1af: {  	v1 =	vld [tilespmem:s30+$0xFFFFFFF0];
	_ =	sdelay $0x4  }
0x1b0: {  	v0 =	vadd.f32 v1, v0;
	_ =	sdelay $0x1  }
0x1b1: {  	[tilespmem:s5+$0xFFFFFFF0] =	vst v0;
	v0 =	vld [tilespmem:s5+$0x0]  }
0x1b2: {  	v1 =	vld [tilespmem:s30+$0x0];
	_ =	sdelay $0x1  }
.Ltmp1:
0x1b3: {  	(pc) =	sbr.rel @p0 .LBB2_5-.Ltmp1, $3  }
0x1b4: {  	_ =	sdelay $0x1  }
0x1b5: {  	v0 =	vadd.f32 v1, v0  }
0x1b6: {  	s5 =	sadd.s32 $0x400, s5  }
0x1b7: {  	s1 =	smul.u32 $0x6400, s31;
	_ =	sdelay $0x1  }
0x1b8: {  	s1 =	sshrl.u32 s1, $0x3  }
0x1b9: {  	s1 =	sadd.s32 s6, s1  }
0x1ba: {  	[tilespmem:s0+$0x0] =	vst v0;
	s31 =	sadd.s32 $0x680, s1  }
0x1bb: {  	[hbm4b:s31+s2] =	stream.linear.scatter [tilespmem:s14], [sflag:$0x6], $0x3000, $0x38;
	[tilespmem:$0x16600] =	vst v63  }
0x1bc: {  	p0 =	seq.s32 s26, $0x3F;
	_ =	swait.ge [sflag:s19], $0x3400  }
0x1bd: {  	s0 =	sshrl.u32 @!p0 s29, $0x1;
	[sflag:s19] =	ssyncset.done $0x0  }
0x1be: {  	s0 =	smul.u32 @!p0 $0x320, s0;
	[sflag:s19] =	ssyncadd.s32 $0xFFFFCC00  }
0x1bf: {  	_ =	swait.ge [sflag:s20], $0x3400  }
0x1c0: {  	s0 =	sadd.s32 @!p0 $0x640, s0;
	s1 =	simm.s32 @!p0 $0x6400;
	[sflag:s20] =	ssyncset.done $0x0  }
0x1c1: {  	s29 =	sshra.s32 @!p0 s0, $0x2;
	s0 =	simm.s32 @!p0 $0x68;
	[sflag:s20] =	ssyncadd.s32 $0xFFFFCC00  }
0x1c2: {  	[tilespmem:s1], [sflag:$0x1] =	stream.indirect.gather @!p0 [hbm4b:s4+s0], $0x80, s29, s0, $0xb8;
	[tilespmem:$0x16600] =	vst v63  }
0x1c3: {  	s0 =	simm.s32 $0xCFB0  }
0x1c4: {  	s30 =	simm.s32 $0x13500;
	v0 =	vld [tilespmem:s0+$0xFFFFFC50]  }
0x1c5: {  	v1 =	vld [tilespmem:s30+$0xFFFFFF00];
	_ =	sdelay $0x4  }
0x1c6: {  	v0 =	vadd.f32 v1, v0;
	_ =	sdelay $0x1  }
0x1c7: {  	[tilespmem:s0+$0xFFFFFC50] =	vst v0;
	v0 =	vld [tilespmem:s0+$0xFFFFFC60]  }
0x1c8: {  	v1 =	vld [tilespmem:s30+$0xFFFFFF10];
	_ =	sdelay $0x4  }
0x1c9: {  	v0 =	vadd.f32 v1, v0;
	_ =	sdelay $0x1  }
0x1ca: {  	[tilespmem:s0+$0xFFFFFC60] =	vst v0;
	v0 =	vld [tilespmem:s0+$0xFFFFFC70]  }
0x1cb: {  	v1 =	vld [tilespmem:s30+$0xFFFFFF20];
	_ =	sdelay $0x4  }
0x1cc: {  	v0 =	vadd.f32 v1, v0;
	_ =	sdelay $0x1  }
0x1cd: {  	[tilespmem:s0+$0xFFFFFC70] =	vst v0;
	v0 =	vld [tilespmem:s0+$0xFFFFFC80]  }
0x1ce: {  	v1 =	vld [tilespmem:s30+$0xFFFFFF30];
	_ =	sdelay $0x4  }
0x1cf: {  	v0 =	vadd.f32 v1, v0;
	_ =	sdelay $0x1  }
0x1d0: {  	[tilespmem:s0+$0xFFFFFC80] =	vst v0;
	v0 =	vld [tilespmem:s0+$0xFFFFFCD0]  }
0x1d1: {  	v1 =	vld [tilespmem:s30+$0xFFFFFF40];
	_ =	sdelay $0x4  }
0x1d2: {  	v0 =	vadd.f32 v1, v0;
	_ =	sdelay $0x1  }
0x1d3: {  	[tilespmem:s0+$0xFFFFFCD0] =	vst v0;
	v0 =	vld [tilespmem:s0+$0xFFFFFCE0]  }
0x1d4: {  	v1 =	vld [tilespmem:s30+$0xFFFFFF50];
	_ =	sdelay $0x4  }
0x1d5: {  	v0 =	vadd.f32 v1, v0;
	_ =	sdelay $0x1  }
0x1d6: {  	[tilespmem:s0+$0xFFFFFCE0] =	vst v0;
	v0 =	vld [tilespmem:s0+$0xFFFFFCF0]  }
0x1d7: {  	v1 =	vld [tilespmem:s30+$0xFFFFFF60];
	_ =	sdelay $0x4  }
0x1d8: {  	v0 =	vadd.f32 v1, v0;
	_ =	sdelay $0x1  }
0x1d9: {  	[tilespmem:s0+$0xFFFFFCF0] =	vst v0;
	v0 =	vld [tilespmem:s0+$0xFFFFFD00]  }
0x1da: {  	v1 =	vld [tilespmem:s30+$0xFFFFFF70];
	_ =	sdelay $0x4  }
0x1db: {  	v0 =	vadd.f32 v1, v0;
	_ =	sdelay $0x1  }
0x1dc: {  	[tilespmem:s0+$0xFFFFFD00] =	vst v0;
	v0 =	vld [tilespmem:s0+$0xFFFFFD50]  }
0x1dd: {  	v1 =	vld [tilespmem:s30+$0xFFFFFF80];
	_ =	sdelay $0x4  }
0x1de: {  	v0 =	vadd.f32 v1, v0;
	_ =	sdelay $0x1  }
0x1df: {  	[tilespmem:s0+$0xFFFFFD50] =	vst v0;
	v0 =	vld [tilespmem:s0+$0xFFFFFD60]  }
0x1e0: {  	v1 =	vld [tilespmem:s30+$0xFFFFFF90];
	_ =	sdelay $0x4  }
0x1e1: {  	v0 =	vadd.f32 v1, v0;
	_ =	sdelay $0x1  }
0x1e2: {  	[tilespmem:s0+$0xFFFFFD60] =	vst v0;
	v0 =	vld [tilespmem:s0+$0xFFFFFD70]  }
0x1e3: {  	v1 =	vld [tilespmem:s30+$0xFFFFFFA0];
	_ =	sdelay $0x4  }
0x1e4: {  	v0 =	vadd.f32 v1, v0;
	_ =	sdelay $0x1  }
0x1e5: {  	[tilespmem:s0+$0xFFFFFD70] =	vst v0;
	v0 =	vld [tilespmem:s0+$0xFFFFFD80]  }
0x1e6: {  	v1 =	vld [tilespmem:s30+$0xFFFFFFB0];
	_ =	sdelay $0x4  }
0x1e7: {  	v0 =	vadd.f32 v1, v0;
	_ =	sdelay $0x1  }
0x1e8: {  	[tilespmem:s0+$0xFFFFFD80] =	vst v0;
	v0 =	vld [tilespmem:s0+$0xFFFFFDD0]  }
0x1e9: {  	v1 =	vld [tilespmem:s30+$0xFFFFFFC0];
	_ =	sdelay $0x4  }
0x1ea: {  	v0 =	vadd.f32 v1, v0;
	_ =	sdelay $0x1  }
0x1eb: {  	[tilespmem:s0+$0xFFFFFDD0] =	vst v0;
	v0 =	vld [tilespmem:s0+$0xFFFFFDE0]  }
0x1ec: {  	v1 =	vld [tilespmem:s30+$0xFFFFFFD0];
	_ =	sdelay $0x4  }
0x1ed: {  	v0 =	vadd.f32 v1, v0;
	_ =	sdelay $0x1  }
0x1ee: {  	[tilespmem:s0+$0xFFFFFDE0] =	vst v0;
	v0 =	vld [tilespmem:s0+$0xFFFFFDF0]  }
0x1ef: {  	v1 =	vld [tilespmem:s30+$0xFFFFFFE0];
	_ =	sdelay $0x4  }
0x1f0: {  	v0 =	vadd.f32 v1, v0;
	_ =	sdelay $0x1  }
0x1f1: {  	[tilespmem:s0+$0xFFFFFDF0] =	vst v0;
	v0 =	vld [tilespmem:s0+$0xFFFFFE00]  }
0x1f2: {  	v1 =	vld [tilespmem:s30+$0xFFFFFFF0];
	_ =	sdelay $0x4  }
0x1f3: {  	v0 =	vadd.f32 v1, v0;
	_ =	sdelay $0x1  }
0x1f4: {  	[tilespmem:s0+$0xFFFFFE00] =	vst v0;
	v0 =	vld [tilespmem:s0+$0xFFFFFE50]  }
0x1f5: {  	v1 =	vld [tilespmem:s30+$0x0];
	_ =	sdelay $0x4  }
0x1f6: {  	v0 =	vadd.f32 v1, v0;
	_ =	sdelay $0x1  }
0x1f7: {  	[tilespmem:s0+$0xFFFFFE50] =	vst v0;
	v0 =	vld [tilespmem:s0+$0xFFFFFE60]  }
0x1f8: {  	v1 =	vld [tilespmem:s30+$0x10];
	_ =	sdelay $0x4  }
0x1f9: {  	v0 =	vadd.f32 v1, v0;
	_ =	sdelay $0x1  }
0x1fa: {  	[tilespmem:s0+$0xFFFFFE60] =	vst v0;
	v0 =	vld [tilespmem:s0+$0xFFFFFE70]  }
0x1fb: {  	v1 =	vld [tilespmem:s30+$0x20];
	_ =	sdelay $0x4  }
0x1fc: {  	v0 =	vadd.f32 v1, v0;
	_ =	sdelay $0x1  }
0x1fd: {  	[tilespmem:s0+$0xFFFFFE70] =	vst v0;
	v0 =	vld [tilespmem:s0+$0xFFFFFE80]  }
0x1fe: {  	v1 =	vld [tilespmem:s30+$0x30];
	_ =	sdelay $0x4  }
0x1ff: {  	v0 =	vadd.f32 v1, v0;
	_ =	sdelay $0x1  }
0x200: {  	[tilespmem:s0+$0xFFFFFE80] =	vst v0;
	v0 =	vld [tilespmem:s0+$0xFFFFFED0]  }
0x201: {  	v1 =	vld [tilespmem:s30+$0x40];
	_ =	sdelay $0x4  }
0x202: {  	v0 =	vadd.f32 v1, v0;
	_ =	sdelay $0x1  }
0x203: {  	[tilespmem:s0+$0xFFFFFED0] =	vst v0;
	v0 =	vld [tilespmem:s0+$0xFFFFFEE0]  }
0x204: {  	v1 =	vld [tilespmem:s30+$0x50];
	_ =	sdelay $0x4  }
0x205: {  	v0 =	vadd.f32 v1, v0;
	_ =	sdelay $0x1  }
0x206: {  	[tilespmem:s0+$0xFFFFFEE0] =	vst v0;
	v0 =	vld [tilespmem:s0+$0xFFFFFEF0]  }
0x207: {  	v1 =	vld [tilespmem:s30+$0x60];
	_ =	sdelay $0x4  }
0x208: {  	v0 =	vadd.f32 v1, v0;
	_ =	sdelay $0x1  }
0x209: {  	[tilespmem:s0+$0xFFFFFEF0] =	vst v0;
	v0 =	vld [tilespmem:s0+$0xFFFFFF00]  }
0x20a: {  	v1 =	vld [tilespmem:s30+$0x70];
	_ =	sdelay $0x4  }
0x20b: {  	v0 =	vadd.f32 v1, v0;
	_ =	sdelay $0x1  }
0x20c: {  	[tilespmem:s0+$0xFFFFFF00] =	vst v0;
	v0 =	vld [tilespmem:s0+$0xFFFFFF50]  }
0x20d: {  	v1 =	vld [tilespmem:s30+$0x80];
	_ =	sdelay $0x4  }
0x20e: {  	v0 =	vadd.f32 v1, v0;
	_ =	sdelay $0x1  }
0x20f: {  	[tilespmem:s0+$0xFFFFFF50] =	vst v0;
	v0 =	vld [tilespmem:s0+$0xFFFFFF60]  }
0x210: {  	v1 =	vld [tilespmem:s30+$0x90];
	_ =	sdelay $0x4  }
0x211: {  	v0 =	vadd.f32 v1, v0;
	_ =	sdelay $0x1  }
0x212: {  	[tilespmem:s0+$0xFFFFFF60] =	vst v0;
	v0 =	vld [tilespmem:s0+$0xFFFFFF70]  }
0x213: {  	v1 =	vld [tilespmem:s30+$0xA0];
	_ =	sdelay $0x4  }
0x214: {  	v0 =	vadd.f32 v1, v0;
	_ =	sdelay $0x1  }
0x215: {  	[tilespmem:s0+$0xFFFFFF70] =	vst v0;
	v0 =	vld [tilespmem:s0+$0xFFFFFF80]  }
0x216: {  	v1 =	vld [tilespmem:s30+$0xB0];
	_ =	sdelay $0x4  }
0x217: {  	v0 =	vadd.f32 v1, v0;
	_ =	sdelay $0x1  }
0x218: {  	[tilespmem:s0+$0xFFFFFF80] =	vst v0;
	v0 =	vld [tilespmem:s0+$0xFFFFFFD0]  }
0x219: {  	v1 =	vld [tilespmem:s30+$0xC0];
	_ =	sdelay $0x4  }
0x21a: {  	v0 =	vadd.f32 v1, v0;
	_ =	sdelay $0x1  }
0x21b: {  	[tilespmem:s0+$0xFFFFFFD0] =	vst v0;
	v0 =	vld [tilespmem:s0+$0xFFFFFFE0]  }
0x21c: {  	v1 =	vld [tilespmem:s30+$0xD0];
	_ =	sdelay $0x4  }
0x21d: {  	v0 =	vadd.f32 v1, v0;
	_ =	sdelay $0x1  }
0x21e: {  	[tilespmem:s0+$0xFFFFFFE0] =	vst v0;
	v0 =	vld [tilespmem:s0+$0xFFFFFFF0]  }
0x21f: {  	v1 =	vld [tilespmem:s30+$0xE0];
	_ =	sdelay $0x4  }
0x220: {  	v0 =	vadd.f32 v1, v0;
	_ =	sdelay $0x1  }
0x221: {  	[tilespmem:s0+$0xFFFFFFF0] =	vst v0;
	v0 =	vld [tilespmem:s0+$0x0]  }
0x222: {  	v1 =	vld [tilespmem:s30+$0xF0];
	_ =	sdelay $0x4  }
0x223: {  	v0 =	vadd.f32 v1, v0  }
0x224: {  	s5 =	simm.s32 $0xD3B0;
	s1 =	simm.s32 $0x0  }
.LBB2_7:
0x225: {  	v1 =	vld [tilespmem:s5+$0xFFFFFC50];
	[tilespmem:s0+$0x0] =	vst v0;
	s30 =	sadd.s32 $0x200, s30;
	s0 =	smov.u32 s5  }
0x226: {  	s1 =	sadd.s32 $0x8, s1;
	v0 =	vld [tilespmem:s30+$0xFFFFFF00]  }
0x227: {  	p1 =	slt.u32 s1, $0x60;
	_ =	sdelay $0x3  }
0x228: {  	v0 =	vadd.f32 v0, v1;
	_ =	sdelay $0x1  }
0x229: {  	[tilespmem:s5+$0xFFFFFC50] =	vst v0;
	v0 =	vld [tilespmem:s5+$0xFFFFFC60]  }
0x22a: {  	v1 =	vld [tilespmem:s30+$0xFFFFFF10];
	_ =	sdelay $0x4  }
0x22b: {  	v0 =	vadd.f32 v1, v0;
	_ =	sdelay $0x1  }
0x22c: {  	[tilespmem:s5+$0xFFFFFC60] =	vst v0;
	v0 =	vld [tilespmem:s5+$0xFFFFFC70]  }
0x22d: {  	v1 =	vld [tilespmem:s30+$0xFFFFFF20];
	_ =	sdelay $0x4  }
0x22e: {  	v0 =	vadd.f32 v1, v0;
	_ =	sdelay $0x1  }
0x22f: {  	[tilespmem:s5+$0xFFFFFC70] =	vst v0;
	v0 =	vld [tilespmem:s5+$0xFFFFFC80]  }
0x230: {  	v1 =	vld [tilespmem:s30+$0xFFFFFF30];
	_ =	sdelay $0x4  }
0x231: {  	v0 =	vadd.f32 v1, v0;
	_ =	sdelay $0x1  }
0x232: {  	[tilespmem:s5+$0xFFFFFC80] =	vst v0;
	v0 =	vld [tilespmem:s5+$0xFFFFFCD0]  }
0x233: {  	v1 =	vld [tilespmem:s30+$0xFFFFFF40];
	_ =	sdelay $0x4  }
0x234: {  	v0 =	vadd.f32 v1, v0;
	_ =	sdelay $0x1  }
0x235: {  	[tilespmem:s5+$0xFFFFFCD0] =	vst v0;
	v0 =	vld [tilespmem:s5+$0xFFFFFCE0]  }
0x236: {  	v1 =	vld [tilespmem:s30+$0xFFFFFF50];
	_ =	sdelay $0x4  }
0x237: {  	v0 =	vadd.f32 v1, v0;
	_ =	sdelay $0x1  }
0x238: {  	[tilespmem:s5+$0xFFFFFCE0] =	vst v0;
	v0 =	vld [tilespmem:s5+$0xFFFFFCF0]  }
0x239: {  	v1 =	vld [tilespmem:s30+$0xFFFFFF60];
	_ =	sdelay $0x4  }
0x23a: {  	v0 =	vadd.f32 v1, v0;
	_ =	sdelay $0x1  }
0x23b: {  	[tilespmem:s5+$0xFFFFFCF0] =	vst v0;
	v0 =	vld [tilespmem:s5+$0xFFFFFD00]  }
0x23c: {  	v1 =	vld [tilespmem:s30+$0xFFFFFF70];
	_ =	sdelay $0x4  }
0x23d: {  	v0 =	vadd.f32 v1, v0;
	_ =	sdelay $0x1  }
0x23e: {  	[tilespmem:s5+$0xFFFFFD00] =	vst v0;
	v0 =	vld [tilespmem:s5+$0xFFFFFD50]  }
0x23f: {  	v1 =	vld [tilespmem:s30+$0xFFFFFF80];
	_ =	sdelay $0x4  }
0x240: {  	v0 =	vadd.f32 v1, v0;
	_ =	sdelay $0x1  }
0x241: {  	[tilespmem:s5+$0xFFFFFD50] =	vst v0;
	v0 =	vld [tilespmem:s5+$0xFFFFFD60]  }
0x242: {  	v1 =	vld [tilespmem:s30+$0xFFFFFF90];
	_ =	sdelay $0x4  }
0x243: {  	v0 =	vadd.f32 v1, v0;
	_ =	sdelay $0x1  }
0x244: {  	[tilespmem:s5+$0xFFFFFD60] =	vst v0;
	v0 =	vld [tilespmem:s5+$0xFFFFFD70]  }
0x245: {  	v1 =	vld [tilespmem:s30+$0xFFFFFFA0];
	_ =	sdelay $0x4  }
0x246: {  	v0 =	vadd.f32 v1, v0;
	_ =	sdelay $0x1  }
0x247: {  	[tilespmem:s5+$0xFFFFFD70] =	vst v0;
	v0 =	vld [tilespmem:s5+$0xFFFFFD80]  }
0x248: {  	v1 =	vld [tilespmem:s30+$0xFFFFFFB0];
	_ =	sdelay $0x4  }
0x249: {  	v0 =	vadd.f32 v1, v0;
	_ =	sdelay $0x1  }
0x24a: {  	[tilespmem:s5+$0xFFFFFD80] =	vst v0;
	v0 =	vld [tilespmem:s5+$0xFFFFFDD0]  }
0x24b: {  	v1 =	vld [tilespmem:s30+$0xFFFFFFC0];
	_ =	sdelay $0x4  }
0x24c: {  	v0 =	vadd.f32 v1, v0;
	_ =	sdelay $0x1  }
0x24d: {  	[tilespmem:s5+$0xFFFFFDD0] =	vst v0;
	v0 =	vld [tilespmem:s5+$0xFFFFFDE0]  }
0x24e: {  	v1 =	vld [tilespmem:s30+$0xFFFFFFD0];
	_ =	sdelay $0x4  }
0x24f: {  	v0 =	vadd.f32 v1, v0;
	_ =	sdelay $0x1  }
0x250: {  	[tilespmem:s5+$0xFFFFFDE0] =	vst v0;
	v0 =	vld [tilespmem:s5+$0xFFFFFDF0]  }
0x251: {  	v1 =	vld [tilespmem:s30+$0xFFFFFFE0];
	_ =	sdelay $0x4  }
0x252: {  	v0 =	vadd.f32 v1, v0;
	_ =	sdelay $0x1  }
0x253: {  	[tilespmem:s5+$0xFFFFFDF0] =	vst v0;
	v0 =	vld [tilespmem:s5+$0xFFFFFE00]  }
0x254: {  	v1 =	vld [tilespmem:s30+$0xFFFFFFF0];
	_ =	sdelay $0x4  }
0x255: {  	v0 =	vadd.f32 v1, v0;
	_ =	sdelay $0x1  }
0x256: {  	[tilespmem:s5+$0xFFFFFE00] =	vst v0;
	v0 =	vld [tilespmem:s5+$0xFFFFFE50]  }
0x257: {  	v1 =	vld [tilespmem:s30+$0x0];
	_ =	sdelay $0x4  }
0x258: {  	v0 =	vadd.f32 v1, v0;
	_ =	sdelay $0x1  }
0x259: {  	[tilespmem:s5+$0xFFFFFE50] =	vst v0;
	v0 =	vld [tilespmem:s5+$0xFFFFFE60]  }
0x25a: {  	v1 =	vld [tilespmem:s30+$0x10];
	_ =	sdelay $0x4  }
0x25b: {  	v0 =	vadd.f32 v1, v0;
	_ =	sdelay $0x1  }
0x25c: {  	[tilespmem:s5+$0xFFFFFE60] =	vst v0;
	v0 =	vld [tilespmem:s5+$0xFFFFFE70]  }
0x25d: {  	v1 =	vld [tilespmem:s30+$0x20];
	_ =	sdelay $0x4  }
0x25e: {  	v0 =	vadd.f32 v1, v0;
	_ =	sdelay $0x1  }
0x25f: {  	[tilespmem:s5+$0xFFFFFE70] =	vst v0;
	v0 =	vld [tilespmem:s5+$0xFFFFFE80]  }
0x260: {  	v1 =	vld [tilespmem:s30+$0x30];
	_ =	sdelay $0x4  }
0x261: {  	v0 =	vadd.f32 v1, v0;
	_ =	sdelay $0x1  }
0x262: {  	[tilespmem:s5+$0xFFFFFE80] =	vst v0;
	v0 =	vld [tilespmem:s5+$0xFFFFFED0]  }
0x263: {  	v1 =	vld [tilespmem:s30+$0x40];
	_ =	sdelay $0x4  }
0x264: {  	v0 =	vadd.f32 v1, v0;
	_ =	sdelay $0x1  }
0x265: {  	[tilespmem:s5+$0xFFFFFED0] =	vst v0;
	v0 =	vld [tilespmem:s5+$0xFFFFFEE0]  }
0x266: {  	v1 =	vld [tilespmem:s30+$0x50];
	_ =	sdelay $0x4  }
0x267: {  	v0 =	vadd.f32 v1, v0;
	_ =	sdelay $0x1  }
0x268: {  	[tilespmem:s5+$0xFFFFFEE0] =	vst v0;
	v0 =	vld [tilespmem:s5+$0xFFFFFEF0]  }
0x269: {  	v1 =	vld [tilespmem:s30+$0x60];
	_ =	sdelay $0x4  }
0x26a: {  	v0 =	vadd.f32 v1, v0;
	_ =	sdelay $0x1  }
0x26b: {  	[tilespmem:s5+$0xFFFFFEF0] =	vst v0;
	v0 =	vld [tilespmem:s5+$0xFFFFFF00]  }
0x26c: {  	v1 =	vld [tilespmem:s30+$0x70];
	_ =	sdelay $0x4  }
0x26d: {  	v0 =	vadd.f32 v1, v0;
	_ =	sdelay $0x1  }
0x26e: {  	[tilespmem:s5+$0xFFFFFF00] =	vst v0;
	v0 =	vld [tilespmem:s5+$0xFFFFFF50]  }
0x26f: {  	v1 =	vld [tilespmem:s30+$0x80];
	_ =	sdelay $0x4  }
0x270: {  	v0 =	vadd.f32 v1, v0;
	_ =	sdelay $0x1  }
0x271: {  	[tilespmem:s5+$0xFFFFFF50] =	vst v0;
	v0 =	vld [tilespmem:s5+$0xFFFFFF60]  }
0x272: {  	v1 =	vld [tilespmem:s30+$0x90];
	_ =	sdelay $0x4  }
0x273: {  	v0 =	vadd.f32 v1, v0;
	_ =	sdelay $0x1  }
0x274: {  	[tilespmem:s5+$0xFFFFFF60] =	vst v0;
	v0 =	vld [tilespmem:s5+$0xFFFFFF70]  }
0x275: {  	v1 =	vld [tilespmem:s30+$0xA0];
	_ =	sdelay $0x4  }
0x276: {  	v0 =	vadd.f32 v1, v0;
	_ =	sdelay $0x1  }
0x277: {  	[tilespmem:s5+$0xFFFFFF70] =	vst v0;
	v0 =	vld [tilespmem:s5+$0xFFFFFF80]  }
0x278: {  	v1 =	vld [tilespmem:s30+$0xB0];
	_ =	sdelay $0x4  }
0x279: {  	v0 =	vadd.f32 v1, v0;
	_ =	sdelay $0x1  }
0x27a: {  	[tilespmem:s5+$0xFFFFFF80] =	vst v0;
	v0 =	vld [tilespmem:s5+$0xFFFFFFD0]  }
0x27b: {  	v1 =	vld [tilespmem:s30+$0xC0];
	_ =	sdelay $0x4  }
0x27c: {  	v0 =	vadd.f32 v1, v0;
	_ =	sdelay $0x1  }
0x27d: {  	[tilespmem:s5+$0xFFFFFFD0] =	vst v0;
	v0 =	vld [tilespmem:s5+$0xFFFFFFE0]  }
0x27e: {  	v1 =	vld [tilespmem:s30+$0xD0];
	_ =	sdelay $0x4  }
0x27f: {  	v0 =	vadd.f32 v1, v0;
	_ =	sdelay $0x1  }
0x280: {  	[tilespmem:s5+$0xFFFFFFE0] =	vst v0;
	v0 =	vld [tilespmem:s5+$0xFFFFFFF0]  }
0x281: {  	v1 =	vld [tilespmem:s30+$0xE0];
	_ =	sdelay $0x4  }
0x282: {  	v0 =	vadd.f32 v1, v0;
	_ =	sdelay $0x1  }
0x283: {  	[tilespmem:s5+$0xFFFFFFF0] =	vst v0;
	v0 =	vld [tilespmem:s5+$0x0]  }
0x284: {  	v1 =	vld [tilespmem:s30+$0xF0];
	_ =	sdelay $0x1  }
.Ltmp2:
0x285: {  	(pc) =	sbr.rel @p1 .LBB2_7-.Ltmp2, $3  }
0x286: {  	_ =	sdelay $0x1  }
0x287: {  	v0 =	vadd.f32 v1, v0  }
0x288: {  	s5 =	sadd.s32 $0x400, s5  }
0x289: {  	s28 =	sor.u32 s3, s28  }
0x28a: {  	s1 =	smul.u32 $0xC80, s28;
	_ =	sdelay $0x1  }
0x28b: {  	[tilespmem:s0+$0x0] =	vst v0;
	s31 =	sadd.s32 s6, s1  }
0x28c: {  	[hbm4b:s31+s2] =	stream.linear.scatter [tilespmem:s16], [sflag:$0x7], $0x3400, $0x38;
	[tilespmem:$0x16600] =	vst v63  }
0x28d: {  	_ =	swait.ge [sflag:s21], $0x3000  }
0x28e: {  	[sflag:s21] =	ssyncset.done $0x0  }
0x28f: {  	[sflag:s21] =	ssyncadd.s32 $0xFFFFD000  }
0x290: {  	_ =	swait.ge [sflag:s22], $0x3000  }
0x291: {  	s0 =	sadd.s32 @!p0 $0x68, s29;
	[sflag:s22] =	ssyncset.done $0x0  }
0x292: {  	s5 =	simm.s32 @!p0 $0x9800;
	s1 =	simm.s32 @!p0 $0x60;
	[sflag:s22] =	ssyncadd.s32 $0xFFFFD000  }
0x293: {  	[tilespmem:s5], [sflag:$0x2] =	stream.indirect.gather @!p0 [hbm4b:s4+s1], $0x80, s0, s1, $0xb8;
	[tilespmem:$0x16600] =	vst v63  }
0x294: {  	s0 =	simm.s32 $0x10000  }
0x295: {  	s29 =	simm.s32 $0x14FF0;
	v0 =	vld [tilespmem:s0+$0x0]  }
0x296: {  	v1 =	vld [tilespmem:s29+$0xFFFFFE10];
	_ =	sdelay $0x4  }
0x297: {  	v0 =	vadd.f32 v1, v0;
	_ =	sdelay $0x1  }
0x298: {  	[tilespmem:s0+$0x0] =	vst v0;
	v0 =	vld [tilespmem:s0+$0x10]  }
0x299: {  	v1 =	vld [tilespmem:s29+$0xFFFFFE20];
	_ =	sdelay $0x4  }
0x29a: {  	v0 =	vadd.f32 v1, v0;
	_ =	sdelay $0x1  }
0x29b: {  	[tilespmem:s0+$0x10] =	vst v0;
	v0 =	vld [tilespmem:s0+$0x20]  }
0x29c: {  	v1 =	vld [tilespmem:s29+$0xFFFFFE30];
	_ =	sdelay $0x4  }
0x29d: {  	v0 =	vadd.f32 v1, v0;
	_ =	sdelay $0x1  }
0x29e: {  	[tilespmem:s0+$0x20] =	vst v0;
	v0 =	vld [tilespmem:s0+$0x30]  }
0x29f: {  	v1 =	vld [tilespmem:s29+$0xFFFFFE40];
	_ =	sdelay $0x4  }
0x2a0: {  	v0 =	vadd.f32 v1, v0;
	_ =	sdelay $0x1  }
0x2a1: {  	[tilespmem:s0+$0x30] =	vst v0;
	v0 =	vld [tilespmem:s0+$0x80]  }
0x2a2: {  	v1 =	vld [tilespmem:s29+$0xFFFFFE50];
	_ =	sdelay $0x4  }
0x2a3: {  	v0 =	vadd.f32 v1, v0;
	_ =	sdelay $0x1  }
0x2a4: {  	[tilespmem:s0+$0x80] =	vst v0;
	v0 =	vld [tilespmem:s0+$0x90]  }
0x2a5: {  	v1 =	vld [tilespmem:s29+$0xFFFFFE60];
	_ =	sdelay $0x4  }
0x2a6: {  	v0 =	vadd.f32 v1, v0;
	_ =	sdelay $0x1  }
0x2a7: {  	[tilespmem:s0+$0x90] =	vst v0;
	v0 =	vld [tilespmem:s0+$0xA0]  }
0x2a8: {  	v1 =	vld [tilespmem:s29+$0xFFFFFE70];
	_ =	sdelay $0x4  }
0x2a9: {  	v0 =	vadd.f32 v1, v0;
	_ =	sdelay $0x1  }
0x2aa: {  	[tilespmem:s0+$0xA0] =	vst v0;
	v0 =	vld [tilespmem:s0+$0xB0]  }
0x2ab: {  	v1 =	vld [tilespmem:s29+$0xFFFFFE80];
	_ =	sdelay $0x4  }
0x2ac: {  	v0 =	vadd.f32 v1, v0;
	_ =	sdelay $0x1  }
0x2ad: {  	[tilespmem:s0+$0xB0] =	vst v0;
	v0 =	vld [tilespmem:s0+$0x100]  }
0x2ae: {  	v1 =	vld [tilespmem:s29+$0xFFFFFE90];
	_ =	sdelay $0x4  }
0x2af: {  	v0 =	vadd.f32 v1, v0;
	_ =	sdelay $0x1  }
0x2b0: {  	[tilespmem:s0+$0x100] =	vst v0;
	v0 =	vld [tilespmem:s0+$0x110]  }
0x2b1: {  	v1 =	vld [tilespmem:s29+$0xFFFFFEA0];
	_ =	sdelay $0x4  }
0x2b2: {  	v0 =	vadd.f32 v1, v0;
	_ =	sdelay $0x1  }
0x2b3: {  	[tilespmem:s0+$0x110] =	vst v0;
	v0 =	vld [tilespmem:s0+$0x120]  }
0x2b4: {  	v1 =	vld [tilespmem:s29+$0xFFFFFEB0];
	_ =	sdelay $0x4  }
0x2b5: {  	v0 =	vadd.f32 v1, v0;
	_ =	sdelay $0x1  }
0x2b6: {  	[tilespmem:s0+$0x120] =	vst v0;
	v0 =	vld [tilespmem:s0+$0x130]  }
0x2b7: {  	v1 =	vld [tilespmem:s29+$0xFFFFFEC0];
	_ =	sdelay $0x4  }
0x2b8: {  	v0 =	vadd.f32 v1, v0;
	_ =	sdelay $0x1  }
0x2b9: {  	[tilespmem:s0+$0x130] =	vst v0;
	v0 =	vld [tilespmem:s0+$0x180]  }
0x2ba: {  	v1 =	vld [tilespmem:s29+$0xFFFFFED0];
	_ =	sdelay $0x4  }
0x2bb: {  	v0 =	vadd.f32 v1, v0;
	_ =	sdelay $0x1  }
0x2bc: {  	[tilespmem:s0+$0x180] =	vst v0;
	v0 =	vld [tilespmem:s0+$0x190]  }
0x2bd: {  	v1 =	vld [tilespmem:s29+$0xFFFFFEE0];
	_ =	sdelay $0x4  }
0x2be: {  	v0 =	vadd.f32 v1, v0;
	_ =	sdelay $0x1  }
0x2bf: {  	[tilespmem:s0+$0x190] =	vst v0;
	v0 =	vld [tilespmem:s0+$0x1A0]  }
0x2c0: {  	v1 =	vld [tilespmem:s29+$0xFFFFFEF0];
	_ =	sdelay $0x4  }
0x2c1: {  	v0 =	vadd.f32 v1, v0;
	_ =	sdelay $0x1  }
0x2c2: {  	[tilespmem:s0+$0x1A0] =	vst v0;
	v0 =	vld [tilespmem:s0+$0x1B0]  }
0x2c3: {  	v1 =	vld [tilespmem:s29+$0xFFFFFF00];
	_ =	sdelay $0x4  }
0x2c4: {  	v0 =	vadd.f32 v1, v0;
	_ =	sdelay $0x1  }
0x2c5: {  	[tilespmem:s0+$0x1B0] =	vst v0;
	v0 =	vld [tilespmem:s0+$0x200]  }
0x2c6: {  	v1 =	vld [tilespmem:s29+$0xFFFFFF10];
	_ =	sdelay $0x4  }
0x2c7: {  	v0 =	vadd.f32 v1, v0;
	_ =	sdelay $0x1  }
0x2c8: {  	[tilespmem:s0+$0x200] =	vst v0;
	v0 =	vld [tilespmem:s0+$0x210]  }
0x2c9: {  	v1 =	vld [tilespmem:s29+$0xFFFFFF20];
	_ =	sdelay $0x4  }
0x2ca: {  	v0 =	vadd.f32 v1, v0;
	_ =	sdelay $0x1  }
0x2cb: {  	[tilespmem:s0+$0x210] =	vst v0;
	v0 =	vld [tilespmem:s0+$0x220]  }
0x2cc: {  	v1 =	vld [tilespmem:s29+$0xFFFFFF30];
	_ =	sdelay $0x4  }
0x2cd: {  	v0 =	vadd.f32 v1, v0;
	_ =	sdelay $0x1  }
0x2ce: {  	[tilespmem:s0+$0x220] =	vst v0;
	v0 =	vld [tilespmem:s0+$0x230]  }
0x2cf: {  	v1 =	vld [tilespmem:s29+$0xFFFFFF40];
	_ =	sdelay $0x4  }
0x2d0: {  	v0 =	vadd.f32 v1, v0;
	_ =	sdelay $0x1  }
0x2d1: {  	[tilespmem:s0+$0x230] =	vst v0;
	v0 =	vld [tilespmem:s0+$0x280]  }
0x2d2: {  	v1 =	vld [tilespmem:s29+$0xFFFFFF50];
	_ =	sdelay $0x4  }
0x2d3: {  	v0 =	vadd.f32 v1, v0;
	_ =	sdelay $0x1  }
0x2d4: {  	[tilespmem:s0+$0x280] =	vst v0;
	v0 =	vld [tilespmem:s0+$0x290]  }
0x2d5: {  	v1 =	vld [tilespmem:s29+$0xFFFFFF60];
	_ =	sdelay $0x4  }
0x2d6: {  	v0 =	vadd.f32 v1, v0;
	_ =	sdelay $0x1  }
0x2d7: {  	[tilespmem:s0+$0x290] =	vst v0;
	v0 =	vld [tilespmem:s0+$0x2A0]  }
0x2d8: {  	v1 =	vld [tilespmem:s29+$0xFFFFFF70];
	_ =	sdelay $0x4  }
0x2d9: {  	v0 =	vadd.f32 v1, v0;
	_ =	sdelay $0x1  }
0x2da: {  	[tilespmem:s0+$0x2A0] =	vst v0;
	v0 =	vld [tilespmem:s0+$0x2B0]  }
0x2db: {  	v1 =	vld [tilespmem:s29+$0xFFFFFF80];
	_ =	sdelay $0x4  }
0x2dc: {  	v0 =	vadd.f32 v1, v0;
	_ =	sdelay $0x1  }
0x2dd: {  	[tilespmem:s0+$0x2B0] =	vst v0;
	v0 =	vld [tilespmem:s0+$0x300]  }
0x2de: {  	v1 =	vld [tilespmem:s29+$0xFFFFFF90];
	_ =	sdelay $0x4  }
0x2df: {  	v0 =	vadd.f32 v1, v0;
	_ =	sdelay $0x1  }
0x2e0: {  	[tilespmem:s0+$0x300] =	vst v0;
	v0 =	vld [tilespmem:s0+$0x310]  }
0x2e1: {  	v1 =	vld [tilespmem:s29+$0xFFFFFFA0];
	_ =	sdelay $0x4  }
0x2e2: {  	v0 =	vadd.f32 v1, v0;
	_ =	sdelay $0x1  }
0x2e3: {  	[tilespmem:s0+$0x310] =	vst v0;
	v0 =	vld [tilespmem:s0+$0x320]  }
0x2e4: {  	v1 =	vld [tilespmem:s29+$0xFFFFFFB0];
	_ =	sdelay $0x4  }
0x2e5: {  	v0 =	vadd.f32 v1, v0;
	_ =	sdelay $0x1  }
0x2e6: {  	[tilespmem:s0+$0x320] =	vst v0;
	v0 =	vld [tilespmem:s0+$0x330]  }
0x2e7: {  	v1 =	vld [tilespmem:s29+$0xFFFFFFC0];
	_ =	sdelay $0x4  }
0x2e8: {  	v0 =	vadd.f32 v1, v0;
	_ =	sdelay $0x1  }
0x2e9: {  	[tilespmem:s0+$0x330] =	vst v0;
	v0 =	vld [tilespmem:s0+$0x380]  }
0x2ea: {  	v1 =	vld [tilespmem:s29+$0xFFFFFFD0];
	_ =	sdelay $0x4  }
0x2eb: {  	v0 =	vadd.f32 v1, v0;
	_ =	sdelay $0x1  }
0x2ec: {  	[tilespmem:s0+$0x380] =	vst v0;
	v0 =	vld [tilespmem:s0+$0x390]  }
0x2ed: {  	v1 =	vld [tilespmem:s29+$0xFFFFFFE0];
	_ =	sdelay $0x4  }
0x2ee: {  	v0 =	vadd.f32 v1, v0;
	_ =	sdelay $0x1  }
0x2ef: {  	[tilespmem:s0+$0x390] =	vst v0;
	v0 =	vld [tilespmem:s0+$0x3A0]  }
0x2f0: {  	v1 =	vld [tilespmem:s29+$0xFFFFFFF0];
	_ =	sdelay $0x4  }
0x2f1: {  	v0 =	vadd.f32 v1, v0;
	_ =	sdelay $0x1  }
0x2f2: {  	[tilespmem:s0+$0x3A0] =	vst v0;
	v0 =	vld [tilespmem:s0+$0x3B0]  }
0x2f3: {  	v1 =	vld [tilespmem:s29+$0x0];
	_ =	sdelay $0x4  }
0x2f4: {  	v0 =	vadd.f32 v1, v0  }
0x2f5: {  	s1 =	simm.s32 $0x0;
	s5 =	simm.s32 $0x10400  }
.LBB2_9:
0x2f6: {  	v1 =	vld [tilespmem:s5+$0x0];
	[tilespmem:s0+$0x3B0] =	vst v0;
	s29 =	sadd.s32 $0x200, s29;
	s0 =	smov.u32 s5  }
0x2f7: {  	s1 =	sadd.s32 $0x8, s1;
	v0 =	vld [tilespmem:s29+$0xFFFFFE10]  }
0x2f8: {  	p0 =	slt.u32 s1, $0x58;
	_ =	sdelay $0x3  }
0x2f9: {  	v0 =	vadd.f32 v0, v1;
	_ =	sdelay $0x1  }
0x2fa: {  	[tilespmem:s5+$0x0] =	vst v0;
	v0 =	vld [tilespmem:s5+$0x10]  }
0x2fb: {  	v1 =	vld [tilespmem:s29+$0xFFFFFE20];
	_ =	sdelay $0x4  }
0x2fc: {  	v0 =	vadd.f32 v1, v0;
	_ =	sdelay $0x1  }
0x2fd: {  	[tilespmem:s5+$0x10] =	vst v0;
	v0 =	vld [tilespmem:s5+$0x20]  }
0x2fe: {  	v1 =	vld [tilespmem:s29+$0xFFFFFE30];
	_ =	sdelay $0x4  }
0x2ff: {  	v0 =	vadd.f32 v1, v0;
	_ =	sdelay $0x1  }
0x300: {  	[tilespmem:s5+$0x20] =	vst v0;
	v0 =	vld [tilespmem:s5+$0x30]  }
0x301: {  	v1 =	vld [tilespmem:s29+$0xFFFFFE40];
	_ =	sdelay $0x4  }
0x302: {  	v0 =	vadd.f32 v1, v0;
	_ =	sdelay $0x1  }
0x303: {  	[tilespmem:s5+$0x30] =	vst v0;
	v0 =	vld [tilespmem:s5+$0x80]  }
0x304: {  	v1 =	vld [tilespmem:s29+$0xFFFFFE50];
	_ =	sdelay $0x4  }
0x305: {  	v0 =	vadd.f32 v1, v0;
	_ =	sdelay $0x1  }
0x306: {  	[tilespmem:s5+$0x80] =	vst v0;
	v0 =	vld [tilespmem:s5+$0x90]  }
0x307: {  	v1 =	vld [tilespmem:s29+$0xFFFFFE60];
	_ =	sdelay $0x4  }
0x308: {  	v0 =	vadd.f32 v1, v0;
	_ =	sdelay $0x1  }
0x309: {  	[tilespmem:s5+$0x90] =	vst v0;
	v0 =	vld [tilespmem:s5+$0xA0]  }
0x30a: {  	v1 =	vld [tilespmem:s29+$0xFFFFFE70];
	_ =	sdelay $0x4  }
0x30b: {  	v0 =	vadd.f32 v1, v0;
	_ =	sdelay $0x1  }
0x30c: {  	[tilespmem:s5+$0xA0] =	vst v0;
	v0 =	vld [tilespmem:s5+$0xB0]  }
0x30d: {  	v1 =	vld [tilespmem:s29+$0xFFFFFE80];
	_ =	sdelay $0x4  }
0x30e: {  	v0 =	vadd.f32 v1, v0;
	_ =	sdelay $0x1  }
0x30f: {  	[tilespmem:s5+$0xB0] =	vst v0;
	v0 =	vld [tilespmem:s5+$0x100]  }
0x310: {  	v1 =	vld [tilespmem:s29+$0xFFFFFE90];
	_ =	sdelay $0x4  }
0x311: {  	v0 =	vadd.f32 v1, v0;
	_ =	sdelay $0x1  }
0x312: {  	[tilespmem:s5+$0x100] =	vst v0;
	v0 =	vld [tilespmem:s5+$0x110]  }
0x313: {  	v1 =	vld [tilespmem:s29+$0xFFFFFEA0];
	_ =	sdelay $0x4  }
0x314: {  	v0 =	vadd.f32 v1, v0;
	_ =	sdelay $0x1  }
0x315: {  	[tilespmem:s5+$0x110] =	vst v0;
	v0 =	vld [tilespmem:s5+$0x120]  }
0x316: {  	v1 =	vld [tilespmem:s29+$0xFFFFFEB0];
	_ =	sdelay $0x4  }
0x317: {  	v0 =	vadd.f32 v1, v0;
	_ =	sdelay $0x1  }
0x318: {  	[tilespmem:s5+$0x120] =	vst v0;
	v0 =	vld [tilespmem:s5+$0x130]  }
0x319: {  	v1 =	vld [tilespmem:s29+$0xFFFFFEC0];
	_ =	sdelay $0x4  }
0x31a: {  	v0 =	vadd.f32 v1, v0;
	_ =	sdelay $0x1  }
0x31b: {  	[tilespmem:s5+$0x130] =	vst v0;
	v0 =	vld [tilespmem:s5+$0x180]  }
0x31c: {  	v1 =	vld [tilespmem:s29+$0xFFFFFED0];
	_ =	sdelay $0x4  }
0x31d: {  	v0 =	vadd.f32 v1, v0;
	_ =	sdelay $0x1  }
0x31e: {  	[tilespmem:s5+$0x180] =	vst v0;
	v0 =	vld [tilespmem:s5+$0x190]  }
0x31f: {  	v1 =	vld [tilespmem:s29+$0xFFFFFEE0];
	_ =	sdelay $0x4  }
0x320: {  	v0 =	vadd.f32 v1, v0;
	_ =	sdelay $0x1  }
0x321: {  	[tilespmem:s5+$0x190] =	vst v0;
	v0 =	vld [tilespmem:s5+$0x1A0]  }
0x322: {  	v1 =	vld [tilespmem:s29+$0xFFFFFEF0];
	_ =	sdelay $0x4  }
0x323: {  	v0 =	vadd.f32 v1, v0;
	_ =	sdelay $0x1  }
0x324: {  	[tilespmem:s5+$0x1A0] =	vst v0;
	v0 =	vld [tilespmem:s5+$0x1B0]  }
0x325: {  	v1 =	vld [tilespmem:s29+$0xFFFFFF00];
	_ =	sdelay $0x4  }
0x326: {  	v0 =	vadd.f32 v1, v0;
	_ =	sdelay $0x1  }
0x327: {  	[tilespmem:s5+$0x1B0] =	vst v0;
	v0 =	vld [tilespmem:s5+$0x200]  }
0x328: {  	v1 =	vld [tilespmem:s29+$0xFFFFFF10];
	_ =	sdelay $0x4  }
0x329: {  	v0 =	vadd.f32 v1, v0;
	_ =	sdelay $0x1  }
0x32a: {  	[tilespmem:s5+$0x200] =	vst v0;
	v0 =	vld [tilespmem:s5+$0x210]  }
0x32b: {  	v1 =	vld [tilespmem:s29+$0xFFFFFF20];
	_ =	sdelay $0x4  }
0x32c: {  	v0 =	vadd.f32 v1, v0;
	_ =	sdelay $0x1  }
0x32d: {  	[tilespmem:s5+$0x210] =	vst v0;
	v0 =	vld [tilespmem:s5+$0x220]  }
0x32e: {  	v1 =	vld [tilespmem:s29+$0xFFFFFF30];
	_ =	sdelay $0x4  }
0x32f: {  	v0 =	vadd.f32 v1, v0;
	_ =	sdelay $0x1  }
0x330: {  	[tilespmem:s5+$0x220] =	vst v0;
	v0 =	vld [tilespmem:s5+$0x230]  }
0x331: {  	v1 =	vld [tilespmem:s29+$0xFFFFFF40];
	_ =	sdelay $0x4  }
0x332: {  	v0 =	vadd.f32 v1, v0;
	_ =	sdelay $0x1  }
0x333: {  	[tilespmem:s5+$0x230] =	vst v0;
	v0 =	vld [tilespmem:s5+$0x280]  }
0x334: {  	v1 =	vld [tilespmem:s29+$0xFFFFFF50];
	_ =	sdelay $0x4  }
0x335: {  	v0 =	vadd.f32 v1, v0;
	_ =	sdelay $0x1  }
0x336: {  	[tilespmem:s5+$0x280] =	vst v0;
	v0 =	vld [tilespmem:s5+$0x290]  }
0x337: {  	v1 =	vld [tilespmem:s29+$0xFFFFFF60];
	_ =	sdelay $0x4  }
0x338: {  	v0 =	vadd.f32 v1, v0;
	_ =	sdelay $0x1  }
0x339: {  	[tilespmem:s5+$0x290] =	vst v0;
	v0 =	vld [tilespmem:s5+$0x2A0]  }
0x33a: {  	v1 =	vld [tilespmem:s29+$0xFFFFFF70];
	_ =	sdelay $0x4  }
0x33b: {  	v0 =	vadd.f32 v1, v0;
	_ =	sdelay $0x1  }
0x33c: {  	[tilespmem:s5+$0x2A0] =	vst v0;
	v0 =	vld [tilespmem:s5+$0x2B0]  }
0x33d: {  	v1 =	vld [tilespmem:s29+$0xFFFFFF80];
	_ =	sdelay $0x4  }
0x33e: {  	v0 =	vadd.f32 v1, v0;
	_ =	sdelay $0x1  }
0x33f: {  	[tilespmem:s5+$0x2B0] =	vst v0;
	v0 =	vld [tilespmem:s5+$0x300]  }
0x340: {  	v1 =	vld [tilespmem:s29+$0xFFFFFF90];
	_ =	sdelay $0x4  }
0x341: {  	v0 =	vadd.f32 v1, v0;
	_ =	sdelay $0x1  }
0x342: {  	[tilespmem:s5+$0x300] =	vst v0;
	v0 =	vld [tilespmem:s5+$0x310]  }
0x343: {  	v1 =	vld [tilespmem:s29+$0xFFFFFFA0];
	_ =	sdelay $0x4  }
0x344: {  	v0 =	vadd.f32 v1, v0;
	_ =	sdelay $0x1  }
0x345: {  	[tilespmem:s5+$0x310] =	vst v0;
	v0 =	vld [tilespmem:s5+$0x320]  }
0x346: {  	v1 =	vld [tilespmem:s29+$0xFFFFFFB0];
	_ =	sdelay $0x4  }
0x347: {  	v0 =	vadd.f32 v1, v0;
	_ =	sdelay $0x1  }
0x348: {  	[tilespmem:s5+$0x320] =	vst v0;
	v0 =	vld [tilespmem:s5+$0x330]  }
0x349: {  	v1 =	vld [tilespmem:s29+$0xFFFFFFC0];
	_ =	sdelay $0x4  }
0x34a: {  	v0 =	vadd.f32 v1, v0;
	_ =	sdelay $0x1  }
0x34b: {  	[tilespmem:s5+$0x330] =	vst v0;
	v0 =	vld [tilespmem:s5+$0x380]  }
0x34c: {  	v1 =	vld [tilespmem:s29+$0xFFFFFFD0];
	_ =	sdelay $0x4  }
0x34d: {  	v0 =	vadd.f32 v1, v0;
	_ =	sdelay $0x1  }
0x34e: {  	[tilespmem:s5+$0x380] =	vst v0;
	v0 =	vld [tilespmem:s5+$0x390]  }
0x34f: {  	v1 =	vld [tilespmem:s29+$0xFFFFFFE0];
	_ =	sdelay $0x4  }
0x350: {  	v0 =	vadd.f32 v1, v0;
	_ =	sdelay $0x1  }
0x351: {  	[tilespmem:s5+$0x390] =	vst v0;
	v0 =	vld [tilespmem:s5+$0x3A0]  }
0x352: {  	v1 =	vld [tilespmem:s29+$0xFFFFFFF0];
	_ =	sdelay $0x4  }
0x353: {  	v0 =	vadd.f32 v1, v0;
	_ =	sdelay $0x1  }
0x354: {  	[tilespmem:s5+$0x3A0] =	vst v0;
	v0 =	vld [tilespmem:s5+$0x3B0]  }
0x355: {  	v1 =	vld [tilespmem:s29+$0x0];
	_ =	sdelay $0x1  }
.Ltmp3:
0x356: {  	(pc) =	sbr.rel @p0 .LBB2_9-.Ltmp3, $3  }
0x357: {  	_ =	sdelay $0x1  }
0x358: {  	v0 =	vadd.f32 v1, v0  }
0x359: {  	s5 =	sadd.s32 $0x400, s5  }
0x35a: {  	s26 =	sadd.s32 $0x1, s26  }
0x35b: {  	s1 =	smul.u32 $0x6400, s28;
	p0 =	sne.s32 s26, $0x40  }
.Ltmp4:
0x35c: {  	_ = 	snop;
	(pc) =	sbr.rel @p0 .LBB2_2-.Ltmp4, $4  }
0x35d: {  	s1 =	sshrl.u32 s1, $0x3  }
0x35e: {  	s1 =	sadd.s32 s6, s1  }
0x35f: {  	[tilespmem:s0+$0x3B0] =	vst v0;
	s31 =	sadd.s32 $0x680, s1  }
0x360: {  	[hbm4b:s31+s2] =	stream.linear.scatter [tilespmem:s18], [sflag:$0x8], $0x3000, $0x38;
	[tilespmem:$0x16600] =	vst v63  }
0x361: {  	s25 =	sadd.s32 $0x1, s25  }
0x362: {  	_ =	swait.ge [sflag:s23], $0x3400;
	p0 =	sne.s32 s25, s8  }
.Ltmp5:
0x363: {  	[sflag:s23] =	ssyncset.done $0x0;
	(pc) =	sbr.rel @p0 .LBB2_1-.Ltmp5, $4  }
0x364: {  	[sflag:s23] =	ssyncadd.s32 $0xFFFFCC00  }
0x365: {  	_ =	swait.ge [sflag:s24], $0x3000  }
0x366: {  	[sflag:s24] =	ssyncset.done $0x0  }
0x367: {  	[sflag:s24] =	ssyncadd.s32 $0xFFFFD000  }
0x368: {  	_ =	sfence.sel $0x180000  }
0x369: {  	[bflag:$0x0] =	sbarrier.arrive $0xFFFF  }
0x36a: {  	_ =	strace $0x90000047  }
0x36b: {  	s0 =	stileid.u32;
	[bflag:$0x2] =	sbarrier.arrive $0xFFFF  }
0x36c: {  	p0 =	sne.s32 s0, $0x0;
	s0 =	rddreg [dreg:$0x2]  }
0x36d: {  	s0 =	sadd.s32 @!p0 $0x100000, s0  }
0x36e: {  	[sflag:s0] =	ssyncadd.tile.s32 @!p0 $0x1;
	_ =	shalt  }
.Lfunc_end2:
_tile_overlayer_lowered:
.L_overlay_start_2:
0x36f: {  	(tag) =	ssettag $0x2  }
0x370: {  	s0 =	rddreg [dreg:$0x0];
	s2 =	stileid.u32  }
0x371: {  	s1 =	rddreg [dreg:$0x1];
	p0 =	sne.s32 s2, $0x0  }
0x372: {  	s3 =	rddreg [dreg:$0x2];
	[bflag:$0x3] =	sbarrier.arrive $0xFFFF;
	s2 =	simm.s32 @!p0 $0x1C09  }
0x373: {  	[timem:s3], [sflag:s2] =	dma.local @!p0 [hbm:s0], s1  }
0x374: {  	s0 =	simm.s32 @!p0 $0x9  }
0x375: {  	_ =	swait.ge @!p0 [sflag:s0], s1  }
0x376: {  	s1 =	ssub.s32 @!p0 $0x0, s1;
	[sflag:s0] =	ssyncset.done @!p0 $0x0  }
0x377: {  	[sflag:s0] =	ssyncadd.s32 @!p0 s1  }
0x378: {  	[bflag:$0x3] =	sbarrier.arrive $0xFFFF  }
0x379: {  	_ =	shalt  }

// kernel: sparse-core-data-format-call.cloned.1.call-start
scs
called_computation_lowered:
.L_overlay_start_0:
0x0: {  	s2 =	sld [smem:$0x3FD9]  }
0x1: {  	s3 =	sld [smem:$0x3FFE];
	_ =	sdelay $0x1  }
0x2: {  	s1 =	srdreg.scid  }
0x3: {  	s0 =	sand.u32 $0x1, s1  }
0x4: {  	s18 =	sshll.u32 s0, $0xA;
	s2 =	sadd.s32 s3, s2  }
0x5: {  	s2 =	sadd.s32 s2, s18  }
0x6: {  	[smem:$0x3FC5] =	sst s2  }
0x7: {  	_ = 	snop  }
0x8: {  	s2 =	sld [smem:$0x3FD0];
	(tm) =	ssettm $0x1  }
0x9: {  	s19 =	sld [smem:$0x3FFB];
	_ =	sdelay $0x3  }
0xa: {  	_ =	strace s19  }
0xb: {  	s3 =	sld [smem:$0x3FFC];
	_ =	sdelay $0x3  }
0xc: {  	_ =	strace s3  }
0xd: {  	s3 =	sld [smem:$0x3FFD];
	_ =	sdelay $0x3  }
0xe: {  	_ =	strace s3  }
0xf: {  	_ =	strace $0x8FFFFFFF  }
0x10: {  	s20 =	sld [smem:$0x3FDB];
	_ =	sdelay $0x1  }
0x11: {  	s4 =	simm.s32 $_scs_section_size  }
0x12: {  	s5 =	simm.s32 $_size__tile_overlayer_lowered;
	s6 =	simm.s32 $_tile_overlayer_lowered  }
0x13: {  	s23 =	simm.s32 $0x1BFF;
	s22 =	sshll.u32 s6, $0x1;
	s3 =	sadd.s32 s4, s20  }
0x14: {  	s7 =	simm.s32 $0x0;
	s21 =	sshll.u32 s5, $0x1;
	s5 =	sadd.s32 s22, s3  }
0x15: {  	[timem:s7], [sflag:s23] =	dma.local [hbm:s5], s21  }
0x16: {  	_ =	swait.ge [sflag:s23], s21  }
0x17: {  	s4 =	ssub.s32 $0x0, s21;
	[sflag:s23] =	ssyncset.done $0x0  }
0x18: {  	[sflag:s23] =	ssyncadd.s32 s4;
	_ =	sdelay $0x1  }
0x19: {  	s24 =	simm.s32 $0x1B8B  }
0x1a: {  	_ =	swait.ge [sflag:s24], $0x1  }
0x1b: {  	[sflag:s24] =	ssyncset.done $0x0  }
0x1c: {  	s26 =	simm.s32 $0x1B8E;
	s25 =	sld [smem:$0x3FFE];
	[sflag:s24] =	ssyncadd.s32 $0xFFFFFFFF  }
0x1d: {  	s27 =	simm.s32 $execute0_lowered;
	[smem:$0x3FD2] =	sst s26  }
0x1e: {  	s5 =	sshll.u32 s27, $0x1;
	_ =	strace $0x80000049;
	[dreg:$0x1] =	wrdreg $0xFFFFFFFF  }
0x1f: {  	s28 =	simm.s32 $_size_execute0_lowered;
	s3 =	sadd.s32 s3, s5;
	[dreg:$0x0] =	wrdreg $0x0  }
0x20: {  	s5 =	sshll.u32 s28, $0x1;
	[dreg:$0x2] =	wrdreg s3  }
0x21: {  	[dreg:$0x3] =	wrdreg s5  }
0x22: {  	[dreg:$0x4] =	wrdreg $0xC0  }
0x23: {  	_ =	task [dreg:s7], $0x5FFFF  }
0x24: {  	[dreg:$0x1] =	wrdreg $0xFFFFFFFF  }
0x25: {  	[dreg:$0x0] =	wrdreg $0x60  }
0x26: {  	[dreg:$0x2] =	wrdreg s25  }
0x27: {  	[dreg:$0x3] =	wrdreg s2  }
0x28: {  	[dreg:$0x4] =	wrdreg $0x9  }
0x29: {  	_ =	task.clear_ibuf [dreg:s7], $0x5FFFF;
	_ =	strace $0x90000049  }
0x2a: {  	s29 =	simm.s32 $0x9;
	_ =	strace $0x8000004B  }
0x2b: {  	_ =	swait.ge [sflag:s29], $0x1  }
0x2c: {  	[sflag:s29] =	ssyncadd.s32 $0xFFFFFFFF  }
0x2d: {  	_ =	strace $0x9000004B  }
0x2e: {  	_ =	sfence  }
0x2f: {  	s30 =	sld [smem:$0x0];
	_ =	sdelay $0x2  }
0x30: {  	s31 =	sshll.u32 s1, $0xD;
	s1 =	sshrl.u32 s1, $0x2  }
0x31: {  	s3 =	sand.u32 $0x4000, s31;
	s1 =	sadd.s32 s1, s30  }
0x32: {  	s0 =	sor.u32 s3, s0;
	s1 =	sshll.u32 s1, $0x11  }
0x33: {  	s0 =	sor.u32 s1, s0  }
0x34: {  	s0 =	sadd.s32 $0x8F2B, s0  }
0x35: {  	[sflag:s0] =	ssyncadd.remote.s32 $0x1  }
0x36: {  	_ =	sfence.sel $0xFFFF  }
0x37: {  	[dreg:$0x0] =	wrdreg $0xFFFFFFFF;
	(pc) =	sbr.abs _section_cstart, $3  }
0x38: {  	[dreg:$0x1] =	wrdreg $0xFFFFFFFF  }
0x39: {  	_ =	task.clear_ibuf [dreg:s7], $0x2FFFF;
	_ =	strace $0x9FFFFFFF  }
0x3a: {  	(tm) =	ssettm $0x7FFFFFFF  }
0x3b: {  	_ =	shalt  }
tec
execute0_lowered:
.L_overlay_start_1:
0x0: {  	(tag) =	ssettag $0x1  }
0x1: {  	s0 =	srdreg.scid  }
0x2: {  	s1 =	sshll.u32 s0, $0x4  }
0x3: {  	s0 =	stileid.u32;
	s1 =	sand.u32 $0x10, s1  }
0x4: {  	s1 =	sor.u32 s0, s1  }
0x5: {  	s6 =	rddreg [dreg:$0x0];
	s4 =	simm.s32 $0x1;
	s2 =	sshll.u32 s1, $0x7  }
0x6: {  	s7 =	simm.s32 $0x2;
	s12 =	simm.s32 $0x0;
	s1 =	ssub.s32 $0x1000, s2  }
0x7: {  	s8 =	simm.s32 $0x8000;
	s13 =	simm.s32 $0x0;
	s3 =	sand.u32 $0xF80, s1  }
0x8: {  	s9 =	simm.s32 $0x0;
	s5 =	sshrl.u32 s1, $0xC;
	p0 =	sne.s32 s3, $0x0  }
.Ltmp0:
0x9: {  	s1 =	rddreg [dreg:$0x2];
	s4 =	simm.s32 @!p0 $0x0;
	(pc) =	sbr.rel .LBB1_1-.Ltmp0, $4  }
0xa: {  	s11 =	simm.s32 $0x0;
	s3 =	rddreg [dreg:$0x1];
	s5 =	sadd.s32 s4, s5  }
0xb: {  	_ =	strace $0x8000004A;
	s4 =	simm.s32 $0x1;
	s5 =	smul.u32 $0xC8, s5  }
0xc: {  	s6 =	sadd.s32 $0xC00, s6;
	s10 =	smov.u32 s2;
	[sflag:s4] =	ssyncpa.u1 $0x0  }
0xd: {  	p0 =	por $0x0, $0x0;
	[sflag:s7] =	ssyncpa.u1 $0x0;
	s7 =	sor.u32 $0x1, s5  }
.LBB1_4:
0xe: {  	s16 =	sshll.u32 s13, $0x3;
	s17 =	sand.u32 $0x78, s13  }
0xf: {  	s30 =	sand.u32 $0x7E00, s13;
	s12 =	sshll.u32 s12, $0xF;
	s16 =	sand.u32 $0xC00, s16  }
0x10: {  	[tilespmem:s15+$0x810 ss:$0x81] =	vst.msk $0xffff, v2;
	s31 =	sand.u32 $0x7, s13;
	s16 =	sor.u32 s17, s16;
	s17 =	sadd.s32 s3, s30  }
0x11: {  	[tilespmem:s15+$0x1020 ss:$0x81] =	vst.msk $0xffff, v0;
	s13 =	sshll.u32 s31, $0x12;
	s12 =	sadd.s32 s12, s17;
	s16 =	sshrl.u32 s16, $0x3  }
0x12: {  	[tilespmem:s15+$0x0 ss:$0x81] =	vst.msk $0xffff, v1;
	s13 =	sor.u32 $0x400, s13;
	s12 =	sadd.s32 s16, s12  }
0x13: {  	[hbm4b:s12+s13] =	stream.strided.scatter [tilespmem:s14], [sflag:$0x2], $0x2000, s8, s13, $0x20;
	[tilespmem:$0x8080] =	vst v63  }
.LBB1_5:
0x14: {  	s14 =	sadd.s32 $0x1, s9  }
0x15: {  	s12 =	sadd.s32 $0x1000, s10;
	s16 =	smov.u32 s10;
	p2 =	sgt.s32 s14, $0xC7  }
0x16: {  	s16 =	smov.u32 @p2 s12  }
0x17: {  	s14 =	simm.s32 @p2 $0x0;
	p2 =	sgt.s32 s16, $0xFFF  }
0x18: {  	s16 =	smov.u32 @p2 s2;
	p2 =	sne.s32 s11, s7  }
.Ltmp1:
0x19: {  	p1 =	slt.u32 s11, $0x2;
	(pc) =	sbr.rel @!p2 .LBB1_6-.Ltmp1, $4  }
0x1a: {  	s15 =	simm.s32 @!p1 $0x2  }
0x1b: {  	s13 =	smov.u32 s10;
	p0 =	por !p0, !p0;
	_ =	swait.ge @!p1 [sflag:s15], $0x2000  }
0x1c: {  	s12 =	smov.u32 s9;
	[sflag:s15] =	ssyncset.done @!p1 $0x0;
	s9 =	smov.u32 s14  }
0x1d: {  	s11 =	sadd.s32 $0x1, s11;
	[sflag:s15] =	ssyncadd.s32 @!p1 $0xFFFFE000;
	s10 =	smov.u32 s16  }
.LBB1_1:
0x1e: {  	p1 =	sge.u32 s11, s5  }
0x1f: {  	s14 =	sand.u32 @!p1 $0x1FFFFFF, s9  }
0x20: {  	s15 =	smulhi.u32 @!p1 $0x147AE15, s14;
	_ =	sdelay $0x1  }
0x21: {  	s15 =	smul.u32 @!p1 $0xC8, s15  }
0x22: {  	s16 =	sxor.u32 @!p1 $0xFFFFFFFF, s11;
	s17 =	smul.u32 @!p1 $0xC80, s10  }
0x23: {  	s31 =	sadd.s32 $0xFFFFFFFF, s11;
	s16 =	sshll.u32 @!p1 s16, $0xD;
	s14 =	ssub.s32 @!p1 s14, s15  }
0x24: {  	s15 =	sand.u32 @!p1 $0x2000, s16;
	s16 =	sadd.s32 @!p1 s6, s17;
	s14 =	sshll.u32 @!p1 s14, $0x4  }
0x25: {  	s17 =	simm.s32 @!p1 $0x6400;
	s14 =	sadd.s32 @!p1 s14, s16;
	s16 =	simm.s32 @!p1 $0x40  }
0x26: {  	[tilespmem:s15], [sflag:$0x1] =	stream.strided.gather @!p1 [hbm4b:s14+s16], $0x2000, s17, s16, $0x38;
	[tilespmem:$0x8080] =	vst v63  }
0x27: {  	p1 =	sge.u32 s31, s5  }
.Ltmp2:
0x28: {  	_ = 	snop;
	(pc) =	sbr.rel @p1 .LBB1_5-.Ltmp2, $1  }
0x29: {  	_ =	sdelay $0x3  }
0x2a: {  	s14 =	simm.s32 $0x1  }
0x2b: {  	_ =	swait.ge [sflag:s4], $0x2000;
	s14 =	simm.s32 @!p0 $0x0  }
0x2c: {  	[sflag:s4] =	ssyncset.done $0x0;
	s15 =	sshll.u32 s14, $0xD  }
0x2d: {  	[sflag:s4] =	ssyncadd.s32 $0xFFFFE000;
	s18 =	sor.u32 $0x20, s15  }
0x2e: {  	s14 =	smul.u32 $0x8100, s14;
	v3 =	vld [tilespmem:s18+$0x10]  }
0x2f: {  	s30 =	sand.u32 $0x1, s11;
	v2 =	vld [tilespmem:s18+$0xFFFFFFF0]  }
0x30: {  	s15 =	smul.u32 $0x8100, s30;
	s14 =	sshrl.u32 s14, $0x2;
	v0 =	vld [tilespmem:s18+$0x0]  }
0x31: {  	v1 =	vld [tilespmem:s18+$0xFFFFFFE0];
	s16 =	sor.u32 $0x4000, s14  }
0x32: {  	s31 =	sshrl.u32 s15, $0x2;
	s15 =	sadd.s32 $0x0, s16  }
0x33: {  	s17 =	simm.s32 $0x4;
	s18 =	sadd.s32 $0x40, s18;
	s14 =	sor.u32 $0x4000, s31;
	[tilespmem:s15+$0x1830 ss:$0x81] =	vst.msk $0xffff, v3  }
.LBB1_3:
0x34: {  	v3 =	vld [tilespmem:s18+$0x10];
	p1 =	sne.s32 s17, $0x1FC;
	[tilespmem:s15+$0x810 ss:$0x81] =	vst.msk $0xffff, v2;
	s19 =	smov.u32 s17;
	s17 =	sadd.s32 $0x4, s17  }
.Ltmp3:
0x35: {  	v2 =	vld [tilespmem:s18+$0xFFFFFFF0];
	[tilespmem:s15+$0x1020 ss:$0x81] =	vst.msk $0xffff, v0;
	(pc) =	sbr.rel @p1 .LBB1_3-.Ltmp3, $4  }
0x36: {  	v0 =	vld [tilespmem:s18+$0x0];
	[tilespmem:s15+$0x0 ss:$0x81] =	vst.msk $0xffff, v1  }
0x37: {  	s15 =	sshra.s32 s19, $0x2;
	v1 =	vld [tilespmem:s18+$0xFFFFFFE0]  }
0x38: {  	s15 =	sadd.s32 s15, s16  }
0x39: {  	s18 =	sadd.s32 $0x40, s18;
	[tilespmem:s15+$0x1830 ss:$0x81] =	vst.msk $0xffff, v3  }
.Ltmp4:
0x3a: {  	_ = 	snop;
	(pc) =	sbr.rel .LBB1_4-.Ltmp4, $1  }
0x3b: {  	_ =	sdelay $0x3  }
.LBB1_6:
0x3c: {  	_ =	sfence.sel $0x180000  }
0x3d: {  	s2 =	simm.s32 $0x1;
	[bflag:$0x0] =	sbarrier.arrive $0xFFFF  }
0x3e: {  	s31 =	simm.s32 $0x2;
	[sflag:s2] =	ssyncpa.u1 $0x1  }
0x3f: {  	[sflag:s31] =	ssyncpa.u1 $0x1  }
0x40: {  	p0 =	sne.s32 s0, $0x0;
	_ =	strace $0x9000004A  }
0x41: {  	s0 =	sadd.s32 @!p0 $0x100000, s1;
	[bflag:$0x2] =	sbarrier.arrive $0xFFFF  }
0x42: {  	[sflag:s0] =	ssyncadd.tile.s32 @!p0 $0x1;
	_ =	shalt  }
.Lfunc_end1:
_tile_overlayer_lowered:
.L_overlay_start_2:
0x43: {  	(tag) =	ssettag $0x2  }
0x44: {  	s0 =	rddreg [dreg:$0x0];
	s2 =	stileid.u32  }
0x45: {  	s1 =	rddreg [dreg:$0x1];
	p0 =	sne.s32 s2, $0x0  }
0x46: {  	s3 =	rddreg [dreg:$0x2];
	[bflag:$0x3] =	sbarrier.arrive $0xFFFF;
	s2 =	simm.s32 @!p0 $0x1C01  }
0x47: {  	[timem:s3], [sflag:s2] =	dma.local @!p0 [hbm:s0], s1  }
0x48: {  	s0 =	simm.s32 @!p0 $0x1  }
0x49: {  	_ =	swait.ge @!p0 [sflag:s0], s1  }
0x4a: {  	s1 =	ssub.s32 @!p0 $0x0, s1;
	[sflag:s0] =	ssyncset.done @!p0 $0x0  }
0x4b: {  	[sflag:s0] =	ssyncadd.s32 @!p0 s1  }
0x4c: {  	[bflag:$0x3] =	sbarrier.arrive $0xFFFF  }
0x4d: {  	_ =	shalt  }

</sc_bundles>
